<compile_context>
chip_gen: v7x
topology: tpu7x:2x2x1
jax: 0.10.2.dev20260603
libtpu: 0.0.44.dev20260713+nightly
codegen_flags: <defaults>
</compile_context>

<pallas_src>
import functools

import jax
import jax.numpy as jnp
from jax import lax
from jax.experimental import pallas as pl
from jax.experimental.pallas import tpu as pltpu
from jax.experimental.pallas import tpu_sc as plsc

EMB_DIM = 16
HIST = 200
IDX_MINOR = 80
ROWS_PER_CHUNK = 8
IDXROWS_PER_CHUNK = ROWS_PER_CHUNK * HIST // IDX_MINOR
TRANS_W = 1024


def _sc_detile_table(tab_t, tail128):
    vocab = tab_t.shape[1]
    aligned_v = vocab // 128 * 128
    n_full = aligned_v // TRANS_W
    rem = aligned_v - n_full * TRANS_W
    tail_start = vocab - 128
    info = plsc.get_sparse_core_info()
    nw = info.num_cores * info.num_subcores
    mesh = plsc.VectorSubcoreMesh(core_axis_name="c", subcore_axis_name="s")

    @functools.partial(
        pl.kernel,
        out_type=jax.ShapeDtypeStruct((vocab * EMB_DIM,), jnp.float32),
        mesh=mesh,
        scratch_types=[
            pltpu.VMEM((EMB_DIM, TRANS_W), jnp.float32),
            pltpu.VMEM((EMB_DIM, TRANS_W), jnp.float32),
            pltpu.VMEM((TRANS_W * EMB_DIM,), jnp.float32),
            pltpu.VMEM((TRANS_W * EMB_DIM,), jnp.float32),
            pltpu.VMEM((128, EMB_DIM), jnp.float32),
            pltpu.SemaphoreType.DMA,
            pltpu.SemaphoreType.DMA,
            pltpu.SemaphoreType.DMA,
            pltpu.SemaphoreType.DMA,
        ],
        compiler_params=pltpu.CompilerParams(use_tc_tiling_on_sc=True,
                                             needs_layout_passes=False),
    )
    def k(tab_hbm, tail_hbm, out_hbm, in_v0, in_v1, out_v0, out_v1, tail_v,
          isem0, isem1, osem0, osem1):
        wid = lax.axis_index("s") * info.num_cores + lax.axis_index("c")
        rows_i = lax.iota(jnp.int32, 16)
        in_vs = (in_v0, in_v1)
        out_vs = (out_v0, out_v1)
        isems = (isem0, isem1)
        osems = (osem0, osem1)
        n_mine = (n_full - 1 - wid) // nw + 1

        def c0_of(t):
            return (wid + t * nw) * TRANS_W

        def fire_in(t, b):
            pltpu.async_copy(tab_hbm.at[:, pl.ds(c0_of(t), TRANS_W)],
                             in_vs[b], isems[b])

        def transpose_chunk(b, width):
            def blk(i, carry, b=b):
                c0 = i * 16
                rot = rows_i
                for _ in range(16):
                    colv = rot + c0
                    gvals = plsc.load_gather(in_vs[b], [rows_i, colv])
                    sidx = jnp.left_shift(colv, 4) + rows_i
                    plsc.store_scatter(out_vs[b], [sidx], gvals)
                    rot = jnp.bitwise_and(rot + 1, 15)
                return carry

            lax.fori_loop(0, width // 16, blk, 0)

        fire_in(0, 0)

        @pl.when(n_mine > 1)
        def _():
            fire_in(1, 1)

        def pair_body(tt, carry):
            for b in range(2):
                t = tt * 2 + b

                @pl.when(t < n_mine)
                def _(t=t, b=b):
                    pltpu.make_async_copy(tab_hbm.at[:, pl.ds(0, TRANS_W)],
                                          in_vs[b], isems[b]).wait()

                    @pl.when(t >= 2)
                    def _(b=b):
                        pltpu.make_async_copy(
                            out_vs[b],
                            out_hbm.at[pl.ds(0, TRANS_W * EMB_DIM)],
                            osems[b]).wait()

                    transpose_chunk(b, TRANS_W)
                    pltpu.async_copy(
                        out_vs[b],
                        out_hbm.at[pl.ds(c0_of(t) * EMB_DIM,
                                         TRANS_W * EMB_DIM)],
                        osems[b])

                    @pl.when(t + 2 < n_mine)
                    def _(t=t, b=b):
                        fire_in(t + 2, b)

            return carry

        lax.fori_loop(0, (n_mine + 1) // 2, pair_body, 0)
        for b in range(2):
            @pl.when(n_mine > b)
            def _(b=b):
                pltpu.make_async_copy(out_vs[b],
                                      out_hbm.at[pl.ds(0, TRANS_W * EMB_DIM)],
                                      osems[b]).wait()

        @pl.when(wid == nw - 1)
        def _():
            if rem:
                pltpu.sync_copy(tab_hbm.at[:, pl.ds(n_full * TRANS_W, rem)],
                                in_v0.at[:, pl.ds(0, rem)])
                transpose_chunk(0, rem)
                pltpu.sync_copy(
                    out_v0.at[pl.ds(0, rem * EMB_DIM)],
                    out_hbm.at[pl.ds(n_full * TRANS_W * EMB_DIM,
                                     rem * EMB_DIM)])
            pltpu.sync_copy(tail_hbm, tail_v)
            for r in range(128):
                out_v0[pl.ds(r * EMB_DIM, EMB_DIM)] = tail_v[r]
            pltpu.sync_copy(out_v0.at[pl.ds(0, 128 * EMB_DIM)],
                            out_hbm.at[pl.ds(tail_start * EMB_DIM,
                                             128 * EMB_DIM)])

    return k(tab_t, tail128)


def _sc_mean_pool(x2, table, batch):
    info = plsc.get_sparse_core_info()
    nw = info.num_cores * info.num_subcores
    rows_per_w = batch // nw
    chunks = rows_per_w // ROWS_PER_CHUNK
    mesh = plsc.VectorSubcoreMesh(core_axis_name="c", subcore_axis_name="s")

    @functools.partial(
        pl.kernel,
        out_type=jax.ShapeDtypeStruct((batch, EMB_DIM), jnp.float32),
        mesh=mesh,
        scratch_types=[
            pltpu.VMEM((ROWS_PER_CHUNK * HIST,), jnp.int32),
            pltpu.VMEM((ROWS_PER_CHUNK * HIST,), jnp.int32),
            pltpu.VMEM((ROWS_PER_CHUNK * HIST,), jnp.int32),
            pltpu.VMEM((ROWS_PER_CHUNK * HIST, EMB_DIM), jnp.float32),
            pltpu.VMEM((ROWS_PER_CHUNK * HIST, EMB_DIM), jnp.float32),
            pltpu.VMEM((ROWS_PER_CHUNK * HIST, EMB_DIM), jnp.float32),
            pltpu.VMEM((512, EMB_DIM), jnp.float32),
            pltpu.SemaphoreType.DMA,
            pltpu.SemaphoreType.DMA,
            pltpu.SemaphoreType.DMA,
            pltpu.SemaphoreType.DMA,
            pltpu.SemaphoreType.DMA,
            pltpu.SemaphoreType.DMA,
        ],
        compiler_params=pltpu.CompilerParams(use_tc_tiling_on_sc=False),
    )
    def k(x_hbm, tab_hbm, out_hbm, idx_v0, idx_v1, idx_v2,
          rows_v0, rows_v1, rows_v2, means_v,
          isem0, isem1, isem2, gsem0, gsem1, gsem2):
        wid = lax.axis_index("s") * info.num_cores + lax.axis_index("c")
        el_base = wid * (chunks * ROWS_PER_CHUNK * HIST)
        brow_base = wid * rows_per_w
        inv = jnp.float32(1.0 / HIST)
        idx_vs = (idx_v0, idx_v1, idx_v2)
        rows_vs = (rows_v0, rows_v1, rows_v2)
        isems = (isem0, isem1, isem2)
        gsems = (gsem0, gsem1, gsem2)

        nel = ROWS_PER_CHUNK * HIST

        def fire_idx(g, b):
            pltpu.async_copy(
                x_hbm.at[pl.ds(el_base + g * nel, nel)],
                idx_vs[b], isems[b])

        def wait_idx(b):
            pltpu.make_async_copy(
                x_hbm.at[pl.ds(0, nel)],
                idx_vs[b], isems[b]).wait()

        def fire_gathers(b):
            pltpu.async_copy(tab_hbm.at[idx_vs[b]], rows_vs[b], gsems[b])

        def drain_gathers(b):
            pltpu.make_async_copy(tab_hbm.at[idx_vs[b]],
                                  rows_vs[b], gsems[b]).wait()

        def reduce_chunk(g, b):
            rows_v = rows_vs[b]

            z = jnp.zeros((EMB_DIM,), jnp.float32)
            base = g * ROWS_PER_CHUNK
            for r in range(ROWS_PER_CHUNK):
                def body(i, c, r=r):
                    a0, a1 = c
                    kk = r * HIST + i * 4
                    a0 = a0 + rows_v[kk]
                    a1 = a1 + rows_v[kk + 1]
                    a0 = a0 + rows_v[kk + 2]
                    a1 = a1 + rows_v[kk + 3]
                    return a0, a1

                a0, a1 = lax.fori_loop(0, HIST // 4, body, (z, z))
                means_v[base + r] = (a0 + a1) * inv

        fire_idx(0, 0)
        wait_idx(0)
        fire_gathers(0)
        fire_idx(1, 1)

        def tri_body(u, carry):
            for s in range(3):
                t = u * 3 + s
                b = s

                @pl.when(t < chunks)
                def _(t=t, b=b, s=s):
                    @pl.when(t + 2 < chunks)
                    def _(t=t, s=s):
                        fire_idx(t + 2, (s + 2) % 3)

                    @pl.when(t + 1 < chunks)
                    def _(t=t, s=s):
                        wait_idx((s + 1) % 3)
                        fire_gathers((s + 1) % 3)

                    drain_gathers(b)
                    reduce_chunk(t, b)

            return carry

        lax.fori_loop(0, (chunks + 2) // 3, tri_body, 0)
        pltpu.sync_copy(means_v, out_hbm.at[pl.ds(brow_base, rows_per_w)])

    return k(x2, table)


def _tc_linear(m, w_t, b):
    batch = m.shape[0]
    blk = 2048

    def body(m_ref, w_ref, b_ref, o_ref):
        o_ref[...] = jnp.dot(m_ref[...], w_ref[...],
                             preferred_element_type=jnp.float32) + b_ref[...]

    return pl.pallas_call(
        body,
        grid=(batch // blk,),
        in_specs=[
            pl.BlockSpec((blk, EMB_DIM), lambda i: (i, 0)),
            pl.BlockSpec((EMB_DIM, 2), lambda i: (0, 0)),
            pl.BlockSpec((1, 2), lambda i: (0, 0)),
        ],
        out_specs=pl.BlockSpec((blk, 2), lambda i: (i, 0)),
        out_shape=jax.ShapeDtypeStruct((batch, 2), jnp.float32),
    )(m, w_t, b.reshape(1, 2))


def kernel(x, emb_table, fc1_w, fc1_b):
    batch, hist = x.shape
    x2 = x.reshape(batch * hist).astype(jnp.int32)
    tail128 = lax.slice(emb_table, (emb_table.shape[0] - 128, 0),
                        emb_table.shape)
    tab_flat = _sc_detile_table(emb_table.T, tail128)
    tab2 = tab_flat.reshape(emb_table.shape)
    means = _sc_mean_pool(x2, tab2, batch)
    return _tc_linear(means, fc1_w.T, fc1_b)

# --- scband reference (transcript-rebuilt; emitter-appended) ---
"""Pipeline reference for scband-embedding-net-3728031613708 (READ-ONLY COPY).

The authoritative reference and input builder live on the scoring server;
editing this copy changes nothing except your own understanding.
"""

import jax, jax.numpy as jnp
import numpy as np

VOCAB = 1000000
EMB_ROWS = VOCAB + 4
EMB_DIM = 16
OUT_DIM = 2
BATCH = 16384
HIST = 200

def setup_inputs(seed: int = 0) -> dict:
    key = jax.random.key(seed)
    k1, k2, k3, k4 = jax.random.split(key, 4)
    x = jax.random.randint(k1, (BATCH, HIST), 0, VOCAB, dtype=jnp.int64) if jax.config.jax_enable_x64 else jax.random.randint(k1, (BATCH, HIST), 0, VOCAB, dtype=jnp.int32)
    emb_table = jax.random.normal(k2, (EMB_ROWS, EMB_DIM), dtype=jnp.float32)
    # torch nn.Linear default init: uniform(-1/sqrt(fan_in), 1/sqrt(fan_in))
    bound = 1.0 / np.sqrt(EMB_DIM)
    fc1_w = jax.random.uniform(k3, (OUT_DIM, EMB_DIM), dtype=jnp.float32, minval=-bound, maxval=bound)
    fc1_b = jax.random.uniform(k4, (OUT_DIM,), dtype=jnp.float32, minval=-bound, maxval=bound)
    return {"x": x, "emb_table": emb_table, "fc1_w": fc1_w, "fc1_b": fc1_b}

def reference(x, emb_table, fc1_w, fc1_b):
    e = jnp.take(emb_table, x, axis=0)          # [B, L, 16] gather
    m = e.mean(axis=1)                           # [B, 16]
    out = m @ fc1_w.T + fc1_b                    # [B, 2]
    return out

if __name__ == "__main__":
    import jax
    _d = setup_inputs()
    print(jax.jit(kernel)(*tuple(_d.values())))

</pallas_src>

<mosaic_0001>
#map = affine_map<(d0, d1) -> (0, 0)>
#map1 = affine_map<(d0, d1) -> (0)>
module attributes {stable_mosaic.version = 14 : i64} {
  func.func @k(%arg0: i32, %arg1: i32, %arg2: memref<16x1000004xf32, #tpu.memory_space<hbm>>, %arg3: memref<128x16xf32, #tpu.memory_space<hbm>>, %arg4: memref<16000064xf32, #tpu.memory_space<hbm>>, %arg5: memref<16x1024xf32, #tpu.memory_space<vmem>>, %arg6: memref<16x1024xf32, #tpu.memory_space<vmem>>, %arg7: memref<16384xf32, #tpu.memory_space<vmem>>, %arg8: memref<16384xf32, #tpu.memory_space<vmem>>, %arg9: memref<128x16xf32, #tpu.memory_space<vmem>>, %arg10: memref<!tpu.dma_semaphore, #tpu.memory_space<semaphore_mem>>, %arg11: memref<!tpu.dma_semaphore, #tpu.memory_space<semaphore_mem>>, %arg12: memref<!tpu.dma_semaphore, #tpu.memory_space<semaphore_mem>>, %arg13: memref<!tpu.dma_semaphore, #tpu.memory_space<semaphore_mem>>) attributes {dimension_semantics = [#tpu.dimension_semantics<core_parallel>, #tpu.dimension_semantics<subcore_parallel>], iteration_bounds = array<i64: 2, 16>, scalar_prefetch = 0 : i64, scratch_operands = 9 : i64, tpu.core_type = #tpu.core_type<sc_vector_subcore>, window_params = [{transform_indices = #map}, {transform_indices = #map}, {transform_indices = #map1}]} {
    %mul3A = arith.constant 2 : i32
    %mul3A_0 = arith.muli %arg1, %mul3A : i32
    %add3A = arith.addi %mul3A_0, %arg0 : i32
    %iota3A = tpu.iota {dimensions = array<i32: 0>} : vector<16xi32>
    %sub3A = arith.constant 975 : i32
    %sub3A_1 = arith.subi %sub3A, %add3A : i32
    %jit3A = arith.constant 32 : i32
    %div3A = arith.divsi %sub3A_1, %jit3A : i32
    %sign3A = arith.constant 0 : i32
    %sign3A_2 = arith.cmpi sgt, %sub3A_1, %sign3A : i32
    %sign3A_3 = arith.extui %sign3A_2 : i1 to i32
    %sign3A_4 = arith.constant 0 : i32
    %sign3A_5 = arith.cmpi slt, %sub3A_1, %sign3A_4 : i32
    %sign3A_6 = arith.extui %sign3A_5 : i1 to i32
    %sign3A_7 = arith.subi %sign3A_3, %sign3A_6 : i32
    %sign3A_8 = arith.constant 0 : i32
    %sign3A_9 = arith.cmpi sgt, %jit3A, %sign3A_8 : i32
    %sign3A_10 = arith.extui %sign3A_9 : i1 to i32
    %sign3A_11 = arith.constant 0 : i32
    %sign3A_12 = arith.cmpi slt, %jit3A, %sign3A_11 : i32
    %sign3A_13 = arith.extui %sign3A_12 : i1 to i32
    %sign3A_14 = arith.subi %sign3A_10, %sign3A_13 : i32
    %ne3A = arith.cmpi ne, %sign3A_7, %sign3A_14 : i32
    %rem3A = arith.remsi %sub3A_1, %jit3A : i32
    %ne3A_15 = arith.constant 0 : i32
    %ne3A_16 = arith.cmpi ne, %rem3A, %ne3A_15 : i32
    %and3A = arith.andi %ne3A, %ne3A_16 : i1
    %sub3A_17 = arith.constant 1 : i32
    %sub3A_18 = arith.subi %div3A, %sub3A_17 : i32
    %select_n3A = arith.select %and3A, %sub3A_18, %div3A : i32
    %add3A_19 = arith.constant 1 : i32
    %add3A_20 = arith.addi %select_n3A, %add3A_19 : i32
    %add3A_21 = arith.constant 0 : i32
    %add3A_22 = arith.addi %add3A, %add3A_21 : i32
    %mul3A_23 = arith.constant 1024 : i32
    %mul3A_24 = arith.muli %add3A_22, %mul3A_23 : i32
    %dma_start3A = arith.constant 0 : i32
    %dma_start3A_25 = tpu.memref_slice %arg2[%dma_start3A, %mul3A_24] : memref<16x1000004xf32, #tpu.memory_space<hbm>> -> memref<16x1024xf32, #tpu.memory_space<hbm>>
    %dma_start3A_26 = arith.constant 0 : i32
    %dma_start3A_27 = tpu.memref_slice %arg2[%dma_start3A_26, %mul3A_24] : memref<16x1000004xf32, #tpu.memory_space<hbm>> -> memref<16x1024xf32, #tpu.memory_space<hbm>>
    tpu.enqueue_dma source(%dma_start3A_27 : memref<16x1024xf32, #tpu.memory_space<hbm>>) target(%arg5 : memref<16x1024xf32, #tpu.memory_space<vmem>>) target_semaphore(%arg10 : memref<!tpu.dma_semaphore, #tpu.memory_space<semaphore_mem>>)
    %gt3A = arith.constant 1 : i32
    %gt3A_28 = arith.cmpi sgt, %add3A_20, %gt3A : i32
    %convert_element_type3A = arith.extui %gt3A_28 : i1 to i32
    %cond3A = arith.constant 0 : i32
    %cond3A_29 = arith.cmpi ne, %convert_element_type3A, %cond3A : i32
    scf.if %cond3A_29 {
      %add3A_79 = arith.constant 32 : i32
      %add3A_80 = arith.addi %add3A, %add3A_79 : i32
      %mul3A_81 = arith.constant 1024 : i32
      %mul3A_82 = arith.muli %add3A_80, %mul3A_81 : i32
      %dma_start3A_83 = arith.constant 0 : i32
      %dma_start3A_84 = tpu.memref_slice %arg2[%dma_start3A_83, %mul3A_82] : memref<16x1000004xf32, #tpu.memory_space<hbm>> -> memref<16x1024xf32, #tpu.memory_space<hbm>>
      %dma_start3A_85 = arith.constant 0 : i32
      %dma_start3A_86 = tpu.memref_slice %arg2[%dma_start3A_85, %mul3A_82] : memref<16x1000004xf32, #tpu.memory_space<hbm>> -> memref<16x1024xf32, #tpu.memory_space<hbm>>
      tpu.enqueue_dma source(%dma_start3A_86 : memref<16x1024xf32, #tpu.memory_space<hbm>>) target(%arg6 : memref<16x1024xf32, #tpu.memory_space<vmem>>) target_semaphore(%arg11 : memref<!tpu.dma_semaphore, #tpu.memory_space<semaphore_mem>>)
    } else {
    }
    %add3A_30 = arith.constant 1 : i32
    %add3A_31 = arith.addi %add3A_20, %add3A_30 : i32
    %jit3A_32 = arith.constant 2 : i32
    %div3A_33 = arith.divsi %add3A_31, %jit3A_32 : i32
    %sign3A_34 = arith.constant 0 : i32
    %sign3A_35 = arith.cmpi sgt, %add3A_31, %sign3A_34 : i32
    %sign3A_36 = arith.extui %sign3A_35 : i1 to i32
    %sign3A_37 = arith.constant 0 : i32
    %sign3A_38 = arith.cmpi slt, %add3A_31, %sign3A_37 : i32
    %sign3A_39 = arith.extui %sign3A_38 : i1 to i32
    %sign3A_40 = arith.subi %sign3A_36, %sign3A_39 : i32
    %sign3A_41 = arith.constant 0 : i32
    %sign3A_42 = arith.cmpi sgt, %jit3A_32, %sign3A_41 : i32
    %sign3A_43 = arith.extui %sign3A_42 : i1 to i32
    %sign3A_44 = arith.constant 0 : i32
    %sign3A_45 = arith.cmpi slt, %jit3A_32, %sign3A_44 : i32
    %sign3A_46 = arith.extui %sign3A_45 : i1 to i32
    %sign3A_47 = arith.subi %sign3A_43, %sign3A_46 : i32
    %ne3A_48 = arith.cmpi ne, %sign3A_40, %sign3A_47 : i32
    %rem3A_49 = arith.remsi %add3A_31, %jit3A_32 : i32
    %ne3A_50 = arith.constant 0 : i32
    %ne3A_51 = arith.cmpi ne, %rem3A_49, %ne3A_50 : i32
    %and3A_52 = arith.andi %ne3A_48, %ne3A_51 : i1
    %sub3A_53 = arith.constant 1 : i32
    %sub3A_54 = arith.subi %div3A_33, %sub3A_53 : i32
    %select_n3A_55 = arith.select %and3A_52, %sub3A_54, %div3A_33 : i32
    %while3A = arith.constant 0 : i32
    %while3A_56 = arith.constant 0 : i32
    %while3A_57 = arith.subi %select_n3A_55, %while3A_56 : i32
    %while3A_58 = arith.addi %while3A_56, %while3A_57 : i32
    %while3A_59 = arith.constant 1 : i32
    %while3A_60 = arith.divsi %while3A_57, %while3A_59 : i32
    %while3A_61 = arith.muli %while3A_60, %while3A_59 : i32
    %while3A_62 = arith.addi %while3A_56, %while3A_61 : i32
    %while3A_63 = arith.constant 1 : i32
    scf.for %while3A_79 = %while3A_56 to %while3A_62 step %while3A_63  : i32 {
      %mul3A_80 = arith.constant 2 : i32
      %mul3A_81 = arith.muli %while3A_79, %mul3A_80 : i32
      %add3A_82 = arith.constant 0 : i32
      %add3A_83 = arith.addi %mul3A_81, %add3A_82 : i32
      %lt3A = arith.cmpi slt, %add3A_83, %add3A_20 : i32
      %convert_element_type3A_84 = arith.extui %lt3A : i1 to i32
      %cond3A_85 = arith.constant 0 : i32
      %cond3A_86 = arith.cmpi ne, %convert_element_type3A_84, %cond3A_85 : i32
      scf.if %cond3A_86 {
        %dma_wait3A = arith.constant 0 : i32
        %dma_wait3A_95 = arith.constant 0 : i32
        %dma_wait3A_96 = tpu.memref_slice %arg2[%dma_wait3A, %dma_wait3A_95] : memref<16x1000004xf32, #tpu.memory_space<hbm>> -> memref<16x1024xf32, #tpu.memory_space<hbm>>
        %dma_wait3A_97 = arith.constant 0 : i32
        %dma_wait3A_98 = arith.constant 0 : i32
        %dma_wait3A_99 = tpu.memref_slice %arg2[%dma_wait3A_97, %dma_wait3A_98] : memref<16x1000004xf32, #tpu.memory_space<hbm>> -> memref<16x1024xf32, #tpu.memory_space<hbm>>
        tpu.wait_dma2 semaphore(%arg10 : memref<!tpu.dma_semaphore, #tpu.memory_space<semaphore_mem>>) src(%dma_wait3A_99 : memref<16x1024xf32, #tpu.memory_space<hbm>>) dst(%arg5 : memref<16x1024xf32, #tpu.memory_space<vmem>>)
        %ge3A = arith.constant 2 : i32
        %ge3A_100 = arith.cmpi sge, %add3A_83, %ge3A : i32
        %convert_element_type3A_101 = arith.extui %ge3A_100 : i1 to i32
        %cond3A_102 = arith.constant 0 : i32
        %cond3A_103 = arith.cmpi ne, %convert_element_type3A_101, %cond3A_102 : i32
        scf.if %cond3A_103 {
          %dma_wait3A_124 = arith.constant 0 : i32
          %dma_wait3A_125 = tpu.memref_slice %arg4[%dma_wait3A_124] : memref<16000064xf32, #tpu.memory_space<hbm>> -> memref<16384xf32, #tpu.memory_space<hbm>>
          %dma_wait3A_126 = arith.constant 0 : i32
          %dma_wait3A_127 = tpu.memref_slice %arg4[%dma_wait3A_126] : memref<16000064xf32, #tpu.memory_space<hbm>> -> memref<16384xf32, #tpu.memory_space<hbm>>
          tpu.wait_dma2 semaphore(%arg12 : memref<!tpu.dma_semaphore, #tpu.memory_space<semaphore_mem>>) src(%arg7 : memref<16384xf32, #tpu.memory_space<vmem>>) dst(%dma_wait3A_127 : memref<16384xf32, #tpu.memory_space<hbm>>)
        } else {
        }
        %scan3A = arith.constant 0 : i32
        %scan3A_104 = arith.constant 0 : i32
        %scan3A_105 = arith.constant 64 : i32
        %scan3A_106 = arith.addi %scan3A_104, %scan3A_105 : i32
        %scan3A_107 = arith.constant 1 : i32
        scf.for %scan3A_124 = %scan3A_104 to %scan3A_106 step %scan3A_107  : i32 {
          %mul3A_125 = arith.constant 16 : i32
          %mul3A_126 = arith.muli %scan3A_124, %mul3A_125 : i32
          %add3A_127 = vector.broadcast %mul3A_126 : i32 to vector<16xi32>
          %add3A_128 = arith.addi %iota3A, %add3A_127 : vector<16xi32>
          %gather3A = tpu.vector_load_idx %arg5[%iota3A, %add3A_128] : memref<16x1024xf32, #tpu.memory_space<vmem>>[vector<16xi32>, vector<16xi32>], vector<16xf32>,
          %shift_left3A = arith.constant 4 : i32
          %shift_left3A_129 = vector.broadcast %shift_left3A : i32 to vector<16xi32>
          %shift_left3A_130 = arith.shli %add3A_128, %shift_left3A_129 : vector<16xi32>
          %add3A_131 = arith.addi %shift_left3A_130, %iota3A : vector<16xi32>
          tpu.vector_store_idx %arg7[%add3A_131], %gather3A : memref<16384xf32, #tpu.memory_space<vmem>>[vector<16xi32>], vector<16xf32>,
          %add3A_132 = arith.constant 1 : i32
          %add3A_133 = vector.broadcast %add3A_132 : i32 to vector<16xi32>
          %add3A_134 = arith.addi %iota3A, %add3A_133 : vector<16xi32>
          %and3A_135 = arith.constant 15 : i32
          %and3A_136 = vector.broadcast %and3A_135 : i32 to vector<16xi32>
          %and3A_137 = arith.andi %add3A_134, %and3A_136 : vector<16xi32>
          %add3A_138 = vector.broadcast %mul3A_126 : i32 to vector<16xi32>
          %add3A_139 = arith.addi %and3A_137, %add3A_138 : vector<16xi32>
          %gather3A_140 = tpu.vector_load_idx %arg5[%iota3A, %add3A_139] : memref<16x1024xf32, #tpu.memory_space<vmem>>[vector<16xi32>, vector<16xi32>], vector<16xf32>,
          %shift_left3A_141 = arith.constant 4 : i32
          %shift_left3A_142 = vector.broadcast %shift_left3A_141 : i32 to vector<16xi32>
          %shift_left3A_143 = arith.shli %add3A_139, %shift_left3A_142 : vector<16xi32>
          %add3A_144 = arith.addi %shift_left3A_143, %iota3A : vector<16xi32>
          tpu.vector_store_idx %arg7[%add3A_144], %gather3A_140 : memref<16384xf32, #tpu.memory_space<vmem>>[vector<16xi32>], vector<16xf32>,
          %add3A_145 = arith.constant 1 : i32
          %add3A_146 = vector.broadcast %add3A_145 : i32 to vector<16xi32>
          %add3A_147 = arith.addi %and3A_137, %add3A_146 : vector<16xi32>
          %and3A_148 = arith.constant 15 : i32
          %and3A_149 = vector.broadcast %and3A_148 : i32 to vector<16xi32>
          %and3A_150 = arith.andi %add3A_147, %and3A_149 : vector<16xi32>
          %add3A_151 = vector.broadcast %mul3A_126 : i32 to vector<16xi32>
          %add3A_152 = arith.addi %and3A_150, %add3A_151 : vector<16xi32>
          %gather3A_153 = tpu.vector_load_idx %arg5[%iota3A, %add3A_152] : memref<16x1024xf32, #tpu.memory_space<vmem>>[vector<16xi32>, vector<16xi32>], vector<16xf32>,
          %shift_left3A_154 = arith.constant 4 : i32
          %shift_left3A_155 = vector.broadcast %shift_left3A_154 : i32 to vector<16xi32>
          %shift_left3A_156 = arith.shli %add3A_152, %shift_left3A_155 : vector<16xi32>
          %add3A_157 = arith.addi %shift_left3A_156, %iota3A : vector<16xi32>
          tpu.vector_store_idx %arg7[%add3A_157], %gather3A_153 : memref<16384xf32, #tpu.memory_space<vmem>>[vector<16xi32>], vector<16xf32>,
          %add3A_158 = arith.constant 1 : i32
          %add3A_159 = vector.broadcast %add3A_158 : i32 to vector<16xi32>
          %add3A_160 = arith.addi %and3A_150, %add3A_159 : vector<16xi32>
          %and3A_161 = arith.constant 15 : i32
          %and3A_162 = vector.broadcast %and3A_161 : i32 to vector<16xi32>
          %and3A_163 = arith.andi %add3A_160, %and3A_162 : vector<16xi32>
          %add3A_164 = vector.broadcast %mul3A_126 : i32 to vector<16xi32>
          %add3A_165 = arith.addi %and3A_163, %add3A_164 : vector<16xi32>
          %gather3A_166 = tpu.vector_load_idx %arg5[%iota3A, %add3A_165] : memref<16x1024xf32, #tpu.memory_space<vmem>>[vector<16xi32>, vector<16xi32>], vector<16xf32>,
          %shift_left3A_167 = arith.constant 4 : i32
          %shift_left3A_168 = vector.broadcast %shift_left3A_167 : i32 to vector<16xi32>
          %shift_left3A_169 = arith.shli %add3A_165, %shift_left3A_168 : vector<16xi32>
          %add3A_170 = arith.addi %shift_left3A_169, %iota3A : vector<16xi32>
          tpu.vector_store_idx %arg7[%add3A_170], %gather3A_166 : memref<16384xf32, #tpu.memory_space<vmem>>[vector<16xi32>], vector<16xf32>,
          %add3A_171 = arith.constant 1 : i32
          %add3A_172 = vector.broadcast %add3A_171 : i32 to vector<16xi32>
          %add3A_173 = arith.addi %and3A_163, %add3A_172 : vector<16xi32>
          %and3A_174 = arith.constant 15 : i32
          %and3A_175 = vector.broadcast %and3A_174 : i32 to vector<16xi32>
          %and3A_176 = arith.andi %add3A_173, %and3A_175 : vector<16xi32>
          %add3A_177 = vector.broadcast %mul3A_126 : i32 to vector<16xi32>
          %add3A_178 = arith.addi %and3A_176, %add3A_177 : vector<16xi32>
          %gather3A_179 = tpu.vector_load_idx %arg5[%iota3A, %add3A_178] : memref<16x1024xf32, #tpu.memory_space<vmem>>[vector<16xi32>, vector<16xi32>], vector<16xf32>,
          %shift_left3A_180 = arith.constant 4 : i32
          %shift_left3A_181 = vector.broadcast %shift_left3A_180 : i32 to vector<16xi32>
          %shift_left3A_182 = arith.shli %add3A_178, %shift_left3A_181 : vector<16xi32>
          %add3A_183 = arith.addi %shift_left3A_182, %iota3A : vector<16xi32>
          tpu.vector_store_idx %arg7[%add3A_183], %gather3A_179 : memref<16384xf32, #tpu.memory_space<vmem>>[vector<16xi32>], vector<16xf32>,
          %add3A_184 = arith.constant 1 : i32
          %add3A_185 = vector.broadcast %add3A_184 : i32 to vector<16xi32>
          %add3A_186 = arith.addi %and3A_176, %add3A_185 : vector<16xi32>
          %and3A_187 = arith.constant 15 : i32
          %and3A_188 = vector.broadcast %and3A_187 : i32 to vector<16xi32>
          %and3A_189 = arith.andi %add3A_186, %and3A_188 : vector<16xi32>
          %add3A_190 = vector.broadcast %mul3A_126 : i32 to vector<16xi32>
          %add3A_191 = arith.addi %and3A_189, %add3A_190 : vector<16xi32>
          %gather3A_192 = tpu.vector_load_idx %arg5[%iota3A, %add3A_191] : memref<16x1024xf32, #tpu.memory_space<vmem>>[vector<16xi32>, vector<16xi32>], vector<16xf32>,
          %shift_left3A_193 = arith.constant 4 : i32
          %shift_left3A_194 = vector.broadcast %shift_left3A_193 : i32 to vector<16xi32>
          %shift_left3A_195 = arith.shli %add3A_191, %shift_left3A_194 : vector<16xi32>
          %add3A_196 = arith.addi %shift_left3A_195, %iota3A : vector<16xi32>
          tpu.vector_store_idx %arg7[%add3A_196], %gather3A_192 : memref<16384xf32, #tpu.memory_space<vmem>>[vector<16xi32>], vector<16xf32>,
          %add3A_197 = arith.constant 1 : i32
          %add3A_198 = vector.broadcast %add3A_197 : i32 to vector<16xi32>
          %add3A_199 = arith.addi %and3A_189, %add3A_198 : vector<16xi32>
          %and3A_200 = arith.constant 15 : i32
          %and3A_201 = vector.broadcast %and3A_200 : i32 to vector<16xi32>
          %and3A_202 = arith.andi %add3A_199, %and3A_201 : vector<16xi32>
          %add3A_203 = vector.broadcast %mul3A_126 : i32 to vector<16xi32>
          %add3A_204 = arith.addi %and3A_202, %add3A_203 : vector<16xi32>
          %gather3A_205 = tpu.vector_load_idx %arg5[%iota3A, %add3A_204] : memref<16x1024xf32, #tpu.memory_space<vmem>>[vector<16xi32>, vector<16xi32>], vector<16xf32>,
          %shift_left3A_206 = arith.constant 4 : i32
          %shift_left3A_207 = vector.broadcast %shift_left3A_206 : i32 to vector<16xi32>
          %shift_left3A_208 = arith.shli %add3A_204, %shift_left3A_207 : vector<16xi32>
          %add3A_209 = arith.addi %shift_left3A_208, %iota3A : vector<16xi32>
          tpu.vector_store_idx %arg7[%add3A_209], %gather3A_205 : memref<16384xf32, #tpu.memory_space<vmem>>[vector<16xi32>], vector<16xf32>,
          %add3A_210 = arith.constant 1 : i32
          %add3A_211 = vector.broadcast %add3A_210 : i32 to vector<16xi32>
          %add3A_212 = arith.addi %and3A_202, %add3A_211 : vector<16xi32>
          %and3A_213 = arith.constant 15 : i32
          %and3A_214 = vector.broadcast %and3A_213 : i32 to vector<16xi32>
          %and3A_215 = arith.andi %add3A_212, %and3A_214 : vector<16xi32>
          %add3A_216 = vector.broadcast %mul3A_126 : i32 to vector<16xi32>
          %add3A_217 = arith.addi %and3A_215, %add3A_216 : vector<16xi32>
          %gather3A_218 = tpu.vector_load_idx %arg5[%iota3A, %add3A_217] : memref<16x1024xf32, #tpu.memory_space<vmem>>[vector<16xi32>, vector<16xi32>], vector<16xf32>,
          %shift_left3A_219 = arith.constant 4 : i32
          %shift_left3A_220 = vector.broadcast %shift_left3A_219 : i32 to vector<16xi32>
          %shift_left3A_221 = arith.shli %add3A_217, %shift_left3A_220 : vector<16xi32>
          %add3A_222 = arith.addi %shift_left3A_221, %iota3A : vector<16xi32>
          tpu.vector_store_idx %arg7[%add3A_222], %gather3A_218 : memref<16384xf32, #tpu.memory_space<vmem>>[vector<16xi32>], vector<16xf32>,
          %add3A_223 = arith.constant 1 : i32
          %add3A_224 = vector.broadcast %add3A_223 : i32 to vector<16xi32>
          %add3A_225 = arith.addi %and3A_215, %add3A_224 : vector<16xi32>
          %and3A_226 = arith.constant 15 : i32
          %and3A_227 = vector.broadcast %and3A_226 : i32 to vector<16xi32>
          %and3A_228 = arith.andi %add3A_225, %and3A_227 : vector<16xi32>
          %add3A_229 = vector.broadcast %mul3A_126 : i32 to vector<16xi32>
          %add3A_230 = arith.addi %and3A_228, %add3A_229 : vector<16xi32>
          %gather3A_231 = tpu.vector_load_idx %arg5[%iota3A, %add3A_230] : memref<16x1024xf32, #tpu.memory_space<vmem>>[vector<16xi32>, vector<16xi32>], vector<16xf32>,
          %shift_left3A_232 = arith.constant 4 : i32
          %shift_left3A_233 = vector.broadcast %shift_left3A_232 : i32 to vector<16xi32>
          %shift_left3A_234 = arith.shli %add3A_230, %shift_left3A_233 : vector<16xi32>
          %add3A_235 = arith.addi %shift_left3A_234, %iota3A : vector<16xi32>
          tpu.vector_store_idx %arg7[%add3A_235], %gather3A_231 : memref<16384xf32, #tpu.memory_space<vmem>>[vector<16xi32>], vector<16xf32>,
          %add3A_236 = arith.constant 1 : i32
          %add3A_237 = vector.broadcast %add3A_236 : i32 to vector<16xi32>
          %add3A_238 = arith.addi %and3A_228, %add3A_237 : vector<16xi32>
          %and3A_239 = arith.constant 15 : i32
          %and3A_240 = vector.broadcast %and3A_239 : i32 to vector<16xi32>
          %and3A_241 = arith.andi %add3A_238, %and3A_240 : vector<16xi32>
          %add3A_242 = vector.broadcast %mul3A_126 : i32 to vector<16xi32>
          %add3A_243 = arith.addi %and3A_241, %add3A_242 : vector<16xi32>
          %gather3A_244 = tpu.vector_load_idx %arg5[%iota3A, %add3A_243] : memref<16x1024xf32, #tpu.memory_space<vmem>>[vector<16xi32>, vector<16xi32>], vector<16xf32>,
          %shift_left3A_245 = arith.constant 4 : i32
          %shift_left3A_246 = vector.broadcast %shift_left3A_245 : i32 to vector<16xi32>
          %shift_left3A_247 = arith.shli %add3A_243, %shift_left3A_246 : vector<16xi32>
          %add3A_248 = arith.addi %shift_left3A_247, %iota3A : vector<16xi32>
          tpu.vector_store_idx %arg7[%add3A_248], %gather3A_244 : memref<16384xf32, #tpu.memory_space<vmem>>[vector<16xi32>], vector<16xf32>,
          %add3A_249 = arith.constant 1 : i32
          %add3A_250 = vector.broadcast %add3A_249 : i32 to vector<16xi32>
          %add3A_251 = arith.addi %and3A_241, %add3A_250 : vector<16xi32>
          %and3A_252 = arith.constant 15 : i32
          %and3A_253 = vector.broadcast %and3A_252 : i32 to vector<16xi32>
          %and3A_254 = arith.andi %add3A_251, %and3A_253 : vector<16xi32>
          %add3A_255 = vector.broadcast %mul3A_126 : i32 to vector<16xi32>
          %add3A_256 = arith.addi %and3A_254, %add3A_255 : vector<16xi32>
          %gather3A_257 = tpu.vector_load_idx %arg5[%iota3A, %add3A_256] : memref<16x1024xf32, #tpu.memory_space<vmem>>[vector<16xi32>, vector<16xi32>], vector<16xf32>,
          %shift_left3A_258 = arith.constant 4 : i32
          %shift_left3A_259 = vector.broadcast %shift_left3A_258 : i32 to vector<16xi32>
          %shift_left3A_260 = arith.shli %add3A_256, %shift_left3A_259 : vector<16xi32>
          %add3A_261 = arith.addi %shift_left3A_260, %iota3A : vector<16xi32>
          tpu.vector_store_idx %arg7[%add3A_261], %gather3A_257 : memref<16384xf32, #tpu.memory_space<vmem>>[vector<16xi32>], vector<16xf32>,
          %add3A_262 = arith.constant 1 : i32
          %add3A_263 = vector.broadcast %add3A_262 : i32 to vector<16xi32>
          %add3A_264 = arith.addi %and3A_254, %add3A_263 : vector<16xi32>
          %and3A_265 = arith.constant 15 : i32
          %and3A_266 = vector.broadcast %and3A_265 : i32 to vector<16xi32>
          %and3A_267 = arith.andi %add3A_264, %and3A_266 : vector<16xi32>
          %add3A_268 = vector.broadcast %mul3A_126 : i32 to vector<16xi32>
          %add3A_269 = arith.addi %and3A_267, %add3A_268 : vector<16xi32>
          %gather3A_270 = tpu.vector_load_idx %arg5[%iota3A, %add3A_269] : memref<16x1024xf32, #tpu.memory_space<vmem>>[vector<16xi32>, vector<16xi32>], vector<16xf32>,
          %shift_left3A_271 = arith.constant 4 : i32
          %shift_left3A_272 = vector.broadcast %shift_left3A_271 : i32 to vector<16xi32>
          %shift_left3A_273 = arith.shli %add3A_269, %shift_left3A_272 : vector<16xi32>
          %add3A_274 = arith.addi %shift_left3A_273, %iota3A : vector<16xi32>
          tpu.vector_store_idx %arg7[%add3A_274], %gather3A_270 : memref<16384xf32, #tpu.memory_space<vmem>>[vector<16xi32>], vector<16xf32>,
          %add3A_275 = arith.constant 1 : i32
          %add3A_276 = vector.broadcast %add3A_275 : i32 to vector<16xi32>
          %add3A_277 = arith.addi %and3A_267, %add3A_276 : vector<16xi32>
          %and3A_278 = arith.constant 15 : i32
          %and3A_279 = vector.broadcast %and3A_278 : i32 to vector<16xi32>
          %and3A_280 = arith.andi %add3A_277, %and3A_279 : vector<16xi32>
          %add3A_281 = vector.broadcast %mul3A_126 : i32 to vector<16xi32>
          %add3A_282 = arith.addi %and3A_280, %add3A_281 : vector<16xi32>
          %gather3A_283 = tpu.vector_load_idx %arg5[%iota3A, %add3A_282] : memref<16x1024xf32, #tpu.memory_space<vmem>>[vector<16xi32>, vector<16xi32>], vector<16xf32>,
          %shift_left3A_284 = arith.constant 4 : i32
          %shift_left3A_285 = vector.broadcast %shift_left3A_284 : i32 to vector<16xi32>
          %shift_left3A_286 = arith.shli %add3A_282, %shift_left3A_285 : vector<16xi32>
          %add3A_287 = arith.addi %shift_left3A_286, %iota3A : vector<16xi32>
          tpu.vector_store_idx %arg7[%add3A_287], %gather3A_283 : memref<16384xf32, #tpu.memory_space<vmem>>[vector<16xi32>], vector<16xf32>,
          %add3A_288 = arith.constant 1 : i32
          %add3A_289 = vector.broadcast %add3A_288 : i32 to vector<16xi32>
          %add3A_290 = arith.addi %and3A_280, %add3A_289 : vector<16xi32>
          %and3A_291 = arith.constant 15 : i32
          %and3A_292 = vector.broadcast %and3A_291 : i32 to vector<16xi32>
          %and3A_293 = arith.andi %add3A_290, %and3A_292 : vector<16xi32>
          %add3A_294 = vector.broadcast %mul3A_126 : i32 to vector<16xi32>
          %add3A_295 = arith.addi %and3A_293, %add3A_294 : vector<16xi32>
          %gather3A_296 = tpu.vector_load_idx %arg5[%iota3A, %add3A_295] : memref<16x1024xf32, #tpu.memory_space<vmem>>[vector<16xi32>, vector<16xi32>], vector<16xf32>,
          %shift_left3A_297 = arith.constant 4 : i32
          %shift_left3A_298 = vector.broadcast %shift_left3A_297 : i32 to vector<16xi32>
          %shift_left3A_299 = arith.shli %add3A_295, %shift_left3A_298 : vector<16xi32>
          %add3A_300 = arith.addi %shift_left3A_299, %iota3A : vector<16xi32>
          tpu.vector_store_idx %arg7[%add3A_300], %gather3A_296 : memref<16384xf32, #tpu.memory_space<vmem>>[vector<16xi32>], vector<16xf32>,
          %add3A_301 = arith.constant 1 : i32
          %add3A_302 = vector.broadcast %add3A_301 : i32 to vector<16xi32>
          %add3A_303 = arith.addi %and3A_293, %add3A_302 : vector<16xi32>
          %and3A_304 = arith.constant 15 : i32
          %and3A_305 = vector.broadcast %and3A_304 : i32 to vector<16xi32>
          %and3A_306 = arith.andi %add3A_303, %and3A_305 : vector<16xi32>
          %add3A_307 = vector.broadcast %mul3A_126 : i32 to vector<16xi32>
          %add3A_308 = arith.addi %and3A_306, %add3A_307 : vector<16xi32>
          %gather3A_309 = tpu.vector_load_idx %arg5[%iota3A, %add3A_308] : memref<16x1024xf32, #tpu.memory_space<vmem>>[vector<16xi32>, vector<16xi32>], vector<16xf32>,
          %shift_left3A_310 = arith.constant 4 : i32
          %shift_left3A_311 = vector.broadcast %shift_left3A_310 : i32 to vector<16xi32>
          %shift_left3A_312 = arith.shli %add3A_308, %shift_left3A_311 : vector<16xi32>
          %add3A_313 = arith.addi %shift_left3A_312, %iota3A : vector<16xi32>
          tpu.vector_store_idx %arg7[%add3A_313], %gather3A_309 : memref<16384xf32, #tpu.memory_space<vmem>>[vector<16xi32>], vector<16xf32>,
          %add3A_314 = arith.constant 1 : i32
          %add3A_315 = vector.broadcast %add3A_314 : i32 to vector<16xi32>
          %add3A_316 = arith.addi %and3A_306, %add3A_315 : vector<16xi32>
          %and3A_317 = arith.constant 15 : i32
          %and3A_318 = vector.broadcast %and3A_317 : i32 to vector<16xi32>
          %and3A_319 = arith.andi %add3A_316, %and3A_318 : vector<16xi32>
          %add3A_320 = vector.broadcast %mul3A_126 : i32 to vector<16xi32>
          %add3A_321 = arith.addi %and3A_319, %add3A_320 : vector<16xi32>
          %gather3A_322 = tpu.vector_load_idx %arg5[%iota3A, %add3A_321] : memref<16x1024xf32, #tpu.memory_space<vmem>>[vector<16xi32>, vector<16xi32>], vector<16xf32>,
          %shift_left3A_323 = arith.constant 4 : i32
          %shift_left3A_324 = vector.broadcast %shift_left3A_323 : i32 to vector<16xi32>
          %shift_left3A_325 = arith.shli %add3A_321, %shift_left3A_324 : vector<16xi32>
          %add3A_326 = arith.addi %shift_left3A_325, %iota3A : vector<16xi32>
          tpu.vector_store_idx %arg7[%add3A_326], %gather3A_322 : memref<16384xf32, #tpu.memory_space<vmem>>[vector<16xi32>], vector<16xf32>,
          %add3A_327 = arith.constant 1 : i32
          %add3A_328 = vector.broadcast %add3A_327 : i32 to vector<16xi32>
          %add3A_329 = arith.addi %and3A_319, %add3A_328 : vector<16xi32>
          %and3A_330 = arith.constant 15 : i32
          %and3A_331 = vector.broadcast %and3A_330 : i32 to vector<16xi32>
          %and3A_332 = arith.andi %add3A_329, %and3A_331 : vector<16xi32>
        }
        %scan3A_108 = arith.constant 64 : i32
        %mul3A_109 = arith.constant 32 : i32
        %mul3A_110 = arith.muli %add3A_83, %mul3A_109 : i32
        %add3A_111 = arith.addi %add3A, %mul3A_110 : i32
        %mul3A_112 = arith.constant 1024 : i32
        %mul3A_113 = arith.muli %add3A_111, %mul3A_112 : i32
        %mul3A_114 = arith.constant 16 : i32
        %mul3A_115 = arith.muli %mul3A_113, %mul3A_114 : i32
        %dma_start3A_116 = tpu.memref_slice %arg4[%mul3A_115] : memref<16000064xf32, #tpu.memory_space<hbm>> -> memref<16384xf32, #tpu.memory_space<hbm>>
        %dma_start3A_117 = tpu.memref_slice %arg4[%mul3A_115] : memref<16000064xf32, #tpu.memory_space<hbm>> -> memref<16384xf32, #tpu.memory_space<hbm>>
        tpu.enqueue_dma source(%arg7 : memref<16384xf32, #tpu.memory_space<vmem>>) target(%dma_start3A_117 : memref<16384xf32, #tpu.memory_space<hbm>>) target_semaphore(%arg12 : memref<!tpu.dma_semaphore, #tpu.memory_space<semaphore_mem>>)
        %add3A_118 = arith.constant 2 : i32
        %add3A_119 = arith.addi %add3A_83, %add3A_118 : i32
        %lt3A_120 = arith.cmpi slt, %add3A_119, %add3A_20 : i32
        %convert_element_type3A_121 = arith.extui %lt3A_120 : i1 to i32
        %cond3A_122 = arith.constant 0 : i32
        %cond3A_123 = arith.cmpi ne, %convert_element_type3A_121, %cond3A_122 : i32
        scf.if %cond3A_123 {
          %add3A_124 = arith.constant 2 : i32
          %add3A_125 = arith.addi %add3A_83, %add3A_124 : i32
          %mul3A_126 = arith.constant 32 : i32
          %mul3A_127 = arith.muli %add3A_125, %mul3A_126 : i32
          %add3A_128 = arith.addi %add3A, %mul3A_127 : i32
          %mul3A_129 = arith.constant 1024 : i32
          %mul3A_130 = arith.muli %add3A_128, %mul3A_129 : i32
          %dma_start3A_131 = arith.constant 0 : i32
          %dma_start3A_132 = tpu.memref_slice %arg2[%dma_start3A_131, %mul3A_130] : memref<16x1000004xf32, #tpu.memory_space<hbm>> -> memref<16x1024xf32, #tpu.memory_space<hbm>>
          %dma_start3A_133 = arith.constant 0 : i32
          %dma_start3A_134 = tpu.memref_slice %arg2[%dma_start3A_133, %mul3A_130] : memref<16x1000004xf32, #tpu.memory_space<hbm>> -> memref<16x1024xf32, #tpu.memory_space<hbm>>
          tpu.enqueue_dma source(%dma_start3A_134 : memref<16x1024xf32, #tpu.memory_space<hbm>>) target(%arg5 : memref<16x1024xf32, #tpu.memory_space<vmem>>) target_semaphore(%arg10 : memref<!tpu.dma_semaphore, #tpu.memory_space<semaphore_mem>>)
        } else {
        }
      } else {
      }
      %mul3A_87 = arith.constant 2 : i32
      %mul3A_88 = arith.muli %while3A_79, %mul3A_87 : i32
      %add3A_89 = arith.constant 1 : i32
      %add3A_90 = arith.addi %mul3A_88, %add3A_89 : i32
      %lt3A_91 = arith.cmpi slt, %add3A_90, %add3A_20 : i32
      %convert_element_type3A_92 = arith.extui %lt3A_91 : i1 to i32
      %cond3A_93 = arith.constant 0 : i32
      %cond3A_94 = arith.cmpi ne, %convert_element_type3A_92, %cond3A_93 : i32
      scf.if %cond3A_94 {
        %dma_wait3A = arith.constant 0 : i32
        %dma_wait3A_95 = arith.constant 0 : i32
        %dma_wait3A_96 = tpu.memref_slice %arg2[%dma_wait3A, %dma_wait3A_95] : memref<16x1000004xf32, #tpu.memory_space<hbm>> -> memref<16x1024xf32, #tpu.memory_space<hbm>>
        %dma_wait3A_97 = arith.constant 0 : i32
        %dma_wait3A_98 = arith.constant 0 : i32
        %dma_wait3A_99 = tpu.memref_slice %arg2[%dma_wait3A_97, %dma_wait3A_98] : memref<16x1000004xf32, #tpu.memory_space<hbm>> -> memref<16x1024xf32, #tpu.memory_space<hbm>>
        tpu.wait_dma2 semaphore(%arg11 : memref<!tpu.dma_semaphore, #tpu.memory_space<semaphore_mem>>) src(%dma_wait3A_99 : memref<16x1024xf32, #tpu.memory_space<hbm>>) dst(%arg6 : memref<16x1024xf32, #tpu.memory_space<vmem>>)
        %ge3A = arith.constant 2 : i32
        %ge3A_100 = arith.cmpi sge, %add3A_90, %ge3A : i32
        %convert_element_type3A_101 = arith.extui %ge3A_100 : i1 to i32
        %cond3A_102 = arith.constant 0 : i32
        %cond3A_103 = arith.cmpi ne, %convert_element_type3A_101, %cond3A_102 : i32
        scf.if %cond3A_103 {
          %dma_wait3A_124 = arith.constant 0 : i32
          %dma_wait3A_125 = tpu.memref_slice %arg4[%dma_wait3A_124] : memref<16000064xf32, #tpu.memory_space<hbm>> -> memref<16384xf32, #tpu.memory_space<hbm>>
          %dma_wait3A_126 = arith.constant 0 : i32
          %dma_wait3A_127 = tpu.memref_slice %arg4[%dma_wait3A_126] : memref<16000064xf32, #tpu.memory_space<hbm>> -> memref<16384xf32, #tpu.memory_space<hbm>>
          tpu.wait_dma2 semaphore(%arg13 : memref<!tpu.dma_semaphore, #tpu.memory_space<semaphore_mem>>) src(%arg8 : memref<16384xf32, #tpu.memory_space<vmem>>) dst(%dma_wait3A_127 : memref<16384xf32, #tpu.memory_space<hbm>>)
        } else {
        }
        %scan3A = arith.constant 0 : i32
        %scan3A_104 = arith.constant 0 : i32
        %scan3A_105 = arith.constant 64 : i32
        %scan3A_106 = arith.addi %scan3A_104, %scan3A_105 : i32
        %scan3A_107 = arith.constant 1 : i32
        scf.for %scan3A_124 = %scan3A_104 to %scan3A_106 step %scan3A_107  : i32 {
          %mul3A_125 = arith.constant 16 : i32
          %mul3A_126 = arith.muli %scan3A_124, %mul3A_125 : i32
          %add3A_127 = vector.broadcast %mul3A_126 : i32 to vector<16xi32>
          %add3A_128 = arith.addi %iota3A, %add3A_127 : vector<16xi32>
          %gather3A = tpu.vector_load_idx %arg6[%iota3A, %add3A_128] : memref<16x1024xf32, #tpu.memory_space<vmem>>[vector<16xi32>, vector<16xi32>], vector<16xf32>,
          %shift_left3A = arith.constant 4 : i32
          %shift_left3A_129 = vector.broadcast %shift_left3A : i32 to vector<16xi32>
          %shift_left3A_130 = arith.shli %add3A_128, %shift_left3A_129 : vector<16xi32>
          %add3A_131 = arith.addi %shift_left3A_130, %iota3A : vector<16xi32>
          tpu.vector_store_idx %arg8[%add3A_131], %gather3A : memref<16384xf32, #tpu.memory_space<vmem>>[vector<16xi32>], vector<16xf32>,
          %add3A_132 = arith.constant 1 : i32
          %add3A_133 = vector.broadcast %add3A_132 : i32 to vector<16xi32>
          %add3A_134 = arith.addi %iota3A, %add3A_133 : vector<16xi32>
          %and3A_135 = arith.constant 15 : i32
          %and3A_136 = vector.broadcast %and3A_135 : i32 to vector<16xi32>
          %and3A_137 = arith.andi %add3A_134, %and3A_136 : vector<16xi32>
          %add3A_138 = vector.broadcast %mul3A_126 : i32 to vector<16xi32>
          %add3A_139 = arith.addi %and3A_137, %add3A_138 : vector<16xi32>
          %gather3A_140 = tpu.vector_load_idx %arg6[%iota3A, %add3A_139] : memref<16x1024xf32, #tpu.memory_space<vmem>>[vector<16xi32>, vector<16xi32>], vector<16xf32>,
          %shift_left3A_141 = arith.constant 4 : i32
          %shift_left3A_142 = vector.broadcast %shift_left3A_141 : i32 to vector<16xi32>
          %shift_left3A_143 = arith.shli %add3A_139, %shift_left3A_142 : vector<16xi32>
          %add3A_144 = arith.addi %shift_left3A_143, %iota3A : vector<16xi32>
          tpu.vector_store_idx %arg8[%add3A_144], %gather3A_140 : memref<16384xf32, #tpu.memory_space<vmem>>[vector<16xi32>], vector<16xf32>,
          %add3A_145 = arith.constant 1 : i32
          %add3A_146 = vector.broadcast %add3A_145 : i32 to vector<16xi32>
          %add3A_147 = arith.addi %and3A_137, %add3A_146 : vector<16xi32>
          %and3A_148 = arith.constant 15 : i32
          %and3A_149 = vector.broadcast %and3A_148 : i32 to vector<16xi32>
          %and3A_150 = arith.andi %add3A_147, %and3A_149 : vector<16xi32>
          %add3A_151 = vector.broadcast %mul3A_126 : i32 to vector<16xi32>
          %add3A_152 = arith.addi %and3A_150, %add3A_151 : vector<16xi32>
          %gather3A_153 = tpu.vector_load_idx %arg6[%iota3A, %add3A_152] : memref<16x1024xf32, #tpu.memory_space<vmem>>[vector<16xi32>, vector<16xi32>], vector<16xf32>,
          %shift_left3A_154 = arith.constant 4 : i32
          %shift_left3A_155 = vector.broadcast %shift_left3A_154 : i32 to vector<16xi32>
          %shift_left3A_156 = arith.shli %add3A_152, %shift_left3A_155 : vector<16xi32>
          %add3A_157 = arith.addi %shift_left3A_156, %iota3A : vector<16xi32>
          tpu.vector_store_idx %arg8[%add3A_157], %gather3A_153 : memref<16384xf32, #tpu.memory_space<vmem>>[vector<16xi32>], vector<16xf32>,
          %add3A_158 = arith.constant 1 : i32
          %add3A_159 = vector.broadcast %add3A_158 : i32 to vector<16xi32>
          %add3A_160 = arith.addi %and3A_150, %add3A_159 : vector<16xi32>
          %and3A_161 = arith.constant 15 : i32
          %and3A_162 = vector.broadcast %and3A_161 : i32 to vector<16xi32>
          %and3A_163 = arith.andi %add3A_160, %and3A_162 : vector<16xi32>
          %add3A_164 = vector.broadcast %mul3A_126 : i32 to vector<16xi32>
          %add3A_165 = arith.addi %and3A_163, %add3A_164 : vector<16xi32>
          %gather3A_166 = tpu.vector_load_idx %arg6[%iota3A, %add3A_165] : memref<16x1024xf32, #tpu.memory_space<vmem>>[vector<16xi32>, vector<16xi32>], vector<16xf32>,
          %shift_left3A_167 = arith.constant 4 : i32
          %shift_left3A_168 = vector.broadcast %shift_left3A_167 : i32 to vector<16xi32>
          %shift_left3A_169 = arith.shli %add3A_165, %shift_left3A_168 : vector<16xi32>
          %add3A_170 = arith.addi %shift_left3A_169, %iota3A : vector<16xi32>
          tpu.vector_store_idx %arg8[%add3A_170], %gather3A_166 : memref<16384xf32, #tpu.memory_space<vmem>>[vector<16xi32>], vector<16xf32>,
          %add3A_171 = arith.constant 1 : i32
          %add3A_172 = vector.broadcast %add3A_171 : i32 to vector<16xi32>
          %add3A_173 = arith.addi %and3A_163, %add3A_172 : vector<16xi32>
          %and3A_174 = arith.constant 15 : i32
          %and3A_175 = vector.broadcast %and3A_174 : i32 to vector<16xi32>
          %and3A_176 = arith.andi %add3A_173, %and3A_175 : vector<16xi32>
          %add3A_177 = vector.broadcast %mul3A_126 : i32 to vector<16xi32>
          %add3A_178 = arith.addi %and3A_176, %add3A_177 : vector<16xi32>
          %gather3A_179 = tpu.vector_load_idx %arg6[%iota3A, %add3A_178] : memref<16x1024xf32, #tpu.memory_space<vmem>>[vector<16xi32>, vector<16xi32>], vector<16xf32>,
          %shift_left3A_180 = arith.constant 4 : i32
          %shift_left3A_181 = vector.broadcast %shift_left3A_180 : i32 to vector<16xi32>
          %shift_left3A_182 = arith.shli %add3A_178, %shift_left3A_181 : vector<16xi32>
          %add3A_183 = arith.addi %shift_left3A_182, %iota3A : vector<16xi32>
          tpu.vector_store_idx %arg8[%add3A_183], %gather3A_179 : memref<16384xf32, #tpu.memory_space<vmem>>[vector<16xi32>], vector<16xf32>,
          %add3A_184 = arith.constant 1 : i32
          %add3A_185 = vector.broadcast %add3A_184 : i32 to vector<16xi32>
          %add3A_186 = arith.addi %and3A_176, %add3A_185 : vector<16xi32>
          %and3A_187 = arith.constant 15 : i32
          %and3A_188 = vector.broadcast %and3A_187 : i32 to vector<16xi32>
          %and3A_189 = arith.andi %add3A_186, %and3A_188 : vector<16xi32>
          %add3A_190 = vector.broadcast %mul3A_126 : i32 to vector<16xi32>
          %add3A_191 = arith.addi %and3A_189, %add3A_190 : vector<16xi32>
          %gather3A_192 = tpu.vector_load_idx %arg6[%iota3A, %add3A_191] : memref<16x1024xf32, #tpu.memory_space<vmem>>[vector<16xi32>, vector<16xi32>], vector<16xf32>,
          %shift_left3A_193 = arith.constant 4 : i32
          %shift_left3A_194 = vector.broadcast %shift_left3A_193 : i32 to vector<16xi32>
          %shift_left3A_195 = arith.shli %add3A_191, %shift_left3A_194 : vector<16xi32>
          %add3A_196 = arith.addi %shift_left3A_195, %iota3A : vector<16xi32>
          tpu.vector_store_idx %arg8[%add3A_196], %gather3A_192 : memref<16384xf32, #tpu.memory_space<vmem>>[vector<16xi32>], vector<16xf32>,
          %add3A_197 = arith.constant 1 : i32
          %add3A_198 = vector.broadcast %add3A_197 : i32 to vector<16xi32>
          %add3A_199 = arith.addi %and3A_189, %add3A_198 : vector<16xi32>
          %and3A_200 = arith.constant 15 : i32
          %and3A_201 = vector.broadcast %and3A_200 : i32 to vector<16xi32>
          %and3A_202 = arith.andi %add3A_199, %and3A_201 : vector<16xi32>
          %add3A_203 = vector.broadcast %mul3A_126 : i32 to vector<16xi32>
          %add3A_204 = arith.addi %and3A_202, %add3A_203 : vector<16xi32>
          %gather3A_205 = tpu.vector_load_idx %arg6[%iota3A, %add3A_204] : memref<16x1024xf32, #tpu.memory_space<vmem>>[vector<16xi32>, vector<16xi32>], vector<16xf32>,
          %shift_left3A_206 = arith.constant 4 : i32
          %shift_left3A_207 = vector.broadcast %shift_left3A_206 : i32 to vector<16xi32>
          %shift_left3A_208 = arith.shli %add3A_204, %shift_left3A_207 : vector<16xi32>
          %add3A_209 = arith.addi %shift_left3A_208, %iota3A : vector<16xi32>
          tpu.vector_store_idx %arg8[%add3A_209], %gather3A_205 : memref<16384xf32, #tpu.memory_space<vmem>>[vector<16xi32>], vector<16xf32>,
          %add3A_210 = arith.constant 1 : i32
          %add3A_211 = vector.broadcast %add3A_210 : i32 to vector<16xi32>
          %add3A_212 = arith.addi %and3A_202, %add3A_211 : vector<16xi32>
          %and3A_213 = arith.constant 15 : i32
          %and3A_214 = vector.broadcast %and3A_213 : i32 to vector<16xi32>
          %and3A_215 = arith.andi %add3A_212, %and3A_214 : vector<16xi32>
          %add3A_216 = vector.broadcast %mul3A_126 : i32 to vector<16xi32>
          %add3A_217 = arith.addi %and3A_215, %add3A_216 : vector<16xi32>
          %gather3A_218 = tpu.vector_load_idx %arg6[%iota3A, %add3A_217] : memref<16x1024xf32, #tpu.memory_space<vmem>>[vector<16xi32>, vector<16xi32>], vector<16xf32>,
          %shift_left3A_219 = arith.constant 4 : i32
          %shift_left3A_220 = vector.broadcast %shift_left3A_219 : i32 to vector<16xi32>
          %shift_left3A_221 = arith.shli %add3A_217, %shift_left3A_220 : vector<16xi32>
          %add3A_222 = arith.addi %shift_left3A_221, %iota3A : vector<16xi32>
          tpu.vector_store_idx %arg8[%add3A_222], %gather3A_218 : memref<16384xf32, #tpu.memory_space<vmem>>[vector<16xi32>], vector<16xf32>,
          %add3A_223 = arith.constant 1 : i32
          %add3A_224 = vector.broadcast %add3A_223 : i32 to vector<16xi32>
          %add3A_225 = arith.addi %and3A_215, %add3A_224 : vector<16xi32>
          %and3A_226 = arith.constant 15 : i32
          %and3A_227 = vector.broadcast %and3A_226 : i32 to vector<16xi32>
          %and3A_228 = arith.andi %add3A_225, %and3A_227 : vector<16xi32>
          %add3A_229 = vector.broadcast %mul3A_126 : i32 to vector<16xi32>
          %add3A_230 = arith.addi %and3A_228, %add3A_229 : vector<16xi32>
          %gather3A_231 = tpu.vector_load_idx %arg6[%iota3A, %add3A_230] : memref<16x1024xf32, #tpu.memory_space<vmem>>[vector<16xi32>, vector<16xi32>], vector<16xf32>,
          %shift_left3A_232 = arith.constant 4 : i32
          %shift_left3A_233 = vector.broadcast %shift_left3A_232 : i32 to vector<16xi32>
          %shift_left3A_234 = arith.shli %add3A_230, %shift_left3A_233 : vector<16xi32>
          %add3A_235 = arith.addi %shift_left3A_234, %iota3A : vector<16xi32>
          tpu.vector_store_idx %arg8[%add3A_235], %gather3A_231 : memref<16384xf32, #tpu.memory_space<vmem>>[vector<16xi32>], vector<16xf32>,
          %add3A_236 = arith.constant 1 : i32
          %add3A_237 = vector.broadcast %add3A_236 : i32 to vector<16xi32>
          %add3A_238 = arith.addi %and3A_228, %add3A_237 : vector<16xi32>
          %and3A_239 = arith.constant 15 : i32
          %and3A_240 = vector.broadcast %and3A_239 : i32 to vector<16xi32>
          %and3A_241 = arith.andi %add3A_238, %and3A_240 : vector<16xi32>
          %add3A_242 = vector.broadcast %mul3A_126 : i32 to vector<16xi32>
          %add3A_243 = arith.addi %and3A_241, %add3A_242 : vector<16xi32>
          %gather3A_244 = tpu.vector_load_idx %arg6[%iota3A, %add3A_243] : memref<16x1024xf32, #tpu.memory_space<vmem>>[vector<16xi32>, vector<16xi32>], vector<16xf32>,
          %shift_left3A_245 = arith.constant 4 : i32
          %shift_left3A_246 = vector.broadcast %shift_left3A_245 : i32 to vector<16xi32>
          %shift_left3A_247 = arith.shli %add3A_243, %shift_left3A_246 : vector<16xi32>
          %add3A_248 = arith.addi %shift_left3A_247, %iota3A : vector<16xi32>
          tpu.vector_store_idx %arg8[%add3A_248], %gather3A_244 : memref<16384xf32, #tpu.memory_space<vmem>>[vector<16xi32>], vector<16xf32>,
          %add3A_249 = arith.constant 1 : i32
          %add3A_250 = vector.broadcast %add3A_249 : i32 to vector<16xi32>
          %add3A_251 = arith.addi %and3A_241, %add3A_250 : vector<16xi32>
          %and3A_252 = arith.constant 15 : i32
          %and3A_253 = vector.broadcast %and3A_252 : i32 to vector<16xi32>
          %and3A_254 = arith.andi %add3A_251, %and3A_253 : vector<16xi32>
          %add3A_255 = vector.broadcast %mul3A_126 : i32 to vector<16xi32>
          %add3A_256 = arith.addi %and3A_254, %add3A_255 : vector<16xi32>
          %gather3A_257 = tpu.vector_load_idx %arg6[%iota3A, %add3A_256] : memref<16x1024xf32, #tpu.memory_space<vmem>>[vector<16xi32>, vector<16xi32>], vector<16xf32>,
          %shift_left3A_258 = arith.constant 4 : i32
          %shift_left3A_259 = vector.broadcast %shift_left3A_258 : i32 to vector<16xi32>
          %shift_left3A_260 = arith.shli %add3A_256, %shift_left3A_259 : vector<16xi32>
          %add3A_261 = arith.addi %shift_left3A_260, %iota3A : vector<16xi32>
          tpu.vector_store_idx %arg8[%add3A_261], %gather3A_257 : memref<16384xf32, #tpu.memory_space<vmem>>[vector<16xi32>], vector<16xf32>,
          %add3A_262 = arith.constant 1 : i32
          %add3A_263 = vector.broadcast %add3A_262 : i32 to vector<16xi32>
          %add3A_264 = arith.addi %and3A_254, %add3A_263 : vector<16xi32>
          %and3A_265 = arith.constant 15 : i32
          %and3A_266 = vector.broadcast %and3A_265 : i32 to vector<16xi32>
          %and3A_267 = arith.andi %add3A_264, %and3A_266 : vector<16xi32>
          %add3A_268 = vector.broadcast %mul3A_126 : i32 to vector<16xi32>
          %add3A_269 = arith.addi %and3A_267, %add3A_268 : vector<16xi32>
          %gather3A_270 = tpu.vector_load_idx %arg6[%iota3A, %add3A_269] : memref<16x1024xf32, #tpu.memory_space<vmem>>[vector<16xi32>, vector<16xi32>], vector<16xf32>,
          %shift_left3A_271 = arith.constant 4 : i32
          %shift_left3A_272 = vector.broadcast %shift_left3A_271 : i32 to vector<16xi32>
          %shift_left3A_273 = arith.shli %add3A_269, %shift_left3A_272 : vector<16xi32>
          %add3A_274 = arith.addi %shift_left3A_273, %iota3A : vector<16xi32>
          tpu.vector_store_idx %arg8[%add3A_274], %gather3A_270 : memref<16384xf32, #tpu.memory_space<vmem>>[vector<16xi32>], vector<16xf32>,
          %add3A_275 = arith.constant 1 : i32
          %add3A_276 = vector.broadcast %add3A_275 : i32 to vector<16xi32>
          %add3A_277 = arith.addi %and3A_267, %add3A_276 : vector<16xi32>
          %and3A_278 = arith.constant 15 : i32
          %and3A_279 = vector.broadcast %and3A_278 : i32 to vector<16xi32>
          %and3A_280 = arith.andi %add3A_277, %and3A_279 : vector<16xi32>
          %add3A_281 = vector.broadcast %mul3A_126 : i32 to vector<16xi32>
          %add3A_282 = arith.addi %and3A_280, %add3A_281 : vector<16xi32>
          %gather3A_283 = tpu.vector_load_idx %arg6[%iota3A, %add3A_282] : memref<16x1024xf32, #tpu.memory_space<vmem>>[vector<16xi32>, vector<16xi32>], vector<16xf32>,
          %shift_left3A_284 = arith.constant 4 : i32
          %shift_left3A_285 = vector.broadcast %shift_left3A_284 : i32 to vector<16xi32>
          %shift_left3A_286 = arith.shli %add3A_282, %shift_left3A_285 : vector<16xi32>
          %add3A_287 = arith.addi %shift_left3A_286, %iota3A : vector<16xi32>
          tpu.vector_store_idx %arg8[%add3A_287], %gather3A_283 : memref<16384xf32, #tpu.memory_space<vmem>>[vector<16xi32>], vector<16xf32>,
          %add3A_288 = arith.constant 1 : i32
          %add3A_289 = vector.broadcast %add3A_288 : i32 to vector<16xi32>
          %add3A_290 = arith.addi %and3A_280, %add3A_289 : vector<16xi32>
          %and3A_291 = arith.constant 15 : i32
          %and3A_292 = vector.broadcast %and3A_291 : i32 to vector<16xi32>
          %and3A_293 = arith.andi %add3A_290, %and3A_292 : vector<16xi32>
          %add3A_294 = vector.broadcast %mul3A_126 : i32 to vector<16xi32>
          %add3A_295 = arith.addi %and3A_293, %add3A_294 : vector<16xi32>
          %gather3A_296 = tpu.vector_load_idx %arg6[%iota3A, %add3A_295] : memref<16x1024xf32, #tpu.memory_space<vmem>>[vector<16xi32>, vector<16xi32>], vector<16xf32>,
          %shift_left3A_297 = arith.constant 4 : i32
          %shift_left3A_298 = vector.broadcast %shift_left3A_297 : i32 to vector<16xi32>
          %shift_left3A_299 = arith.shli %add3A_295, %shift_left3A_298 : vector<16xi32>
          %add3A_300 = arith.addi %shift_left3A_299, %iota3A : vector<16xi32>
          tpu.vector_store_idx %arg8[%add3A_300], %gather3A_296 : memref<16384xf32, #tpu.memory_space<vmem>>[vector<16xi32>], vector<16xf32>,
          %add3A_301 = arith.constant 1 : i32
          %add3A_302 = vector.broadcast %add3A_301 : i32 to vector<16xi32>
          %add3A_303 = arith.addi %and3A_293, %add3A_302 : vector<16xi32>
          %and3A_304 = arith.constant 15 : i32
          %and3A_305 = vector.broadcast %and3A_304 : i32 to vector<16xi32>
          %and3A_306 = arith.andi %add3A_303, %and3A_305 : vector<16xi32>
          %add3A_307 = vector.broadcast %mul3A_126 : i32 to vector<16xi32>
          %add3A_308 = arith.addi %and3A_306, %add3A_307 : vector<16xi32>
          %gather3A_309 = tpu.vector_load_idx %arg6[%iota3A, %add3A_308] : memref<16x1024xf32, #tpu.memory_space<vmem>>[vector<16xi32>, vector<16xi32>], vector<16xf32>,
          %shift_left3A_310 = arith.constant 4 : i32
          %shift_left3A_311 = vector.broadcast %shift_left3A_310 : i32 to vector<16xi32>
          %shift_left3A_312 = arith.shli %add3A_308, %shift_left3A_311 : vector<16xi32>
          %add3A_313 = arith.addi %shift_left3A_312, %iota3A : vector<16xi32>
          tpu.vector_store_idx %arg8[%add3A_313], %gather3A_309 : memref<16384xf32, #tpu.memory_space<vmem>>[vector<16xi32>], vector<16xf32>,
          %add3A_314 = arith.constant 1 : i32
          %add3A_315 = vector.broadcast %add3A_314 : i32 to vector<16xi32>
          %add3A_316 = arith.addi %and3A_306, %add3A_315 : vector<16xi32>
          %and3A_317 = arith.constant 15 : i32
          %and3A_318 = vector.broadcast %and3A_317 : i32 to vector<16xi32>
          %and3A_319 = arith.andi %add3A_316, %and3A_318 : vector<16xi32>
          %add3A_320 = vector.broadcast %mul3A_126 : i32 to vector<16xi32>
          %add3A_321 = arith.addi %and3A_319, %add3A_320 : vector<16xi32>
          %gather3A_322 = tpu.vector_load_idx %arg6[%iota3A, %add3A_321] : memref<16x1024xf32, #tpu.memory_space<vmem>>[vector<16xi32>, vector<16xi32>], vector<16xf32>,
          %shift_left3A_323 = arith.constant 4 : i32
          %shift_left3A_324 = vector.broadcast %shift_left3A_323 : i32 to vector<16xi32>
          %shift_left3A_325 = arith.shli %add3A_321, %shift_left3A_324 : vector<16xi32>
          %add3A_326 = arith.addi %shift_left3A_325, %iota3A : vector<16xi32>
          tpu.vector_store_idx %arg8[%add3A_326], %gather3A_322 : memref<16384xf32, #tpu.memory_space<vmem>>[vector<16xi32>], vector<16xf32>,
          %add3A_327 = arith.constant 1 : i32
          %add3A_328 = vector.broadcast %add3A_327 : i32 to vector<16xi32>
          %add3A_329 = arith.addi %and3A_319, %add3A_328 : vector<16xi32>
          %and3A_330 = arith.constant 15 : i32
          %and3A_331 = vector.broadcast %and3A_330 : i32 to vector<16xi32>
          %and3A_332 = arith.andi %add3A_329, %and3A_331 : vector<16xi32>
        }
        %scan3A_108 = arith.constant 64 : i32
        %mul3A_109 = arith.constant 32 : i32
        %mul3A_110 = arith.muli %add3A_90, %mul3A_109 : i32
        %add3A_111 = arith.addi %add3A, %mul3A_110 : i32
        %mul3A_112 = arith.constant 1024 : i32
        %mul3A_113 = arith.muli %add3A_111, %mul3A_112 : i32
        %mul3A_114 = arith.constant 16 : i32
        %mul3A_115 = arith.muli %mul3A_113, %mul3A_114 : i32
        %dma_start3A_116 = tpu.memref_slice %arg4[%mul3A_115] : memref<16000064xf32, #tpu.memory_space<hbm>> -> memref<16384xf32, #tpu.memory_space<hbm>>
        %dma_start3A_117 = tpu.memref_slice %arg4[%mul3A_115] : memref<16000064xf32, #tpu.memory_space<hbm>> -> memref<16384xf32, #tpu.memory_space<hbm>>
        tpu.enqueue_dma source(%arg8 : memref<16384xf32, #tpu.memory_space<vmem>>) target(%dma_start3A_117 : memref<16384xf32, #tpu.memory_space<hbm>>) target_semaphore(%arg13 : memref<!tpu.dma_semaphore, #tpu.memory_space<semaphore_mem>>)
        %add3A_118 = arith.constant 2 : i32
        %add3A_119 = arith.addi %add3A_90, %add3A_118 : i32
        %lt3A_120 = arith.cmpi slt, %add3A_119, %add3A_20 : i32
        %convert_element_type3A_121 = arith.extui %lt3A_120 : i1 to i32
        %cond3A_122 = arith.constant 0 : i32
        %cond3A_123 = arith.cmpi ne, %convert_element_type3A_121, %cond3A_122 : i32
        scf.if %cond3A_123 {
          %add3A_124 = arith.constant 2 : i32
          %add3A_125 = arith.addi %add3A_90, %add3A_124 : i32
          %mul3A_126 = arith.constant 32 : i32
          %mul3A_127 = arith.muli %add3A_125, %mul3A_126 : i32
          %add3A_128 = arith.addi %add3A, %mul3A_127 : i32
          %mul3A_129 = arith.constant 1024 : i32
          %mul3A_130 = arith.muli %add3A_128, %mul3A_129 : i32
          %dma_start3A_131 = arith.constant 0 : i32
          %dma_start3A_132 = tpu.memref_slice %arg2[%dma_start3A_131, %mul3A_130] : memref<16x1000004xf32, #tpu.memory_space<hbm>> -> memref<16x1024xf32, #tpu.memory_space<hbm>>
          %dma_start3A_133 = arith.constant 0 : i32
          %dma_start3A_134 = tpu.memref_slice %arg2[%dma_start3A_133, %mul3A_130] : memref<16x1000004xf32, #tpu.memory_space<hbm>> -> memref<16x1024xf32, #tpu.memory_space<hbm>>
          tpu.enqueue_dma source(%dma_start3A_134 : memref<16x1024xf32, #tpu.memory_space<hbm>>) target(%arg6 : memref<16x1024xf32, #tpu.memory_space<vmem>>) target_semaphore(%arg11 : memref<!tpu.dma_semaphore, #tpu.memory_space<semaphore_mem>>)
        } else {
        }
      } else {
      }
    }
    %while3A_64 = arith.constant 1 : i32
    scf.for %while3A_79 = %while3A_62 to %while3A_58 step %while3A_64  : i32 {
      %mul3A_80 = arith.constant 2 : i32
      %mul3A_81 = arith.muli %while3A_79, %mul3A_80 : i32
      %add3A_82 = arith.constant 0 : i32
      %add3A_83 = arith.addi %mul3A_81, %add3A_82 : i32
      %lt3A = arith.cmpi slt, %add3A_83, %add3A_20 : i32
      %convert_element_type3A_84 = arith.extui %lt3A : i1 to i32
      %cond3A_85 = arith.constant 0 : i32
      %cond3A_86 = arith.cmpi ne, %convert_element_type3A_84, %cond3A_85 : i32
      scf.if %cond3A_86 {
        %dma_wait3A = arith.constant 0 : i32
        %dma_wait3A_95 = arith.constant 0 : i32
        %dma_wait3A_96 = tpu.memref_slice %arg2[%dma_wait3A, %dma_wait3A_95] : memref<16x1000004xf32, #tpu.memory_space<hbm>> -> memref<16x1024xf32, #tpu.memory_space<hbm>>
        %dma_wait3A_97 = arith.constant 0 : i32
        %dma_wait3A_98 = arith.constant 0 : i32
        %dma_wait3A_99 = tpu.memref_slice %arg2[%dma_wait3A_97, %dma_wait3A_98] : memref<16x1000004xf32, #tpu.memory_space<hbm>> -> memref<16x1024xf32, #tpu.memory_space<hbm>>
        tpu.wait_dma2 semaphore(%arg10 : memref<!tpu.dma_semaphore, #tpu.memory_space<semaphore_mem>>) src(%dma_wait3A_99 : memref<16x1024xf32, #tpu.memory_space<hbm>>) dst(%arg5 : memref<16x1024xf32, #tpu.memory_space<vmem>>)
        %ge3A = arith.constant 2 : i32
        %ge3A_100 = arith.cmpi sge, %add3A_83, %ge3A : i32
        %convert_element_type3A_101 = arith.extui %ge3A_100 : i1 to i32
        %cond3A_102 = arith.constant 0 : i32
        %cond3A_103 = arith.cmpi ne, %convert_element_type3A_101, %cond3A_102 : i32
        scf.if %cond3A_103 {
          %dma_wait3A_124 = arith.constant 0 : i32
          %dma_wait3A_125 = tpu.memref_slice %arg4[%dma_wait3A_124] : memref<16000064xf32, #tpu.memory_space<hbm>> -> memref<16384xf32, #tpu.memory_space<hbm>>
          %dma_wait3A_126 = arith.constant 0 : i32
          %dma_wait3A_127 = tpu.memref_slice %arg4[%dma_wait3A_126] : memref<16000064xf32, #tpu.memory_space<hbm>> -> memref<16384xf32, #tpu.memory_space<hbm>>
          tpu.wait_dma2 semaphore(%arg12 : memref<!tpu.dma_semaphore, #tpu.memory_space<semaphore_mem>>) src(%arg7 : memref<16384xf32, #tpu.memory_space<vmem>>) dst(%dma_wait3A_127 : memref<16384xf32, #tpu.memory_space<hbm>>)
        } else {
        }
        %scan3A = arith.constant 0 : i32
        %scan3A_104 = arith.constant 0 : i32
        %scan3A_105 = arith.constant 64 : i32
        %scan3A_106 = arith.addi %scan3A_104, %scan3A_105 : i32
        %scan3A_107 = arith.constant 1 : i32
        scf.for %scan3A_124 = %scan3A_104 to %scan3A_106 step %scan3A_107  : i32 {
          %mul3A_125 = arith.constant 16 : i32
          %mul3A_126 = arith.muli %scan3A_124, %mul3A_125 : i32
          %add3A_127 = vector.broadcast %mul3A_126 : i32 to vector<16xi32>
          %add3A_128 = arith.addi %iota3A, %add3A_127 : vector<16xi32>
          %gather3A = tpu.vector_load_idx %arg5[%iota3A, %add3A_128] : memref<16x1024xf32, #tpu.memory_space<vmem>>[vector<16xi32>, vector<16xi32>], vector<16xf32>,
          %shift_left3A = arith.constant 4 : i32
          %shift_left3A_129 = vector.broadcast %shift_left3A : i32 to vector<16xi32>
          %shift_left3A_130 = arith.shli %add3A_128, %shift_left3A_129 : vector<16xi32>
          %add3A_131 = arith.addi %shift_left3A_130, %iota3A : vector<16xi32>
          tpu.vector_store_idx %arg7[%add3A_131], %gather3A : memref<16384xf32, #tpu.memory_space<vmem>>[vector<16xi32>], vector<16xf32>,
          %add3A_132 = arith.constant 1 : i32
          %add3A_133 = vector.broadcast %add3A_132 : i32 to vector<16xi32>
          %add3A_134 = arith.addi %iota3A, %add3A_133 : vector<16xi32>
          %and3A_135 = arith.constant 15 : i32
          %and3A_136 = vector.broadcast %and3A_135 : i32 to vector<16xi32>
          %and3A_137 = arith.andi %add3A_134, %and3A_136 : vector<16xi32>
          %add3A_138 = vector.broadcast %mul3A_126 : i32 to vector<16xi32>
          %add3A_139 = arith.addi %and3A_137, %add3A_138 : vector<16xi32>
          %gather3A_140 = tpu.vector_load_idx %arg5[%iota3A, %add3A_139] : memref<16x1024xf32, #tpu.memory_space<vmem>>[vector<16xi32>, vector<16xi32>], vector<16xf32>,
          %shift_left3A_141 = arith.constant 4 : i32
          %shift_left3A_142 = vector.broadcast %shift_left3A_141 : i32 to vector<16xi32>
          %shift_left3A_143 = arith.shli %add3A_139, %shift_left3A_142 : vector<16xi32>
          %add3A_144 = arith.addi %shift_left3A_143, %iota3A : vector<16xi32>
          tpu.vector_store_idx %arg7[%add3A_144], %gather3A_140 : memref<16384xf32, #tpu.memory_space<vmem>>[vector<16xi32>], vector<16xf32>,
          %add3A_145 = arith.constant 1 : i32
          %add3A_146 = vector.broadcast %add3A_145 : i32 to vector<16xi32>
          %add3A_147 = arith.addi %and3A_137, %add3A_146 : vector<16xi32>
          %and3A_148 = arith.constant 15 : i32
          %and3A_149 = vector.broadcast %and3A_148 : i32 to vector<16xi32>
          %and3A_150 = arith.andi %add3A_147, %and3A_149 : vector<16xi32>
          %add3A_151 = vector.broadcast %mul3A_126 : i32 to vector<16xi32>
          %add3A_152 = arith.addi %and3A_150, %add3A_151 : vector<16xi32>
          %gather3A_153 = tpu.vector_load_idx %arg5[%iota3A, %add3A_152] : memref<16x1024xf32, #tpu.memory_space<vmem>>[vector<16xi32>, vector<16xi32>], vector<16xf32>,
          %shift_left3A_154 = arith.constant 4 : i32
          %shift_left3A_155 = vector.broadcast %shift_left3A_154 : i32 to vector<16xi32>
          %shift_left3A_156 = arith.shli %add3A_152, %shift_left3A_155 : vector<16xi32>
          %add3A_157 = arith.addi %shift_left3A_156, %iota3A : vector<16xi32>
          tpu.vector_store_idx %arg7[%add3A_157], %gather3A_153 : memref<16384xf32, #tpu.memory_space<vmem>>[vector<16xi32>], vector<16xf32>,
          %add3A_158 = arith.constant 1 : i32
          %add3A_159 = vector.broadcast %add3A_158 : i32 to vector<16xi32>
          %add3A_160 = arith.addi %and3A_150, %add3A_159 : vector<16xi32>
          %and3A_161 = arith.constant 15 : i32
          %and3A_162 = vector.broadcast %and3A_161 : i32 to vector<16xi32>
          %and3A_163 = arith.andi %add3A_160, %and3A_162 : vector<16xi32>
          %add3A_164 = vector.broadcast %mul3A_126 : i32 to vector<16xi32>
          %add3A_165 = arith.addi %and3A_163, %add3A_164 : vector<16xi32>
          %gather3A_166 = tpu.vector_load_idx %arg5[%iota3A, %add3A_165] : memref<16x1024xf32, #tpu.memory_space<vmem>>[vector<16xi32>, vector<16xi32>], vector<16xf32>,
          %shift_left3A_167 = arith.constant 4 : i32
          %shift_left3A_168 = vector.broadcast %shift_left3A_167 : i32 to vector<16xi32>
          %shift_left3A_169 = arith.shli %add3A_165, %shift_left3A_168 : vector<16xi32>
          %add3A_170 = arith.addi %shift_left3A_169, %iota3A : vector<16xi32>
          tpu.vector_store_idx %arg7[%add3A_170], %gather3A_166 : memref<16384xf32, #tpu.memory_space<vmem>>[vector<16xi32>], vector<16xf32>,
          %add3A_171 = arith.constant 1 : i32
          %add3A_172 = vector.broadcast %add3A_171 : i32 to vector<16xi32>
          %add3A_173 = arith.addi %and3A_163, %add3A_172 : vector<16xi32>
          %and3A_174 = arith.constant 15 : i32
          %and3A_175 = vector.broadcast %and3A_174 : i32 to vector<16xi32>
          %and3A_176 = arith.andi %add3A_173, %and3A_175 : vector<16xi32>
          %add3A_177 = vector.broadcast %mul3A_126 : i32 to vector<16xi32>
          %add3A_178 = arith.addi %and3A_176, %add3A_177 : vector<16xi32>
          %gather3A_179 = tpu.vector_load_idx %arg5[%iota3A, %add3A_178] : memref<16x1024xf32, #tpu.memory_space<vmem>>[vector<16xi32>, vector<16xi32>], vector<16xf32>,
          %shift_left3A_180 = arith.constant 4 : i32
          %shift_left3A_181 = vector.broadcast %shift_left3A_180 : i32 to vector<16xi32>
          %shift_left3A_182 = arith.shli %add3A_178, %shift_left3A_181 : vector<16xi32>
          %add3A_183 = arith.addi %shift_left3A_182, %iota3A : vector<16xi32>
          tpu.vector_store_idx %arg7[%add3A_183], %gather3A_179 : memref<16384xf32, #tpu.memory_space<vmem>>[vector<16xi32>], vector<16xf32>,
          %add3A_184 = arith.constant 1 : i32
          %add3A_185 = vector.broadcast %add3A_184 : i32 to vector<16xi32>
          %add3A_186 = arith.addi %and3A_176, %add3A_185 : vector<16xi32>
          %and3A_187 = arith.constant 15 : i32
          %and3A_188 = vector.broadcast %and3A_187 : i32 to vector<16xi32>
          %and3A_189 = arith.andi %add3A_186, %and3A_188 : vector<16xi32>
          %add3A_190 = vector.broadcast %mul3A_126 : i32 to vector<16xi32>
          %add3A_191 = arith.addi %and3A_189, %add3A_190 : vector<16xi32>
          %gather3A_192 = tpu.vector_load_idx %arg5[%iota3A, %add3A_191] : memref<16x1024xf32, #tpu.memory_space<vmem>>[vector<16xi32>, vector<16xi32>], vector<16xf32>,
          %shift_left3A_193 = arith.constant 4 : i32
          %shift_left3A_194 = vector.broadcast %shift_left3A_193 : i32 to vector<16xi32>
          %shift_left3A_195 = arith.shli %add3A_191, %shift_left3A_194 : vector<16xi32>
          %add3A_196 = arith.addi %shift_left3A_195, %iota3A : vector<16xi32>
          tpu.vector_store_idx %arg7[%add3A_196], %gather3A_192 : memref<16384xf32, #tpu.memory_space<vmem>>[vector<16xi32>], vector<16xf32>,
          %add3A_197 = arith.constant 1 : i32
          %add3A_198 = vector.broadcast %add3A_197 : i32 to vector<16xi32>
          %add3A_199 = arith.addi %and3A_189, %add3A_198 : vector<16xi32>
          %and3A_200 = arith.constant 15 : i32
          %and3A_201 = vector.broadcast %and3A_200 : i32 to vector<16xi32>
          %and3A_202 = arith.andi %add3A_199, %and3A_201 : vector<16xi32>
          %add3A_203 = vector.broadcast %mul3A_126 : i32 to vector<16xi32>
          %add3A_204 = arith.addi %and3A_202, %add3A_203 : vector<16xi32>
          %gather3A_205 = tpu.vector_load_idx %arg5[%iota3A, %add3A_204] : memref<16x1024xf32, #tpu.memory_space<vmem>>[vector<16xi32>, vector<16xi32>], vector<16xf32>,
          %shift_left3A_206 = arith.constant 4 : i32
          %shift_left3A_207 = vector.broadcast %shift_left3A_206 : i32 to vector<16xi32>
          %shift_left3A_208 = arith.shli %add3A_204, %shift_left3A_207 : vector<16xi32>
          %add3A_209 = arith.addi %shift_left3A_208, %iota3A : vector<16xi32>
          tpu.vector_store_idx %arg7[%add3A_209], %gather3A_205 : memref<16384xf32, #tpu.memory_space<vmem>>[vector<16xi32>], vector<16xf32>,
          %add3A_210 = arith.constant 1 : i32
          %add3A_211 = vector.broadcast %add3A_210 : i32 to vector<16xi32>
          %add3A_212 = arith.addi %and3A_202, %add3A_211 : vector<16xi32>
          %and3A_213 = arith.constant 15 : i32
          %and3A_214 = vector.broadcast %and3A_213 : i32 to vector<16xi32>
          %and3A_215 = arith.andi %add3A_212, %and3A_214 : vector<16xi32>
          %add3A_216 = vector.broadcast %mul3A_126 : i32 to vector<16xi32>
          %add3A_217 = arith.addi %and3A_215, %add3A_216 : vector<16xi32>
          %gather3A_218 = tpu.vector_load_idx %arg5[%iota3A, %add3A_217] : memref<16x1024xf32, #tpu.memory_space<vmem>>[vector<16xi32>, vector<16xi32>], vector<16xf32>,
          %shift_left3A_219 = arith.constant 4 : i32
          %shift_left3A_220 = vector.broadcast %shift_left3A_219 : i32 to vector<16xi32>
          %shift_left3A_221 = arith.shli %add3A_217, %shift_left3A_220 : vector<16xi32>
          %add3A_222 = arith.addi %shift_left3A_221, %iota3A : vector<16xi32>
          tpu.vector_store_idx %arg7[%add3A_222], %gather3A_218 : memref<16384xf32, #tpu.memory_space<vmem>>[vector<16xi32>], vector<16xf32>,
          %add3A_223 = arith.constant 1 : i32
          %add3A_224 = vector.broadcast %add3A_223 : i32 to vector<16xi32>
          %add3A_225 = arith.addi %and3A_215, %add3A_224 : vector<16xi32>
          %and3A_226 = arith.constant 15 : i32
          %and3A_227 = vector.broadcast %and3A_226 : i32 to vector<16xi32>
          %and3A_228 = arith.andi %add3A_225, %and3A_227 : vector<16xi32>
          %add3A_229 = vector.broadcast %mul3A_126 : i32 to vector<16xi32>
          %add3A_230 = arith.addi %and3A_228, %add3A_229 : vector<16xi32>
          %gather3A_231 = tpu.vector_load_idx %arg5[%iota3A, %add3A_230] : memref<16x1024xf32, #tpu.memory_space<vmem>>[vector<16xi32>, vector<16xi32>], vector<16xf32>,
          %shift_left3A_232 = arith.constant 4 : i32
          %shift_left3A_233 = vector.broadcast %shift_left3A_232 : i32 to vector<16xi32>
          %shift_left3A_234 = arith.shli %add3A_230, %shift_left3A_233 : vector<16xi32>
          %add3A_235 = arith.addi %shift_left3A_234, %iota3A : vector<16xi32>
          tpu.vector_store_idx %arg7[%add3A_235], %gather3A_231 : memref<16384xf32, #tpu.memory_space<vmem>>[vector<16xi32>], vector<16xf32>,
          %add3A_236 = arith.constant 1 : i32
          %add3A_237 = vector.broadcast %add3A_236 : i32 to vector<16xi32>
          %add3A_238 = arith.addi %and3A_228, %add3A_237 : vector<16xi32>
          %and3A_239 = arith.constant 15 : i32
          %and3A_240 = vector.broadcast %and3A_239 : i32 to vector<16xi32>
          %and3A_241 = arith.andi %add3A_238, %and3A_240 : vector<16xi32>
          %add3A_242 = vector.broadcast %mul3A_126 : i32 to vector<16xi32>
          %add3A_243 = arith.addi %and3A_241, %add3A_242 : vector<16xi32>
          %gather3A_244 = tpu.vector_load_idx %arg5[%iota3A, %add3A_243] : memref<16x1024xf32, #tpu.memory_space<vmem>>[vector<16xi32>, vector<16xi32>], vector<16xf32>,
          %shift_left3A_245 = arith.constant 4 : i32
          %shift_left3A_246 = vector.broadcast %shift_left3A_245 : i32 to vector<16xi32>
          %shift_left3A_247 = arith.shli %add3A_243, %shift_left3A_246 : vector<16xi32>
          %add3A_248 = arith.addi %shift_left3A_247, %iota3A : vector<16xi32>
          tpu.vector_store_idx %arg7[%add3A_248], %gather3A_244 : memref<16384xf32, #tpu.memory_space<vmem>>[vector<16xi32>], vector<16xf32>,
          %add3A_249 = arith.constant 1 : i32
          %add3A_250 = vector.broadcast %add3A_249 : i32 to vector<16xi32>
          %add3A_251 = arith.addi %and3A_241, %add3A_250 : vector<16xi32>
          %and3A_252 = arith.constant 15 : i32
          %and3A_253 = vector.broadcast %and3A_252 : i32 to vector<16xi32>
          %and3A_254 = arith.andi %add3A_251, %and3A_253 : vector<16xi32>
          %add3A_255 = vector.broadcast %mul3A_126 : i32 to vector<16xi32>
          %add3A_256 = arith.addi %and3A_254, %add3A_255 : vector<16xi32>
          %gather3A_257 = tpu.vector_load_idx %arg5[%iota3A, %add3A_256] : memref<16x1024xf32, #tpu.memory_space<vmem>>[vector<16xi32>, vector<16xi32>], vector<16xf32>,
          %shift_left3A_258 = arith.constant 4 : i32
          %shift_left3A_259 = vector.broadcast %shift_left3A_258 : i32 to vector<16xi32>
          %shift_left3A_260 = arith.shli %add3A_256, %shift_left3A_259 : vector<16xi32>
          %add3A_261 = arith.addi %shift_left3A_260, %iota3A : vector<16xi32>
          tpu.vector_store_idx %arg7[%add3A_261], %gather3A_257 : memref<16384xf32, #tpu.memory_space<vmem>>[vector<16xi32>], vector<16xf32>,
          %add3A_262 = arith.constant 1 : i32
          %add3A_263 = vector.broadcast %add3A_262 : i32 to vector<16xi32>
          %add3A_264 = arith.addi %and3A_254, %add3A_263 : vector<16xi32>
          %and3A_265 = arith.constant 15 : i32
          %and3A_266 = vector.broadcast %and3A_265 : i32 to vector<16xi32>
          %and3A_267 = arith.andi %add3A_264, %and3A_266 : vector<16xi32>
          %add3A_268 = vector.broadcast %mul3A_126 : i32 to vector<16xi32>
          %add3A_269 = arith.addi %and3A_267, %add3A_268 : vector<16xi32>
          %gather3A_270 = tpu.vector_load_idx %arg5[%iota3A, %add3A_269] : memref<16x1024xf32, #tpu.memory_space<vmem>>[vector<16xi32>, vector<16xi32>], vector<16xf32>,
          %shift_left3A_271 = arith.constant 4 : i32
          %shift_left3A_272 = vector.broadcast %shift_left3A_271 : i32 to vector<16xi32>
          %shift_left3A_273 = arith.shli %add3A_269, %shift_left3A_272 : vector<16xi32>
          %add3A_274 = arith.addi %shift_left3A_273, %iota3A : vector<16xi32>
          tpu.vector_store_idx %arg7[%add3A_274], %gather3A_270 : memref<16384xf32, #tpu.memory_space<vmem>>[vector<16xi32>], vector<16xf32>,
          %add3A_275 = arith.constant 1 : i32
          %add3A_276 = vector.broadcast %add3A_275 : i32 to vector<16xi32>
          %add3A_277 = arith.addi %and3A_267, %add3A_276 : vector<16xi32>
          %and3A_278 = arith.constant 15 : i32
          %and3A_279 = vector.broadcast %and3A_278 : i32 to vector<16xi32>
          %and3A_280 = arith.andi %add3A_277, %and3A_279 : vector<16xi32>
          %add3A_281 = vector.broadcast %mul3A_126 : i32 to vector<16xi32>
          %add3A_282 = arith.addi %and3A_280, %add3A_281 : vector<16xi32>
          %gather3A_283 = tpu.vector_load_idx %arg5[%iota3A, %add3A_282] : memref<16x1024xf32, #tpu.memory_space<vmem>>[vector<16xi32>, vector<16xi32>], vector<16xf32>,
          %shift_left3A_284 = arith.constant 4 : i32
          %shift_left3A_285 = vector.broadcast %shift_left3A_284 : i32 to vector<16xi32>
          %shift_left3A_286 = arith.shli %add3A_282, %shift_left3A_285 : vector<16xi32>
          %add3A_287 = arith.addi %shift_left3A_286, %iota3A : vector<16xi32>
          tpu.vector_store_idx %arg7[%add3A_287], %gather3A_283 : memref<16384xf32, #tpu.memory_space<vmem>>[vector<16xi32>], vector<16xf32>,
          %add3A_288 = arith.constant 1 : i32
          %add3A_289 = vector.broadcast %add3A_288 : i32 to vector<16xi32>
          %add3A_290 = arith.addi %and3A_280, %add3A_289 : vector<16xi32>
          %and3A_291 = arith.constant 15 : i32
          %and3A_292 = vector.broadcast %and3A_291 : i32 to vector<16xi32>
          %and3A_293 = arith.andi %add3A_290, %and3A_292 : vector<16xi32>
          %add3A_294 = vector.broadcast %mul3A_126 : i32 to vector<16xi32>
          %add3A_295 = arith.addi %and3A_293, %add3A_294 : vector<16xi32>
          %gather3A_296 = tpu.vector_load_idx %arg5[%iota3A, %add3A_295] : memref<16x1024xf32, #tpu.memory_space<vmem>>[vector<16xi32>, vector<16xi32>], vector<16xf32>,
          %shift_left3A_297 = arith.constant 4 : i32
          %shift_left3A_298 = vector.broadcast %shift_left3A_297 : i32 to vector<16xi32>
          %shift_left3A_299 = arith.shli %add3A_295, %shift_left3A_298 : vector<16xi32>
          %add3A_300 = arith.addi %shift_left3A_299, %iota3A : vector<16xi32>
          tpu.vector_store_idx %arg7[%add3A_300], %gather3A_296 : memref<16384xf32, #tpu.memory_space<vmem>>[vector<16xi32>], vector<16xf32>,
          %add3A_301 = arith.constant 1 : i32
          %add3A_302 = vector.broadcast %add3A_301 : i32 to vector<16xi32>
          %add3A_303 = arith.addi %and3A_293, %add3A_302 : vector<16xi32>
          %and3A_304 = arith.constant 15 : i32
          %and3A_305 = vector.broadcast %and3A_304 : i32 to vector<16xi32>
          %and3A_306 = arith.andi %add3A_303, %and3A_305 : vector<16xi32>
          %add3A_307 = vector.broadcast %mul3A_126 : i32 to vector<16xi32>
          %add3A_308 = arith.addi %and3A_306, %add3A_307 : vector<16xi32>
          %gather3A_309 = tpu.vector_load_idx %arg5[%iota3A, %add3A_308] : memref<16x1024xf32, #tpu.memory_space<vmem>>[vector<16xi32>, vector<16xi32>], vector<16xf32>,
          %shift_left3A_310 = arith.constant 4 : i32
          %shift_left3A_311 = vector.broadcast %shift_left3A_310 : i32 to vector<16xi32>
          %shift_left3A_312 = arith.shli %add3A_308, %shift_left3A_311 : vector<16xi32>
          %add3A_313 = arith.addi %shift_left3A_312, %iota3A : vector<16xi32>
          tpu.vector_store_idx %arg7[%add3A_313], %gather3A_309 : memref<16384xf32, #tpu.memory_space<vmem>>[vector<16xi32>], vector<16xf32>,
          %add3A_314 = arith.constant 1 : i32
          %add3A_315 = vector.broadcast %add3A_314 : i32 to vector<16xi32>
          %add3A_316 = arith.addi %and3A_306, %add3A_315 : vector<16xi32>
          %and3A_317 = arith.constant 15 : i32
          %and3A_318 = vector.broadcast %and3A_317 : i32 to vector<16xi32>
          %and3A_319 = arith.andi %add3A_316, %and3A_318 : vector<16xi32>
          %add3A_320 = vector.broadcast %mul3A_126 : i32 to vector<16xi32>
          %add3A_321 = arith.addi %and3A_319, %add3A_320 : vector<16xi32>
          %gather3A_322 = tpu.vector_load_idx %arg5[%iota3A, %add3A_321] : memref<16x1024xf32, #tpu.memory_space<vmem>>[vector<16xi32>, vector<16xi32>], vector<16xf32>,
          %shift_left3A_323 = arith.constant 4 : i32
          %shift_left3A_324 = vector.broadcast %shift_left3A_323 : i32 to vector<16xi32>
          %shift_left3A_325 = arith.shli %add3A_321, %shift_left3A_324 : vector<16xi32>
          %add3A_326 = arith.addi %shift_left3A_325, %iota3A : vector<16xi32>
          tpu.vector_store_idx %arg7[%add3A_326], %gather3A_322 : memref<16384xf32, #tpu.memory_space<vmem>>[vector<16xi32>], vector<16xf32>,
          %add3A_327 = arith.constant 1 : i32
          %add3A_328 = vector.broadcast %add3A_327 : i32 to vector<16xi32>
          %add3A_329 = arith.addi %and3A_319, %add3A_328 : vector<16xi32>
          %and3A_330 = arith.constant 15 : i32
          %and3A_331 = vector.broadcast %and3A_330 : i32 to vector<16xi32>
          %and3A_332 = arith.andi %add3A_329, %and3A_331 : vector<16xi32>
        }
        %scan3A_108 = arith.constant 64 : i32
        %mul3A_109 = arith.constant 32 : i32
        %mul3A_110 = arith.muli %add3A_83, %mul3A_109 : i32
        %add3A_111 = arith.addi %add3A, %mul3A_110 : i32
        %mul3A_112 = arith.constant 1024 : i32
        %mul3A_113 = arith.muli %add3A_111, %mul3A_112 : i32
        %mul3A_114 = arith.constant 16 : i32
        %mul3A_115 = arith.muli %mul3A_113, %mul3A_114 : i32
        %dma_start3A_116 = tpu.memref_slice %arg4[%mul3A_115] : memref<16000064xf32, #tpu.memory_space<hbm>> -> memref<16384xf32, #tpu.memory_space<hbm>>
        %dma_start3A_117 = tpu.memref_slice %arg4[%mul3A_115] : memref<16000064xf32, #tpu.memory_space<hbm>> -> memref<16384xf32, #tpu.memory_space<hbm>>
        tpu.enqueue_dma source(%arg7 : memref<16384xf32, #tpu.memory_space<vmem>>) target(%dma_start3A_117 : memref<16384xf32, #tpu.memory_space<hbm>>) target_semaphore(%arg12 : memref<!tpu.dma_semaphore, #tpu.memory_space<semaphore_mem>>)
        %add3A_118 = arith.constant 2 : i32
        %add3A_119 = arith.addi %add3A_83, %add3A_118 : i32
        %lt3A_120 = arith.cmpi slt, %add3A_119, %add3A_20 : i32
        %convert_element_type3A_121 = arith.extui %lt3A_120 : i1 to i32
        %cond3A_122 = arith.constant 0 : i32
        %cond3A_123 = arith.cmpi ne, %convert_element_type3A_121, %cond3A_122 : i32
        scf.if %cond3A_123 {
          %add3A_124 = arith.constant 2 : i32
          %add3A_125 = arith.addi %add3A_83, %add3A_124 : i32
          %mul3A_126 = arith.constant 32 : i32
          %mul3A_127 = arith.muli %add3A_125, %mul3A_126 : i32
          %add3A_128 = arith.addi %add3A, %mul3A_127 : i32
          %mul3A_129 = arith.constant 1024 : i32
          %mul3A_130 = arith.muli %add3A_128, %mul3A_129 : i32
          %dma_start3A_131 = arith.constant 0 : i32
          %dma_start3A_132 = tpu.memref_slice %arg2[%dma_start3A_131, %mul3A_130] : memref<16x1000004xf32, #tpu.memory_space<hbm>> -> memref<16x1024xf32, #tpu.memory_space<hbm>>
          %dma_start3A_133 = arith.constant 0 : i32
          %dma_start3A_134 = tpu.memref_slice %arg2[%dma_start3A_133, %mul3A_130] : memref<16x1000004xf32, #tpu.memory_space<hbm>> -> memref<16x1024xf32, #tpu.memory_space<hbm>>
          tpu.enqueue_dma source(%dma_start3A_134 : memref<16x1024xf32, #tpu.memory_space<hbm>>) target(%arg5 : memref<16x1024xf32, #tpu.memory_space<vmem>>) target_semaphore(%arg10 : memref<!tpu.dma_semaphore, #tpu.memory_space<semaphore_mem>>)
        } else {
        }
      } else {
      }
      %mul3A_87 = arith.constant 2 : i32
      %mul3A_88 = arith.muli %while3A_79, %mul3A_87 : i32
      %add3A_89 = arith.constant 1 : i32
      %add3A_90 = arith.addi %mul3A_88, %add3A_89 : i32
      %lt3A_91 = arith.cmpi slt, %add3A_90, %add3A_20 : i32
      %convert_element_type3A_92 = arith.extui %lt3A_91 : i1 to i32
      %cond3A_93 = arith.constant 0 : i32
      %cond3A_94 = arith.cmpi ne, %convert_element_type3A_92, %cond3A_93 : i32
      scf.if %cond3A_94 {
        %dma_wait3A = arith.constant 0 : i32
        %dma_wait3A_95 = arith.constant 0 : i32
        %dma_wait3A_96 = tpu.memref_slice %arg2[%dma_wait3A, %dma_wait3A_95] : memref<16x1000004xf32, #tpu.memory_space<hbm>> -> memref<16x1024xf32, #tpu.memory_space<hbm>>
        %dma_wait3A_97 = arith.constant 0 : i32
        %dma_wait3A_98 = arith.constant 0 : i32
        %dma_wait3A_99 = tpu.memref_slice %arg2[%dma_wait3A_97, %dma_wait3A_98] : memref<16x1000004xf32, #tpu.memory_space<hbm>> -> memref<16x1024xf32, #tpu.memory_space<hbm>>
        tpu.wait_dma2 semaphore(%arg11 : memref<!tpu.dma_semaphore, #tpu.memory_space<semaphore_mem>>) src(%dma_wait3A_99 : memref<16x1024xf32, #tpu.memory_space<hbm>>) dst(%arg6 : memref<16x1024xf32, #tpu.memory_space<vmem>>)
        %ge3A = arith.constant 2 : i32
        %ge3A_100 = arith.cmpi sge, %add3A_90, %ge3A : i32
        %convert_element_type3A_101 = arith.extui %ge3A_100 : i1 to i32
        %cond3A_102 = arith.constant 0 : i32
        %cond3A_103 = arith.cmpi ne, %convert_element_type3A_101, %cond3A_102 : i32
        scf.if %cond3A_103 {
          %dma_wait3A_124 = arith.constant 0 : i32
          %dma_wait3A_125 = tpu.memref_slice %arg4[%dma_wait3A_124] : memref<16000064xf32, #tpu.memory_space<hbm>> -> memref<16384xf32, #tpu.memory_space<hbm>>
          %dma_wait3A_126 = arith.constant 0 : i32
          %dma_wait3A_127 = tpu.memref_slice %arg4[%dma_wait3A_126] : memref<16000064xf32, #tpu.memory_space<hbm>> -> memref<16384xf32, #tpu.memory_space<hbm>>
          tpu.wait_dma2 semaphore(%arg13 : memref<!tpu.dma_semaphore, #tpu.memory_space<semaphore_mem>>) src(%arg8 : memref<16384xf32, #tpu.memory_space<vmem>>) dst(%dma_wait3A_127 : memref<16384xf32, #tpu.memory_space<hbm>>)
        } else {
        }
        %scan3A = arith.constant 0 : i32
        %scan3A_104 = arith.constant 0 : i32
        %scan3A_105 = arith.constant 64 : i32
        %scan3A_106 = arith.addi %scan3A_104, %scan3A_105 : i32
        %scan3A_107 = arith.constant 1 : i32
        scf.for %scan3A_124 = %scan3A_104 to %scan3A_106 step %scan3A_107  : i32 {
          %mul3A_125 = arith.constant 16 : i32
          %mul3A_126 = arith.muli %scan3A_124, %mul3A_125 : i32
          %add3A_127 = vector.broadcast %mul3A_126 : i32 to vector<16xi32>
          %add3A_128 = arith.addi %iota3A, %add3A_127 : vector<16xi32>
          %gather3A = tpu.vector_load_idx %arg6[%iota3A, %add3A_128] : memref<16x1024xf32, #tpu.memory_space<vmem>>[vector<16xi32>, vector<16xi32>], vector<16xf32>,
          %shift_left3A = arith.constant 4 : i32
          %shift_left3A_129 = vector.broadcast %shift_left3A : i32 to vector<16xi32>
          %shift_left3A_130 = arith.shli %add3A_128, %shift_left3A_129 : vector<16xi32>
          %add3A_131 = arith.addi %shift_left3A_130, %iota3A : vector<16xi32>
          tpu.vector_store_idx %arg8[%add3A_131], %gather3A : memref<16384xf32, #tpu.memory_space<vmem>>[vector<16xi32>], vector<16xf32>,
          %add3A_132 = arith.constant 1 : i32
          %add3A_133 = vector.broadcast %add3A_132 : i32 to vector<16xi32>
          %add3A_134 = arith.addi %iota3A, %add3A_133 : vector<16xi32>
          %and3A_135 = arith.constant 15 : i32
          %and3A_136 = vector.broadcast %and3A_135 : i32 to vector<16xi32>
          %and3A_137 = arith.andi %add3A_134, %and3A_136 : vector<16xi32>
          %add3A_138 = vector.broadcast %mul3A_126 : i32 to vector<16xi32>
          %add3A_139 = arith.addi %and3A_137, %add3A_138 : vector<16xi32>
          %gather3A_140 = tpu.vector_load_idx %arg6[%iota3A, %add3A_139] : memref<16x1024xf32, #tpu.memory_space<vmem>>[vector<16xi32>, vector<16xi32>], vector<16xf32>,
          %shift_left3A_141 = arith.constant 4 : i32
          %shift_left3A_142 = vector.broadcast %shift_left3A_141 : i32 to vector<16xi32>
          %shift_left3A_143 = arith.shli %add3A_139, %shift_left3A_142 : vector<16xi32>
          %add3A_144 = arith.addi %shift_left3A_143, %iota3A : vector<16xi32>
          tpu.vector_store_idx %arg8[%add3A_144], %gather3A_140 : memref<16384xf32, #tpu.memory_space<vmem>>[vector<16xi32>], vector<16xf32>,
          %add3A_145 = arith.constant 1 : i32
          %add3A_146 = vector.broadcast %add3A_145 : i32 to vector<16xi32>
          %add3A_147 = arith.addi %and3A_137, %add3A_146 : vector<16xi32>
          %and3A_148 = arith.constant 15 : i32
          %and3A_149 = vector.broadcast %and3A_148 : i32 to vector<16xi32>
          %and3A_150 = arith.andi %add3A_147, %and3A_149 : vector<16xi32>
          %add3A_151 = vector.broadcast %mul3A_126 : i32 to vector<16xi32>
          %add3A_152 = arith.addi %and3A_150, %add3A_151 : vector<16xi32>
          %gather3A_153 = tpu.vector_load_idx %arg6[%iota3A, %add3A_152] : memref<16x1024xf32, #tpu.memory_space<vmem>>[vector<16xi32>, vector<16xi32>], vector<16xf32>,
          %shift_left3A_154 = arith.constant 4 : i32
          %shift_left3A_155 = vector.broadcast %shift_left3A_154 : i32 to vector<16xi32>
          %shift_left3A_156 = arith.shli %add3A_152, %shift_left3A_155 : vector<16xi32>
          %add3A_157 = arith.addi %shift_left3A_156, %iota3A : vector<16xi32>
          tpu.vector_store_idx %arg8[%add3A_157], %gather3A_153 : memref<16384xf32, #tpu.memory_space<vmem>>[vector<16xi32>], vector<16xf32>,
          %add3A_158 = arith.constant 1 : i32
          %add3A_159 = vector.broadcast %add3A_158 : i32 to vector<16xi32>
          %add3A_160 = arith.addi %and3A_150, %add3A_159 : vector<16xi32>
          %and3A_161 = arith.constant 15 : i32
          %and3A_162 = vector.broadcast %and3A_161 : i32 to vector<16xi32>
          %and3A_163 = arith.andi %add3A_160, %and3A_162 : vector<16xi32>
          %add3A_164 = vector.broadcast %mul3A_126 : i32 to vector<16xi32>
          %add3A_165 = arith.addi %and3A_163, %add3A_164 : vector<16xi32>
          %gather3A_166 = tpu.vector_load_idx %arg6[%iota3A, %add3A_165] : memref<16x1024xf32, #tpu.memory_space<vmem>>[vector<16xi32>, vector<16xi32>], vector<16xf32>,
          %shift_left3A_167 = arith.constant 4 : i32
          %shift_left3A_168 = vector.broadcast %shift_left3A_167 : i32 to vector<16xi32>
          %shift_left3A_169 = arith.shli %add3A_165, %shift_left3A_168 : vector<16xi32>
          %add3A_170 = arith.addi %shift_left3A_169, %iota3A : vector<16xi32>
          tpu.vector_store_idx %arg8[%add3A_170], %gather3A_166 : memref<16384xf32, #tpu.memory_space<vmem>>[vector<16xi32>], vector<16xf32>,
          %add3A_171 = arith.constant 1 : i32
          %add3A_172 = vector.broadcast %add3A_171 : i32 to vector<16xi32>
          %add3A_173 = arith.addi %and3A_163, %add3A_172 : vector<16xi32>
          %and3A_174 = arith.constant 15 : i32
          %and3A_175 = vector.broadcast %and3A_174 : i32 to vector<16xi32>
          %and3A_176 = arith.andi %add3A_173, %and3A_175 : vector<16xi32>
          %add3A_177 = vector.broadcast %mul3A_126 : i32 to vector<16xi32>
          %add3A_178 = arith.addi %and3A_176, %add3A_177 : vector<16xi32>
          %gather3A_179 = tpu.vector_load_idx %arg6[%iota3A, %add3A_178] : memref<16x1024xf32, #tpu.memory_space<vmem>>[vector<16xi32>, vector<16xi32>], vector<16xf32>,
          %shift_left3A_180 = arith.constant 4 : i32
          %shift_left3A_181 = vector.broadcast %shift_left3A_180 : i32 to vector<16xi32>
          %shift_left3A_182 = arith.shli %add3A_178, %shift_left3A_181 : vector<16xi32>
          %add3A_183 = arith.addi %shift_left3A_182, %iota3A : vector<16xi32>
          tpu.vector_store_idx %arg8[%add3A_183], %gather3A_179 : memref<16384xf32, #tpu.memory_space<vmem>>[vector<16xi32>], vector<16xf32>,
          %add3A_184 = arith.constant 1 : i32
          %add3A_185 = vector.broadcast %add3A_184 : i32 to vector<16xi32>
          %add3A_186 = arith.addi %and3A_176, %add3A_185 : vector<16xi32>
          %and3A_187 = arith.constant 15 : i32
          %and3A_188 = vector.broadcast %and3A_187 : i32 to vector<16xi32>
          %and3A_189 = arith.andi %add3A_186, %and3A_188 : vector<16xi32>
          %add3A_190 = vector.broadcast %mul3A_126 : i32 to vector<16xi32>
          %add3A_191 = arith.addi %and3A_189, %add3A_190 : vector<16xi32>
          %gather3A_192 = tpu.vector_load_idx %arg6[%iota3A, %add3A_191] : memref<16x1024xf32, #tpu.memory_space<vmem>>[vector<16xi32>, vector<16xi32>], vector<16xf32>,
          %shift_left3A_193 = arith.constant 4 : i32
          %shift_left3A_194 = vector.broadcast %shift_left3A_193 : i32 to vector<16xi32>
          %shift_left3A_195 = arith.shli %add3A_191, %shift_left3A_194 : vector<16xi32>
          %add3A_196 = arith.addi %shift_left3A_195, %iota3A : vector<16xi32>
          tpu.vector_store_idx %arg8[%add3A_196], %gather3A_192 : memref<16384xf32, #tpu.memory_space<vmem>>[vector<16xi32>], vector<16xf32>,
          %add3A_197 = arith.constant 1 : i32
          %add3A_198 = vector.broadcast %add3A_197 : i32 to vector<16xi32>
          %add3A_199 = arith.addi %and3A_189, %add3A_198 : vector<16xi32>
          %and3A_200 = arith.constant 15 : i32
          %and3A_201 = vector.broadcast %and3A_200 : i32 to vector<16xi32>
          %and3A_202 = arith.andi %add3A_199, %and3A_201 : vector<16xi32>
          %add3A_203 = vector.broadcast %mul3A_126 : i32 to vector<16xi32>
          %add3A_204 = arith.addi %and3A_202, %add3A_203 : vector<16xi32>
          %gather3A_205 = tpu.vector_load_idx %arg6[%iota3A, %add3A_204] : memref<16x1024xf32, #tpu.memory_space<vmem>>[vector<16xi32>, vector<16xi32>], vector<16xf32>,
          %shift_left3A_206 = arith.constant 4 : i32
          %shift_left3A_207 = vector.broadcast %shift_left3A_206 : i32 to vector<16xi32>
          %shift_left3A_208 = arith.shli %add3A_204, %shift_left3A_207 : vector<16xi32>
          %add3A_209 = arith.addi %shift_left3A_208, %iota3A : vector<16xi32>
          tpu.vector_store_idx %arg8[%add3A_209], %gather3A_205 : memref<16384xf32, #tpu.memory_space<vmem>>[vector<16xi32>], vector<16xf32>,
          %add3A_210 = arith.constant 1 : i32
          %add3A_211 = vector.broadcast %add3A_210 : i32 to vector<16xi32>
          %add3A_212 = arith.addi %and3A_202, %add3A_211 : vector<16xi32>
          %and3A_213 = arith.constant 15 : i32
          %and3A_214 = vector.broadcast %and3A_213 : i32 to vector<16xi32>
          %and3A_215 = arith.andi %add3A_212, %and3A_214 : vector<16xi32>
          %add3A_216 = vector.broadcast %mul3A_126 : i32 to vector<16xi32>
          %add3A_217 = arith.addi %and3A_215, %add3A_216 : vector<16xi32>
          %gather3A_218 = tpu.vector_load_idx %arg6[%iota3A, %add3A_217] : memref<16x1024xf32, #tpu.memory_space<vmem>>[vector<16xi32>, vector<16xi32>], vector<16xf32>,
          %shift_left3A_219 = arith.constant 4 : i32
          %shift_left3A_220 = vector.broadcast %shift_left3A_219 : i32 to vector<16xi32>
          %shift_left3A_221 = arith.shli %add3A_217, %shift_left3A_220 : vector<16xi32>
          %add3A_222 = arith.addi %shift_left3A_221, %iota3A : vector<16xi32>
          tpu.vector_store_idx %arg8[%add3A_222], %gather3A_218 : memref<16384xf32, #tpu.memory_space<vmem>>[vector<16xi32>], vector<16xf32>,
          %add3A_223 = arith.constant 1 : i32
          %add3A_224 = vector.broadcast %add3A_223 : i32 to vector<16xi32>
          %add3A_225 = arith.addi %and3A_215, %add3A_224 : vector<16xi32>
          %and3A_226 = arith.constant 15 : i32
          %and3A_227 = vector.broadcast %and3A_226 : i32 to vector<16xi32>
          %and3A_228 = arith.andi %add3A_225, %and3A_227 : vector<16xi32>
          %add3A_229 = vector.broadcast %mul3A_126 : i32 to vector<16xi32>
          %add3A_230 = arith.addi %and3A_228, %add3A_229 : vector<16xi32>
          %gather3A_231 = tpu.vector_load_idx %arg6[%iota3A, %add3A_230] : memref<16x1024xf32, #tpu.memory_space<vmem>>[vector<16xi32>, vector<16xi32>], vector<16xf32>,
          %shift_left3A_232 = arith.constant 4 : i32
          %shift_left3A_233 = vector.broadcast %shift_left3A_232 : i32 to vector<16xi32>
          %shift_left3A_234 = arith.shli %add3A_230, %shift_left3A_233 : vector<16xi32>
          %add3A_235 = arith.addi %shift_left3A_234, %iota3A : vector<16xi32>
          tpu.vector_store_idx %arg8[%add3A_235], %gather3A_231 : memref<16384xf32, #tpu.memory_space<vmem>>[vector<16xi32>], vector<16xf32>,
          %add3A_236 = arith.constant 1 : i32
          %add3A_237 = vector.broadcast %add3A_236 : i32 to vector<16xi32>
          %add3A_238 = arith.addi %and3A_228, %add3A_237 : vector<16xi32>
          %and3A_239 = arith.constant 15 : i32
          %and3A_240 = vector.broadcast %and3A_239 : i32 to vector<16xi32>
          %and3A_241 = arith.andi %add3A_238, %and3A_240 : vector<16xi32>
          %add3A_242 = vector.broadcast %mul3A_126 : i32 to vector<16xi32>
          %add3A_243 = arith.addi %and3A_241, %add3A_242 : vector<16xi32>
          %gather3A_244 = tpu.vector_load_idx %arg6[%iota3A, %add3A_243] : memref<16x1024xf32, #tpu.memory_space<vmem>>[vector<16xi32>, vector<16xi32>], vector<16xf32>,
          %shift_left3A_245 = arith.constant 4 : i32
          %shift_left3A_246 = vector.broadcast %shift_left3A_245 : i32 to vector<16xi32>
          %shift_left3A_247 = arith.shli %add3A_243, %shift_left3A_246 : vector<16xi32>
          %add3A_248 = arith.addi %shift_left3A_247, %iota3A : vector<16xi32>
          tpu.vector_store_idx %arg8[%add3A_248], %gather3A_244 : memref<16384xf32, #tpu.memory_space<vmem>>[vector<16xi32>], vector<16xf32>,
          %add3A_249 = arith.constant 1 : i32
          %add3A_250 = vector.broadcast %add3A_249 : i32 to vector<16xi32>
          %add3A_251 = arith.addi %and3A_241, %add3A_250 : vector<16xi32>
          %and3A_252 = arith.constant 15 : i32
          %and3A_253 = vector.broadcast %and3A_252 : i32 to vector<16xi32>
          %and3A_254 = arith.andi %add3A_251, %and3A_253 : vector<16xi32>
          %add3A_255 = vector.broadcast %mul3A_126 : i32 to vector<16xi32>
          %add3A_256 = arith.addi %and3A_254, %add3A_255 : vector<16xi32>
          %gather3A_257 = tpu.vector_load_idx %arg6[%iota3A, %add3A_256] : memref<16x1024xf32, #tpu.memory_space<vmem>>[vector<16xi32>, vector<16xi32>], vector<16xf32>,
          %shift_left3A_258 = arith.constant 4 : i32
          %shift_left3A_259 = vector.broadcast %shift_left3A_258 : i32 to vector<16xi32>
          %shift_left3A_260 = arith.shli %add3A_256, %shift_left3A_259 : vector<16xi32>
          %add3A_261 = arith.addi %shift_left3A_260, %iota3A : vector<16xi32>
          tpu.vector_store_idx %arg8[%add3A_261], %gather3A_257 : memref<16384xf32, #tpu.memory_space<vmem>>[vector<16xi32>], vector<16xf32>,
          %add3A_262 = arith.constant 1 : i32
          %add3A_263 = vector.broadcast %add3A_262 : i32 to vector<16xi32>
          %add3A_264 = arith.addi %and3A_254, %add3A_263 : vector<16xi32>
          %and3A_265 = arith.constant 15 : i32
          %and3A_266 = vector.broadcast %and3A_265 : i32 to vector<16xi32>
          %and3A_267 = arith.andi %add3A_264, %and3A_266 : vector<16xi32>
          %add3A_268 = vector.broadcast %mul3A_126 : i32 to vector<16xi32>
          %add3A_269 = arith.addi %and3A_267, %add3A_268 : vector<16xi32>
          %gather3A_270 = tpu.vector_load_idx %arg6[%iota3A, %add3A_269] : memref<16x1024xf32, #tpu.memory_space<vmem>>[vector<16xi32>, vector<16xi32>], vector<16xf32>,
          %shift_left3A_271 = arith.constant 4 : i32
          %shift_left3A_272 = vector.broadcast %shift_left3A_271 : i32 to vector<16xi32>
          %shift_left3A_273 = arith.shli %add3A_269, %shift_left3A_272 : vector<16xi32>
          %add3A_274 = arith.addi %shift_left3A_273, %iota3A : vector<16xi32>
          tpu.vector_store_idx %arg8[%add3A_274], %gather3A_270 : memref<16384xf32, #tpu.memory_space<vmem>>[vector<16xi32>], vector<16xf32>,
          %add3A_275 = arith.constant 1 : i32
          %add3A_276 = vector.broadcast %add3A_275 : i32 to vector<16xi32>
          %add3A_277 = arith.addi %and3A_267, %add3A_276 : vector<16xi32>
          %and3A_278 = arith.constant 15 : i32
          %and3A_279 = vector.broadcast %and3A_278 : i32 to vector<16xi32>
          %and3A_280 = arith.andi %add3A_277, %and3A_279 : vector<16xi32>
          %add3A_281 = vector.broadcast %mul3A_126 : i32 to vector<16xi32>
          %add3A_282 = arith.addi %and3A_280, %add3A_281 : vector<16xi32>
          %gather3A_283 = tpu.vector_load_idx %arg6[%iota3A, %add3A_282] : memref<16x1024xf32, #tpu.memory_space<vmem>>[vector<16xi32>, vector<16xi32>], vector<16xf32>,
          %shift_left3A_284 = arith.constant 4 : i32
          %shift_left3A_285 = vector.broadcast %shift_left3A_284 : i32 to vector<16xi32>
          %shift_left3A_286 = arith.shli %add3A_282, %shift_left3A_285 : vector<16xi32>
          %add3A_287 = arith.addi %shift_left3A_286, %iota3A : vector<16xi32>
          tpu.vector_store_idx %arg8[%add3A_287], %gather3A_283 : memref<16384xf32, #tpu.memory_space<vmem>>[vector<16xi32>], vector<16xf32>,
          %add3A_288 = arith.constant 1 : i32
          %add3A_289 = vector.broadcast %add3A_288 : i32 to vector<16xi32>
          %add3A_290 = arith.addi %and3A_280, %add3A_289 : vector<16xi32>
          %and3A_291 = arith.constant 15 : i32
          %and3A_292 = vector.broadcast %and3A_291 : i32 to vector<16xi32>
          %and3A_293 = arith.andi %add3A_290, %and3A_292 : vector<16xi32>
          %add3A_294 = vector.broadcast %mul3A_126 : i32 to vector<16xi32>
          %add3A_295 = arith.addi %and3A_293, %add3A_294 : vector<16xi32>
          %gather3A_296 = tpu.vector_load_idx %arg6[%iota3A, %add3A_295] : memref<16x1024xf32, #tpu.memory_space<vmem>>[vector<16xi32>, vector<16xi32>], vector<16xf32>,
          %shift_left3A_297 = arith.constant 4 : i32
          %shift_left3A_298 = vector.broadcast %shift_left3A_297 : i32 to vector<16xi32>
          %shift_left3A_299 = arith.shli %add3A_295, %shift_left3A_298 : vector<16xi32>
          %add3A_300 = arith.addi %shift_left3A_299, %iota3A : vector<16xi32>
          tpu.vector_store_idx %arg8[%add3A_300], %gather3A_296 : memref<16384xf32, #tpu.memory_space<vmem>>[vector<16xi32>], vector<16xf32>,
          %add3A_301 = arith.constant 1 : i32
          %add3A_302 = vector.broadcast %add3A_301 : i32 to vector<16xi32>
          %add3A_303 = arith.addi %and3A_293, %add3A_302 : vector<16xi32>
          %and3A_304 = arith.constant 15 : i32
          %and3A_305 = vector.broadcast %and3A_304 : i32 to vector<16xi32>
          %and3A_306 = arith.andi %add3A_303, %and3A_305 : vector<16xi32>
          %add3A_307 = vector.broadcast %mul3A_126 : i32 to vector<16xi32>
          %add3A_308 = arith.addi %and3A_306, %add3A_307 : vector<16xi32>
          %gather3A_309 = tpu.vector_load_idx %arg6[%iota3A, %add3A_308] : memref<16x1024xf32, #tpu.memory_space<vmem>>[vector<16xi32>, vector<16xi32>], vector<16xf32>,
          %shift_left3A_310 = arith.constant 4 : i32
          %shift_left3A_311 = vector.broadcast %shift_left3A_310 : i32 to vector<16xi32>
          %shift_left3A_312 = arith.shli %add3A_308, %shift_left3A_311 : vector<16xi32>
          %add3A_313 = arith.addi %shift_left3A_312, %iota3A : vector<16xi32>
          tpu.vector_store_idx %arg8[%add3A_313], %gather3A_309 : memref<16384xf32, #tpu.memory_space<vmem>>[vector<16xi32>], vector<16xf32>,
          %add3A_314 = arith.constant 1 : i32
          %add3A_315 = vector.broadcast %add3A_314 : i32 to vector<16xi32>
          %add3A_316 = arith.addi %and3A_306, %add3A_315 : vector<16xi32>
          %and3A_317 = arith.constant 15 : i32
          %and3A_318 = vector.broadcast %and3A_317 : i32 to vector<16xi32>
          %and3A_319 = arith.andi %add3A_316, %and3A_318 : vector<16xi32>
          %add3A_320 = vector.broadcast %mul3A_126 : i32 to vector<16xi32>
          %add3A_321 = arith.addi %and3A_319, %add3A_320 : vector<16xi32>
          %gather3A_322 = tpu.vector_load_idx %arg6[%iota3A, %add3A_321] : memref<16x1024xf32, #tpu.memory_space<vmem>>[vector<16xi32>, vector<16xi32>], vector<16xf32>,
          %shift_left3A_323 = arith.constant 4 : i32
          %shift_left3A_324 = vector.broadcast %shift_left3A_323 : i32 to vector<16xi32>
          %shift_left3A_325 = arith.shli %add3A_321, %shift_left3A_324 : vector<16xi32>
          %add3A_326 = arith.addi %shift_left3A_325, %iota3A : vector<16xi32>
          tpu.vector_store_idx %arg8[%add3A_326], %gather3A_322 : memref<16384xf32, #tpu.memory_space<vmem>>[vector<16xi32>], vector<16xf32>,
          %add3A_327 = arith.constant 1 : i32
          %add3A_328 = vector.broadcast %add3A_327 : i32 to vector<16xi32>
          %add3A_329 = arith.addi %and3A_319, %add3A_328 : vector<16xi32>
          %and3A_330 = arith.constant 15 : i32
          %and3A_331 = vector.broadcast %and3A_330 : i32 to vector<16xi32>
          %and3A_332 = arith.andi %add3A_329, %and3A_331 : vector<16xi32>
        }
        %scan3A_108 = arith.constant 64 : i32
        %mul3A_109 = arith.constant 32 : i32
        %mul3A_110 = arith.muli %add3A_90, %mul3A_109 : i32
        %add3A_111 = arith.addi %add3A, %mul3A_110 : i32
        %mul3A_112 = arith.constant 1024 : i32
        %mul3A_113 = arith.muli %add3A_111, %mul3A_112 : i32
        %mul3A_114 = arith.constant 16 : i32
        %mul3A_115 = arith.muli %mul3A_113, %mul3A_114 : i32
        %dma_start3A_116 = tpu.memref_slice %arg4[%mul3A_115] : memref<16000064xf32, #tpu.memory_space<hbm>> -> memref<16384xf32, #tpu.memory_space<hbm>>
        %dma_start3A_117 = tpu.memref_slice %arg4[%mul3A_115] : memref<16000064xf32, #tpu.memory_space<hbm>> -> memref<16384xf32, #tpu.memory_space<hbm>>
        tpu.enqueue_dma source(%arg8 : memref<16384xf32, #tpu.memory_space<vmem>>) target(%dma_start3A_117 : memref<16384xf32, #tpu.memory_space<hbm>>) target_semaphore(%arg13 : memref<!tpu.dma_semaphore, #tpu.memory_space<semaphore_mem>>)
        %add3A_118 = arith.constant 2 : i32
        %add3A_119 = arith.addi %add3A_90, %add3A_118 : i32
        %lt3A_120 = arith.cmpi slt, %add3A_119, %add3A_20 : i32
        %convert_element_type3A_121 = arith.extui %lt3A_120 : i1 to i32
        %cond3A_122 = arith.constant 0 : i32
        %cond3A_123 = arith.cmpi ne, %convert_element_type3A_121, %cond3A_122 : i32
        scf.if %cond3A_123 {
          %add3A_124 = arith.constant 2 : i32
          %add3A_125 = arith.addi %add3A_90, %add3A_124 : i32
          %mul3A_126 = arith.constant 32 : i32
          %mul3A_127 = arith.muli %add3A_125, %mul3A_126 : i32
          %add3A_128 = arith.addi %add3A, %mul3A_127 : i32
          %mul3A_129 = arith.constant 1024 : i32
          %mul3A_130 = arith.muli %add3A_128, %mul3A_129 : i32
          %dma_start3A_131 = arith.constant 0 : i32
          %dma_start3A_132 = tpu.memref_slice %arg2[%dma_start3A_131, %mul3A_130] : memref<16x1000004xf32, #tpu.memory_space<hbm>> -> memref<16x1024xf32, #tpu.memory_space<hbm>>
          %dma_start3A_133 = arith.constant 0 : i32
          %dma_start3A_134 = tpu.memref_slice %arg2[%dma_start3A_133, %mul3A_130] : memref<16x1000004xf32, #tpu.memory_space<hbm>> -> memref<16x1024xf32, #tpu.memory_space<hbm>>
          tpu.enqueue_dma source(%dma_start3A_134 : memref<16x1024xf32, #tpu.memory_space<hbm>>) target(%arg6 : memref<16x1024xf32, #tpu.memory_space<vmem>>) target_semaphore(%arg11 : memref<!tpu.dma_semaphore, #tpu.memory_space<semaphore_mem>>)
        } else {
        }
      } else {
      }
    }
    %gt3A_65 = arith.constant 0 : i32
    %gt3A_66 = arith.cmpi sgt, %add3A_20, %gt3A_65 : i32
    %convert_element_type3A_67 = arith.extui %gt3A_66 : i1 to i32
    %cond3A_68 = arith.constant 0 : i32
    %cond3A_69 = arith.cmpi ne, %convert_element_type3A_67, %cond3A_68 : i32
    scf.if %cond3A_69 {
      %dma_wait3A = arith.constant 0 : i32
      %dma_wait3A_79 = tpu.memref_slice %arg4[%dma_wait3A] : memref<16000064xf32, #tpu.memory_space<hbm>> -> memref<16384xf32, #tpu.memory_space<hbm>>
      %dma_wait3A_80 = arith.constant 0 : i32
      %dma_wait3A_81 = tpu.memref_slice %arg4[%dma_wait3A_80] : memref<16000064xf32, #tpu.memory_space<hbm>> -> memref<16384xf32, #tpu.memory_space<hbm>>
      tpu.wait_dma2 semaphore(%arg12 : memref<!tpu.dma_semaphore, #tpu.memory_space<semaphore_mem>>) src(%arg7 : memref<16384xf32, #tpu.memory_space<vmem>>) dst(%dma_wait3A_81 : memref<16384xf32, #tpu.memory_space<hbm>>)
    } else {
    }
    %gt3A_70 = arith.constant 1 : i32
    %gt3A_71 = arith.cmpi sgt, %add3A_20, %gt3A_70 : i32
    %convert_element_type3A_72 = arith.extui %gt3A_71 : i1 to i32
    %cond3A_73 = arith.constant 0 : i32
    %cond3A_74 = arith.cmpi ne, %convert_element_type3A_72, %cond3A_73 : i32
    scf.if %cond3A_74 {
      %dma_wait3A = arith.constant 0 : i32
      %dma_wait3A_79 = tpu.memref_slice %arg4[%dma_wait3A] : memref<16000064xf32, #tpu.memory_space<hbm>> -> memref<16384xf32, #tpu.memory_space<hbm>>
      %dma_wait3A_80 = arith.constant 0 : i32
      %dma_wait3A_81 = tpu.memref_slice %arg4[%dma_wait3A_80] : memref<16000064xf32, #tpu.memory_space<hbm>> -> memref<16384xf32, #tpu.memory_space<hbm>>
      tpu.wait_dma2 semaphore(%arg13 : memref<!tpu.dma_semaphore, #tpu.memory_space<semaphore_mem>>) src(%arg8 : memref<16384xf32, #tpu.memory_space<vmem>>) dst(%dma_wait3A_81 : memref<16384xf32, #tpu.memory_space<hbm>>)
    } else {
    }
    %eq3A = arith.constant 31 : i32
    %eq3A_75 = arith.cmpi eq, %add3A, %eq3A : i32
    %convert_element_type3A_76 = arith.extui %eq3A_75 : i1 to i32
    %cond3A_77 = arith.constant 0 : i32
    %cond3A_78 = arith.cmpi ne, %convert_element_type3A_76, %cond3A_77 : i32
    scf.if %cond3A_78 {
      "tpu.region"() ({
        %run_scoped3A = tpu.sem_alloc : memref<!tpu.dma_semaphore, #tpu.memory_space<semaphore_mem>>
        %dma_start3A_850 = arith.constant 0 : i32
        %dma_start3A_851 = arith.constant 0 : i32
        %dma_start3A_852 = tpu.memref_slice %arg5[%dma_start3A_850, %dma_start3A_851] : memref<16x1024xf32, #tpu.memory_space<vmem>> -> memref<16x512xf32, #tpu.memory_space<vmem>>
        %dma_start3A_853 = arith.constant 0 : i32
        %dma_start3A_854 = arith.constant 999424 : i32
        %dma_start3A_855 = tpu.memref_slice %arg2[%dma_start3A_853, %dma_start3A_854] : memref<16x1000004xf32, #tpu.memory_space<hbm>> -> memref<16x512xf32, #tpu.memory_space<hbm>>
        %dma_start3A_856 = arith.constant 0 : i32
        %dma_start3A_857 = arith.constant 0 : i32
        %dma_start3A_858 = tpu.memref_slice %arg5[%dma_start3A_856, %dma_start3A_857] : memref<16x1024xf32, #tpu.memory_space<vmem>> -> memref<16x512xf32, #tpu.memory_space<vmem>>
        %dma_start3A_859 = arith.constant 0 : i32
        %dma_start3A_860 = arith.constant 999424 : i32
        %dma_start3A_861 = tpu.memref_slice %arg2[%dma_start3A_859, %dma_start3A_860] : memref<16x1000004xf32, #tpu.memory_space<hbm>> -> memref<16x512xf32, #tpu.memory_space<hbm>>
        tpu.enqueue_dma source(%dma_start3A_861 : memref<16x512xf32, #tpu.memory_space<hbm>>) target(%dma_start3A_858 : memref<16x512xf32, #tpu.memory_space<vmem>>) target_semaphore(%run_scoped3A : memref<!tpu.dma_semaphore, #tpu.memory_space<semaphore_mem>>)
        %dma_wait3A = arith.constant 0 : i32
        %dma_wait3A_862 = arith.constant 0 : i32
        %dma_wait3A_863 = tpu.memref_slice %arg5[%dma_wait3A, %dma_wait3A_862] : memref<16x1024xf32, #tpu.memory_space<vmem>> -> memref<16x512xf32, #tpu.memory_space<vmem>>
        %dma_wait3A_864 = arith.constant 0 : i32
        %dma_wait3A_865 = arith.constant 999424 : i32
        %dma_wait3A_866 = tpu.memref_slice %arg2[%dma_wait3A_864, %dma_wait3A_865] : memref<16x1000004xf32, #tpu.memory_space<hbm>> -> memref<16x512xf32, #tpu.memory_space<hbm>>
        %dma_wait3A_867 = arith.constant 0 : i32
        %dma_wait3A_868 = arith.constant 0 : i32
        %dma_wait3A_869 = tpu.memref_slice %arg5[%dma_wait3A_867, %dma_wait3A_868] : memref<16x1024xf32, #tpu.memory_space<vmem>> -> memref<16x512xf32, #tpu.memory_space<vmem>>
        %dma_wait3A_870 = arith.constant 0 : i32
        %dma_wait3A_871 = arith.constant 999424 : i32
        %dma_wait3A_872 = tpu.memref_slice %arg2[%dma_wait3A_870, %dma_wait3A_871] : memref<16x1000004xf32, #tpu.memory_space<hbm>> -> memref<16x512xf32, #tpu.memory_space<hbm>>
        tpu.wait_dma2 semaphore(%run_scoped3A : memref<!tpu.dma_semaphore, #tpu.memory_space<semaphore_mem>>) src(%dma_wait3A_872 : memref<16x512xf32, #tpu.memory_space<hbm>>) dst(%dma_wait3A_869 : memref<16x512xf32, #tpu.memory_space<vmem>>)
        tpu.yield
      }) : () -> ()
      %scan3A = arith.constant 0 : i32
      %scan3A_79 = arith.constant 0 : i32
      %scan3A_80 = arith.constant 32 : i32
      %scan3A_81 = arith.addi %scan3A_79, %scan3A_80 : i32
      %scan3A_82 = arith.constant 1 : i32
      scf.for %scan3A_850 = %scan3A_79 to %scan3A_81 step %scan3A_82  : i32 {
        %mul3A_851 = arith.constant 16 : i32
        %mul3A_852 = arith.muli %scan3A_850, %mul3A_851 : i32
        %add3A_853 = vector.broadcast %mul3A_852 : i32 to vector<16xi32>
        %add3A_854 = arith.addi %iota3A, %add3A_853 : vector<16xi32>
        %gather3A = tpu.vector_load_idx %arg5[%iota3A, %add3A_854] : memref<16x1024xf32, #tpu.memory_space<vmem>>[vector<16xi32>, vector<16xi32>], vector<16xf32>,
        %shift_left3A = arith.constant 4 : i32
        %shift_left3A_855 = vector.broadcast %shift_left3A : i32 to vector<16xi32>
        %shift_left3A_856 = arith.shli %add3A_854, %shift_left3A_855 : vector<16xi32>
        %add3A_857 = arith.addi %shift_left3A_856, %iota3A : vector<16xi32>
        tpu.vector_store_idx %arg7[%add3A_857], %gather3A : memref<16384xf32, #tpu.memory_space<vmem>>[vector<16xi32>], vector<16xf32>,
        %add3A_858 = arith.constant 1 : i32
        %add3A_859 = vector.broadcast %add3A_858 : i32 to vector<16xi32>
        %add3A_860 = arith.addi %iota3A, %add3A_859 : vector<16xi32>
        %and3A_861 = arith.constant 15 : i32
        %and3A_862 = vector.broadcast %and3A_861 : i32 to vector<16xi32>
        %and3A_863 = arith.andi %add3A_860, %and3A_862 : vector<16xi32>
        %add3A_864 = vector.broadcast %mul3A_852 : i32 to vector<16xi32>
        %add3A_865 = arith.addi %and3A_863, %add3A_864 : vector<16xi32>
        %gather3A_866 = tpu.vector_load_idx %arg5[%iota3A, %add3A_865] : memref<16x1024xf32, #tpu.memory_space<vmem>>[vector<16xi32>, vector<16xi32>], vector<16xf32>,
        %shift_left3A_867 = arith.constant 4 : i32
        %shift_left3A_868 = vector.broadcast %shift_left3A_867 : i32 to vector<16xi32>
        %shift_left3A_869 = arith.shli %add3A_865, %shift_left3A_868 : vector<16xi32>
        %add3A_870 = arith.addi %shift_left3A_869, %iota3A : vector<16xi32>
        tpu.vector_store_idx %arg7[%add3A_870], %gather3A_866 : memref<16384xf32, #tpu.memory_space<vmem>>[vector<16xi32>], vector<16xf32>,
        %add3A_871 = arith.constant 1 : i32
        %add3A_872 = vector.broadcast %add3A_871 : i32 to vector<16xi32>
        %add3A_873 = arith.addi %and3A_863, %add3A_872 : vector<16xi32>
        %and3A_874 = arith.constant 15 : i32
        %and3A_875 = vector.broadcast %and3A_874 : i32 to vector<16xi32>
        %and3A_876 = arith.andi %add3A_873, %and3A_875 : vector<16xi32>
        %add3A_877 = vector.broadcast %mul3A_852 : i32 to vector<16xi32>
        %add3A_878 = arith.addi %and3A_876, %add3A_877 : vector<16xi32>
        %gather3A_879 = tpu.vector_load_idx %arg5[%iota3A, %add3A_878] : memref<16x1024xf32, #tpu.memory_space<vmem>>[vector<16xi32>, vector<16xi32>], vector<16xf32>,
        %shift_left3A_880 = arith.constant 4 : i32
        %shift_left3A_881 = vector.broadcast %shift_left3A_880 : i32 to vector<16xi32>
        %shift_left3A_882 = arith.shli %add3A_878, %shift_left3A_881 : vector<16xi32>
        %add3A_883 = arith.addi %shift_left3A_882, %iota3A : vector<16xi32>
        tpu.vector_store_idx %arg7[%add3A_883], %gather3A_879 : memref<16384xf32, #tpu.memory_space<vmem>>[vector<16xi32>], vector<16xf32>,
        %add3A_884 = arith.constant 1 : i32
        %add3A_885 = vector.broadcast %add3A_884 : i32 to vector<16xi32>
        %add3A_886 = arith.addi %and3A_876, %add3A_885 : vector<16xi32>
        %and3A_887 = arith.constant 15 : i32
        %and3A_888 = vector.broadcast %and3A_887 : i32 to vector<16xi32>
        %and3A_889 = arith.andi %add3A_886, %and3A_888 : vector<16xi32>
        %add3A_890 = vector.broadcast %mul3A_852 : i32 to vector<16xi32>
        %add3A_891 = arith.addi %and3A_889, %add3A_890 : vector<16xi32>
        %gather3A_892 = tpu.vector_load_idx %arg5[%iota3A, %add3A_891] : memref<16x1024xf32, #tpu.memory_space<vmem>>[vector<16xi32>, vector<16xi32>], vector<16xf32>,
        %shift_left3A_893 = arith.constant 4 : i32
        %shift_left3A_894 = vector.broadcast %shift_left3A_893 : i32 to vector<16xi32>
        %shift_left3A_895 = arith.shli %add3A_891, %shift_left3A_894 : vector<16xi32>
        %add3A_896 = arith.addi %shift_left3A_895, %iota3A : vector<16xi32>
        tpu.vector_store_idx %arg7[%add3A_896], %gather3A_892 : memref<16384xf32, #tpu.memory_space<vmem>>[vector<16xi32>], vector<16xf32>,
        %add3A_897 = arith.constant 1 : i32
        %add3A_898 = vector.broadcast %add3A_897 : i32 to vector<16xi32>
        %add3A_899 = arith.addi %and3A_889, %add3A_898 : vector<16xi32>
        %and3A_900 = arith.constant 15 : i32
        %and3A_901 = vector.broadcast %and3A_900 : i32 to vector<16xi32>
        %and3A_902 = arith.andi %add3A_899, %and3A_901 : vector<16xi32>
        %add3A_903 = vector.broadcast %mul3A_852 : i32 to vector<16xi32>
        %add3A_904 = arith.addi %and3A_902, %add3A_903 : vector<16xi32>
        %gather3A_905 = tpu.vector_load_idx %arg5[%iota3A, %add3A_904] : memref<16x1024xf32, #tpu.memory_space<vmem>>[vector<16xi32>, vector<16xi32>], vector<16xf32>,
        %shift_left3A_906 = arith.constant 4 : i32
        %shift_left3A_907 = vector.broadcast %shift_left3A_906 : i32 to vector<16xi32>
        %shift_left3A_908 = arith.shli %add3A_904, %shift_left3A_907 : vector<16xi32>
        %add3A_909 = arith.addi %shift_left3A_908, %iota3A : vector<16xi32>
        tpu.vector_store_idx %arg7[%add3A_909], %gather3A_905 : memref<16384xf32, #tpu.memory_space<vmem>>[vector<16xi32>], vector<16xf32>,
        %add3A_910 = arith.constant 1 : i32
        %add3A_911 = vector.broadcast %add3A_910 : i32 to vector<16xi32>
        %add3A_912 = arith.addi %and3A_902, %add3A_911 : vector<16xi32>
        %and3A_913 = arith.constant 15 : i32
        %and3A_914 = vector.broadcast %and3A_913 : i32 to vector<16xi32>
        %and3A_915 = arith.andi %add3A_912, %and3A_914 : vector<16xi32>
        %add3A_916 = vector.broadcast %mul3A_852 : i32 to vector<16xi32>
        %add3A_917 = arith.addi %and3A_915, %add3A_916 : vector<16xi32>
        %gather3A_918 = tpu.vector_load_idx %arg5[%iota3A, %add3A_917] : memref<16x1024xf32, #tpu.memory_space<vmem>>[vector<16xi32>, vector<16xi32>], vector<16xf32>,
        %shift_left3A_919 = arith.constant 4 : i32
        %shift_left3A_920 = vector.broadcast %shift_left3A_919 : i32 to vector<16xi32>
        %shift_left3A_921 = arith.shli %add3A_917, %shift_left3A_920 : vector<16xi32>
        %add3A_922 = arith.addi %shift_left3A_921, %iota3A : vector<16xi32>
        tpu.vector_store_idx %arg7[%add3A_922], %gather3A_918 : memref<16384xf32, #tpu.memory_space<vmem>>[vector<16xi32>], vector<16xf32>,
        %add3A_923 = arith.constant 1 : i32
        %add3A_924 = vector.broadcast %add3A_923 : i32 to vector<16xi32>
        %add3A_925 = arith.addi %and3A_915, %add3A_924 : vector<16xi32>
        %and3A_926 = arith.constant 15 : i32
        %and3A_927 = vector.broadcast %and3A_926 : i32 to vector<16xi32>
        %and3A_928 = arith.andi %add3A_925, %and3A_927 : vector<16xi32>
        %add3A_929 = vector.broadcast %mul3A_852 : i32 to vector<16xi32>
        %add3A_930 = arith.addi %and3A_928, %add3A_929 : vector<16xi32>
        %gather3A_931 = tpu.vector_load_idx %arg5[%iota3A, %add3A_930] : memref<16x1024xf32, #tpu.memory_space<vmem>>[vector<16xi32>, vector<16xi32>], vector<16xf32>,
        %shift_left3A_932 = arith.constant 4 : i32
        %shift_left3A_933 = vector.broadcast %shift_left3A_932 : i32 to vector<16xi32>
        %shift_left3A_934 = arith.shli %add3A_930, %shift_left3A_933 : vector<16xi32>
        %add3A_935 = arith.addi %shift_left3A_934, %iota3A : vector<16xi32>
        tpu.vector_store_idx %arg7[%add3A_935], %gather3A_931 : memref<16384xf32, #tpu.memory_space<vmem>>[vector<16xi32>], vector<16xf32>,
        %add3A_936 = arith.constant 1 : i32
        %add3A_937 = vector.broadcast %add3A_936 : i32 to vector<16xi32>
        %add3A_938 = arith.addi %and3A_928, %add3A_937 : vector<16xi32>
        %and3A_939 = arith.constant 15 : i32
        %and3A_940 = vector.broadcast %and3A_939 : i32 to vector<16xi32>
        %and3A_941 = arith.andi %add3A_938, %and3A_940 : vector<16xi32>
        %add3A_942 = vector.broadcast %mul3A_852 : i32 to vector<16xi32>
        %add3A_943 = arith.addi %and3A_941, %add3A_942 : vector<16xi32>
        %gather3A_944 = tpu.vector_load_idx %arg5[%iota3A, %add3A_943] : memref<16x1024xf32, #tpu.memory_space<vmem>>[vector<16xi32>, vector<16xi32>], vector<16xf32>,
        %shift_left3A_945 = arith.constant 4 : i32
        %shift_left3A_946 = vector.broadcast %shift_left3A_945 : i32 to vector<16xi32>
        %shift_left3A_947 = arith.shli %add3A_943, %shift_left3A_946 : vector<16xi32>
        %add3A_948 = arith.addi %shift_left3A_947, %iota3A : vector<16xi32>
        tpu.vector_store_idx %arg7[%add3A_948], %gather3A_944 : memref<16384xf32, #tpu.memory_space<vmem>>[vector<16xi32>], vector<16xf32>,
        %add3A_949 = arith.constant 1 : i32
        %add3A_950 = vector.broadcast %add3A_949 : i32 to vector<16xi32>
        %add3A_951 = arith.addi %and3A_941, %add3A_950 : vector<16xi32>
        %and3A_952 = arith.constant 15 : i32
        %and3A_953 = vector.broadcast %and3A_952 : i32 to vector<16xi32>
        %and3A_954 = arith.andi %add3A_951, %and3A_953 : vector<16xi32>
        %add3A_955 = vector.broadcast %mul3A_852 : i32 to vector<16xi32>
        %add3A_956 = arith.addi %and3A_954, %add3A_955 : vector<16xi32>
        %gather3A_957 = tpu.vector_load_idx %arg5[%iota3A, %add3A_956] : memref<16x1024xf32, #tpu.memory_space<vmem>>[vector<16xi32>, vector<16xi32>], vector<16xf32>,
        %shift_left3A_958 = arith.constant 4 : i32
        %shift_left3A_959 = vector.broadcast %shift_left3A_958 : i32 to vector<16xi32>
        %shift_left3A_960 = arith.shli %add3A_956, %shift_left3A_959 : vector<16xi32>
        %add3A_961 = arith.addi %shift_left3A_960, %iota3A : vector<16xi32>
        tpu.vector_store_idx %arg7[%add3A_961], %gather3A_957 : memref<16384xf32, #tpu.memory_space<vmem>>[vector<16xi32>], vector<16xf32>,
        %add3A_962 = arith.constant 1 : i32
        %add3A_963 = vector.broadcast %add3A_962 : i32 to vector<16xi32>
        %add3A_964 = arith.addi %and3A_954, %add3A_963 : vector<16xi32>
        %and3A_965 = arith.constant 15 : i32
        %and3A_966 = vector.broadcast %and3A_965 : i32 to vector<16xi32>
        %and3A_967 = arith.andi %add3A_964, %and3A_966 : vector<16xi32>
        %add3A_968 = vector.broadcast %mul3A_852 : i32 to vector<16xi32>
        %add3A_969 = arith.addi %and3A_967, %add3A_968 : vector<16xi32>
        %gather3A_970 = tpu.vector_load_idx %arg5[%iota3A, %add3A_969] : memref<16x1024xf32, #tpu.memory_space<vmem>>[vector<16xi32>, vector<16xi32>], vector<16xf32>,
        %shift_left3A_971 = arith.constant 4 : i32
        %shift_left3A_972 = vector.broadcast %shift_left3A_971 : i32 to vector<16xi32>
        %shift_left3A_973 = arith.shli %add3A_969, %shift_left3A_972 : vector<16xi32>
        %add3A_974 = arith.addi %shift_left3A_973, %iota3A : vector<16xi32>
        tpu.vector_store_idx %arg7[%add3A_974], %gather3A_970 : memref<16384xf32, #tpu.memory_space<vmem>>[vector<16xi32>], vector<16xf32>,
        %add3A_975 = arith.constant 1 : i32
        %add3A_976 = vector.broadcast %add3A_975 : i32 to vector<16xi32>
        %add3A_977 = arith.addi %and3A_967, %add3A_976 : vector<16xi32>
        %and3A_978 = arith.constant 15 : i32
        %and3A_979 = vector.broadcast %and3A_978 : i32 to vector<16xi32>
        %and3A_980 = arith.andi %add3A_977, %and3A_979 : vector<16xi32>
        %add3A_981 = vector.broadcast %mul3A_852 : i32 to vector<16xi32>
        %add3A_982 = arith.addi %and3A_980, %add3A_981 : vector<16xi32>
        %gather3A_983 = tpu.vector_load_idx %arg5[%iota3A, %add3A_982] : memref<16x1024xf32, #tpu.memory_space<vmem>>[vector<16xi32>, vector<16xi32>], vector<16xf32>,
        %shift_left3A_984 = arith.constant 4 : i32
        %shift_left3A_985 = vector.broadcast %shift_left3A_984 : i32 to vector<16xi32>
        %shift_left3A_986 = arith.shli %add3A_982, %shift_left3A_985 : vector<16xi32>
        %add3A_987 = arith.addi %shift_left3A_986, %iota3A : vector<16xi32>
        tpu.vector_store_idx %arg7[%add3A_987], %gather3A_983 : memref<16384xf32, #tpu.memory_space<vmem>>[vector<16xi32>], vector<16xf32>,
        %add3A_988 = arith.constant 1 : i32
        %add3A_989 = vector.broadcast %add3A_988 : i32 to vector<16xi32>
        %add3A_990 = arith.addi %and3A_980, %add3A_989 : vector<16xi32>
        %and3A_991 = arith.constant 15 : i32
        %and3A_992 = vector.broadcast %and3A_991 : i32 to vector<16xi32>
        %and3A_993 = arith.andi %add3A_990, %and3A_992 : vector<16xi32>
        %add3A_994 = vector.broadcast %mul3A_852 : i32 to vector<16xi32>
        %add3A_995 = arith.addi %and3A_993, %add3A_994 : vector<16xi32>
        %gather3A_996 = tpu.vector_load_idx %arg5[%iota3A, %add3A_995] : memref<16x1024xf32, #tpu.memory_space<vmem>>[vector<16xi32>, vector<16xi32>], vector<16xf32>,
        %shift_left3A_997 = arith.constant 4 : i32
        %shift_left3A_998 = vector.broadcast %shift_left3A_997 : i32 to vector<16xi32>
        %shift_left3A_999 = arith.shli %add3A_995, %shift_left3A_998 : vector<16xi32>
        %add3A_1000 = arith.addi %shift_left3A_999, %iota3A : vector<16xi32>
        tpu.vector_store_idx %arg7[%add3A_1000], %gather3A_996 : memref<16384xf32, #tpu.memory_space<vmem>>[vector<16xi32>], vector<16xf32>,
        %add3A_1001 = arith.constant 1 : i32
        %add3A_1002 = vector.broadcast %add3A_1001 : i32 to vector<16xi32>
        %add3A_1003 = arith.addi %and3A_993, %add3A_1002 : vector<16xi32>
        %and3A_1004 = arith.constant 15 : i32
        %and3A_1005 = vector.broadcast %and3A_1004 : i32 to vector<16xi32>
        %and3A_1006 = arith.andi %add3A_1003, %and3A_1005 : vector<16xi32>
        %add3A_1007 = vector.broadcast %mul3A_852 : i32 to vector<16xi32>
        %add3A_1008 = arith.addi %and3A_1006, %add3A_1007 : vector<16xi32>
        %gather3A_1009 = tpu.vector_load_idx %arg5[%iota3A, %add3A_1008] : memref<16x1024xf32, #tpu.memory_space<vmem>>[vector<16xi32>, vector<16xi32>], vector<16xf32>,
        %shift_left3A_1010 = arith.constant 4 : i32
        %shift_left3A_1011 = vector.broadcast %shift_left3A_1010 : i32 to vector<16xi32>
        %shift_left3A_1012 = arith.shli %add3A_1008, %shift_left3A_1011 : vector<16xi32>
        %add3A_1013 = arith.addi %shift_left3A_1012, %iota3A : vector<16xi32>
        tpu.vector_store_idx %arg7[%add3A_1013], %gather3A_1009 : memref<16384xf32, #tpu.memory_space<vmem>>[vector<16xi32>], vector<16xf32>,
        %add3A_1014 = arith.constant 1 : i32
        %add3A_1015 = vector.broadcast %add3A_1014 : i32 to vector<16xi32>
        %add3A_1016 = arith.addi %and3A_1006, %add3A_1015 : vector<16xi32>
        %and3A_1017 = arith.constant 15 : i32
        %and3A_1018 = vector.broadcast %and3A_1017 : i32 to vector<16xi32>
        %and3A_1019 = arith.andi %add3A_1016, %and3A_1018 : vector<16xi32>
        %add3A_1020 = vector.broadcast %mul3A_852 : i32 to vector<16xi32>
        %add3A_1021 = arith.addi %and3A_1019, %add3A_1020 : vector<16xi32>
        %gather3A_1022 = tpu.vector_load_idx %arg5[%iota3A, %add3A_1021] : memref<16x1024xf32, #tpu.memory_space<vmem>>[vector<16xi32>, vector<16xi32>], vector<16xf32>,
        %shift_left3A_1023 = arith.constant 4 : i32
        %shift_left3A_1024 = vector.broadcast %shift_left3A_1023 : i32 to vector<16xi32>
        %shift_left3A_1025 = arith.shli %add3A_1021, %shift_left3A_1024 : vector<16xi32>
        %add3A_1026 = arith.addi %shift_left3A_1025, %iota3A : vector<16xi32>
        tpu.vector_store_idx %arg7[%add3A_1026], %gather3A_1022 : memref<16384xf32, #tpu.memory_space<vmem>>[vector<16xi32>], vector<16xf32>,
        %add3A_1027 = arith.constant 1 : i32
        %add3A_1028 = vector.broadcast %add3A_1027 : i32 to vector<16xi32>
        %add3A_1029 = arith.addi %and3A_1019, %add3A_1028 : vector<16xi32>
        %and3A_1030 = arith.constant 15 : i32
        %and3A_1031 = vector.broadcast %and3A_1030 : i32 to vector<16xi32>
        %and3A_1032 = arith.andi %add3A_1029, %and3A_1031 : vector<16xi32>
        %add3A_1033 = vector.broadcast %mul3A_852 : i32 to vector<16xi32>
        %add3A_1034 = arith.addi %and3A_1032, %add3A_1033 : vector<16xi32>
        %gather3A_1035 = tpu.vector_load_idx %arg5[%iota3A, %add3A_1034] : memref<16x1024xf32, #tpu.memory_space<vmem>>[vector<16xi32>, vector<16xi32>], vector<16xf32>,
        %shift_left3A_1036 = arith.constant 4 : i32
        %shift_left3A_1037 = vector.broadcast %shift_left3A_1036 : i32 to vector<16xi32>
        %shift_left3A_1038 = arith.shli %add3A_1034, %shift_left3A_1037 : vector<16xi32>
        %add3A_1039 = arith.addi %shift_left3A_1038, %iota3A : vector<16xi32>
        tpu.vector_store_idx %arg7[%add3A_1039], %gather3A_1035 : memref<16384xf32, #tpu.memory_space<vmem>>[vector<16xi32>], vector<16xf32>,
        %add3A_1040 = arith.constant 1 : i32
        %add3A_1041 = vector.broadcast %add3A_1040 : i32 to vector<16xi32>
        %add3A_1042 = arith.addi %and3A_1032, %add3A_1041 : vector<16xi32>
        %and3A_1043 = arith.constant 15 : i32
        %and3A_1044 = vector.broadcast %and3A_1043 : i32 to vector<16xi32>
        %and3A_1045 = arith.andi %add3A_1042, %and3A_1044 : vector<16xi32>
        %add3A_1046 = vector.broadcast %mul3A_852 : i32 to vector<16xi32>
        %add3A_1047 = arith.addi %and3A_1045, %add3A_1046 : vector<16xi32>
        %gather3A_1048 = tpu.vector_load_idx %arg5[%iota3A, %add3A_1047] : memref<16x1024xf32, #tpu.memory_space<vmem>>[vector<16xi32>, vector<16xi32>], vector<16xf32>,
        %shift_left3A_1049 = arith.constant 4 : i32
        %shift_left3A_1050 = vector.broadcast %shift_left3A_1049 : i32 to vector<16xi32>
        %shift_left3A_1051 = arith.shli %add3A_1047, %shift_left3A_1050 : vector<16xi32>
        %add3A_1052 = arith.addi %shift_left3A_1051, %iota3A : vector<16xi32>
        tpu.vector_store_idx %arg7[%add3A_1052], %gather3A_1048 : memref<16384xf32, #tpu.memory_space<vmem>>[vector<16xi32>], vector<16xf32>,
        %add3A_1053 = arith.constant 1 : i32
        %add3A_1054 = vector.broadcast %add3A_1053 : i32 to vector<16xi32>
        %add3A_1055 = arith.addi %and3A_1045, %add3A_1054 : vector<16xi32>
        %and3A_1056 = arith.constant 15 : i32
        %and3A_1057 = vector.broadcast %and3A_1056 : i32 to vector<16xi32>
        %and3A_1058 = arith.andi %add3A_1055, %and3A_1057 : vector<16xi32>
      }
      %scan3A_83 = arith.constant 32 : i32
      "tpu.region"() ({
        %run_scoped3A = tpu.sem_alloc : memref<!tpu.dma_semaphore, #tpu.memory_space<semaphore_mem>>
        %dma_start3A_850 = arith.constant 0 : i32
        %dma_start3A_851 = tpu.memref_slice %arg7[%dma_start3A_850] : memref<16384xf32, #tpu.memory_space<vmem>> -> memref<8192xf32, #tpu.memory_space<vmem>>
        %dma_start3A_852 = arith.constant 15990784 : i32
        %dma_start3A_853 = tpu.memref_slice %arg4[%dma_start3A_852] : memref<16000064xf32, #tpu.memory_space<hbm>> -> memref<8192xf32, #tpu.memory_space<hbm>>
        %dma_start3A_854 = arith.constant 15990784 : i32
        %dma_start3A_855 = tpu.memref_slice %arg4[%dma_start3A_854] : memref<16000064xf32, #tpu.memory_space<hbm>> -> memref<8192xf32, #tpu.memory_space<hbm>>
        %dma_start3A_856 = arith.constant 0 : i32
        %dma_start3A_857 = tpu.memref_slice %arg7[%dma_start3A_856] : memref<16384xf32, #tpu.memory_space<vmem>> -> memref<8192xf32, #tpu.memory_space<vmem>>
        tpu.enqueue_dma source(%dma_start3A_857 : memref<8192xf32, #tpu.memory_space<vmem>>) target(%dma_start3A_855 : memref<8192xf32, #tpu.memory_space<hbm>>) target_semaphore(%run_scoped3A : memref<!tpu.dma_semaphore, #tpu.memory_space<semaphore_mem>>)
        %dma_wait3A = arith.constant 0 : i32
        %dma_wait3A_858 = tpu.memref_slice %arg7[%dma_wait3A] : memref<16384xf32, #tpu.memory_space<vmem>> -> memref<8192xf32, #tpu.memory_space<vmem>>
        %dma_wait3A_859 = arith.constant 15990784 : i32
        %dma_wait3A_860 = tpu.memref_slice %arg4[%dma_wait3A_859] : memref<16000064xf32, #tpu.memory_space<hbm>> -> memref<8192xf32, #tpu.memory_space<hbm>>
        %dma_wait3A_861 = arith.constant 15990784 : i32
        %dma_wait3A_862 = tpu.memref_slice %arg4[%dma_wait3A_861] : memref<16000064xf32, #tpu.memory_space<hbm>> -> memref<8192xf32, #tpu.memory_space<hbm>>
        %dma_wait3A_863 = arith.constant 0 : i32
        %dma_wait3A_864 = tpu.memref_slice %arg7[%dma_wait3A_863] : memref<16384xf32, #tpu.memory_space<vmem>> -> memref<8192xf32, #tpu.memory_space<vmem>>
        tpu.wait_dma2 semaphore(%run_scoped3A : memref<!tpu.dma_semaphore, #tpu.memory_space<semaphore_mem>>) src(%dma_wait3A_864 : memref<8192xf32, #tpu.memory_space<vmem>>) dst(%dma_wait3A_862 : memref<8192xf32, #tpu.memory_space<hbm>>)
        tpu.yield
      }) : () -> ()
      "tpu.region"() ({
        %run_scoped3A = tpu.sem_alloc : memref<!tpu.dma_semaphore, #tpu.memory_space<semaphore_mem>>
        tpu.enqueue_dma source(%arg3 : memref<128x16xf32, #tpu.memory_space<hbm>>) target(%arg9 : memref<128x16xf32, #tpu.memory_space<vmem>>) target_semaphore(%run_scoped3A : memref<!tpu.dma_semaphore, #tpu.memory_space<semaphore_mem>>)
        tpu.wait_dma2 semaphore(%run_scoped3A : memref<!tpu.dma_semaphore, #tpu.memory_space<semaphore_mem>>) src(%arg3 : memref<128x16xf32, #tpu.memory_space<hbm>>) dst(%arg9 : memref<128x16xf32, #tpu.memory_space<vmem>>)
        tpu.yield
      }) : () -> ()
      %get3A = arith.constant 0 : i32
      %get3A_84 = arith.index_cast %get3A : i32 to index
      %get3A_85 = arith.constant 0 : index
      %get3A_86 = tpu.vector_load %arg9[%get3A_84, %get3A_85] {strides = array<i32>} : memref<128x16xf32, #tpu.memory_space<vmem>>, vector<16xf32>,
      %swap3A = arith.constant 0 : index
      %swap3A_87 = tpu.vector_load %arg7[%swap3A] {strides = array<i32>} : memref<16384xf32, #tpu.memory_space<vmem>>, vector<16xf32>,
      tpu.vector_store %arg7[%swap3A], %get3A_86 {strides = array<i32>} : memref<16384xf32, #tpu.memory_space<vmem>>, vector<16xf32>,
      %get3A_88 = arith.constant 1 : i32
      %get3A_89 = arith.index_cast %get3A_88 : i32 to index
      %get3A_90 = arith.constant 0 : index
      %get3A_91 = tpu.vector_load %arg9[%get3A_89, %get3A_90] {strides = array<i32>} : memref<128x16xf32, #tpu.memory_space<vmem>>, vector<16xf32>,
      %swap3A_92 = arith.constant 16 : index
      %swap3A_93 = tpu.vector_load %arg7[%swap3A_92] {strides = array<i32>} : memref<16384xf32, #tpu.memory_space<vmem>>, vector<16xf32>,
      tpu.vector_store %arg7[%swap3A_92], %get3A_91 {strides = array<i32>} : memref<16384xf32, #tpu.memory_space<vmem>>, vector<16xf32>,
      %get3A_94 = arith.constant 2 : i32
      %get3A_95 = arith.index_cast %get3A_94 : i32 to index
      %get3A_96 = arith.constant 0 : index
      %get3A_97 = tpu.vector_load %arg9[%get3A_95, %get3A_96] {strides = array<i32>} : memref<128x16xf32, #tpu.memory_space<vmem>>, vector<16xf32>,
      %swap3A_98 = arith.constant 32 : index
      %swap3A_99 = tpu.vector_load %arg7[%swap3A_98] {strides = array<i32>} : memref<16384xf32, #tpu.memory_space<vmem>>, vector<16xf32>,
      tpu.vector_store %arg7[%swap3A_98], %get3A_97 {strides = array<i32>} : memref<16384xf32, #tpu.memory_space<vmem>>, vector<16xf32>,
      %get3A_100 = arith.constant 3 : i32
      %get3A_101 = arith.index_cast %get3A_100 : i32 to index
      %get3A_102 = arith.constant 0 : index
      %get3A_103 = tpu.vector_load %arg9[%get3A_101, %get3A_102] {strides = array<i32>} : memref<128x16xf32, #tpu.memory_space<vmem>>, vector<16xf32>,
      %swap3A_104 = arith.constant 48 : index
      %swap3A_105 = tpu.vector_load %arg7[%swap3A_104] {strides = array<i32>} : memref<16384xf32, #tpu.memory_space<vmem>>, vector<16xf32>,
      tpu.vector_store %arg7[%swap3A_104], %get3A_103 {strides = array<i32>} : memref<16384xf32, #tpu.memory_space<vmem>>, vector<16xf32>,
      %get3A_106 = arith.constant 4 : i32
      %get3A_107 = arith.index_cast %get3A_106 : i32 to index
      %get3A_108 = arith.constant 0 : index
      %get3A_109 = tpu.vector_load %arg9[%get3A_107, %get3A_108] {strides = array<i32>} : memref<128x16xf32, #tpu.memory_space<vmem>>, vector<16xf32>,
      %swap3A_110 = arith.constant 64 : index
      %swap3A_111 = tpu.vector_load %arg7[%swap3A_110] {strides = array<i32>} : memref<16384xf32, #tpu.memory_space<vmem>>, vector<16xf32>,
      tpu.vector_store %arg7[%swap3A_110], %get3A_109 {strides = array<i32>} : memref<16384xf32, #tpu.memory_space<vmem>>, vector<16xf32>,
      %get3A_112 = arith.constant 5 : i32
      %get3A_113 = arith.index_cast %get3A_112 : i32 to index
      %get3A_114 = arith.constant 0 : index
      %get3A_115 = tpu.vector_load %arg9[%get3A_113, %get3A_114] {strides = array<i32>} : memref<128x16xf32, #tpu.memory_space<vmem>>, vector<16xf32>,
      %swap3A_116 = arith.constant 80 : index
      %swap3A_117 = tpu.vector_load %arg7[%swap3A_116] {strides = array<i32>} : memref<16384xf32, #tpu.memory_space<vmem>>, vector<16xf32>,
      tpu.vector_store %arg7[%swap3A_116], %get3A_115 {strides = array<i32>} : memref<16384xf32, #tpu.memory_space<vmem>>, vector<16xf32>,
      %get3A_118 = arith.constant 6 : i32
      %get3A_119 = arith.index_cast %get3A_118 : i32 to index
      %get3A_120 = arith.constant 0 : index
      %get3A_121 = tpu.vector_load %arg9[%get3A_119, %get3A_120] {strides = array<i32>} : memref<128x16xf32, #tpu.memory_space<vmem>>, vector<16xf32>,
      %swap3A_122 = arith.constant 96 : index
      %swap3A_123 = tpu.vector_load %arg7[%swap3A_122] {strides = array<i32>} : memref<16384xf32, #tpu.memory_space<vmem>>, vector<16xf32>,
      tpu.vector_store %arg7[%swap3A_122], %get3A_121 {strides = array<i32>} : memref<16384xf32, #tpu.memory_space<vmem>>, vector<16xf32>,
      %get3A_124 = arith.constant 7 : i32
      %get3A_125 = arith.index_cast %get3A_124 : i32 to index
      %get3A_126 = arith.constant 0 : index
      %get3A_127 = tpu.vector_load %arg9[%get3A_125, %get3A_126] {strides = array<i32>} : memref<128x16xf32, #tpu.memory_space<vmem>>, vector<16xf32>,
      %swap3A_128 = arith.constant 112 : index
      %swap3A_129 = tpu.vector_load %arg7[%swap3A_128] {strides = array<i32>} : memref<16384xf32, #tpu.memory_space<vmem>>, vector<16xf32>,
      tpu.vector_store %arg7[%swap3A_128], %get3A_127 {strides = array<i32>} : memref<16384xf32, #tpu.memory_space<vmem>>, vector<16xf32>,
      %get3A_130 = arith.constant 8 : i32
      %get3A_131 = arith.index_cast %get3A_130 : i32 to index
      %get3A_132 = arith.constant 0 : index
      %get3A_133 = tpu.vector_load %arg9[%get3A_131, %get3A_132] {strides = array<i32>} : memref<128x16xf32, #tpu.memory_space<vmem>>, vector<16xf32>,
      %swap3A_134 = arith.constant 128 : index
      %swap3A_135 = tpu.vector_load %arg7[%swap3A_134] {strides = array<i32>} : memref<16384xf32, #tpu.memory_space<vmem>>, vector<16xf32>,
      tpu.vector_store %arg7[%swap3A_134], %get3A_133 {strides = array<i32>} : memref<16384xf32, #tpu.memory_space<vmem>>, vector<16xf32>,
      %get3A_136 = arith.constant 9 : i32
      %get3A_137 = arith.index_cast %get3A_136 : i32 to index
      %get3A_138 = arith.constant 0 : index
      %get3A_139 = tpu.vector_load %arg9[%get3A_137, %get3A_138] {strides = array<i32>} : memref<128x16xf32, #tpu.memory_space<vmem>>, vector<16xf32>,
      %swap3A_140 = arith.constant 144 : index
      %swap3A_141 = tpu.vector_load %arg7[%swap3A_140] {strides = array<i32>} : memref<16384xf32, #tpu.memory_space<vmem>>, vector<16xf32>,
      tpu.vector_store %arg7[%swap3A_140], %get3A_139 {strides = array<i32>} : memref<16384xf32, #tpu.memory_space<vmem>>, vector<16xf32>,
      %get3A_142 = arith.constant 10 : i32
      %get3A_143 = arith.index_cast %get3A_142 : i32 to index
      %get3A_144 = arith.constant 0 : index
      %get3A_145 = tpu.vector_load %arg9[%get3A_143, %get3A_144] {strides = array<i32>} : memref<128x16xf32, #tpu.memory_space<vmem>>, vector<16xf32>,
      %swap3A_146 = arith.constant 160 : index
      %swap3A_147 = tpu.vector_load %arg7[%swap3A_146] {strides = array<i32>} : memref<16384xf32, #tpu.memory_space<vmem>>, vector<16xf32>,
      tpu.vector_store %arg7[%swap3A_146], %get3A_145 {strides = array<i32>} : memref<16384xf32, #tpu.memory_space<vmem>>, vector<16xf32>,
      %get3A_148 = arith.constant 11 : i32
      %get3A_149 = arith.index_cast %get3A_148 : i32 to index
      %get3A_150 = arith.constant 0 : index
      %get3A_151 = tpu.vector_load %arg9[%get3A_149, %get3A_150] {strides = array<i32>} : memref<128x16xf32, #tpu.memory_space<vmem>>, vector<16xf32>,
      %swap3A_152 = arith.constant 176 : index
      %swap3A_153 = tpu.vector_load %arg7[%swap3A_152] {strides = array<i32>} : memref<16384xf32, #tpu.memory_space<vmem>>, vector<16xf32>,
      tpu.vector_store %arg7[%swap3A_152], %get3A_151 {strides = array<i32>} : memref<16384xf32, #tpu.memory_space<vmem>>, vector<16xf32>,
      %get3A_154 = arith.constant 12 : i32
      %get3A_155 = arith.index_cast %get3A_154 : i32 to index
      %get3A_156 = arith.constant 0 : index
      %get3A_157 = tpu.vector_load %arg9[%get3A_155, %get3A_156] {strides = array<i32>} : memref<128x16xf32, #tpu.memory_space<vmem>>, vector<16xf32>,
      %swap3A_158 = arith.constant 192 : index
      %swap3A_159 = tpu.vector_load %arg7[%swap3A_158] {strides = array<i32>} : memref<16384xf32, #tpu.memory_space<vmem>>, vector<16xf32>,
      tpu.vector_store %arg7[%swap3A_158], %get3A_157 {strides = array<i32>} : memref<16384xf32, #tpu.memory_space<vmem>>, vector<16xf32>,
      %get3A_160 = arith.constant 13 : i32
      %get3A_161 = arith.index_cast %get3A_160 : i32 to index
      %get3A_162 = arith.constant 0 : index
      %get3A_163 = tpu.vector_load %arg9[%get3A_161, %get3A_162] {strides = array<i32>} : memref<128x16xf32, #tpu.memory_space<vmem>>, vector<16xf32>,
      %swap3A_164 = arith.constant 208 : index
      %swap3A_165 = tpu.vector_load %arg7[%swap3A_164] {strides = array<i32>} : memref<16384xf32, #tpu.memory_space<vmem>>, vector<16xf32>,
      tpu.vector_store %arg7[%swap3A_164], %get3A_163 {strides = array<i32>} : memref<16384xf32, #tpu.memory_space<vmem>>, vector<16xf32>,
      %get3A_166 = arith.constant 14 : i32
      %get3A_167 = arith.index_cast %get3A_166 : i32 to index
      %get3A_168 = arith.constant 0 : index
      %get3A_169 = tpu.vector_load %arg9[%get3A_167, %get3A_168] {strides = array<i32>} : memref<128x16xf32, #tpu.memory_space<vmem>>, vector<16xf32>,
      %swap3A_170 = arith.constant 224 : index
      %swap3A_171 = tpu.vector_load %arg7[%swap3A_170] {strides = array<i32>} : memref<16384xf32, #tpu.memory_space<vmem>>, vector<16xf32>,
      tpu.vector_store %arg7[%swap3A_170], %get3A_169 {strides = array<i32>} : memref<16384xf32, #tpu.memory_space<vmem>>, vector<16xf32>,
      %get3A_172 = arith.constant 15 : i32
      %get3A_173 = arith.index_cast %get3A_172 : i32 to index
      %get3A_174 = arith.constant 0 : index
      %get3A_175 = tpu.vector_load %arg9[%get3A_173, %get3A_174] {strides = array<i32>} : memref<128x16xf32, #tpu.memory_space<vmem>>, vector<16xf32>,
      %swap3A_176 = arith.constant 240 : index
      %swap3A_177 = tpu.vector_load %arg7[%swap3A_176] {strides = array<i32>} : memref<16384xf32, #tpu.memory_space<vmem>>, vector<16xf32>,
      tpu.vector_store %arg7[%swap3A_176], %get3A_175 {strides = array<i32>} : memref<16384xf32, #tpu.memory_space<vmem>>, vector<16xf32>,
      %get3A_178 = arith.constant 16 : i32
      %get3A_179 = arith.index_cast %get3A_178 : i32 to index
      %get3A_180 = arith.constant 0 : index
      %get3A_181 = tpu.vector_load %arg9[%get3A_179, %get3A_180] {strides = array<i32>} : memref<128x16xf32, #tpu.memory_space<vmem>>, vector<16xf32>,
      %swap3A_182 = arith.constant 256 : index
      %swap3A_183 = tpu.vector_load %arg7[%swap3A_182] {strides = array<i32>} : memref<16384xf32, #tpu.memory_space<vmem>>, vector<16xf32>,
      tpu.vector_store %arg7[%swap3A_182], %get3A_181 {strides = array<i32>} : memref<16384xf32, #tpu.memory_space<vmem>>, vector<16xf32>,
      %get3A_184 = arith.constant 17 : i32
      %get3A_185 = arith.index_cast %get3A_184 : i32 to index
      %get3A_186 = arith.constant 0 : index
      %get3A_187 = tpu.vector_load %arg9[%get3A_185, %get3A_186] {strides = array<i32>} : memref<128x16xf32, #tpu.memory_space<vmem>>, vector<16xf32>,
      %swap3A_188 = arith.constant 272 : index
      %swap3A_189 = tpu.vector_load %arg7[%swap3A_188] {strides = array<i32>} : memref<16384xf32, #tpu.memory_space<vmem>>, vector<16xf32>,
      tpu.vector_store %arg7[%swap3A_188], %get3A_187 {strides = array<i32>} : memref<16384xf32, #tpu.memory_space<vmem>>, vector<16xf32>,
      %get3A_190 = arith.constant 18 : i32
      %get3A_191 = arith.index_cast %get3A_190 : i32 to index
      %get3A_192 = arith.constant 0 : index
      %get3A_193 = tpu.vector_load %arg9[%get3A_191, %get3A_192] {strides = array<i32>} : memref<128x16xf32, #tpu.memory_space<vmem>>, vector<16xf32>,
      %swap3A_194 = arith.constant 288 : index
      %swap3A_195 = tpu.vector_load %arg7[%swap3A_194] {strides = array<i32>} : memref<16384xf32, #tpu.memory_space<vmem>>, vector<16xf32>,
      tpu.vector_store %arg7[%swap3A_194], %get3A_193 {strides = array<i32>} : memref<16384xf32, #tpu.memory_space<vmem>>, vector<16xf32>,
      %get3A_196 = arith.constant 19 : i32
      %get3A_197 = arith.index_cast %get3A_196 : i32 to index
      %get3A_198 = arith.constant 0 : index
      %get3A_199 = tpu.vector_load %arg9[%get3A_197, %get3A_198] {strides = array<i32>} : memref<128x16xf32, #tpu.memory_space<vmem>>, vector<16xf32>,
      %swap3A_200 = arith.constant 304 : index
      %swap3A_201 = tpu.vector_load %arg7[%swap3A_200] {strides = array<i32>} : memref<16384xf32, #tpu.memory_space<vmem>>, vector<16xf32>,
      tpu.vector_store %arg7[%swap3A_200], %get3A_199 {strides = array<i32>} : memref<16384xf32, #tpu.memory_space<vmem>>, vector<16xf32>,
      %get3A_202 = arith.constant 20 : i32
      %get3A_203 = arith.index_cast %get3A_202 : i32 to index
      %get3A_204 = arith.constant 0 : index
      %get3A_205 = tpu.vector_load %arg9[%get3A_203, %get3A_204] {strides = array<i32>} : memref<128x16xf32, #tpu.memory_space<vmem>>, vector<16xf32>,
      %swap3A_206 = arith.constant 320 : index
      %swap3A_207 = tpu.vector_load %arg7[%swap3A_206] {strides = array<i32>} : memref<16384xf32, #tpu.memory_space<vmem>>, vector<16xf32>,
      tpu.vector_store %arg7[%swap3A_206], %get3A_205 {strides = array<i32>} : memref<16384xf32, #tpu.memory_space<vmem>>, vector<16xf32>,
      %get3A_208 = arith.constant 21 : i32
      %get3A_209 = arith.index_cast %get3A_208 : i32 to index
      %get3A_210 = arith.constant 0 : index
      %get3A_211 = tpu.vector_load %arg9[%get3A_209, %get3A_210] {strides = array<i32>} : memref<128x16xf32, #tpu.memory_space<vmem>>, vector<16xf32>,
      %swap3A_212 = arith.constant 336 : index
      %swap3A_213 = tpu.vector_load %arg7[%swap3A_212] {strides = array<i32>} : memref<16384xf32, #tpu.memory_space<vmem>>, vector<16xf32>,
      tpu.vector_store %arg7[%swap3A_212], %get3A_211 {strides = array<i32>} : memref<16384xf32, #tpu.memory_space<vmem>>, vector<16xf32>,
      %get3A_214 = arith.constant 22 : i32
      %get3A_215 = arith.index_cast %get3A_214 : i32 to index
      %get3A_216 = arith.constant 0 : index
      %get3A_217 = tpu.vector_load %arg9[%get3A_215, %get3A_216] {strides = array<i32>} : memref<128x16xf32, #tpu.memory_space<vmem>>, vector<16xf32>,
      %swap3A_218 = arith.constant 352 : index
      %swap3A_219 = tpu.vector_load %arg7[%swap3A_218] {strides = array<i32>} : memref<16384xf32, #tpu.memory_space<vmem>>, vector<16xf32>,
      tpu.vector_store %arg7[%swap3A_218], %get3A_217 {strides = array<i32>} : memref<16384xf32, #tpu.memory_space<vmem>>, vector<16xf32>,
      %get3A_220 = arith.constant 23 : i32
      %get3A_221 = arith.index_cast %get3A_220 : i32 to index
      %get3A_222 = arith.constant 0 : index
      %get3A_223 = tpu.vector_load %arg9[%get3A_221, %get3A_222] {strides = array<i32>} : memref<128x16xf32, #tpu.memory_space<vmem>>, vector<16xf32>,
      %swap3A_224 = arith.constant 368 : index
      %swap3A_225 = tpu.vector_load %arg7[%swap3A_224] {strides = array<i32>} : memref<16384xf32, #tpu.memory_space<vmem>>, vector<16xf32>,
      tpu.vector_store %arg7[%swap3A_224], %get3A_223 {strides = array<i32>} : memref<16384xf32, #tpu.memory_space<vmem>>, vector<16xf32>,
      %get3A_226 = arith.constant 24 : i32
      %get3A_227 = arith.index_cast %get3A_226 : i32 to index
      %get3A_228 = arith.constant 0 : index
      %get3A_229 = tpu.vector_load %arg9[%get3A_227, %get3A_228] {strides = array<i32>} : memref<128x16xf32, #tpu.memory_space<vmem>>, vector<16xf32>,
      %swap3A_230 = arith.constant 384 : index
      %swap3A_231 = tpu.vector_load %arg7[%swap3A_230] {strides = array<i32>} : memref<16384xf32, #tpu.memory_space<vmem>>, vector<16xf32>,
      tpu.vector_store %arg7[%swap3A_230], %get3A_229 {strides = array<i32>} : memref<16384xf32, #tpu.memory_space<vmem>>, vector<16xf32>,
      %get3A_232 = arith.constant 25 : i32
      %get3A_233 = arith.index_cast %get3A_232 : i32 to index
      %get3A_234 = arith.constant 0 : index
      %get3A_235 = tpu.vector_load %arg9[%get3A_233, %get3A_234] {strides = array<i32>} : memref<128x16xf32, #tpu.memory_space<vmem>>, vector<16xf32>,
      %swap3A_236 = arith.constant 400 : index
      %swap3A_237 = tpu.vector_load %arg7[%swap3A_236] {strides = array<i32>} : memref<16384xf32, #tpu.memory_space<vmem>>, vector<16xf32>,
      tpu.vector_store %arg7[%swap3A_236], %get3A_235 {strides = array<i32>} : memref<16384xf32, #tpu.memory_space<vmem>>, vector<16xf32>,
      %get3A_238 = arith.constant 26 : i32
      %get3A_239 = arith.index_cast %get3A_238 : i32 to index
      %get3A_240 = arith.constant 0 : index
      %get3A_241 = tpu.vector_load %arg9[%get3A_239, %get3A_240] {strides = array<i32>} : memref<128x16xf32, #tpu.memory_space<vmem>>, vector<16xf32>,
      %swap3A_242 = arith.constant 416 : index
      %swap3A_243 = tpu.vector_load %arg7[%swap3A_242] {strides = array<i32>} : memref<16384xf32, #tpu.memory_space<vmem>>, vector<16xf32>,
      tpu.vector_store %arg7[%swap3A_242], %get3A_241 {strides = array<i32>} : memref<16384xf32, #tpu.memory_space<vmem>>, vector<16xf32>,
      %get3A_244 = arith.constant 27 : i32
      %get3A_245 = arith.index_cast %get3A_244 : i32 to index
      %get3A_246 = arith.constant 0 : index
      %get3A_247 = tpu.vector_load %arg9[%get3A_245, %get3A_246] {strides = array<i32>} : memref<128x16xf32, #tpu.memory_space<vmem>>, vector<16xf32>,
      %swap3A_248 = arith.constant 432 : index
      %swap3A_249 = tpu.vector_load %arg7[%swap3A_248] {strides = array<i32>} : memref<16384xf32, #tpu.memory_space<vmem>>, vector<16xf32>,
      tpu.vector_store %arg7[%swap3A_248], %get3A_247 {strides = array<i32>} : memref<16384xf32, #tpu.memory_space<vmem>>, vector<16xf32>,
      %get3A_250 = arith.constant 28 : i32
      %get3A_251 = arith.index_cast %get3A_250 : i32 to index
      %get3A_252 = arith.constant 0 : index
      %get3A_253 = tpu.vector_load %arg9[%get3A_251, %get3A_252] {strides = array<i32>} : memref<128x16xf32, #tpu.memory_space<vmem>>, vector<16xf32>,
      %swap3A_254 = arith.constant 448 : index
      %swap3A_255 = tpu.vector_load %arg7[%swap3A_254] {strides = array<i32>} : memref<16384xf32, #tpu.memory_space<vmem>>, vector<16xf32>,
      tpu.vector_store %arg7[%swap3A_254], %get3A_253 {strides = array<i32>} : memref<16384xf32, #tpu.memory_space<vmem>>, vector<16xf32>,
      %get3A_256 = arith.constant 29 : i32
      %get3A_257 = arith.index_cast %get3A_256 : i32 to index
      %get3A_258 = arith.constant 0 : index
      %get3A_259 = tpu.vector_load %arg9[%get3A_257, %get3A_258] {strides = array<i32>} : memref<128x16xf32, #tpu.memory_space<vmem>>, vector<16xf32>,
      %swap3A_260 = arith.constant 464 : index
      %swap3A_261 = tpu.vector_load %arg7[%swap3A_260] {strides = array<i32>} : memref<16384xf32, #tpu.memory_space<vmem>>, vector<16xf32>,
      tpu.vector_store %arg7[%swap3A_260], %get3A_259 {strides = array<i32>} : memref<16384xf32, #tpu.memory_space<vmem>>, vector<16xf32>,
      %get3A_262 = arith.constant 30 : i32
      %get3A_263 = arith.index_cast %get3A_262 : i32 to index
      %get3A_264 = arith.constant 0 : index
      %get3A_265 = tpu.vector_load %arg9[%get3A_263, %get3A_264] {strides = array<i32>} : memref<128x16xf32, #tpu.memory_space<vmem>>, vector<16xf32>,
      %swap3A_266 = arith.constant 480 : index
      %swap3A_267 = tpu.vector_load %arg7[%swap3A_266] {strides = array<i32>} : memref<16384xf32, #tpu.memory_space<vmem>>, vector<16xf32>,
      tpu.vector_store %arg7[%swap3A_266], %get3A_265 {strides = array<i32>} : memref<16384xf32, #tpu.memory_space<vmem>>, vector<16xf32>,
      %get3A_268 = arith.constant 31 : i32
      %get3A_269 = arith.index_cast %get3A_268 : i32 to index
      %get3A_270 = arith.constant 0 : index
      %get3A_271 = tpu.vector_load %arg9[%get3A_269, %get3A_270] {strides = array<i32>} : memref<128x16xf32, #tpu.memory_space<vmem>>, vector<16xf32>,
      %swap3A_272 = arith.constant 496 : index
      %swap3A_273 = tpu.vector_load %arg7[%swap3A_272] {strides = array<i32>} : memref<16384xf32, #tpu.memory_space<vmem>>, vector<16xf32>,
      tpu.vector_store %arg7[%swap3A_272], %get3A_271 {strides = array<i32>} : memref<16384xf32, #tpu.memory_space<vmem>>, vector<16xf32>,
      %get3A_274 = arith.constant 32 : i32
      %get3A_275 = arith.index_cast %get3A_274 : i32 to index
      %get3A_276 = arith.constant 0 : index
      %get3A_277 = tpu.vector_load %arg9[%get3A_275, %get3A_276] {strides = array<i32>} : memref<128x16xf32, #tpu.memory_space<vmem>>, vector<16xf32>,
      %swap3A_278 = arith.constant 512 : index
      %swap3A_279 = tpu.vector_load %arg7[%swap3A_278] {strides = array<i32>} : memref<16384xf32, #tpu.memory_space<vmem>>, vector<16xf32>,
      tpu.vector_store %arg7[%swap3A_278], %get3A_277 {strides = array<i32>} : memref<16384xf32, #tpu.memory_space<vmem>>, vector<16xf32>,
      %get3A_280 = arith.constant 33 : i32
      %get3A_281 = arith.index_cast %get3A_280 : i32 to index
      %get3A_282 = arith.constant 0 : index
      %get3A_283 = tpu.vector_load %arg9[%get3A_281, %get3A_282] {strides = array<i32>} : memref<128x16xf32, #tpu.memory_space<vmem>>, vector<16xf32>,
      %swap3A_284 = arith.constant 528 : index
      %swap3A_285 = tpu.vector_load %arg7[%swap3A_284] {strides = array<i32>} : memref<16384xf32, #tpu.memory_space<vmem>>, vector<16xf32>,
      tpu.vector_store %arg7[%swap3A_284], %get3A_283 {strides = array<i32>} : memref<16384xf32, #tpu.memory_space<vmem>>, vector<16xf32>,
      %get3A_286 = arith.constant 34 : i32
      %get3A_287 = arith.index_cast %get3A_286 : i32 to index
      %get3A_288 = arith.constant 0 : index
      %get3A_289 = tpu.vector_load %arg9[%get3A_287, %get3A_288] {strides = array<i32>} : memref<128x16xf32, #tpu.memory_space<vmem>>, vector<16xf32>,
      %swap3A_290 = arith.constant 544 : index
      %swap3A_291 = tpu.vector_load %arg7[%swap3A_290] {strides = array<i32>} : memref<16384xf32, #tpu.memory_space<vmem>>, vector<16xf32>,
      tpu.vector_store %arg7[%swap3A_290], %get3A_289 {strides = array<i32>} : memref<16384xf32, #tpu.memory_space<vmem>>, vector<16xf32>,
      %get3A_292 = arith.constant 35 : i32
      %get3A_293 = arith.index_cast %get3A_292 : i32 to index
      %get3A_294 = arith.constant 0 : index
      %get3A_295 = tpu.vector_load %arg9[%get3A_293, %get3A_294] {strides = array<i32>} : memref<128x16xf32, #tpu.memory_space<vmem>>, vector<16xf32>,
      %swap3A_296 = arith.constant 560 : index
      %swap3A_297 = tpu.vector_load %arg7[%swap3A_296] {strides = array<i32>} : memref<16384xf32, #tpu.memory_space<vmem>>, vector<16xf32>,
      tpu.vector_store %arg7[%swap3A_296], %get3A_295 {strides = array<i32>} : memref<16384xf32, #tpu.memory_space<vmem>>, vector<16xf32>,
      %get3A_298 = arith.constant 36 : i32
      %get3A_299 = arith.index_cast %get3A_298 : i32 to index
      %get3A_300 = arith.constant 0 : index
      %get3A_301 = tpu.vector_load %arg9[%get3A_299, %get3A_300] {strides = array<i32>} : memref<128x16xf32, #tpu.memory_space<vmem>>, vector<16xf32>,
      %swap3A_302 = arith.constant 576 : index
      %swap3A_303 = tpu.vector_load %arg7[%swap3A_302] {strides = array<i32>} : memref<16384xf32, #tpu.memory_space<vmem>>, vector<16xf32>,
      tpu.vector_store %arg7[%swap3A_302], %get3A_301 {strides = array<i32>} : memref<16384xf32, #tpu.memory_space<vmem>>, vector<16xf32>,
      %get3A_304 = arith.constant 37 : i32
      %get3A_305 = arith.index_cast %get3A_304 : i32 to index
      %get3A_306 = arith.constant 0 : index
      %get3A_307 = tpu.vector_load %arg9[%get3A_305, %get3A_306] {strides = array<i32>} : memref<128x16xf32, #tpu.memory_space<vmem>>, vector<16xf32>,
      %swap3A_308 = arith.constant 592 : index
      %swap3A_309 = tpu.vector_load %arg7[%swap3A_308] {strides = array<i32>} : memref<16384xf32, #tpu.memory_space<vmem>>, vector<16xf32>,
      tpu.vector_store %arg7[%swap3A_308], %get3A_307 {strides = array<i32>} : memref<16384xf32, #tpu.memory_space<vmem>>, vector<16xf32>,
      %get3A_310 = arith.constant 38 : i32
      %get3A_311 = arith.index_cast %get3A_310 : i32 to index
      %get3A_312 = arith.constant 0 : index
      %get3A_313 = tpu.vector_load %arg9[%get3A_311, %get3A_312] {strides = array<i32>} : memref<128x16xf32, #tpu.memory_space<vmem>>, vector<16xf32>,
      %swap3A_314 = arith.constant 608 : index
      %swap3A_315 = tpu.vector_load %arg7[%swap3A_314] {strides = array<i32>} : memref<16384xf32, #tpu.memory_space<vmem>>, vector<16xf32>,
      tpu.vector_store %arg7[%swap3A_314], %get3A_313 {strides = array<i32>} : memref<16384xf32, #tpu.memory_space<vmem>>, vector<16xf32>,
      %get3A_316 = arith.constant 39 : i32
      %get3A_317 = arith.index_cast %get3A_316 : i32 to index
      %get3A_318 = arith.constant 0 : index
      %get3A_319 = tpu.vector_load %arg9[%get3A_317, %get3A_318] {strides = array<i32>} : memref<128x16xf32, #tpu.memory_space<vmem>>, vector<16xf32>,
      %swap3A_320 = arith.constant 624 : index
      %swap3A_321 = tpu.vector_load %arg7[%swap3A_320] {strides = array<i32>} : memref<16384xf32, #tpu.memory_space<vmem>>, vector<16xf32>,
      tpu.vector_store %arg7[%swap3A_320], %get3A_319 {strides = array<i32>} : memref<16384xf32, #tpu.memory_space<vmem>>, vector<16xf32>,
      %get3A_322 = arith.constant 40 : i32
      %get3A_323 = arith.index_cast %get3A_322 : i32 to index
      %get3A_324 = arith.constant 0 : index
      %get3A_325 = tpu.vector_load %arg9[%get3A_323, %get3A_324] {strides = array<i32>} : memref<128x16xf32, #tpu.memory_space<vmem>>, vector<16xf32>,
      %swap3A_326 = arith.constant 640 : index
      %swap3A_327 = tpu.vector_load %arg7[%swap3A_326] {strides = array<i32>} : memref<16384xf32, #tpu.memory_space<vmem>>, vector<16xf32>,
      tpu.vector_store %arg7[%swap3A_326], %get3A_325 {strides = array<i32>} : memref<16384xf32, #tpu.memory_space<vmem>>, vector<16xf32>,
      %get3A_328 = arith.constant 41 : i32
      %get3A_329 = arith.index_cast %get3A_328 : i32 to index
      %get3A_330 = arith.constant 0 : index
      %get3A_331 = tpu.vector_load %arg9[%get3A_329, %get3A_330] {strides = array<i32>} : memref<128x16xf32, #tpu.memory_space<vmem>>, vector<16xf32>,
      %swap3A_332 = arith.constant 656 : index
      %swap3A_333 = tpu.vector_load %arg7[%swap3A_332] {strides = array<i32>} : memref<16384xf32, #tpu.memory_space<vmem>>, vector<16xf32>,
      tpu.vector_store %arg7[%swap3A_332], %get3A_331 {strides = array<i32>} : memref<16384xf32, #tpu.memory_space<vmem>>, vector<16xf32>,
      %get3A_334 = arith.constant 42 : i32
      %get3A_335 = arith.index_cast %get3A_334 : i32 to index
      %get3A_336 = arith.constant 0 : index
      %get3A_337 = tpu.vector_load %arg9[%get3A_335, %get3A_336] {strides = array<i32>} : memref<128x16xf32, #tpu.memory_space<vmem>>, vector<16xf32>,
      %swap3A_338 = arith.constant 672 : index
      %swap3A_339 = tpu.vector_load %arg7[%swap3A_338] {strides = array<i32>} : memref<16384xf32, #tpu.memory_space<vmem>>, vector<16xf32>,
      tpu.vector_store %arg7[%swap3A_338], %get3A_337 {strides = array<i32>} : memref<16384xf32, #tpu.memory_space<vmem>>, vector<16xf32>,
      %get3A_340 = arith.constant 43 : i32
      %get3A_341 = arith.index_cast %get3A_340 : i32 to index
      %get3A_342 = arith.constant 0 : index
      %get3A_343 = tpu.vector_load %arg9[%get3A_341, %get3A_342] {strides = array<i32>} : memref<128x16xf32, #tpu.memory_space<vmem>>, vector<16xf32>,
      %swap3A_344 = arith.constant 688 : index
      %swap3A_345 = tpu.vector_load %arg7[%swap3A_344] {strides = array<i32>} : memref<16384xf32, #tpu.memory_space<vmem>>, vector<16xf32>,
      tpu.vector_store %arg7[%swap3A_344], %get3A_343 {strides = array<i32>} : memref<16384xf32, #tpu.memory_space<vmem>>, vector<16xf32>,
      %get3A_346 = arith.constant 44 : i32
      %get3A_347 = arith.index_cast %get3A_346 : i32 to index
      %get3A_348 = arith.constant 0 : index
      %get3A_349 = tpu.vector_load %arg9[%get3A_347, %get3A_348] {strides = array<i32>} : memref<128x16xf32, #tpu.memory_space<vmem>>, vector<16xf32>,
      %swap3A_350 = arith.constant 704 : index
      %swap3A_351 = tpu.vector_load %arg7[%swap3A_350] {strides = array<i32>} : memref<16384xf32, #tpu.memory_space<vmem>>, vector<16xf32>,
      tpu.vector_store %arg7[%swap3A_350], %get3A_349 {strides = array<i32>} : memref<16384xf32, #tpu.memory_space<vmem>>, vector<16xf32>,
      %get3A_352 = arith.constant 45 : i32
      %get3A_353 = arith.index_cast %get3A_352 : i32 to index
      %get3A_354 = arith.constant 0 : index
      %get3A_355 = tpu.vector_load %arg9[%get3A_353, %get3A_354] {strides = array<i32>} : memref<128x16xf32, #tpu.memory_space<vmem>>, vector<16xf32>,
      %swap3A_356 = arith.constant 720 : index
      %swap3A_357 = tpu.vector_load %arg7[%swap3A_356] {strides = array<i32>} : memref<16384xf32, #tpu.memory_space<vmem>>, vector<16xf32>,
      tpu.vector_store %arg7[%swap3A_356], %get3A_355 {strides = array<i32>} : memref<16384xf32, #tpu.memory_space<vmem>>, vector<16xf32>,
      %get3A_358 = arith.constant 46 : i32
      %get3A_359 = arith.index_cast %get3A_358 : i32 to index
      %get3A_360 = arith.constant 0 : index
      %get3A_361 = tpu.vector_load %arg9[%get3A_359, %get3A_360] {strides = array<i32>} : memref<128x16xf32, #tpu.memory_space<vmem>>, vector<16xf32>,
      %swap3A_362 = arith.constant 736 : index
      %swap3A_363 = tpu.vector_load %arg7[%swap3A_362] {strides = array<i32>} : memref<16384xf32, #tpu.memory_space<vmem>>, vector<16xf32>,
      tpu.vector_store %arg7[%swap3A_362], %get3A_361 {strides = array<i32>} : memref<16384xf32, #tpu.memory_space<vmem>>, vector<16xf32>,
      %get3A_364 = arith.constant 47 : i32
      %get3A_365 = arith.index_cast %get3A_364 : i32 to index
      %get3A_366 = arith.constant 0 : index
      %get3A_367 = tpu.vector_load %arg9[%get3A_365, %get3A_366] {strides = array<i32>} : memref<128x16xf32, #tpu.memory_space<vmem>>, vector<16xf32>,
      %swap3A_368 = arith.constant 752 : index
      %swap3A_369 = tpu.vector_load %arg7[%swap3A_368] {strides = array<i32>} : memref<16384xf32, #tpu.memory_space<vmem>>, vector<16xf32>,
      tpu.vector_store %arg7[%swap3A_368], %get3A_367 {strides = array<i32>} : memref<16384xf32, #tpu.memory_space<vmem>>, vector<16xf32>,
      %get3A_370 = arith.constant 48 : i32
      %get3A_371 = arith.index_cast %get3A_370 : i32 to index
      %get3A_372 = arith.constant 0 : index
      %get3A_373 = tpu.vector_load %arg9[%get3A_371, %get3A_372] {strides = array<i32>} : memref<128x16xf32, #tpu.memory_space<vmem>>, vector<16xf32>,
      %swap3A_374 = arith.constant 768 : index
      %swap3A_375 = tpu.vector_load %arg7[%swap3A_374] {strides = array<i32>} : memref<16384xf32, #tpu.memory_space<vmem>>, vector<16xf32>,
      tpu.vector_store %arg7[%swap3A_374], %get3A_373 {strides = array<i32>} : memref<16384xf32, #tpu.memory_space<vmem>>, vector<16xf32>,
      %get3A_376 = arith.constant 49 : i32
      %get3A_377 = arith.index_cast %get3A_376 : i32 to index
      %get3A_378 = arith.constant 0 : index
      %get3A_379 = tpu.vector_load %arg9[%get3A_377, %get3A_378] {strides = array<i32>} : memref<128x16xf32, #tpu.memory_space<vmem>>, vector<16xf32>,
      %swap3A_380 = arith.constant 784 : index
      %swap3A_381 = tpu.vector_load %arg7[%swap3A_380] {strides = array<i32>} : memref<16384xf32, #tpu.memory_space<vmem>>, vector<16xf32>,
      tpu.vector_store %arg7[%swap3A_380], %get3A_379 {strides = array<i32>} : memref<16384xf32, #tpu.memory_space<vmem>>, vector<16xf32>,
      %get3A_382 = arith.constant 50 : i32
      %get3A_383 = arith.index_cast %get3A_382 : i32 to index
      %get3A_384 = arith.constant 0 : index
      %get3A_385 = tpu.vector_load %arg9[%get3A_383, %get3A_384] {strides = array<i32>} : memref<128x16xf32, #tpu.memory_space<vmem>>, vector<16xf32>,
      %swap3A_386 = arith.constant 800 : index
      %swap3A_387 = tpu.vector_load %arg7[%swap3A_386] {strides = array<i32>} : memref<16384xf32, #tpu.memory_space<vmem>>, vector<16xf32>,
      tpu.vector_store %arg7[%swap3A_386], %get3A_385 {strides = array<i32>} : memref<16384xf32, #tpu.memory_space<vmem>>, vector<16xf32>,
      %get3A_388 = arith.constant 51 : i32
      %get3A_389 = arith.index_cast %get3A_388 : i32 to index
      %get3A_390 = arith.constant 0 : index
      %get3A_391 = tpu.vector_load %arg9[%get3A_389, %get3A_390] {strides = array<i32>} : memref<128x16xf32, #tpu.memory_space<vmem>>, vector<16xf32>,
      %swap3A_392 = arith.constant 816 : index
      %swap3A_393 = tpu.vector_load %arg7[%swap3A_392] {strides = array<i32>} : memref<16384xf32, #tpu.memory_space<vmem>>, vector<16xf32>,
      tpu.vector_store %arg7[%swap3A_392], %get3A_391 {strides = array<i32>} : memref<16384xf32, #tpu.memory_space<vmem>>, vector<16xf32>,
      %get3A_394 = arith.constant 52 : i32
      %get3A_395 = arith.index_cast %get3A_394 : i32 to index
      %get3A_396 = arith.constant 0 : index
      %get3A_397 = tpu.vector_load %arg9[%get3A_395, %get3A_396] {strides = array<i32>} : memref<128x16xf32, #tpu.memory_space<vmem>>, vector<16xf32>,
      %swap3A_398 = arith.constant 832 : index
      %swap3A_399 = tpu.vector_load %arg7[%swap3A_398] {strides = array<i32>} : memref<16384xf32, #tpu.memory_space<vmem>>, vector<16xf32>,
      tpu.vector_store %arg7[%swap3A_398], %get3A_397 {strides = array<i32>} : memref<16384xf32, #tpu.memory_space<vmem>>, vector<16xf32>,
      %get3A_400 = arith.constant 53 : i32
      %get3A_401 = arith.index_cast %get3A_400 : i32 to index
      %get3A_402 = arith.constant 0 : index
      %get3A_403 = tpu.vector_load %arg9[%get3A_401, %get3A_402] {strides = array<i32>} : memref<128x16xf32, #tpu.memory_space<vmem>>, vector<16xf32>,
      %swap3A_404 = arith.constant 848 : index
      %swap3A_405 = tpu.vector_load %arg7[%swap3A_404] {strides = array<i32>} : memref<16384xf32, #tpu.memory_space<vmem>>, vector<16xf32>,
      tpu.vector_store %arg7[%swap3A_404], %get3A_403 {strides = array<i32>} : memref<16384xf32, #tpu.memory_space<vmem>>, vector<16xf32>,
      %get3A_406 = arith.constant 54 : i32
      %get3A_407 = arith.index_cast %get3A_406 : i32 to index
      %get3A_408 = arith.constant 0 : index
      %get3A_409 = tpu.vector_load %arg9[%get3A_407, %get3A_408] {strides = array<i32>} : memref<128x16xf32, #tpu.memory_space<vmem>>, vector<16xf32>,
      %swap3A_410 = arith.constant 864 : index
      %swap3A_411 = tpu.vector_load %arg7[%swap3A_410] {strides = array<i32>} : memref<16384xf32, #tpu.memory_space<vmem>>, vector<16xf32>,
      tpu.vector_store %arg7[%swap3A_410], %get3A_409 {strides = array<i32>} : memref<16384xf32, #tpu.memory_space<vmem>>, vector<16xf32>,
      %get3A_412 = arith.constant 55 : i32
      %get3A_413 = arith.index_cast %get3A_412 : i32 to index
      %get3A_414 = arith.constant 0 : index
      %get3A_415 = tpu.vector_load %arg9[%get3A_413, %get3A_414] {strides = array<i32>} : memref<128x16xf32, #tpu.memory_space<vmem>>, vector<16xf32>,
      %swap3A_416 = arith.constant 880 : index
      %swap3A_417 = tpu.vector_load %arg7[%swap3A_416] {strides = array<i32>} : memref<16384xf32, #tpu.memory_space<vmem>>, vector<16xf32>,
      tpu.vector_store %arg7[%swap3A_416], %get3A_415 {strides = array<i32>} : memref<16384xf32, #tpu.memory_space<vmem>>, vector<16xf32>,
      %get3A_418 = arith.constant 56 : i32
      %get3A_419 = arith.index_cast %get3A_418 : i32 to index
      %get3A_420 = arith.constant 0 : index
      %get3A_421 = tpu.vector_load %arg9[%get3A_419, %get3A_420] {strides = array<i32>} : memref<128x16xf32, #tpu.memory_space<vmem>>, vector<16xf32>,
      %swap3A_422 = arith.constant 896 : index
      %swap3A_423 = tpu.vector_load %arg7[%swap3A_422] {strides = array<i32>} : memref<16384xf32, #tpu.memory_space<vmem>>, vector<16xf32>,
      tpu.vector_store %arg7[%swap3A_422], %get3A_421 {strides = array<i32>} : memref<16384xf32, #tpu.memory_space<vmem>>, vector<16xf32>,
      %get3A_424 = arith.constant 57 : i32
      %get3A_425 = arith.index_cast %get3A_424 : i32 to index
      %get3A_426 = arith.constant 0 : index
      %get3A_427 = tpu.vector_load %arg9[%get3A_425, %get3A_426] {strides = array<i32>} : memref<128x16xf32, #tpu.memory_space<vmem>>, vector<16xf32>,
      %swap3A_428 = arith.constant 912 : index
      %swap3A_429 = tpu.vector_load %arg7[%swap3A_428] {strides = array<i32>} : memref<16384xf32, #tpu.memory_space<vmem>>, vector<16xf32>,
      tpu.vector_store %arg7[%swap3A_428], %get3A_427 {strides = array<i32>} : memref<16384xf32, #tpu.memory_space<vmem>>, vector<16xf32>,
      %get3A_430 = arith.constant 58 : i32
      %get3A_431 = arith.index_cast %get3A_430 : i32 to index
      %get3A_432 = arith.constant 0 : index
      %get3A_433 = tpu.vector_load %arg9[%get3A_431, %get3A_432] {strides = array<i32>} : memref<128x16xf32, #tpu.memory_space<vmem>>, vector<16xf32>,
      %swap3A_434 = arith.constant 928 : index
      %swap3A_435 = tpu.vector_load %arg7[%swap3A_434] {strides = array<i32>} : memref<16384xf32, #tpu.memory_space<vmem>>, vector<16xf32>,
      tpu.vector_store %arg7[%swap3A_434], %get3A_433 {strides = array<i32>} : memref<16384xf32, #tpu.memory_space<vmem>>, vector<16xf32>,
      %get3A_436 = arith.constant 59 : i32
      %get3A_437 = arith.index_cast %get3A_436 : i32 to index
      %get3A_438 = arith.constant 0 : index
      %get3A_439 = tpu.vector_load %arg9[%get3A_437, %get3A_438] {strides = array<i32>} : memref<128x16xf32, #tpu.memory_space<vmem>>, vector<16xf32>,
      %swap3A_440 = arith.constant 944 : index
      %swap3A_441 = tpu.vector_load %arg7[%swap3A_440] {strides = array<i32>} : memref<16384xf32, #tpu.memory_space<vmem>>, vector<16xf32>,
      tpu.vector_store %arg7[%swap3A_440], %get3A_439 {strides = array<i32>} : memref<16384xf32, #tpu.memory_space<vmem>>, vector<16xf32>,
      %get3A_442 = arith.constant 60 : i32
      %get3A_443 = arith.index_cast %get3A_442 : i32 to index
      %get3A_444 = arith.constant 0 : index
      %get3A_445 = tpu.vector_load %arg9[%get3A_443, %get3A_444] {strides = array<i32>} : memref<128x16xf32, #tpu.memory_space<vmem>>, vector<16xf32>,
      %swap3A_446 = arith.constant 960 : index
      %swap3A_447 = tpu.vector_load %arg7[%swap3A_446] {strides = array<i32>} : memref<16384xf32, #tpu.memory_space<vmem>>, vector<16xf32>,
      tpu.vector_store %arg7[%swap3A_446], %get3A_445 {strides = array<i32>} : memref<16384xf32, #tpu.memory_space<vmem>>, vector<16xf32>,
      %get3A_448 = arith.constant 61 : i32
      %get3A_449 = arith.index_cast %get3A_448 : i32 to index
      %get3A_450 = arith.constant 0 : index
      %get3A_451 = tpu.vector_load %arg9[%get3A_449, %get3A_450] {strides = array<i32>} : memref<128x16xf32, #tpu.memory_space<vmem>>, vector<16xf32>,
      %swap3A_452 = arith.constant 976 : index
      %swap3A_453 = tpu.vector_load %arg7[%swap3A_452] {strides = array<i32>} : memref<16384xf32, #tpu.memory_space<vmem>>, vector<16xf32>,
      tpu.vector_store %arg7[%swap3A_452], %get3A_451 {strides = array<i32>} : memref<16384xf32, #tpu.memory_space<vmem>>, vector<16xf32>,
      %get3A_454 = arith.constant 62 : i32
      %get3A_455 = arith.index_cast %get3A_454 : i32 to index
      %get3A_456 = arith.constant 0 : index
      %get3A_457 = tpu.vector_load %arg9[%get3A_455, %get3A_456] {strides = array<i32>} : memref<128x16xf32, #tpu.memory_space<vmem>>, vector<16xf32>,
      %swap3A_458 = arith.constant 992 : index
      %swap3A_459 = tpu.vector_load %arg7[%swap3A_458] {strides = array<i32>} : memref<16384xf32, #tpu.memory_space<vmem>>, vector<16xf32>,
      tpu.vector_store %arg7[%swap3A_458], %get3A_457 {strides = array<i32>} : memref<16384xf32, #tpu.memory_space<vmem>>, vector<16xf32>,
      %get3A_460 = arith.constant 63 : i32
      %get3A_461 = arith.index_cast %get3A_460 : i32 to index
      %get3A_462 = arith.constant 0 : index
      %get3A_463 = tpu.vector_load %arg9[%get3A_461, %get3A_462] {strides = array<i32>} : memref<128x16xf32, #tpu.memory_space<vmem>>, vector<16xf32>,
      %swap3A_464 = arith.constant 1008 : index
      %swap3A_465 = tpu.vector_load %arg7[%swap3A_464] {strides = array<i32>} : memref<16384xf32, #tpu.memory_space<vmem>>, vector<16xf32>,
      tpu.vector_store %arg7[%swap3A_464], %get3A_463 {strides = array<i32>} : memref<16384xf32, #tpu.memory_space<vmem>>, vector<16xf32>,
      %get3A_466 = arith.constant 64 : i32
      %get3A_467 = arith.index_cast %get3A_466 : i32 to index
      %get3A_468 = arith.constant 0 : index
      %get3A_469 = tpu.vector_load %arg9[%get3A_467, %get3A_468] {strides = array<i32>} : memref<128x16xf32, #tpu.memory_space<vmem>>, vector<16xf32>,
      %swap3A_470 = arith.constant 1024 : index
      %swap3A_471 = tpu.vector_load %arg7[%swap3A_470] {strides = array<i32>} : memref<16384xf32, #tpu.memory_space<vmem>>, vector<16xf32>,
      tpu.vector_store %arg7[%swap3A_470], %get3A_469 {strides = array<i32>} : memref<16384xf32, #tpu.memory_space<vmem>>, vector<16xf32>,
      %get3A_472 = arith.constant 65 : i32
      %get3A_473 = arith.index_cast %get3A_472 : i32 to index
      %get3A_474 = arith.constant 0 : index
      %get3A_475 = tpu.vector_load %arg9[%get3A_473, %get3A_474] {strides = array<i32>} : memref<128x16xf32, #tpu.memory_space<vmem>>, vector<16xf32>,
      %swap3A_476 = arith.constant 1040 : index
      %swap3A_477 = tpu.vector_load %arg7[%swap3A_476] {strides = array<i32>} : memref<16384xf32, #tpu.memory_space<vmem>>, vector<16xf32>,
      tpu.vector_store %arg7[%swap3A_476], %get3A_475 {strides = array<i32>} : memref<16384xf32, #tpu.memory_space<vmem>>, vector<16xf32>,
      %get3A_478 = arith.constant 66 : i32
      %get3A_479 = arith.index_cast %get3A_478 : i32 to index
      %get3A_480 = arith.constant 0 : index
      %get3A_481 = tpu.vector_load %arg9[%get3A_479, %get3A_480] {strides = array<i32>} : memref<128x16xf32, #tpu.memory_space<vmem>>, vector<16xf32>,
      %swap3A_482 = arith.constant 1056 : index
      %swap3A_483 = tpu.vector_load %arg7[%swap3A_482] {strides = array<i32>} : memref<16384xf32, #tpu.memory_space<vmem>>, vector<16xf32>,
      tpu.vector_store %arg7[%swap3A_482], %get3A_481 {strides = array<i32>} : memref<16384xf32, #tpu.memory_space<vmem>>, vector<16xf32>,
      %get3A_484 = arith.constant 67 : i32
      %get3A_485 = arith.index_cast %get3A_484 : i32 to index
      %get3A_486 = arith.constant 0 : index
      %get3A_487 = tpu.vector_load %arg9[%get3A_485, %get3A_486] {strides = array<i32>} : memref<128x16xf32, #tpu.memory_space<vmem>>, vector<16xf32>,
      %swap3A_488 = arith.constant 1072 : index
      %swap3A_489 = tpu.vector_load %arg7[%swap3A_488] {strides = array<i32>} : memref<16384xf32, #tpu.memory_space<vmem>>, vector<16xf32>,
      tpu.vector_store %arg7[%swap3A_488], %get3A_487 {strides = array<i32>} : memref<16384xf32, #tpu.memory_space<vmem>>, vector<16xf32>,
      %get3A_490 = arith.constant 68 : i32
      %get3A_491 = arith.index_cast %get3A_490 : i32 to index
      %get3A_492 = arith.constant 0 : index
      %get3A_493 = tpu.vector_load %arg9[%get3A_491, %get3A_492] {strides = array<i32>} : memref<128x16xf32, #tpu.memory_space<vmem>>, vector<16xf32>,
      %swap3A_494 = arith.constant 1088 : index
      %swap3A_495 = tpu.vector_load %arg7[%swap3A_494] {strides = array<i32>} : memref<16384xf32, #tpu.memory_space<vmem>>, vector<16xf32>,
      tpu.vector_store %arg7[%swap3A_494], %get3A_493 {strides = array<i32>} : memref<16384xf32, #tpu.memory_space<vmem>>, vector<16xf32>,
      %get3A_496 = arith.constant 69 : i32
      %get3A_497 = arith.index_cast %get3A_496 : i32 to index
      %get3A_498 = arith.constant 0 : index
      %get3A_499 = tpu.vector_load %arg9[%get3A_497, %get3A_498] {strides = array<i32>} : memref<128x16xf32, #tpu.memory_space<vmem>>, vector<16xf32>,
      %swap3A_500 = arith.constant 1104 : index
      %swap3A_501 = tpu.vector_load %arg7[%swap3A_500] {strides = array<i32>} : memref<16384xf32, #tpu.memory_space<vmem>>, vector<16xf32>,
      tpu.vector_store %arg7[%swap3A_500], %get3A_499 {strides = array<i32>} : memref<16384xf32, #tpu.memory_space<vmem>>, vector<16xf32>,
      %get3A_502 = arith.constant 70 : i32
      %get3A_503 = arith.index_cast %get3A_502 : i32 to index
      %get3A_504 = arith.constant 0 : index
      %get3A_505 = tpu.vector_load %arg9[%get3A_503, %get3A_504] {strides = array<i32>} : memref<128x16xf32, #tpu.memory_space<vmem>>, vector<16xf32>,
      %swap3A_506 = arith.constant 1120 : index
      %swap3A_507 = tpu.vector_load %arg7[%swap3A_506] {strides = array<i32>} : memref<16384xf32, #tpu.memory_space<vmem>>, vector<16xf32>,
      tpu.vector_store %arg7[%swap3A_506], %get3A_505 {strides = array<i32>} : memref<16384xf32, #tpu.memory_space<vmem>>, vector<16xf32>,
      %get3A_508 = arith.constant 71 : i32
      %get3A_509 = arith.index_cast %get3A_508 : i32 to index
      %get3A_510 = arith.constant 0 : index
      %get3A_511 = tpu.vector_load %arg9[%get3A_509, %get3A_510] {strides = array<i32>} : memref<128x16xf32, #tpu.memory_space<vmem>>, vector<16xf32>,
      %swap3A_512 = arith.constant 1136 : index
      %swap3A_513 = tpu.vector_load %arg7[%swap3A_512] {strides = array<i32>} : memref<16384xf32, #tpu.memory_space<vmem>>, vector<16xf32>,
      tpu.vector_store %arg7[%swap3A_512], %get3A_511 {strides = array<i32>} : memref<16384xf32, #tpu.memory_space<vmem>>, vector<16xf32>,
      %get3A_514 = arith.constant 72 : i32
      %get3A_515 = arith.index_cast %get3A_514 : i32 to index
      %get3A_516 = arith.constant 0 : index
      %get3A_517 = tpu.vector_load %arg9[%get3A_515, %get3A_516] {strides = array<i32>} : memref<128x16xf32, #tpu.memory_space<vmem>>, vector<16xf32>,
      %swap3A_518 = arith.constant 1152 : index
      %swap3A_519 = tpu.vector_load %arg7[%swap3A_518] {strides = array<i32>} : memref<16384xf32, #tpu.memory_space<vmem>>, vector<16xf32>,
      tpu.vector_store %arg7[%swap3A_518], %get3A_517 {strides = array<i32>} : memref<16384xf32, #tpu.memory_space<vmem>>, vector<16xf32>,
      %get3A_520 = arith.constant 73 : i32
      %get3A_521 = arith.index_cast %get3A_520 : i32 to index
      %get3A_522 = arith.constant 0 : index
      %get3A_523 = tpu.vector_load %arg9[%get3A_521, %get3A_522] {strides = array<i32>} : memref<128x16xf32, #tpu.memory_space<vmem>>, vector<16xf32>,
      %swap3A_524 = arith.constant 1168 : index
      %swap3A_525 = tpu.vector_load %arg7[%swap3A_524] {strides = array<i32>} : memref<16384xf32, #tpu.memory_space<vmem>>, vector<16xf32>,
      tpu.vector_store %arg7[%swap3A_524], %get3A_523 {strides = array<i32>} : memref<16384xf32, #tpu.memory_space<vmem>>, vector<16xf32>,
      %get3A_526 = arith.constant 74 : i32
      %get3A_527 = arith.index_cast %get3A_526 : i32 to index
      %get3A_528 = arith.constant 0 : index
      %get3A_529 = tpu.vector_load %arg9[%get3A_527, %get3A_528] {strides = array<i32>} : memref<128x16xf32, #tpu.memory_space<vmem>>, vector<16xf32>,
      %swap3A_530 = arith.constant 1184 : index
      %swap3A_531 = tpu.vector_load %arg7[%swap3A_530] {strides = array<i32>} : memref<16384xf32, #tpu.memory_space<vmem>>, vector<16xf32>,
      tpu.vector_store %arg7[%swap3A_530], %get3A_529 {strides = array<i32>} : memref<16384xf32, #tpu.memory_space<vmem>>, vector<16xf32>,
      %get3A_532 = arith.constant 75 : i32
      %get3A_533 = arith.index_cast %get3A_532 : i32 to index
      %get3A_534 = arith.constant 0 : index
      %get3A_535 = tpu.vector_load %arg9[%get3A_533, %get3A_534] {strides = array<i32>} : memref<128x16xf32, #tpu.memory_space<vmem>>, vector<16xf32>,
      %swap3A_536 = arith.constant 1200 : index
      %swap3A_537 = tpu.vector_load %arg7[%swap3A_536] {strides = array<i32>} : memref<16384xf32, #tpu.memory_space<vmem>>, vector<16xf32>,
      tpu.vector_store %arg7[%swap3A_536], %get3A_535 {strides = array<i32>} : memref<16384xf32, #tpu.memory_space<vmem>>, vector<16xf32>,
      %get3A_538 = arith.constant 76 : i32
      %get3A_539 = arith.index_cast %get3A_538 : i32 to index
      %get3A_540 = arith.constant 0 : index
      %get3A_541 = tpu.vector_load %arg9[%get3A_539, %get3A_540] {strides = array<i32>} : memref<128x16xf32, #tpu.memory_space<vmem>>, vector<16xf32>,
      %swap3A_542 = arith.constant 1216 : index
      %swap3A_543 = tpu.vector_load %arg7[%swap3A_542] {strides = array<i32>} : memref<16384xf32, #tpu.memory_space<vmem>>, vector<16xf32>,
      tpu.vector_store %arg7[%swap3A_542], %get3A_541 {strides = array<i32>} : memref<16384xf32, #tpu.memory_space<vmem>>, vector<16xf32>,
      %get3A_544 = arith.constant 77 : i32
      %get3A_545 = arith.index_cast %get3A_544 : i32 to index
      %get3A_546 = arith.constant 0 : index
      %get3A_547 = tpu.vector_load %arg9[%get3A_545, %get3A_546] {strides = array<i32>} : memref<128x16xf32, #tpu.memory_space<vmem>>, vector<16xf32>,
      %swap3A_548 = arith.constant 1232 : index
      %swap3A_549 = tpu.vector_load %arg7[%swap3A_548] {strides = array<i32>} : memref<16384xf32, #tpu.memory_space<vmem>>, vector<16xf32>,
      tpu.vector_store %arg7[%swap3A_548], %get3A_547 {strides = array<i32>} : memref<16384xf32, #tpu.memory_space<vmem>>, vector<16xf32>,
      %get3A_550 = arith.constant 78 : i32
      %get3A_551 = arith.index_cast %get3A_550 : i32 to index
      %get3A_552 = arith.constant 0 : index
      %get3A_553 = tpu.vector_load %arg9[%get3A_551, %get3A_552] {strides = array<i32>} : memref<128x16xf32, #tpu.memory_space<vmem>>, vector<16xf32>,
      %swap3A_554 = arith.constant 1248 : index
      %swap3A_555 = tpu.vector_load %arg7[%swap3A_554] {strides = array<i32>} : memref<16384xf32, #tpu.memory_space<vmem>>, vector<16xf32>,
      tpu.vector_store %arg7[%swap3A_554], %get3A_553 {strides = array<i32>} : memref<16384xf32, #tpu.memory_space<vmem>>, vector<16xf32>,
      %get3A_556 = arith.constant 79 : i32
      %get3A_557 = arith.index_cast %get3A_556 : i32 to index
      %get3A_558 = arith.constant 0 : index
      %get3A_559 = tpu.vector_load %arg9[%get3A_557, %get3A_558] {strides = array<i32>} : memref<128x16xf32, #tpu.memory_space<vmem>>, vector<16xf32>,
      %swap3A_560 = arith.constant 1264 : index
      %swap3A_561 = tpu.vector_load %arg7[%swap3A_560] {strides = array<i32>} : memref<16384xf32, #tpu.memory_space<vmem>>, vector<16xf32>,
      tpu.vector_store %arg7[%swap3A_560], %get3A_559 {strides = array<i32>} : memref<16384xf32, #tpu.memory_space<vmem>>, vector<16xf32>,
      %get3A_562 = arith.constant 80 : i32
      %get3A_563 = arith.index_cast %get3A_562 : i32 to index
      %get3A_564 = arith.constant 0 : index
      %get3A_565 = tpu.vector_load %arg9[%get3A_563, %get3A_564] {strides = array<i32>} : memref<128x16xf32, #tpu.memory_space<vmem>>, vector<16xf32>,
      %swap3A_566 = arith.constant 1280 : index
      %swap3A_567 = tpu.vector_load %arg7[%swap3A_566] {strides = array<i32>} : memref<16384xf32, #tpu.memory_space<vmem>>, vector<16xf32>,
      tpu.vector_store %arg7[%swap3A_566], %get3A_565 {strides = array<i32>} : memref<16384xf32, #tpu.memory_space<vmem>>, vector<16xf32>,
      %get3A_568 = arith.constant 81 : i32
      %get3A_569 = arith.index_cast %get3A_568 : i32 to index
      %get3A_570 = arith.constant 0 : index
      %get3A_571 = tpu.vector_load %arg9[%get3A_569, %get3A_570] {strides = array<i32>} : memref<128x16xf32, #tpu.memory_space<vmem>>, vector<16xf32>,
      %swap3A_572 = arith.constant 1296 : index
      %swap3A_573 = tpu.vector_load %arg7[%swap3A_572] {strides = array<i32>} : memref<16384xf32, #tpu.memory_space<vmem>>, vector<16xf32>,
      tpu.vector_store %arg7[%swap3A_572], %get3A_571 {strides = array<i32>} : memref<16384xf32, #tpu.memory_space<vmem>>, vector<16xf32>,
      %get3A_574 = arith.constant 82 : i32
      %get3A_575 = arith.index_cast %get3A_574 : i32 to index
      %get3A_576 = arith.constant 0 : index
      %get3A_577 = tpu.vector_load %arg9[%get3A_575, %get3A_576] {strides = array<i32>} : memref<128x16xf32, #tpu.memory_space<vmem>>, vector<16xf32>,
      %swap3A_578 = arith.constant 1312 : index
      %swap3A_579 = tpu.vector_load %arg7[%swap3A_578] {strides = array<i32>} : memref<16384xf32, #tpu.memory_space<vmem>>, vector<16xf32>,
      tpu.vector_store %arg7[%swap3A_578], %get3A_577 {strides = array<i32>} : memref<16384xf32, #tpu.memory_space<vmem>>, vector<16xf32>,
      %get3A_580 = arith.constant 83 : i32
      %get3A_581 = arith.index_cast %get3A_580 : i32 to index
      %get3A_582 = arith.constant 0 : index
      %get3A_583 = tpu.vector_load %arg9[%get3A_581, %get3A_582] {strides = array<i32>} : memref<128x16xf32, #tpu.memory_space<vmem>>, vector<16xf32>,
      %swap3A_584 = arith.constant 1328 : index
      %swap3A_585 = tpu.vector_load %arg7[%swap3A_584] {strides = array<i32>} : memref<16384xf32, #tpu.memory_space<vmem>>, vector<16xf32>,
      tpu.vector_store %arg7[%swap3A_584], %get3A_583 {strides = array<i32>} : memref<16384xf32, #tpu.memory_space<vmem>>, vector<16xf32>,
      %get3A_586 = arith.constant 84 : i32
      %get3A_587 = arith.index_cast %get3A_586 : i32 to index
      %get3A_588 = arith.constant 0 : index
      %get3A_589 = tpu.vector_load %arg9[%get3A_587, %get3A_588] {strides = array<i32>} : memref<128x16xf32, #tpu.memory_space<vmem>>, vector<16xf32>,
      %swap3A_590 = arith.constant 1344 : index
      %swap3A_591 = tpu.vector_load %arg7[%swap3A_590] {strides = array<i32>} : memref<16384xf32, #tpu.memory_space<vmem>>, vector<16xf32>,
      tpu.vector_store %arg7[%swap3A_590], %get3A_589 {strides = array<i32>} : memref<16384xf32, #tpu.memory_space<vmem>>, vector<16xf32>,
      %get3A_592 = arith.constant 85 : i32
      %get3A_593 = arith.index_cast %get3A_592 : i32 to index
      %get3A_594 = arith.constant 0 : index
      %get3A_595 = tpu.vector_load %arg9[%get3A_593, %get3A_594] {strides = array<i32>} : memref<128x16xf32, #tpu.memory_space<vmem>>, vector<16xf32>,
      %swap3A_596 = arith.constant 1360 : index
      %swap3A_597 = tpu.vector_load %arg7[%swap3A_596] {strides = array<i32>} : memref<16384xf32, #tpu.memory_space<vmem>>, vector<16xf32>,
      tpu.vector_store %arg7[%swap3A_596], %get3A_595 {strides = array<i32>} : memref<16384xf32, #tpu.memory_space<vmem>>, vector<16xf32>,
      %get3A_598 = arith.constant 86 : i32
      %get3A_599 = arith.index_cast %get3A_598 : i32 to index
      %get3A_600 = arith.constant 0 : index
      %get3A_601 = tpu.vector_load %arg9[%get3A_599, %get3A_600] {strides = array<i32>} : memref<128x16xf32, #tpu.memory_space<vmem>>, vector<16xf32>,
      %swap3A_602 = arith.constant 1376 : index
      %swap3A_603 = tpu.vector_load %arg7[%swap3A_602] {strides = array<i32>} : memref<16384xf32, #tpu.memory_space<vmem>>, vector<16xf32>,
      tpu.vector_store %arg7[%swap3A_602], %get3A_601 {strides = array<i32>} : memref<16384xf32, #tpu.memory_space<vmem>>, vector<16xf32>,
      %get3A_604 = arith.constant 87 : i32
      %get3A_605 = arith.index_cast %get3A_604 : i32 to index
      %get3A_606 = arith.constant 0 : index
      %get3A_607 = tpu.vector_load %arg9[%get3A_605, %get3A_606] {strides = array<i32>} : memref<128x16xf32, #tpu.memory_space<vmem>>, vector<16xf32>,
      %swap3A_608 = arith.constant 1392 : index
      %swap3A_609 = tpu.vector_load %arg7[%swap3A_608] {strides = array<i32>} : memref<16384xf32, #tpu.memory_space<vmem>>, vector<16xf32>,
      tpu.vector_store %arg7[%swap3A_608], %get3A_607 {strides = array<i32>} : memref<16384xf32, #tpu.memory_space<vmem>>, vector<16xf32>,
      %get3A_610 = arith.constant 88 : i32
      %get3A_611 = arith.index_cast %get3A_610 : i32 to index
      %get3A_612 = arith.constant 0 : index
      %get3A_613 = tpu.vector_load %arg9[%get3A_611, %get3A_612] {strides = array<i32>} : memref<128x16xf32, #tpu.memory_space<vmem>>, vector<16xf32>,
      %swap3A_614 = arith.constant 1408 : index
      %swap3A_615 = tpu.vector_load %arg7[%swap3A_614] {strides = array<i32>} : memref<16384xf32, #tpu.memory_space<vmem>>, vector<16xf32>,
      tpu.vector_store %arg7[%swap3A_614], %get3A_613 {strides = array<i32>} : memref<16384xf32, #tpu.memory_space<vmem>>, vector<16xf32>,
      %get3A_616 = arith.constant 89 : i32
      %get3A_617 = arith.index_cast %get3A_616 : i32 to index
      %get3A_618 = arith.constant 0 : index
      %get3A_619 = tpu.vector_load %arg9[%get3A_617, %get3A_618] {strides = array<i32>} : memref<128x16xf32, #tpu.memory_space<vmem>>, vector<16xf32>,
      %swap3A_620 = arith.constant 1424 : index
      %swap3A_621 = tpu.vector_load %arg7[%swap3A_620] {strides = array<i32>} : memref<16384xf32, #tpu.memory_space<vmem>>, vector<16xf32>,
      tpu.vector_store %arg7[%swap3A_620], %get3A_619 {strides = array<i32>} : memref<16384xf32, #tpu.memory_space<vmem>>, vector<16xf32>,
      %get3A_622 = arith.constant 90 : i32
      %get3A_623 = arith.index_cast %get3A_622 : i32 to index
      %get3A_624 = arith.constant 0 : index
      %get3A_625 = tpu.vector_load %arg9[%get3A_623, %get3A_624] {strides = array<i32>} : memref<128x16xf32, #tpu.memory_space<vmem>>, vector<16xf32>,
      %swap3A_626 = arith.constant 1440 : index
      %swap3A_627 = tpu.vector_load %arg7[%swap3A_626] {strides = array<i32>} : memref<16384xf32, #tpu.memory_space<vmem>>, vector<16xf32>,
      tpu.vector_store %arg7[%swap3A_626], %get3A_625 {strides = array<i32>} : memref<16384xf32, #tpu.memory_space<vmem>>, vector<16xf32>,
      %get3A_628 = arith.constant 91 : i32
      %get3A_629 = arith.index_cast %get3A_628 : i32 to index
      %get3A_630 = arith.constant 0 : index
      %get3A_631 = tpu.vector_load %arg9[%get3A_629, %get3A_630] {strides = array<i32>} : memref<128x16xf32, #tpu.memory_space<vmem>>, vector<16xf32>,
      %swap3A_632 = arith.constant 1456 : index
      %swap3A_633 = tpu.vector_load %arg7[%swap3A_632] {strides = array<i32>} : memref<16384xf32, #tpu.memory_space<vmem>>, vector<16xf32>,
      tpu.vector_store %arg7[%swap3A_632], %get3A_631 {strides = array<i32>} : memref<16384xf32, #tpu.memory_space<vmem>>, vector<16xf32>,
      %get3A_634 = arith.constant 92 : i32
      %get3A_635 = arith.index_cast %get3A_634 : i32 to index
      %get3A_636 = arith.constant 0 : index
      %get3A_637 = tpu.vector_load %arg9[%get3A_635, %get3A_636] {strides = array<i32>} : memref<128x16xf32, #tpu.memory_space<vmem>>, vector<16xf32>,
      %swap3A_638 = arith.constant 1472 : index
      %swap3A_639 = tpu.vector_load %arg7[%swap3A_638] {strides = array<i32>} : memref<16384xf32, #tpu.memory_space<vmem>>, vector<16xf32>,
      tpu.vector_store %arg7[%swap3A_638], %get3A_637 {strides = array<i32>} : memref<16384xf32, #tpu.memory_space<vmem>>, vector<16xf32>,
      %get3A_640 = arith.constant 93 : i32
      %get3A_641 = arith.index_cast %get3A_640 : i32 to index
      %get3A_642 = arith.constant 0 : index
      %get3A_643 = tpu.vector_load %arg9[%get3A_641, %get3A_642] {strides = array<i32>} : memref<128x16xf32, #tpu.memory_space<vmem>>, vector<16xf32>,
      %swap3A_644 = arith.constant 1488 : index
      %swap3A_645 = tpu.vector_load %arg7[%swap3A_644] {strides = array<i32>} : memref<16384xf32, #tpu.memory_space<vmem>>, vector<16xf32>,
      tpu.vector_store %arg7[%swap3A_644], %get3A_643 {strides = array<i32>} : memref<16384xf32, #tpu.memory_space<vmem>>, vector<16xf32>,
      %get3A_646 = arith.constant 94 : i32
      %get3A_647 = arith.index_cast %get3A_646 : i32 to index
      %get3A_648 = arith.constant 0 : index
      %get3A_649 = tpu.vector_load %arg9[%get3A_647, %get3A_648] {strides = array<i32>} : memref<128x16xf32, #tpu.memory_space<vmem>>, vector<16xf32>,
      %swap3A_650 = arith.constant 1504 : index
      %swap3A_651 = tpu.vector_load %arg7[%swap3A_650] {strides = array<i32>} : memref<16384xf32, #tpu.memory_space<vmem>>, vector<16xf32>,
      tpu.vector_store %arg7[%swap3A_650], %get3A_649 {strides = array<i32>} : memref<16384xf32, #tpu.memory_space<vmem>>, vector<16xf32>,
      %get3A_652 = arith.constant 95 : i32
      %get3A_653 = arith.index_cast %get3A_652 : i32 to index
      %get3A_654 = arith.constant 0 : index
      %get3A_655 = tpu.vector_load %arg9[%get3A_653, %get3A_654] {strides = array<i32>} : memref<128x16xf32, #tpu.memory_space<vmem>>, vector<16xf32>,
      %swap3A_656 = arith.constant 1520 : index
      %swap3A_657 = tpu.vector_load %arg7[%swap3A_656] {strides = array<i32>} : memref<16384xf32, #tpu.memory_space<vmem>>, vector<16xf32>,
      tpu.vector_store %arg7[%swap3A_656], %get3A_655 {strides = array<i32>} : memref<16384xf32, #tpu.memory_space<vmem>>, vector<16xf32>,
      %get3A_658 = arith.constant 96 : i32
      %get3A_659 = arith.index_cast %get3A_658 : i32 to index
      %get3A_660 = arith.constant 0 : index
      %get3A_661 = tpu.vector_load %arg9[%get3A_659, %get3A_660] {strides = array<i32>} : memref<128x16xf32, #tpu.memory_space<vmem>>, vector<16xf32>,
      %swap3A_662 = arith.constant 1536 : index
      %swap3A_663 = tpu.vector_load %arg7[%swap3A_662] {strides = array<i32>} : memref<16384xf32, #tpu.memory_space<vmem>>, vector<16xf32>,
      tpu.vector_store %arg7[%swap3A_662], %get3A_661 {strides = array<i32>} : memref<16384xf32, #tpu.memory_space<vmem>>, vector<16xf32>,
      %get3A_664 = arith.constant 97 : i32
      %get3A_665 = arith.index_cast %get3A_664 : i32 to index
      %get3A_666 = arith.constant 0 : index
      %get3A_667 = tpu.vector_load %arg9[%get3A_665, %get3A_666] {strides = array<i32>} : memref<128x16xf32, #tpu.memory_space<vmem>>, vector<16xf32>,
      %swap3A_668 = arith.constant 1552 : index
      %swap3A_669 = tpu.vector_load %arg7[%swap3A_668] {strides = array<i32>} : memref<16384xf32, #tpu.memory_space<vmem>>, vector<16xf32>,
      tpu.vector_store %arg7[%swap3A_668], %get3A_667 {strides = array<i32>} : memref<16384xf32, #tpu.memory_space<vmem>>, vector<16xf32>,
      %get3A_670 = arith.constant 98 : i32
      %get3A_671 = arith.index_cast %get3A_670 : i32 to index
      %get3A_672 = arith.constant 0 : index
      %get3A_673 = tpu.vector_load %arg9[%get3A_671, %get3A_672] {strides = array<i32>} : memref<128x16xf32, #tpu.memory_space<vmem>>, vector<16xf32>,
      %swap3A_674 = arith.constant 1568 : index
      %swap3A_675 = tpu.vector_load %arg7[%swap3A_674] {strides = array<i32>} : memref<16384xf32, #tpu.memory_space<vmem>>, vector<16xf32>,
      tpu.vector_store %arg7[%swap3A_674], %get3A_673 {strides = array<i32>} : memref<16384xf32, #tpu.memory_space<vmem>>, vector<16xf32>,
      %get3A_676 = arith.constant 99 : i32
      %get3A_677 = arith.index_cast %get3A_676 : i32 to index
      %get3A_678 = arith.constant 0 : index
      %get3A_679 = tpu.vector_load %arg9[%get3A_677, %get3A_678] {strides = array<i32>} : memref<128x16xf32, #tpu.memory_space<vmem>>, vector<16xf32>,
      %swap3A_680 = arith.constant 1584 : index
      %swap3A_681 = tpu.vector_load %arg7[%swap3A_680] {strides = array<i32>} : memref<16384xf32, #tpu.memory_space<vmem>>, vector<16xf32>,
      tpu.vector_store %arg7[%swap3A_680], %get3A_679 {strides = array<i32>} : memref<16384xf32, #tpu.memory_space<vmem>>, vector<16xf32>,
      %get3A_682 = arith.constant 100 : i32
      %get3A_683 = arith.index_cast %get3A_682 : i32 to index
      %get3A_684 = arith.constant 0 : index
      %get3A_685 = tpu.vector_load %arg9[%get3A_683, %get3A_684] {strides = array<i32>} : memref<128x16xf32, #tpu.memory_space<vmem>>, vector<16xf32>,
      %swap3A_686 = arith.constant 1600 : index
      %swap3A_687 = tpu.vector_load %arg7[%swap3A_686] {strides = array<i32>} : memref<16384xf32, #tpu.memory_space<vmem>>, vector<16xf32>,
      tpu.vector_store %arg7[%swap3A_686], %get3A_685 {strides = array<i32>} : memref<16384xf32, #tpu.memory_space<vmem>>, vector<16xf32>,
      %get3A_688 = arith.constant 101 : i32
      %get3A_689 = arith.index_cast %get3A_688 : i32 to index
      %get3A_690 = arith.constant 0 : index
      %get3A_691 = tpu.vector_load %arg9[%get3A_689, %get3A_690] {strides = array<i32>} : memref<128x16xf32, #tpu.memory_space<vmem>>, vector<16xf32>,
      %swap3A_692 = arith.constant 1616 : index
      %swap3A_693 = tpu.vector_load %arg7[%swap3A_692] {strides = array<i32>} : memref<16384xf32, #tpu.memory_space<vmem>>, vector<16xf32>,
      tpu.vector_store %arg7[%swap3A_692], %get3A_691 {strides = array<i32>} : memref<16384xf32, #tpu.memory_space<vmem>>, vector<16xf32>,
      %get3A_694 = arith.constant 102 : i32
      %get3A_695 = arith.index_cast %get3A_694 : i32 to index
      %get3A_696 = arith.constant 0 : index
      %get3A_697 = tpu.vector_load %arg9[%get3A_695, %get3A_696] {strides = array<i32>} : memref<128x16xf32, #tpu.memory_space<vmem>>, vector<16xf32>,
      %swap3A_698 = arith.constant 1632 : index
      %swap3A_699 = tpu.vector_load %arg7[%swap3A_698] {strides = array<i32>} : memref<16384xf32, #tpu.memory_space<vmem>>, vector<16xf32>,
      tpu.vector_store %arg7[%swap3A_698], %get3A_697 {strides = array<i32>} : memref<16384xf32, #tpu.memory_space<vmem>>, vector<16xf32>,
      %get3A_700 = arith.constant 103 : i32
      %get3A_701 = arith.index_cast %get3A_700 : i32 to index
      %get3A_702 = arith.constant 0 : index
      %get3A_703 = tpu.vector_load %arg9[%get3A_701, %get3A_702] {strides = array<i32>} : memref<128x16xf32, #tpu.memory_space<vmem>>, vector<16xf32>,
      %swap3A_704 = arith.constant 1648 : index
      %swap3A_705 = tpu.vector_load %arg7[%swap3A_704] {strides = array<i32>} : memref<16384xf32, #tpu.memory_space<vmem>>, vector<16xf32>,
      tpu.vector_store %arg7[%swap3A_704], %get3A_703 {strides = array<i32>} : memref<16384xf32, #tpu.memory_space<vmem>>, vector<16xf32>,
      %get3A_706 = arith.constant 104 : i32
      %get3A_707 = arith.index_cast %get3A_706 : i32 to index
      %get3A_708 = arith.constant 0 : index
      %get3A_709 = tpu.vector_load %arg9[%get3A_707, %get3A_708] {strides = array<i32>} : memref<128x16xf32, #tpu.memory_space<vmem>>, vector<16xf32>,
      %swap3A_710 = arith.constant 1664 : index
      %swap3A_711 = tpu.vector_load %arg7[%swap3A_710] {strides = array<i32>} : memref<16384xf32, #tpu.memory_space<vmem>>, vector<16xf32>,
      tpu.vector_store %arg7[%swap3A_710], %get3A_709 {strides = array<i32>} : memref<16384xf32, #tpu.memory_space<vmem>>, vector<16xf32>,
      %get3A_712 = arith.constant 105 : i32
      %get3A_713 = arith.index_cast %get3A_712 : i32 to index
      %get3A_714 = arith.constant 0 : index
      %get3A_715 = tpu.vector_load %arg9[%get3A_713, %get3A_714] {strides = array<i32>} : memref<128x16xf32, #tpu.memory_space<vmem>>, vector<16xf32>,
      %swap3A_716 = arith.constant 1680 : index
      %swap3A_717 = tpu.vector_load %arg7[%swap3A_716] {strides = array<i32>} : memref<16384xf32, #tpu.memory_space<vmem>>, vector<16xf32>,
      tpu.vector_store %arg7[%swap3A_716], %get3A_715 {strides = array<i32>} : memref<16384xf32, #tpu.memory_space<vmem>>, vector<16xf32>,
      %get3A_718 = arith.constant 106 : i32
      %get3A_719 = arith.index_cast %get3A_718 : i32 to index
      %get3A_720 = arith.constant 0 : index
      %get3A_721 = tpu.vector_load %arg9[%get3A_719, %get3A_720] {strides = array<i32>} : memref<128x16xf32, #tpu.memory_space<vmem>>, vector<16xf32>,
      %swap3A_722 = arith.constant 1696 : index
      %swap3A_723 = tpu.vector_load %arg7[%swap3A_722] {strides = array<i32>} : memref<16384xf32, #tpu.memory_space<vmem>>, vector<16xf32>,
      tpu.vector_store %arg7[%swap3A_722], %get3A_721 {strides = array<i32>} : memref<16384xf32, #tpu.memory_space<vmem>>, vector<16xf32>,
      %get3A_724 = arith.constant 107 : i32
      %get3A_725 = arith.index_cast %get3A_724 : i32 to index
      %get3A_726 = arith.constant 0 : index
      %get3A_727 = tpu.vector_load %arg9[%get3A_725, %get3A_726] {strides = array<i32>} : memref<128x16xf32, #tpu.memory_space<vmem>>, vector<16xf32>,
      %swap3A_728 = arith.constant 1712 : index
      %swap3A_729 = tpu.vector_load %arg7[%swap3A_728] {strides = array<i32>} : memref<16384xf32, #tpu.memory_space<vmem>>, vector<16xf32>,
      tpu.vector_store %arg7[%swap3A_728], %get3A_727 {strides = array<i32>} : memref<16384xf32, #tpu.memory_space<vmem>>, vector<16xf32>,
      %get3A_730 = arith.constant 108 : i32
      %get3A_731 = arith.index_cast %get3A_730 : i32 to index
      %get3A_732 = arith.constant 0 : index
      %get3A_733 = tpu.vector_load %arg9[%get3A_731, %get3A_732] {strides = array<i32>} : memref<128x16xf32, #tpu.memory_space<vmem>>, vector<16xf32>,
      %swap3A_734 = arith.constant 1728 : index
      %swap3A_735 = tpu.vector_load %arg7[%swap3A_734] {strides = array<i32>} : memref<16384xf32, #tpu.memory_space<vmem>>, vector<16xf32>,
      tpu.vector_store %arg7[%swap3A_734], %get3A_733 {strides = array<i32>} : memref<16384xf32, #tpu.memory_space<vmem>>, vector<16xf32>,
      %get3A_736 = arith.constant 109 : i32
      %get3A_737 = arith.index_cast %get3A_736 : i32 to index
      %get3A_738 = arith.constant 0 : index
      %get3A_739 = tpu.vector_load %arg9[%get3A_737, %get3A_738] {strides = array<i32>} : memref<128x16xf32, #tpu.memory_space<vmem>>, vector<16xf32>,
      %swap3A_740 = arith.constant 1744 : index
      %swap3A_741 = tpu.vector_load %arg7[%swap3A_740] {strides = array<i32>} : memref<16384xf32, #tpu.memory_space<vmem>>, vector<16xf32>,
      tpu.vector_store %arg7[%swap3A_740], %get3A_739 {strides = array<i32>} : memref<16384xf32, #tpu.memory_space<vmem>>, vector<16xf32>,
      %get3A_742 = arith.constant 110 : i32
      %get3A_743 = arith.index_cast %get3A_742 : i32 to index
      %get3A_744 = arith.constant 0 : index
      %get3A_745 = tpu.vector_load %arg9[%get3A_743, %get3A_744] {strides = array<i32>} : memref<128x16xf32, #tpu.memory_space<vmem>>, vector<16xf32>,
      %swap3A_746 = arith.constant 1760 : index
      %swap3A_747 = tpu.vector_load %arg7[%swap3A_746] {strides = array<i32>} : memref<16384xf32, #tpu.memory_space<vmem>>, vector<16xf32>,
      tpu.vector_store %arg7[%swap3A_746], %get3A_745 {strides = array<i32>} : memref<16384xf32, #tpu.memory_space<vmem>>, vector<16xf32>,
      %get3A_748 = arith.constant 111 : i32
      %get3A_749 = arith.index_cast %get3A_748 : i32 to index
      %get3A_750 = arith.constant 0 : index
      %get3A_751 = tpu.vector_load %arg9[%get3A_749, %get3A_750] {strides = array<i32>} : memref<128x16xf32, #tpu.memory_space<vmem>>, vector<16xf32>,
      %swap3A_752 = arith.constant 1776 : index
      %swap3A_753 = tpu.vector_load %arg7[%swap3A_752] {strides = array<i32>} : memref<16384xf32, #tpu.memory_space<vmem>>, vector<16xf32>,
      tpu.vector_store %arg7[%swap3A_752], %get3A_751 {strides = array<i32>} : memref<16384xf32, #tpu.memory_space<vmem>>, vector<16xf32>,
      %get3A_754 = arith.constant 112 : i32
      %get3A_755 = arith.index_cast %get3A_754 : i32 to index
      %get3A_756 = arith.constant 0 : index
      %get3A_757 = tpu.vector_load %arg9[%get3A_755, %get3A_756] {strides = array<i32>} : memref<128x16xf32, #tpu.memory_space<vmem>>, vector<16xf32>,
      %swap3A_758 = arith.constant 1792 : index
      %swap3A_759 = tpu.vector_load %arg7[%swap3A_758] {strides = array<i32>} : memref<16384xf32, #tpu.memory_space<vmem>>, vector<16xf32>,
      tpu.vector_store %arg7[%swap3A_758], %get3A_757 {strides = array<i32>} : memref<16384xf32, #tpu.memory_space<vmem>>, vector<16xf32>,
      %get3A_760 = arith.constant 113 : i32
      %get3A_761 = arith.index_cast %get3A_760 : i32 to index
      %get3A_762 = arith.constant 0 : index
      %get3A_763 = tpu.vector_load %arg9[%get3A_761, %get3A_762] {strides = array<i32>} : memref<128x16xf32, #tpu.memory_space<vmem>>, vector<16xf32>,
      %swap3A_764 = arith.constant 1808 : index
      %swap3A_765 = tpu.vector_load %arg7[%swap3A_764] {strides = array<i32>} : memref<16384xf32, #tpu.memory_space<vmem>>, vector<16xf32>,
      tpu.vector_store %arg7[%swap3A_764], %get3A_763 {strides = array<i32>} : memref<16384xf32, #tpu.memory_space<vmem>>, vector<16xf32>,
      %get3A_766 = arith.constant 114 : i32
      %get3A_767 = arith.index_cast %get3A_766 : i32 to index
      %get3A_768 = arith.constant 0 : index
      %get3A_769 = tpu.vector_load %arg9[%get3A_767, %get3A_768] {strides = array<i32>} : memref<128x16xf32, #tpu.memory_space<vmem>>, vector<16xf32>,
      %swap3A_770 = arith.constant 1824 : index
      %swap3A_771 = tpu.vector_load %arg7[%swap3A_770] {strides = array<i32>} : memref<16384xf32, #tpu.memory_space<vmem>>, vector<16xf32>,
      tpu.vector_store %arg7[%swap3A_770], %get3A_769 {strides = array<i32>} : memref<16384xf32, #tpu.memory_space<vmem>>, vector<16xf32>,
      %get3A_772 = arith.constant 115 : i32
      %get3A_773 = arith.index_cast %get3A_772 : i32 to index
      %get3A_774 = arith.constant 0 : index
      %get3A_775 = tpu.vector_load %arg9[%get3A_773, %get3A_774] {strides = array<i32>} : memref<128x16xf32, #tpu.memory_space<vmem>>, vector<16xf32>,
      %swap3A_776 = arith.constant 1840 : index
      %swap3A_777 = tpu.vector_load %arg7[%swap3A_776] {strides = array<i32>} : memref<16384xf32, #tpu.memory_space<vmem>>, vector<16xf32>,
      tpu.vector_store %arg7[%swap3A_776], %get3A_775 {strides = array<i32>} : memref<16384xf32, #tpu.memory_space<vmem>>, vector<16xf32>,
      %get3A_778 = arith.constant 116 : i32
      %get3A_779 = arith.index_cast %get3A_778 : i32 to index
      %get3A_780 = arith.constant 0 : index
      %get3A_781 = tpu.vector_load %arg9[%get3A_779, %get3A_780] {strides = array<i32>} : memref<128x16xf32, #tpu.memory_space<vmem>>, vector<16xf32>,
      %swap3A_782 = arith.constant 1856 : index
      %swap3A_783 = tpu.vector_load %arg7[%swap3A_782] {strides = array<i32>} : memref<16384xf32, #tpu.memory_space<vmem>>, vector<16xf32>,
      tpu.vector_store %arg7[%swap3A_782], %get3A_781 {strides = array<i32>} : memref<16384xf32, #tpu.memory_space<vmem>>, vector<16xf32>,
      %get3A_784 = arith.constant 117 : i32
      %get3A_785 = arith.index_cast %get3A_784 : i32 to index
      %get3A_786 = arith.constant 0 : index
      %get3A_787 = tpu.vector_load %arg9[%get3A_785, %get3A_786] {strides = array<i32>} : memref<128x16xf32, #tpu.memory_space<vmem>>, vector<16xf32>,
      %swap3A_788 = arith.constant 1872 : index
      %swap3A_789 = tpu.vector_load %arg7[%swap3A_788] {strides = array<i32>} : memref<16384xf32, #tpu.memory_space<vmem>>, vector<16xf32>,
      tpu.vector_store %arg7[%swap3A_788], %get3A_787 {strides = array<i32>} : memref<16384xf32, #tpu.memory_space<vmem>>, vector<16xf32>,
      %get3A_790 = arith.constant 118 : i32
      %get3A_791 = arith.index_cast %get3A_790 : i32 to index
      %get3A_792 = arith.constant 0 : index
      %get3A_793 = tpu.vector_load %arg9[%get3A_791, %get3A_792] {strides = array<i32>} : memref<128x16xf32, #tpu.memory_space<vmem>>, vector<16xf32>,
      %swap3A_794 = arith.constant 1888 : index
      %swap3A_795 = tpu.vector_load %arg7[%swap3A_794] {strides = array<i32>} : memref<16384xf32, #tpu.memory_space<vmem>>, vector<16xf32>,
      tpu.vector_store %arg7[%swap3A_794], %get3A_793 {strides = array<i32>} : memref<16384xf32, #tpu.memory_space<vmem>>, vector<16xf32>,
      %get3A_796 = arith.constant 119 : i32
      %get3A_797 = arith.index_cast %get3A_796 : i32 to index
      %get3A_798 = arith.constant 0 : index
      %get3A_799 = tpu.vector_load %arg9[%get3A_797, %get3A_798] {strides = array<i32>} : memref<128x16xf32, #tpu.memory_space<vmem>>, vector<16xf32>,
      %swap3A_800 = arith.constant 1904 : index
      %swap3A_801 = tpu.vector_load %arg7[%swap3A_800] {strides = array<i32>} : memref<16384xf32, #tpu.memory_space<vmem>>, vector<16xf32>,
      tpu.vector_store %arg7[%swap3A_800], %get3A_799 {strides = array<i32>} : memref<16384xf32, #tpu.memory_space<vmem>>, vector<16xf32>,
      %get3A_802 = arith.constant 120 : i32
      %get3A_803 = arith.index_cast %get3A_802 : i32 to index
      %get3A_804 = arith.constant 0 : index
      %get3A_805 = tpu.vector_load %arg9[%get3A_803, %get3A_804] {strides = array<i32>} : memref<128x16xf32, #tpu.memory_space<vmem>>, vector<16xf32>,
      %swap3A_806 = arith.constant 1920 : index
      %swap3A_807 = tpu.vector_load %arg7[%swap3A_806] {strides = array<i32>} : memref<16384xf32, #tpu.memory_space<vmem>>, vector<16xf32>,
      tpu.vector_store %arg7[%swap3A_806], %get3A_805 {strides = array<i32>} : memref<16384xf32, #tpu.memory_space<vmem>>, vector<16xf32>,
      %get3A_808 = arith.constant 121 : i32
      %get3A_809 = arith.index_cast %get3A_808 : i32 to index
      %get3A_810 = arith.constant 0 : index
      %get3A_811 = tpu.vector_load %arg9[%get3A_809, %get3A_810] {strides = array<i32>} : memref<128x16xf32, #tpu.memory_space<vmem>>, vector<16xf32>,
      %swap3A_812 = arith.constant 1936 : index
      %swap3A_813 = tpu.vector_load %arg7[%swap3A_812] {strides = array<i32>} : memref<16384xf32, #tpu.memory_space<vmem>>, vector<16xf32>,
      tpu.vector_store %arg7[%swap3A_812], %get3A_811 {strides = array<i32>} : memref<16384xf32, #tpu.memory_space<vmem>>, vector<16xf32>,
      %get3A_814 = arith.constant 122 : i32
      %get3A_815 = arith.index_cast %get3A_814 : i32 to index
      %get3A_816 = arith.constant 0 : index
      %get3A_817 = tpu.vector_load %arg9[%get3A_815, %get3A_816] {strides = array<i32>} : memref<128x16xf32, #tpu.memory_space<vmem>>, vector<16xf32>,
      %swap3A_818 = arith.constant 1952 : index
      %swap3A_819 = tpu.vector_load %arg7[%swap3A_818] {strides = array<i32>} : memref<16384xf32, #tpu.memory_space<vmem>>, vector<16xf32>,
      tpu.vector_store %arg7[%swap3A_818], %get3A_817 {strides = array<i32>} : memref<16384xf32, #tpu.memory_space<vmem>>, vector<16xf32>,
      %get3A_820 = arith.constant 123 : i32
      %get3A_821 = arith.index_cast %get3A_820 : i32 to index
      %get3A_822 = arith.constant 0 : index
      %get3A_823 = tpu.vector_load %arg9[%get3A_821, %get3A_822] {strides = array<i32>} : memref<128x16xf32, #tpu.memory_space<vmem>>, vector<16xf32>,
      %swap3A_824 = arith.constant 1968 : index
      %swap3A_825 = tpu.vector_load %arg7[%swap3A_824] {strides = array<i32>} : memref<16384xf32, #tpu.memory_space<vmem>>, vector<16xf32>,
      tpu.vector_store %arg7[%swap3A_824], %get3A_823 {strides = array<i32>} : memref<16384xf32, #tpu.memory_space<vmem>>, vector<16xf32>,
      %get3A_826 = arith.constant 124 : i32
      %get3A_827 = arith.index_cast %get3A_826 : i32 to index
      %get3A_828 = arith.constant 0 : index
      %get3A_829 = tpu.vector_load %arg9[%get3A_827, %get3A_828] {strides = array<i32>} : memref<128x16xf32, #tpu.memory_space<vmem>>, vector<16xf32>,
      %swap3A_830 = arith.constant 1984 : index
      %swap3A_831 = tpu.vector_load %arg7[%swap3A_830] {strides = array<i32>} : memref<16384xf32, #tpu.memory_space<vmem>>, vector<16xf32>,
      tpu.vector_store %arg7[%swap3A_830], %get3A_829 {strides = array<i32>} : memref<16384xf32, #tpu.memory_space<vmem>>, vector<16xf32>,
      %get3A_832 = arith.constant 125 : i32
      %get3A_833 = arith.index_cast %get3A_832 : i32 to index
      %get3A_834 = arith.constant 0 : index
      %get3A_835 = tpu.vector_load %arg9[%get3A_833, %get3A_834] {strides = array<i32>} : memref<128x16xf32, #tpu.memory_space<vmem>>, vector<16xf32>,
      %swap3A_836 = arith.constant 2000 : index
      %swap3A_837 = tpu.vector_load %arg7[%swap3A_836] {strides = array<i32>} : memref<16384xf32, #tpu.memory_space<vmem>>, vector<16xf32>,
      tpu.vector_store %arg7[%swap3A_836], %get3A_835 {strides = array<i32>} : memref<16384xf32, #tpu.memory_space<vmem>>, vector<16xf32>,
      %get3A_838 = arith.constant 126 : i32
      %get3A_839 = arith.index_cast %get3A_838 : i32 to index
      %get3A_840 = arith.constant 0 : index
      %get3A_841 = tpu.vector_load %arg9[%get3A_839, %get3A_840] {strides = array<i32>} : memref<128x16xf32, #tpu.memory_space<vmem>>, vector<16xf32>,
      %swap3A_842 = arith.constant 2016 : index
      %swap3A_843 = tpu.vector_load %arg7[%swap3A_842] {strides = array<i32>} : memref<16384xf32, #tpu.memory_space<vmem>>, vector<16xf32>,
      tpu.vector_store %arg7[%swap3A_842], %get3A_841 {strides = array<i32>} : memref<16384xf32, #tpu.memory_space<vmem>>, vector<16xf32>,
      %get3A_844 = arith.constant 127 : i32
      %get3A_845 = arith.index_cast %get3A_844 : i32 to index
      %get3A_846 = arith.constant 0 : index
      %get3A_847 = tpu.vector_load %arg9[%get3A_845, %get3A_846] {strides = array<i32>} : memref<128x16xf32, #tpu.memory_space<vmem>>, vector<16xf32>,
      %swap3A_848 = arith.constant 2032 : index
      %swap3A_849 = tpu.vector_load %arg7[%swap3A_848] {strides = array<i32>} : memref<16384xf32, #tpu.memory_space<vmem>>, vector<16xf32>,
      tpu.vector_store %arg7[%swap3A_848], %get3A_847 {strides = array<i32>} : memref<16384xf32, #tpu.memory_space<vmem>>, vector<16xf32>,
      "tpu.region"() ({
        %run_scoped3A = tpu.sem_alloc : memref<!tpu.dma_semaphore, #tpu.memory_space<semaphore_mem>>
        %dma_start3A_850 = arith.constant 0 : i32
        %dma_start3A_851 = tpu.memref_slice %arg7[%dma_start3A_850] : memref<16384xf32, #tpu.memory_space<vmem>> -> memref<2048xf32, #tpu.memory_space<vmem>>
        %dma_start3A_852 = arith.constant 15998016 : i32
        %dma_start3A_853 = tpu.memref_slice %arg4[%dma_start3A_852] : memref<16000064xf32, #tpu.memory_space<hbm>> -> memref<2048xf32, #tpu.memory_space<hbm>>
        %dma_start3A_854 = arith.constant 15998016 : i32
        %dma_start3A_855 = tpu.memref_slice %arg4[%dma_start3A_854] : memref<16000064xf32, #tpu.memory_space<hbm>> -> memref<2048xf32, #tpu.memory_space<hbm>>
        %dma_start3A_856 = arith.constant 0 : i32
        %dma_start3A_857 = tpu.memref_slice %arg7[%dma_start3A_856] : memref<16384xf32, #tpu.memory_space<vmem>> -> memref<2048xf32, #tpu.memory_space<vmem>>
        tpu.enqueue_dma source(%dma_start3A_857 : memref<2048xf32, #tpu.memory_space<vmem>>) target(%dma_start3A_855 : memref<2048xf32, #tpu.memory_space<hbm>>) target_semaphore(%run_scoped3A : memref<!tpu.dma_semaphore, #tpu.memory_space<semaphore_mem>>)
        %dma_wait3A = arith.constant 0 : i32
        %dma_wait3A_858 = tpu.memref_slice %arg7[%dma_wait3A] : memref<16384xf32, #tpu.memory_space<vmem>> -> memref<2048xf32, #tpu.memory_space<vmem>>
        %dma_wait3A_859 = arith.constant 15998016 : i32
        %dma_wait3A_860 = tpu.memref_slice %arg4[%dma_wait3A_859] : memref<16000064xf32, #tpu.memory_space<hbm>> -> memref<2048xf32, #tpu.memory_space<hbm>>
        %dma_wait3A_861 = arith.constant 15998016 : i32
        %dma_wait3A_862 = tpu.memref_slice %arg4[%dma_wait3A_861] : memref<16000064xf32, #tpu.memory_space<hbm>> -> memref<2048xf32, #tpu.memory_space<hbm>>
        %dma_wait3A_863 = arith.constant 0 : i32
        %dma_wait3A_864 = tpu.memref_slice %arg7[%dma_wait3A_863] : memref<16384xf32, #tpu.memory_space<vmem>> -> memref<2048xf32, #tpu.memory_space<vmem>>
        tpu.wait_dma2 semaphore(%run_scoped3A : memref<!tpu.dma_semaphore, #tpu.memory_space<semaphore_mem>>) src(%dma_wait3A_864 : memref<2048xf32, #tpu.memory_space<vmem>>) dst(%dma_wait3A_862 : memref<2048xf32, #tpu.memory_space<hbm>>)
        tpu.yield
      }) : () -> ()
    } else {
    }
    return
  }
}

#map = affine_map<(d0, d1) -> (0)>
#map1 = affine_map<(d0, d1) -> (0, 0)>
module attributes {stable_mosaic.version = 14 : i64} {
  func.func @k(%arg0: i32, %arg1: i32, %arg2: memref<3276800xi32, #tpu.memory_space<hbm>>, %arg3: memref<1000004x16xf32, #tpu.memory_space<hbm>>, %arg4: memref<16384x16xf32, #tpu.memory_space<hbm>>, %arg5: memref<1600xi32, #tpu.memory_space<vmem>>, %arg6: memref<1600xi32, #tpu.memory_space<vmem>>, %arg7: memref<1600xi32, #tpu.memory_space<vmem>>, %arg8: memref<1600x16xf32, #tpu.memory_space<vmem>>, %arg9: memref<1600x16xf32, #tpu.memory_space<vmem>>, %arg10: memref<1600x16xf32, #tpu.memory_space<vmem>>, %arg11: memref<512x16xf32, #tpu.memory_space<vmem>>, %arg12: memref<!tpu.dma_semaphore, #tpu.memory_space<semaphore_mem>>, %arg13: memref<!tpu.dma_semaphore, #tpu.memory_space<semaphore_mem>>, %arg14: memref<!tpu.dma_semaphore, #tpu.memory_space<semaphore_mem>>, %arg15: memref<!tpu.dma_semaphore, #tpu.memory_space<semaphore_mem>>, %arg16: memref<!tpu.dma_semaphore, #tpu.memory_space<semaphore_mem>>, %arg17: memref<!tpu.dma_semaphore, #tpu.memory_space<semaphore_mem>>) attributes {dimension_semantics = [#tpu.dimension_semantics<core_parallel>, #tpu.dimension_semantics<subcore_parallel>], iteration_bounds = array<i64: 2, 16>, scalar_prefetch = 0 : i64, scratch_operands = 13 : i64, tpu.core_type = #tpu.core_type<sc_vector_subcore>, window_params = [{transform_indices = #map}, {transform_indices = #map1}, {transform_indices = #map1}]} {
    %mul3A = arith.constant 2 : i32
    %mul3A_0 = arith.muli %arg1, %mul3A : i32
    %add3A = arith.addi %mul3A_0, %arg0 : i32
    %mul3A_1 = arith.constant 102400 : i32
    %mul3A_2 = arith.muli %add3A, %mul3A_1 : i32
    %mul3A_3 = arith.constant 512 : i32
    %mul3A_4 = arith.muli %add3A, %mul3A_3 : i32
    %add3A_5 = arith.constant 0 : i32
    %add3A_6 = arith.addi %mul3A_2, %add3A_5 : i32
    %dma_start3A = tpu.memref_slice %arg2[%add3A_6] : memref<3276800xi32, #tpu.memory_space<hbm>> -> memref<1600xi32, #tpu.memory_space<hbm>>
    %dma_start3A_7 = tpu.memref_slice %arg2[%add3A_6] : memref<3276800xi32, #tpu.memory_space<hbm>> -> memref<1600xi32, #tpu.memory_space<hbm>>
    tpu.enqueue_dma source(%dma_start3A_7 : memref<1600xi32, #tpu.memory_space<hbm>>) target(%arg5 : memref<1600xi32, #tpu.memory_space<vmem>>) target_semaphore(%arg12 : memref<!tpu.dma_semaphore, #tpu.memory_space<semaphore_mem>>)
    %dma_wait3A = arith.constant 0 : i32
    %dma_wait3A_8 = tpu.memref_slice %arg2[%dma_wait3A] : memref<3276800xi32, #tpu.memory_space<hbm>> -> memref<1600xi32, #tpu.memory_space<hbm>>
    %dma_wait3A_9 = arith.constant 0 : i32
    %dma_wait3A_10 = tpu.memref_slice %arg2[%dma_wait3A_9] : memref<3276800xi32, #tpu.memory_space<hbm>> -> memref<1600xi32, #tpu.memory_space<hbm>>
    tpu.wait_dma2 semaphore(%arg12 : memref<!tpu.dma_semaphore, #tpu.memory_space<semaphore_mem>>) src(%dma_wait3A_10 : memref<1600xi32, #tpu.memory_space<hbm>>) dst(%arg5 : memref<1600xi32, #tpu.memory_space<vmem>>)
    %dma_start3A_11 = arith.constant 0 : i32
    %dma_start3A_12 = arith.constant 0 : i32
    %dma_start3A_13 = tpu.memref_slice %arg3[%dma_start3A_11, %dma_start3A_12] : memref<1000004x16xf32, #tpu.memory_space<hbm>> -> memref<1000004x16xf32, #tpu.memory_space<hbm>>
    tpu.enqueue_indirect_dma source(%dma_start3A_13 : memref<1000004x16xf32, #tpu.memory_space<hbm>>) target(%arg8 : memref<1600x16xf32, #tpu.memory_space<vmem>>) offsets(%arg5 : memref<1600xi32, #tpu.memory_space<vmem>>) semaphore(%arg15 : memref<!tpu.dma_semaphore, #tpu.memory_space<semaphore_mem>>)
    %add3A_14 = arith.constant 1600 : i32
    %add3A_15 = arith.addi %mul3A_2, %add3A_14 : i32
    %dma_start3A_16 = tpu.memref_slice %arg2[%add3A_15] : memref<3276800xi32, #tpu.memory_space<hbm>> -> memref<1600xi32, #tpu.memory_space<hbm>>
    %dma_start3A_17 = tpu.memref_slice %arg2[%add3A_15] : memref<3276800xi32, #tpu.memory_space<hbm>> -> memref<1600xi32, #tpu.memory_space<hbm>>
    tpu.enqueue_dma source(%dma_start3A_17 : memref<1600xi32, #tpu.memory_space<hbm>>) target(%arg6 : memref<1600xi32, #tpu.memory_space<vmem>>) target_semaphore(%arg13 : memref<!tpu.dma_semaphore, #tpu.memory_space<semaphore_mem>>)
    %scan3A = arith.constant 0 : i32
    %scan3A_18 = arith.constant 5.000000e-03 : f32
    %scan3A_19 = arith.constant 0 : i32
    %scan3A_20 = arith.constant 22 : i32
    %scan3A_21 = arith.addi %scan3A_19, %scan3A_20 : i32
    %scan3A_22 = arith.constant 1 : i32
    scf.for %scan3A_24 = %scan3A_19 to %scan3A_21 step %scan3A_22  : i32 {
      %mul3A_25 = arith.constant 3 : i32
      %mul3A_26 = arith.muli %scan3A_24, %mul3A_25 : i32
      %add3A_27 = arith.constant 0 : i32
      %add3A_28 = arith.addi %mul3A_26, %add3A_27 : i32
      %lt3A = arith.constant 64 : i32
      %lt3A_29 = arith.cmpi slt, %add3A_28, %lt3A : i32
      %convert_element_type3A = arith.extui %lt3A_29 : i1 to i32
      %cond3A = arith.constant 0 : i32
      %cond3A_30 = arith.cmpi ne, %convert_element_type3A, %cond3A : i32
      scf.if %cond3A_30 {
        %add3A_49 = arith.constant 2 : i32
        %add3A_50 = arith.addi %add3A_28, %add3A_49 : i32
        %lt3A_51 = arith.constant 64 : i32
        %lt3A_52 = arith.cmpi slt, %add3A_50, %lt3A_51 : i32
        %convert_element_type3A_53 = arith.extui %lt3A_52 : i1 to i32
        %cond3A_54 = arith.constant 0 : i32
        %cond3A_55 = arith.cmpi ne, %convert_element_type3A_53, %cond3A_54 : i32
        scf.if %cond3A_55 {
          %add3A_196 = arith.constant 2 : i32
          %add3A_197 = arith.addi %add3A_28, %add3A_196 : i32
          %mul3A_198 = arith.constant 1600 : i32
          %mul3A_199 = arith.muli %add3A_197, %mul3A_198 : i32
          %add3A_200 = arith.addi %mul3A_2, %mul3A_199 : i32
          %dma_start3A_201 = tpu.memref_slice %arg2[%add3A_200] : memref<3276800xi32, #tpu.memory_space<hbm>> -> memref<1600xi32, #tpu.memory_space<hbm>>
          %dma_start3A_202 = tpu.memref_slice %arg2[%add3A_200] : memref<3276800xi32, #tpu.memory_space<hbm>> -> memref<1600xi32, #tpu.memory_space<hbm>>
          tpu.enqueue_dma source(%dma_start3A_202 : memref<1600xi32, #tpu.memory_space<hbm>>) target(%arg7 : memref<1600xi32, #tpu.memory_space<vmem>>) target_semaphore(%arg14 : memref<!tpu.dma_semaphore, #tpu.memory_space<semaphore_mem>>)
        } else {
        }
        %add3A_56 = arith.constant 1 : i32
        %add3A_57 = arith.addi %add3A_28, %add3A_56 : i32
        %lt3A_58 = arith.constant 64 : i32
        %lt3A_59 = arith.cmpi slt, %add3A_57, %lt3A_58 : i32
        %convert_element_type3A_60 = arith.extui %lt3A_59 : i1 to i32
        %cond3A_61 = arith.constant 0 : i32
        %cond3A_62 = arith.cmpi ne, %convert_element_type3A_60, %cond3A_61 : i32
        scf.if %cond3A_62 {
          %dma_wait3A_196 = arith.constant 0 : i32
          %dma_wait3A_197 = tpu.memref_slice %arg2[%dma_wait3A_196] : memref<3276800xi32, #tpu.memory_space<hbm>> -> memref<1600xi32, #tpu.memory_space<hbm>>
          %dma_wait3A_198 = arith.constant 0 : i32
          %dma_wait3A_199 = tpu.memref_slice %arg2[%dma_wait3A_198] : memref<3276800xi32, #tpu.memory_space<hbm>> -> memref<1600xi32, #tpu.memory_space<hbm>>
          tpu.wait_dma2 semaphore(%arg13 : memref<!tpu.dma_semaphore, #tpu.memory_space<semaphore_mem>>) src(%dma_wait3A_199 : memref<1600xi32, #tpu.memory_space<hbm>>) dst(%arg6 : memref<1600xi32, #tpu.memory_space<vmem>>)
          %dma_start3A_200 = arith.constant 0 : i32
          %dma_start3A_201 = arith.constant 0 : i32
          %dma_start3A_202 = tpu.memref_slice %arg3[%dma_start3A_200, %dma_start3A_201] : memref<1000004x16xf32, #tpu.memory_space<hbm>> -> memref<1000004x16xf32, #tpu.memory_space<hbm>>
          tpu.enqueue_indirect_dma source(%dma_start3A_202 : memref<1000004x16xf32, #tpu.memory_space<hbm>>) target(%arg9 : memref<1600x16xf32, #tpu.memory_space<vmem>>) offsets(%arg6 : memref<1600xi32, #tpu.memory_space<vmem>>) semaphore(%arg16 : memref<!tpu.dma_semaphore, #tpu.memory_space<semaphore_mem>>)
        } else {
        }
        %dma_wait3A_63 = arith.constant 0 : i32
        %dma_wait3A_64 = arith.constant 0 : i32
        %dma_wait3A_65 = tpu.memref_slice %arg3[%dma_wait3A_63, %dma_wait3A_64] : memref<1000004x16xf32, #tpu.memory_space<hbm>> -> memref<1000004x16xf32, #tpu.memory_space<hbm>>
        tpu.wait_indirect_dma semaphore(%arg15 : memref<!tpu.dma_semaphore, #tpu.memory_space<semaphore_mem>>) src(%dma_wait3A_65 : memref<1000004x16xf32, #tpu.memory_space<hbm>>) dst(%arg8 : memref<1600x16xf32, #tpu.memory_space<vmem>>)
        %broadcast_in_dim3A = arith.constant 0.000000e+00 : f32
        %broadcast_in_dim3A_66 = vector.broadcast %broadcast_in_dim3A : f32 to vector<16xf32>
        %mul3A_67 = arith.constant 8 : i32
        %mul3A_68 = arith.muli %add3A_28, %mul3A_67 : i32
        %scan3A_69 = arith.constant 0 : i32
        %scan3A_70 = arith.constant 50 : i32
        %scan3A_71 = arith.addi %scan3A_69, %scan3A_70 : i32
        %scan3A_72 = arith.constant 1 : i32
        %scan3A_73:2 = scf.for %scan3A_196 = %scan3A_69 to %scan3A_71 step %scan3A_72 iter_args(%scan3A_197 = %broadcast_in_dim3A_66, %scan3A_198 = %broadcast_in_dim3A_66) -> (vector<16xf32>, vector<16xf32>)  : i32 {
          %mul3A_199 = arith.constant 4 : i32
          %mul3A_200 = arith.muli %scan3A_196, %mul3A_199 : i32
          %add3A_201 = arith.constant 0 : i32
          %add3A_202 = arith.addi %add3A_201, %mul3A_200 : i32
          %get3A = arith.index_cast %add3A_202 : i32 to index
          %get3A_203 = arith.constant 0 : index
          %get3A_204 = tpu.vector_load %arg8[%get3A, %get3A_203] {strides = array<i32>} : memref<1600x16xf32, #tpu.memory_space<vmem>>, vector<1x16xf32>,
          %get3A_205 = vector.shape_cast %get3A_204 : vector<1x16xf32> to vector<16xf32>
          %add3A_206 = arith.addf %scan3A_197, %get3A_205 : vector<16xf32>
          %add3A_207 = arith.constant 1 : i32
          %add3A_208 = arith.addi %add3A_202, %add3A_207 : i32
          %get3A_209 = arith.index_cast %add3A_208 : i32 to index
          %get3A_210 = arith.constant 0 : index
          %get3A_211 = tpu.vector_load %arg8[%get3A_209, %get3A_210] {strides = array<i32>} : memref<1600x16xf32, #tpu.memory_space<vmem>>, vector<1x16xf32>,
          %get3A_212 = vector.shape_cast %get3A_211 : vector<1x16xf32> to vector<16xf32>
          %add3A_213 = arith.addf %scan3A_198, %get3A_212 : vector<16xf32>
          %add3A_214 = arith.constant 2 : i32
          %add3A_215 = arith.addi %add3A_202, %add3A_214 : i32
          %get3A_216 = arith.index_cast %add3A_215 : i32 to index
          %get3A_217 = arith.constant 0 : index
          %get3A_218 = tpu.vector_load %arg8[%get3A_216, %get3A_217] {strides = array<i32>} : memref<1600x16xf32, #tpu.memory_space<vmem>>, vector<1x16xf32>,
          %get3A_219 = vector.shape_cast %get3A_218 : vector<1x16xf32> to vector<16xf32>
          %add3A_220 = arith.addf %add3A_206, %get3A_219 : vector<16xf32>
          %add3A_221 = arith.constant 3 : i32
          %add3A_222 = arith.addi %add3A_202, %add3A_221 : i32
          %get3A_223 = arith.index_cast %add3A_222 : i32 to index
          %get3A_224 = arith.constant 0 : index
          %get3A_225 = tpu.vector_load %arg8[%get3A_223, %get3A_224] {strides = array<i32>} : memref<1600x16xf32, #tpu.memory_space<vmem>>, vector<1x16xf32>,
          %get3A_226 = vector.shape_cast %get3A_225 : vector<1x16xf32> to vector<16xf32>
          %add3A_227 = arith.addf %add3A_213, %get3A_226 : vector<16xf32>
          scf.yield %add3A_220, %add3A_227 : vector<16xf32>, vector<16xf32>
        }
        %scan3A_74 = arith.constant 50 : i32
        %add3A_75 = arith.addf %scan3A_73#0, %scan3A_73#1 : vector<16xf32>
        %mul3A_76 = vector.broadcast %scan3A_18 : f32 to vector<16xf32>
        %mul3A_77 = arith.mulf %add3A_75, %mul3A_76 : vector<16xf32>
        %add3A_78 = arith.constant 0 : i32
        %add3A_79 = arith.addi %mul3A_68, %add3A_78 : i32
        %swap3A = arith.index_cast %add3A_79 : i32 to index
        %swap3A_80 = arith.constant 0 : index
        %swap3A_81 = tpu.vector_load %arg11[%swap3A, %swap3A_80] {strides = array<i32>} : memref<512x16xf32, #tpu.memory_space<vmem>>, vector<1x16xf32>,
        %swap3A_82 = vector.shape_cast %swap3A_81 : vector<1x16xf32> to vector<16xf32>
        %swap3A_83 = vector.shape_cast %mul3A_77 : vector<16xf32> to vector<1x16xf32>
        tpu.vector_store %arg11[%swap3A, %swap3A_80], %swap3A_83 {strides = array<i32>} : memref<512x16xf32, #tpu.memory_space<vmem>>, vector<1x16xf32>,
        %scan3A_84 = arith.constant 0 : i32
        %scan3A_85 = arith.constant 50 : i32
        %scan3A_86 = arith.addi %scan3A_84, %scan3A_85 : i32
        %scan3A_87 = arith.constant 1 : i32
        %scan3A_88:2 = scf.for %scan3A_196 = %scan3A_84 to %scan3A_86 step %scan3A_87 iter_args(%scan3A_197 = %broadcast_in_dim3A_66, %scan3A_198 = %broadcast_in_dim3A_66) -> (vector<16xf32>, vector<16xf32>)  : i32 {
          %mul3A_199 = arith.constant 4 : i32
          %mul3A_200 = arith.muli %scan3A_196, %mul3A_199 : i32
          %add3A_201 = arith.constant 200 : i32
          %add3A_202 = arith.addi %add3A_201, %mul3A_200 : i32
          %get3A = arith.index_cast %add3A_202 : i32 to index
          %get3A_203 = arith.constant 0 : index
          %get3A_204 = tpu.vector_load %arg8[%get3A, %get3A_203] {strides = array<i32>} : memref<1600x16xf32, #tpu.memory_space<vmem>>, vector<1x16xf32>,
          %get3A_205 = vector.shape_cast %get3A_204 : vector<1x16xf32> to vector<16xf32>
          %add3A_206 = arith.addf %scan3A_197, %get3A_205 : vector<16xf32>
          %add3A_207 = arith.constant 1 : i32
          %add3A_208 = arith.addi %add3A_202, %add3A_207 : i32
          %get3A_209 = arith.index_cast %add3A_208 : i32 to index
          %get3A_210 = arith.constant 0 : index
          %get3A_211 = tpu.vector_load %arg8[%get3A_209, %get3A_210] {strides = array<i32>} : memref<1600x16xf32, #tpu.memory_space<vmem>>, vector<1x16xf32>,
          %get3A_212 = vector.shape_cast %get3A_211 : vector<1x16xf32> to vector<16xf32>
          %add3A_213 = arith.addf %scan3A_198, %get3A_212 : vector<16xf32>
          %add3A_214 = arith.constant 2 : i32
          %add3A_215 = arith.addi %add3A_202, %add3A_214 : i32
          %get3A_216 = arith.index_cast %add3A_215 : i32 to index
          %get3A_217 = arith.constant 0 : index
          %get3A_218 = tpu.vector_load %arg8[%get3A_216, %get3A_217] {strides = array<i32>} : memref<1600x16xf32, #tpu.memory_space<vmem>>, vector<1x16xf32>,
          %get3A_219 = vector.shape_cast %get3A_218 : vector<1x16xf32> to vector<16xf32>
          %add3A_220 = arith.addf %add3A_206, %get3A_219 : vector<16xf32>
          %add3A_221 = arith.constant 3 : i32
          %add3A_222 = arith.addi %add3A_202, %add3A_221 : i32
          %get3A_223 = arith.index_cast %add3A_222 : i32 to index
          %get3A_224 = arith.constant 0 : index
          %get3A_225 = tpu.vector_load %arg8[%get3A_223, %get3A_224] {strides = array<i32>} : memref<1600x16xf32, #tpu.memory_space<vmem>>, vector<1x16xf32>,
          %get3A_226 = vector.shape_cast %get3A_225 : vector<1x16xf32> to vector<16xf32>
          %add3A_227 = arith.addf %add3A_213, %get3A_226 : vector<16xf32>
          scf.yield %add3A_220, %add3A_227 : vector<16xf32>, vector<16xf32>
        }
        %scan3A_89 = arith.constant 50 : i32
        %add3A_90 = arith.addf %scan3A_88#0, %scan3A_88#1 : vector<16xf32>
        %mul3A_91 = vector.broadcast %scan3A_18 : f32 to vector<16xf32>
        %mul3A_92 = arith.mulf %add3A_90, %mul3A_91 : vector<16xf32>
        %add3A_93 = arith.constant 1 : i32
        %add3A_94 = arith.addi %mul3A_68, %add3A_93 : i32
        %swap3A_95 = arith.index_cast %add3A_94 : i32 to index
        %swap3A_96 = arith.constant 0 : index
        %swap3A_97 = tpu.vector_load %arg11[%swap3A_95, %swap3A_96] {strides = array<i32>} : memref<512x16xf32, #tpu.memory_space<vmem>>, vector<1x16xf32>,
        %swap3A_98 = vector.shape_cast %swap3A_97 : vector<1x16xf32> to vector<16xf32>
        %swap3A_99 = vector.shape_cast %mul3A_92 : vector<16xf32> to vector<1x16xf32>
        tpu.vector_store %arg11[%swap3A_95, %swap3A_96], %swap3A_99 {strides = array<i32>} : memref<512x16xf32, #tpu.memory_space<vmem>>, vector<1x16xf32>,
        %scan3A_100 = arith.constant 0 : i32
        %scan3A_101 = arith.constant 50 : i32
        %scan3A_102 = arith.addi %scan3A_100, %scan3A_101 : i32
        %scan3A_103 = arith.constant 1 : i32
        %scan3A_104:2 = scf.for %scan3A_196 = %scan3A_100 to %scan3A_102 step %scan3A_103 iter_args(%scan3A_197 = %broadcast_in_dim3A_66, %scan3A_198 = %broadcast_in_dim3A_66) -> (vector<16xf32>, vector<16xf32>)  : i32 {
          %mul3A_199 = arith.constant 4 : i32
          %mul3A_200 = arith.muli %scan3A_196, %mul3A_199 : i32
          %add3A_201 = arith.constant 400 : i32
          %add3A_202 = arith.addi %add3A_201, %mul3A_200 : i32
          %get3A = arith.index_cast %add3A_202 : i32 to index
          %get3A_203 = arith.constant 0 : index
          %get3A_204 = tpu.vector_load %arg8[%get3A, %get3A_203] {strides = array<i32>} : memref<1600x16xf32, #tpu.memory_space<vmem>>, vector<1x16xf32>,
          %get3A_205 = vector.shape_cast %get3A_204 : vector<1x16xf32> to vector<16xf32>
          %add3A_206 = arith.addf %scan3A_197, %get3A_205 : vector<16xf32>
          %add3A_207 = arith.constant 1 : i32
          %add3A_208 = arith.addi %add3A_202, %add3A_207 : i32
          %get3A_209 = arith.index_cast %add3A_208 : i32 to index
          %get3A_210 = arith.constant 0 : index
          %get3A_211 = tpu.vector_load %arg8[%get3A_209, %get3A_210] {strides = array<i32>} : memref<1600x16xf32, #tpu.memory_space<vmem>>, vector<1x16xf32>,
          %get3A_212 = vector.shape_cast %get3A_211 : vector<1x16xf32> to vector<16xf32>
          %add3A_213 = arith.addf %scan3A_198, %get3A_212 : vector<16xf32>
          %add3A_214 = arith.constant 2 : i32
          %add3A_215 = arith.addi %add3A_202, %add3A_214 : i32
          %get3A_216 = arith.index_cast %add3A_215 : i32 to index
          %get3A_217 = arith.constant 0 : index
          %get3A_218 = tpu.vector_load %arg8[%get3A_216, %get3A_217] {strides = array<i32>} : memref<1600x16xf32, #tpu.memory_space<vmem>>, vector<1x16xf32>,
          %get3A_219 = vector.shape_cast %get3A_218 : vector<1x16xf32> to vector<16xf32>
          %add3A_220 = arith.addf %add3A_206, %get3A_219 : vector<16xf32>
          %add3A_221 = arith.constant 3 : i32
          %add3A_222 = arith.addi %add3A_202, %add3A_221 : i32
          %get3A_223 = arith.index_cast %add3A_222 : i32 to index
          %get3A_224 = arith.constant 0 : index
          %get3A_225 = tpu.vector_load %arg8[%get3A_223, %get3A_224] {strides = array<i32>} : memref<1600x16xf32, #tpu.memory_space<vmem>>, vector<1x16xf32>,
          %get3A_226 = vector.shape_cast %get3A_225 : vector<1x16xf32> to vector<16xf32>
          %add3A_227 = arith.addf %add3A_213, %get3A_226 : vector<16xf32>
          scf.yield %add3A_220, %add3A_227 : vector<16xf32>, vector<16xf32>
        }
        %scan3A_105 = arith.constant 50 : i32
        %add3A_106 = arith.addf %scan3A_104#0, %scan3A_104#1 : vector<16xf32>
        %mul3A_107 = vector.broadcast %scan3A_18 : f32 to vector<16xf32>
        %mul3A_108 = arith.mulf %add3A_106, %mul3A_107 : vector<16xf32>
        %add3A_109 = arith.constant 2 : i32
        %add3A_110 = arith.addi %mul3A_68, %add3A_109 : i32
        %swap3A_111 = arith.index_cast %add3A_110 : i32 to index
        %swap3A_112 = arith.constant 0 : index
        %swap3A_113 = tpu.vector_load %arg11[%swap3A_111, %swap3A_112] {strides = array<i32>} : memref<512x16xf32, #tpu.memory_space<vmem>>, vector<1x16xf32>,
        %swap3A_114 = vector.shape_cast %swap3A_113 : vector<1x16xf32> to vector<16xf32>
        %swap3A_115 = vector.shape_cast %mul3A_108 : vector<16xf32> to vector<1x16xf32>
        tpu.vector_store %arg11[%swap3A_111, %swap3A_112], %swap3A_115 {strides = array<i32>} : memref<512x16xf32, #tpu.memory_space<vmem>>, vector<1x16xf32>,
        %scan3A_116 = arith.constant 0 : i32
        %scan3A_117 = arith.constant 50 : i32
        %scan3A_118 = arith.addi %scan3A_116, %scan3A_117 : i32
        %scan3A_119 = arith.constant 1 : i32
        %scan3A_120:2 = scf.for %scan3A_196 = %scan3A_116 to %scan3A_118 step %scan3A_119 iter_args(%scan3A_197 = %broadcast_in_dim3A_66, %scan3A_198 = %broadcast_in_dim3A_66) -> (vector<16xf32>, vector<16xf32>)  : i32 {
          %mul3A_199 = arith.constant 4 : i32
          %mul3A_200 = arith.muli %scan3A_196, %mul3A_199 : i32
          %add3A_201 = arith.constant 600 : i32
          %add3A_202 = arith.addi %add3A_201, %mul3A_200 : i32
          %get3A = arith.index_cast %add3A_202 : i32 to index
          %get3A_203 = arith.constant 0 : index
          %get3A_204 = tpu.vector_load %arg8[%get3A, %get3A_203] {strides = array<i32>} : memref<1600x16xf32, #tpu.memory_space<vmem>>, vector<1x16xf32>,
          %get3A_205 = vector.shape_cast %get3A_204 : vector<1x16xf32> to vector<16xf32>
          %add3A_206 = arith.addf %scan3A_197, %get3A_205 : vector<16xf32>
          %add3A_207 = arith.constant 1 : i32
          %add3A_208 = arith.addi %add3A_202, %add3A_207 : i32
          %get3A_209 = arith.index_cast %add3A_208 : i32 to index
          %get3A_210 = arith.constant 0 : index
          %get3A_211 = tpu.vector_load %arg8[%get3A_209, %get3A_210] {strides = array<i32>} : memref<1600x16xf32, #tpu.memory_space<vmem>>, vector<1x16xf32>,
          %get3A_212 = vector.shape_cast %get3A_211 : vector<1x16xf32> to vector<16xf32>
          %add3A_213 = arith.addf %scan3A_198, %get3A_212 : vector<16xf32>
          %add3A_214 = arith.constant 2 : i32
          %add3A_215 = arith.addi %add3A_202, %add3A_214 : i32
          %get3A_216 = arith.index_cast %add3A_215 : i32 to index
          %get3A_217 = arith.constant 0 : index
          %get3A_218 = tpu.vector_load %arg8[%get3A_216, %get3A_217] {strides = array<i32>} : memref<1600x16xf32, #tpu.memory_space<vmem>>, vector<1x16xf32>,
          %get3A_219 = vector.shape_cast %get3A_218 : vector<1x16xf32> to vector<16xf32>
          %add3A_220 = arith.addf %add3A_206, %get3A_219 : vector<16xf32>
          %add3A_221 = arith.constant 3 : i32
          %add3A_222 = arith.addi %add3A_202, %add3A_221 : i32
          %get3A_223 = arith.index_cast %add3A_222 : i32 to index
          %get3A_224 = arith.constant 0 : index
          %get3A_225 = tpu.vector_load %arg8[%get3A_223, %get3A_224] {strides = array<i32>} : memref<1600x16xf32, #tpu.memory_space<vmem>>, vector<1x16xf32>,
          %get3A_226 = vector.shape_cast %get3A_225 : vector<1x16xf32> to vector<16xf32>
          %add3A_227 = arith.addf %add3A_213, %get3A_226 : vector<16xf32>
          scf.yield %add3A_220, %add3A_227 : vector<16xf32>, vector<16xf32>
        }
        %scan3A_121 = arith.constant 50 : i32
        %add3A_122 = arith.addf %scan3A_120#0, %scan3A_120#1 : vector<16xf32>
        %mul3A_123 = vector.broadcast %scan3A_18 : f32 to vector<16xf32>
        %mul3A_124 = arith.mulf %add3A_122, %mul3A_123 : vector<16xf32>
        %add3A_125 = arith.constant 3 : i32
        %add3A_126 = arith.addi %mul3A_68, %add3A_125 : i32
        %swap3A_127 = arith.index_cast %add3A_126 : i32 to index
        %swap3A_128 = arith.constant 0 : index
        %swap3A_129 = tpu.vector_load %arg11[%swap3A_127, %swap3A_128] {strides = array<i32>} : memref<512x16xf32, #tpu.memory_space<vmem>>, vector<1x16xf32>,
        %swap3A_130 = vector.shape_cast %swap3A_129 : vector<1x16xf32> to vector<16xf32>
        %swap3A_131 = vector.shape_cast %mul3A_124 : vector<16xf32> to vector<1x16xf32>
        tpu.vector_store %arg11[%swap3A_127, %swap3A_128], %swap3A_131 {strides = array<i32>} : memref<512x16xf32, #tpu.memory_space<vmem>>, vector<1x16xf32>,
        %scan3A_132 = arith.constant 0 : i32
        %scan3A_133 = arith.constant 50 : i32
        %scan3A_134 = arith.addi %scan3A_132, %scan3A_133 : i32
        %scan3A_135 = arith.constant 1 : i32
        %scan3A_136:2 = scf.for %scan3A_196 = %scan3A_132 to %scan3A_134 step %scan3A_135 iter_args(%scan3A_197 = %broadcast_in_dim3A_66, %scan3A_198 = %broadcast_in_dim3A_66) -> (vector<16xf32>, vector<16xf32>)  : i32 {
          %mul3A_199 = arith.constant 4 : i32
          %mul3A_200 = arith.muli %scan3A_196, %mul3A_199 : i32
          %add3A_201 = arith.constant 800 : i32
          %add3A_202 = arith.addi %add3A_201, %mul3A_200 : i32
          %get3A = arith.index_cast %add3A_202 : i32 to index
          %get3A_203 = arith.constant 0 : index
          %get3A_204 = tpu.vector_load %arg8[%get3A, %get3A_203] {strides = array<i32>} : memref<1600x16xf32, #tpu.memory_space<vmem>>, vector<1x16xf32>,
          %get3A_205 = vector.shape_cast %get3A_204 : vector<1x16xf32> to vector<16xf32>
          %add3A_206 = arith.addf %scan3A_197, %get3A_205 : vector<16xf32>
          %add3A_207 = arith.constant 1 : i32
          %add3A_208 = arith.addi %add3A_202, %add3A_207 : i32
          %get3A_209 = arith.index_cast %add3A_208 : i32 to index
          %get3A_210 = arith.constant 0 : index
          %get3A_211 = tpu.vector_load %arg8[%get3A_209, %get3A_210] {strides = array<i32>} : memref<1600x16xf32, #tpu.memory_space<vmem>>, vector<1x16xf32>,
          %get3A_212 = vector.shape_cast %get3A_211 : vector<1x16xf32> to vector<16xf32>
          %add3A_213 = arith.addf %scan3A_198, %get3A_212 : vector<16xf32>
          %add3A_214 = arith.constant 2 : i32
          %add3A_215 = arith.addi %add3A_202, %add3A_214 : i32
          %get3A_216 = arith.index_cast %add3A_215 : i32 to index
          %get3A_217 = arith.constant 0 : index
          %get3A_218 = tpu.vector_load %arg8[%get3A_216, %get3A_217] {strides = array<i32>} : memref<1600x16xf32, #tpu.memory_space<vmem>>, vector<1x16xf32>,
          %get3A_219 = vector.shape_cast %get3A_218 : vector<1x16xf32> to vector<16xf32>
          %add3A_220 = arith.addf %add3A_206, %get3A_219 : vector<16xf32>
          %add3A_221 = arith.constant 3 : i32
          %add3A_222 = arith.addi %add3A_202, %add3A_221 : i32
          %get3A_223 = arith.index_cast %add3A_222 : i32 to index
          %get3A_224 = arith.constant 0 : index
          %get3A_225 = tpu.vector_load %arg8[%get3A_223, %get3A_224] {strides = array<i32>} : memref<1600x16xf32, #tpu.memory_space<vmem>>, vector<1x16xf32>,
          %get3A_226 = vector.shape_cast %get3A_225 : vector<1x16xf32> to vector<16xf32>
          %add3A_227 = arith.addf %add3A_213, %get3A_226 : vector<16xf32>
          scf.yield %add3A_220, %add3A_227 : vector<16xf32>, vector<16xf32>
        }
        %scan3A_137 = arith.constant 50 : i32
        %add3A_138 = arith.addf %scan3A_136#0, %scan3A_136#1 : vector<16xf32>
        %mul3A_139 = vector.broadcast %scan3A_18 : f32 to vector<16xf32>
        %mul3A_140 = arith.mulf %add3A_138, %mul3A_139 : vector<16xf32>
        %add3A_141 = arith.constant 4 : i32
        %add3A_142 = arith.addi %mul3A_68, %add3A_141 : i32
        %swap3A_143 = arith.index_cast %add3A_142 : i32 to index
        %swap3A_144 = arith.constant 0 : index
        %swap3A_145 = tpu.vector_load %arg11[%swap3A_143, %swap3A_144] {strides = array<i32>} : memref<512x16xf32, #tpu.memory_space<vmem>>, vector<1x16xf32>,
        %swap3A_146 = vector.shape_cast %swap3A_145 : vector<1x16xf32> to vector<16xf32>
        %swap3A_147 = vector.shape_cast %mul3A_140 : vector<16xf32> to vector<1x16xf32>
        tpu.vector_store %arg11[%swap3A_143, %swap3A_144], %swap3A_147 {strides = array<i32>} : memref<512x16xf32, #tpu.memory_space<vmem>>, vector<1x16xf32>,
        %scan3A_148 = arith.constant 0 : i32
        %scan3A_149 = arith.constant 50 : i32
        %scan3A_150 = arith.addi %scan3A_148, %scan3A_149 : i32
        %scan3A_151 = arith.constant 1 : i32
        %scan3A_152:2 = scf.for %scan3A_196 = %scan3A_148 to %scan3A_150 step %scan3A_151 iter_args(%scan3A_197 = %broadcast_in_dim3A_66, %scan3A_198 = %broadcast_in_dim3A_66) -> (vector<16xf32>, vector<16xf32>)  : i32 {
          %mul3A_199 = arith.constant 4 : i32
          %mul3A_200 = arith.muli %scan3A_196, %mul3A_199 : i32
          %add3A_201 = arith.constant 1000 : i32
          %add3A_202 = arith.addi %add3A_201, %mul3A_200 : i32
          %get3A = arith.index_cast %add3A_202 : i32 to index
          %get3A_203 = arith.constant 0 : index
          %get3A_204 = tpu.vector_load %arg8[%get3A, %get3A_203] {strides = array<i32>} : memref<1600x16xf32, #tpu.memory_space<vmem>>, vector<1x16xf32>,
          %get3A_205 = vector.shape_cast %get3A_204 : vector<1x16xf32> to vector<16xf32>
          %add3A_206 = arith.addf %scan3A_197, %get3A_205 : vector<16xf32>
          %add3A_207 = arith.constant 1 : i32
          %add3A_208 = arith.addi %add3A_202, %add3A_207 : i32
          %get3A_209 = arith.index_cast %add3A_208 : i32 to index
          %get3A_210 = arith.constant 0 : index
          %get3A_211 = tpu.vector_load %arg8[%get3A_209, %get3A_210] {strides = array<i32>} : memref<1600x16xf32, #tpu.memory_space<vmem>>, vector<1x16xf32>,
          %get3A_212 = vector.shape_cast %get3A_211 : vector<1x16xf32> to vector<16xf32>
          %add3A_213 = arith.addf %scan3A_198, %get3A_212 : vector<16xf32>
          %add3A_214 = arith.constant 2 : i32
          %add3A_215 = arith.addi %add3A_202, %add3A_214 : i32
          %get3A_216 = arith.index_cast %add3A_215 : i32 to index
          %get3A_217 = arith.constant 0 : index
          %get3A_218 = tpu.vector_load %arg8[%get3A_216, %get3A_217] {strides = array<i32>} : memref<1600x16xf32, #tpu.memory_space<vmem>>, vector<1x16xf32>,
          %get3A_219 = vector.shape_cast %get3A_218 : vector<1x16xf32> to vector<16xf32>
          %add3A_220 = arith.addf %add3A_206, %get3A_219 : vector<16xf32>
          %add3A_221 = arith.constant 3 : i32
          %add3A_222 = arith.addi %add3A_202, %add3A_221 : i32
          %get3A_223 = arith.index_cast %add3A_222 : i32 to index
          %get3A_224 = arith.constant 0 : index
          %get3A_225 = tpu.vector_load %arg8[%get3A_223, %get3A_224] {strides = array<i32>} : memref<1600x16xf32, #tpu.memory_space<vmem>>, vector<1x16xf32>,
          %get3A_226 = vector.shape_cast %get3A_225 : vector<1x16xf32> to vector<16xf32>
          %add3A_227 = arith.addf %add3A_213, %get3A_226 : vector<16xf32>
          scf.yield %add3A_220, %add3A_227 : vector<16xf32>, vector<16xf32>
        }
        %scan3A_153 = arith.constant 50 : i32
        %add3A_154 = arith.addf %scan3A_152#0, %scan3A_152#1 : vector<16xf32>
        %mul3A_155 = vector.broadcast %scan3A_18 : f32 to vector<16xf32>
        %mul3A_156 = arith.mulf %add3A_154, %mul3A_155 : vector<16xf32>
        %add3A_157 = arith.constant 5 : i32
        %add3A_158 = arith.addi %mul3A_68, %add3A_157 : i32
        %swap3A_159 = arith.index_cast %add3A_158 : i32 to index
        %swap3A_160 = arith.constant 0 : index
        %swap3A_161 = tpu.vector_load %arg11[%swap3A_159, %swap3A_160] {strides = array<i32>} : memref<512x16xf32, #tpu.memory_space<vmem>>, vector<1x16xf32>,
        %swap3A_162 = vector.shape_cast %swap3A_161 : vector<1x16xf32> to vector<16xf32>
        %swap3A_163 = vector.shape_cast %mul3A_156 : vector<16xf32> to vector<1x16xf32>
        tpu.vector_store %arg11[%swap3A_159, %swap3A_160], %swap3A_163 {strides = array<i32>} : memref<512x16xf32, #tpu.memory_space<vmem>>, vector<1x16xf32>,
        %scan3A_164 = arith.constant 0 : i32
        %scan3A_165 = arith.constant 50 : i32
        %scan3A_166 = arith.addi %scan3A_164, %scan3A_165 : i32
        %scan3A_167 = arith.constant 1 : i32
        %scan3A_168:2 = scf.for %scan3A_196 = %scan3A_164 to %scan3A_166 step %scan3A_167 iter_args(%scan3A_197 = %broadcast_in_dim3A_66, %scan3A_198 = %broadcast_in_dim3A_66) -> (vector<16xf32>, vector<16xf32>)  : i32 {
          %mul3A_199 = arith.constant 4 : i32
          %mul3A_200 = arith.muli %scan3A_196, %mul3A_199 : i32
          %add3A_201 = arith.constant 1200 : i32
          %add3A_202 = arith.addi %add3A_201, %mul3A_200 : i32
          %get3A = arith.index_cast %add3A_202 : i32 to index
          %get3A_203 = arith.constant 0 : index
          %get3A_204 = tpu.vector_load %arg8[%get3A, %get3A_203] {strides = array<i32>} : memref<1600x16xf32, #tpu.memory_space<vmem>>, vector<1x16xf32>,
          %get3A_205 = vector.shape_cast %get3A_204 : vector<1x16xf32> to vector<16xf32>
          %add3A_206 = arith.addf %scan3A_197, %get3A_205 : vector<16xf32>
          %add3A_207 = arith.constant 1 : i32
          %add3A_208 = arith.addi %add3A_202, %add3A_207 : i32
          %get3A_209 = arith.index_cast %add3A_208 : i32 to index
          %get3A_210 = arith.constant 0 : index
          %get3A_211 = tpu.vector_load %arg8[%get3A_209, %get3A_210] {strides = array<i32>} : memref<1600x16xf32, #tpu.memory_space<vmem>>, vector<1x16xf32>,
          %get3A_212 = vector.shape_cast %get3A_211 : vector<1x16xf32> to vector<16xf32>
          %add3A_213 = arith.addf %scan3A_198, %get3A_212 : vector<16xf32>
          %add3A_214 = arith.constant 2 : i32
          %add3A_215 = arith.addi %add3A_202, %add3A_214 : i32
          %get3A_216 = arith.index_cast %add3A_215 : i32 to index
          %get3A_217 = arith.constant 0 : index
          %get3A_218 = tpu.vector_load %arg8[%get3A_216, %get3A_217] {strides = array<i32>} : memref<1600x16xf32, #tpu.memory_space<vmem>>, vector<1x16xf32>,
          %get3A_219 = vector.shape_cast %get3A_218 : vector<1x16xf32> to vector<16xf32>
          %add3A_220 = arith.addf %add3A_206, %get3A_219 : vector<16xf32>
          %add3A_221 = arith.constant 3 : i32
          %add3A_222 = arith.addi %add3A_202, %add3A_221 : i32
          %get3A_223 = arith.index_cast %add3A_222 : i32 to index
          %get3A_224 = arith.constant 0 : index
          %get3A_225 = tpu.vector_load %arg8[%get3A_223, %get3A_224] {strides = array<i32>} : memref<1600x16xf32, #tpu.memory_space<vmem>>, vector<1x16xf32>,
          %get3A_226 = vector.shape_cast %get3A_225 : vector<1x16xf32> to vector<16xf32>
          %add3A_227 = arith.addf %add3A_213, %get3A_226 : vector<16xf32>
          scf.yield %add3A_220, %add3A_227 : vector<16xf32>, vector<16xf32>
        }
        %scan3A_169 = arith.constant 50 : i32
        %add3A_170 = arith.addf %scan3A_168#0, %scan3A_168#1 : vector<16xf32>
        %mul3A_171 = vector.broadcast %scan3A_18 : f32 to vector<16xf32>
        %mul3A_172 = arith.mulf %add3A_170, %mul3A_171 : vector<16xf32>
        %add3A_173 = arith.constant 6 : i32
        %add3A_174 = arith.addi %mul3A_68, %add3A_173 : i32
        %swap3A_175 = arith.index_cast %add3A_174 : i32 to index
        %swap3A_176 = arith.constant 0 : index
        %swap3A_177 = tpu.vector_load %arg11[%swap3A_175, %swap3A_176] {strides = array<i32>} : memref<512x16xf32, #tpu.memory_space<vmem>>, vector<1x16xf32>,
        %swap3A_178 = vector.shape_cast %swap3A_177 : vector<1x16xf32> to vector<16xf32>
        %swap3A_179 = vector.shape_cast %mul3A_172 : vector<16xf32> to vector<1x16xf32>
        tpu.vector_store %arg11[%swap3A_175, %swap3A_176], %swap3A_179 {strides = array<i32>} : memref<512x16xf32, #tpu.memory_space<vmem>>, vector<1x16xf32>,
        %scan3A_180 = arith.constant 0 : i32
        %scan3A_181 = arith.constant 50 : i32
        %scan3A_182 = arith.addi %scan3A_180, %scan3A_181 : i32
        %scan3A_183 = arith.constant 1 : i32
        %scan3A_184:2 = scf.for %scan3A_196 = %scan3A_180 to %scan3A_182 step %scan3A_183 iter_args(%scan3A_197 = %broadcast_in_dim3A_66, %scan3A_198 = %broadcast_in_dim3A_66) -> (vector<16xf32>, vector<16xf32>)  : i32 {
          %mul3A_199 = arith.constant 4 : i32
          %mul3A_200 = arith.muli %scan3A_196, %mul3A_199 : i32
          %add3A_201 = arith.constant 1400 : i32
          %add3A_202 = arith.addi %add3A_201, %mul3A_200 : i32
          %get3A = arith.index_cast %add3A_202 : i32 to index
          %get3A_203 = arith.constant 0 : index
          %get3A_204 = tpu.vector_load %arg8[%get3A, %get3A_203] {strides = array<i32>} : memref<1600x16xf32, #tpu.memory_space<vmem>>, vector<1x16xf32>,
          %get3A_205 = vector.shape_cast %get3A_204 : vector<1x16xf32> to vector<16xf32>
          %add3A_206 = arith.addf %scan3A_197, %get3A_205 : vector<16xf32>
          %add3A_207 = arith.constant 1 : i32
          %add3A_208 = arith.addi %add3A_202, %add3A_207 : i32
          %get3A_209 = arith.index_cast %add3A_208 : i32 to index
          %get3A_210 = arith.constant 0 : index
          %get3A_211 = tpu.vector_load %arg8[%get3A_209, %get3A_210] {strides = array<i32>} : memref<1600x16xf32, #tpu.memory_space<vmem>>, vector<1x16xf32>,
          %get3A_212 = vector.shape_cast %get3A_211 : vector<1x16xf32> to vector<16xf32>
          %add3A_213 = arith.addf %scan3A_198, %get3A_212 : vector<16xf32>
          %add3A_214 = arith.constant 2 : i32
          %add3A_215 = arith.addi %add3A_202, %add3A_214 : i32
          %get3A_216 = arith.index_cast %add3A_215 : i32 to index
          %get3A_217 = arith.constant 0 : index
          %get3A_218 = tpu.vector_load %arg8[%get3A_216, %get3A_217] {strides = array<i32>} : memref<1600x16xf32, #tpu.memory_space<vmem>>, vector<1x16xf32>,
          %get3A_219 = vector.shape_cast %get3A_218 : vector<1x16xf32> to vector<16xf32>
          %add3A_220 = arith.addf %add3A_206, %get3A_219 : vector<16xf32>
          %add3A_221 = arith.constant 3 : i32
          %add3A_222 = arith.addi %add3A_202, %add3A_221 : i32
          %get3A_223 = arith.index_cast %add3A_222 : i32 to index
          %get3A_224 = arith.constant 0 : index
          %get3A_225 = tpu.vector_load %arg8[%get3A_223, %get3A_224] {strides = array<i32>} : memref<1600x16xf32, #tpu.memory_space<vmem>>, vector<1x16xf32>,
          %get3A_226 = vector.shape_cast %get3A_225 : vector<1x16xf32> to vector<16xf32>
          %add3A_227 = arith.addf %add3A_213, %get3A_226 : vector<16xf32>
          scf.yield %add3A_220, %add3A_227 : vector<16xf32>, vector<16xf32>
        }
        %scan3A_185 = arith.constant 50 : i32
        %add3A_186 = arith.addf %scan3A_184#0, %scan3A_184#1 : vector<16xf32>
        %mul3A_187 = vector.broadcast %scan3A_18 : f32 to vector<16xf32>
        %mul3A_188 = arith.mulf %add3A_186, %mul3A_187 : vector<16xf32>
        %add3A_189 = arith.constant 7 : i32
        %add3A_190 = arith.addi %mul3A_68, %add3A_189 : i32
        %swap3A_191 = arith.index_cast %add3A_190 : i32 to index
        %swap3A_192 = arith.constant 0 : index
        %swap3A_193 = tpu.vector_load %arg11[%swap3A_191, %swap3A_192] {strides = array<i32>} : memref<512x16xf32, #tpu.memory_space<vmem>>, vector<1x16xf32>,
        %swap3A_194 = vector.shape_cast %swap3A_193 : vector<1x16xf32> to vector<16xf32>
        %swap3A_195 = vector.shape_cast %mul3A_188 : vector<16xf32> to vector<1x16xf32>
        tpu.vector_store %arg11[%swap3A_191, %swap3A_192], %swap3A_195 {strides = array<i32>} : memref<512x16xf32, #tpu.memory_space<vmem>>, vector<1x16xf32>,
      } else {
      }
      %mul3A_31 = arith.constant 3 : i32
      %mul3A_32 = arith.muli %scan3A_24, %mul3A_31 : i32
      %add3A_33 = arith.constant 1 : i32
      %add3A_34 = arith.addi %mul3A_32, %add3A_33 : i32
      %lt3A_35 = arith.constant 64 : i32
      %lt3A_36 = arith.cmpi slt, %add3A_34, %lt3A_35 : i32
      %convert_element_type3A_37 = arith.extui %lt3A_36 : i1 to i32
      %cond3A_38 = arith.constant 0 : i32
      %cond3A_39 = arith.cmpi ne, %convert_element_type3A_37, %cond3A_38 : i32
      scf.if %cond3A_39 {
        %add3A_49 = arith.constant 2 : i32
        %add3A_50 = arith.addi %add3A_34, %add3A_49 : i32
        %lt3A_51 = arith.constant 64 : i32
        %lt3A_52 = arith.cmpi slt, %add3A_50, %lt3A_51 : i32
        %convert_element_type3A_53 = arith.extui %lt3A_52 : i1 to i32
        %cond3A_54 = arith.constant 0 : i32
        %cond3A_55 = arith.cmpi ne, %convert_element_type3A_53, %cond3A_54 : i32
        scf.if %cond3A_55 {
          %add3A_196 = arith.constant 2 : i32
          %add3A_197 = arith.addi %add3A_34, %add3A_196 : i32
          %mul3A_198 = arith.constant 1600 : i32
          %mul3A_199 = arith.muli %add3A_197, %mul3A_198 : i32
          %add3A_200 = arith.addi %mul3A_2, %mul3A_199 : i32
          %dma_start3A_201 = tpu.memref_slice %arg2[%add3A_200] : memref<3276800xi32, #tpu.memory_space<hbm>> -> memref<1600xi32, #tpu.memory_space<hbm>>
          %dma_start3A_202 = tpu.memref_slice %arg2[%add3A_200] : memref<3276800xi32, #tpu.memory_space<hbm>> -> memref<1600xi32, #tpu.memory_space<hbm>>
          tpu.enqueue_dma source(%dma_start3A_202 : memref<1600xi32, #tpu.memory_space<hbm>>) target(%arg5 : memref<1600xi32, #tpu.memory_space<vmem>>) target_semaphore(%arg12 : memref<!tpu.dma_semaphore, #tpu.memory_space<semaphore_mem>>)
        } else {
        }
        %add3A_56 = arith.constant 1 : i32
        %add3A_57 = arith.addi %add3A_34, %add3A_56 : i32
        %lt3A_58 = arith.constant 64 : i32
        %lt3A_59 = arith.cmpi slt, %add3A_57, %lt3A_58 : i32
        %convert_element_type3A_60 = arith.extui %lt3A_59 : i1 to i32
        %cond3A_61 = arith.constant 0 : i32
        %cond3A_62 = arith.cmpi ne, %convert_element_type3A_60, %cond3A_61 : i32
        scf.if %cond3A_62 {
          %dma_wait3A_196 = arith.constant 0 : i32
          %dma_wait3A_197 = tpu.memref_slice %arg2[%dma_wait3A_196] : memref<3276800xi32, #tpu.memory_space<hbm>> -> memref<1600xi32, #tpu.memory_space<hbm>>
          %dma_wait3A_198 = arith.constant 0 : i32
          %dma_wait3A_199 = tpu.memref_slice %arg2[%dma_wait3A_198] : memref<3276800xi32, #tpu.memory_space<hbm>> -> memref<1600xi32, #tpu.memory_space<hbm>>
          tpu.wait_dma2 semaphore(%arg14 : memref<!tpu.dma_semaphore, #tpu.memory_space<semaphore_mem>>) src(%dma_wait3A_199 : memref<1600xi32, #tpu.memory_space<hbm>>) dst(%arg7 : memref<1600xi32, #tpu.memory_space<vmem>>)
          %dma_start3A_200 = arith.constant 0 : i32
          %dma_start3A_201 = arith.constant 0 : i32
          %dma_start3A_202 = tpu.memref_slice %arg3[%dma_start3A_200, %dma_start3A_201] : memref<1000004x16xf32, #tpu.memory_space<hbm>> -> memref<1000004x16xf32, #tpu.memory_space<hbm>>
          tpu.enqueue_indirect_dma source(%dma_start3A_202 : memref<1000004x16xf32, #tpu.memory_space<hbm>>) target(%arg10 : memref<1600x16xf32, #tpu.memory_space<vmem>>) offsets(%arg7 : memref<1600xi32, #tpu.memory_space<vmem>>) semaphore(%arg17 : memref<!tpu.dma_semaphore, #tpu.memory_space<semaphore_mem>>)
        } else {
        }
        %dma_wait3A_63 = arith.constant 0 : i32
        %dma_wait3A_64 = arith.constant 0 : i32
        %dma_wait3A_65 = tpu.memref_slice %arg3[%dma_wait3A_63, %dma_wait3A_64] : memref<1000004x16xf32, #tpu.memory_space<hbm>> -> memref<1000004x16xf32, #tpu.memory_space<hbm>>
        tpu.wait_indirect_dma semaphore(%arg16 : memref<!tpu.dma_semaphore, #tpu.memory_space<semaphore_mem>>) src(%dma_wait3A_65 : memref<1000004x16xf32, #tpu.memory_space<hbm>>) dst(%arg9 : memref<1600x16xf32, #tpu.memory_space<vmem>>)
        %broadcast_in_dim3A = arith.constant 0.000000e+00 : f32
        %broadcast_in_dim3A_66 = vector.broadcast %broadcast_in_dim3A : f32 to vector<16xf32>
        %mul3A_67 = arith.constant 8 : i32
        %mul3A_68 = arith.muli %add3A_34, %mul3A_67 : i32
        %scan3A_69 = arith.constant 0 : i32
        %scan3A_70 = arith.constant 50 : i32
        %scan3A_71 = arith.addi %scan3A_69, %scan3A_70 : i32
        %scan3A_72 = arith.constant 1 : i32
        %scan3A_73:2 = scf.for %scan3A_196 = %scan3A_69 to %scan3A_71 step %scan3A_72 iter_args(%scan3A_197 = %broadcast_in_dim3A_66, %scan3A_198 = %broadcast_in_dim3A_66) -> (vector<16xf32>, vector<16xf32>)  : i32 {
          %mul3A_199 = arith.constant 4 : i32
          %mul3A_200 = arith.muli %scan3A_196, %mul3A_199 : i32
          %add3A_201 = arith.constant 0 : i32
          %add3A_202 = arith.addi %add3A_201, %mul3A_200 : i32
          %get3A = arith.index_cast %add3A_202 : i32 to index
          %get3A_203 = arith.constant 0 : index
          %get3A_204 = tpu.vector_load %arg9[%get3A, %get3A_203] {strides = array<i32>} : memref<1600x16xf32, #tpu.memory_space<vmem>>, vector<1x16xf32>,
          %get3A_205 = vector.shape_cast %get3A_204 : vector<1x16xf32> to vector<16xf32>
          %add3A_206 = arith.addf %scan3A_197, %get3A_205 : vector<16xf32>
          %add3A_207 = arith.constant 1 : i32
          %add3A_208 = arith.addi %add3A_202, %add3A_207 : i32
          %get3A_209 = arith.index_cast %add3A_208 : i32 to index
          %get3A_210 = arith.constant 0 : index
          %get3A_211 = tpu.vector_load %arg9[%get3A_209, %get3A_210] {strides = array<i32>} : memref<1600x16xf32, #tpu.memory_space<vmem>>, vector<1x16xf32>,
          %get3A_212 = vector.shape_cast %get3A_211 : vector<1x16xf32> to vector<16xf32>
          %add3A_213 = arith.addf %scan3A_198, %get3A_212 : vector<16xf32>
          %add3A_214 = arith.constant 2 : i32
          %add3A_215 = arith.addi %add3A_202, %add3A_214 : i32
          %get3A_216 = arith.index_cast %add3A_215 : i32 to index
          %get3A_217 = arith.constant 0 : index
          %get3A_218 = tpu.vector_load %arg9[%get3A_216, %get3A_217] {strides = array<i32>} : memref<1600x16xf32, #tpu.memory_space<vmem>>, vector<1x16xf32>,
          %get3A_219 = vector.shape_cast %get3A_218 : vector<1x16xf32> to vector<16xf32>
          %add3A_220 = arith.addf %add3A_206, %get3A_219 : vector<16xf32>
          %add3A_221 = arith.constant 3 : i32
          %add3A_222 = arith.addi %add3A_202, %add3A_221 : i32
          %get3A_223 = arith.index_cast %add3A_222 : i32 to index
          %get3A_224 = arith.constant 0 : index
          %get3A_225 = tpu.vector_load %arg9[%get3A_223, %get3A_224] {strides = array<i32>} : memref<1600x16xf32, #tpu.memory_space<vmem>>, vector<1x16xf32>,
          %get3A_226 = vector.shape_cast %get3A_225 : vector<1x16xf32> to vector<16xf32>
          %add3A_227 = arith.addf %add3A_213, %get3A_226 : vector<16xf32>
          scf.yield %add3A_220, %add3A_227 : vector<16xf32>, vector<16xf32>
        }
        %scan3A_74 = arith.constant 50 : i32
        %add3A_75 = arith.addf %scan3A_73#0, %scan3A_73#1 : vector<16xf32>
        %mul3A_76 = vector.broadcast %scan3A_18 : f32 to vector<16xf32>
        %mul3A_77 = arith.mulf %add3A_75, %mul3A_76 : vector<16xf32>
        %add3A_78 = arith.constant 0 : i32
        %add3A_79 = arith.addi %mul3A_68, %add3A_78 : i32
        %swap3A = arith.index_cast %add3A_79 : i32 to index
        %swap3A_80 = arith.constant 0 : index
        %swap3A_81 = tpu.vector_load %arg11[%swap3A, %swap3A_80] {strides = array<i32>} : memref<512x16xf32, #tpu.memory_space<vmem>>, vector<1x16xf32>,
        %swap3A_82 = vector.shape_cast %swap3A_81 : vector<1x16xf32> to vector<16xf32>
        %swap3A_83 = vector.shape_cast %mul3A_77 : vector<16xf32> to vector<1x16xf32>
        tpu.vector_store %arg11[%swap3A, %swap3A_80], %swap3A_83 {strides = array<i32>} : memref<512x16xf32, #tpu.memory_space<vmem>>, vector<1x16xf32>,
        %scan3A_84 = arith.constant 0 : i32
        %scan3A_85 = arith.constant 50 : i32
        %scan3A_86 = arith.addi %scan3A_84, %scan3A_85 : i32
        %scan3A_87 = arith.constant 1 : i32
        %scan3A_88:2 = scf.for %scan3A_196 = %scan3A_84 to %scan3A_86 step %scan3A_87 iter_args(%scan3A_197 = %broadcast_in_dim3A_66, %scan3A_198 = %broadcast_in_dim3A_66) -> (vector<16xf32>, vector<16xf32>)  : i32 {
          %mul3A_199 = arith.constant 4 : i32
          %mul3A_200 = arith.muli %scan3A_196, %mul3A_199 : i32
          %add3A_201 = arith.constant 200 : i32
          %add3A_202 = arith.addi %add3A_201, %mul3A_200 : i32
          %get3A = arith.index_cast %add3A_202 : i32 to index
          %get3A_203 = arith.constant 0 : index
          %get3A_204 = tpu.vector_load %arg9[%get3A, %get3A_203] {strides = array<i32>} : memref<1600x16xf32, #tpu.memory_space<vmem>>, vector<1x16xf32>,
          %get3A_205 = vector.shape_cast %get3A_204 : vector<1x16xf32> to vector<16xf32>
          %add3A_206 = arith.addf %scan3A_197, %get3A_205 : vector<16xf32>
          %add3A_207 = arith.constant 1 : i32
          %add3A_208 = arith.addi %add3A_202, %add3A_207 : i32
          %get3A_209 = arith.index_cast %add3A_208 : i32 to index
          %get3A_210 = arith.constant 0 : index
          %get3A_211 = tpu.vector_load %arg9[%get3A_209, %get3A_210] {strides = array<i32>} : memref<1600x16xf32, #tpu.memory_space<vmem>>, vector<1x16xf32>,
          %get3A_212 = vector.shape_cast %get3A_211 : vector<1x16xf32> to vector<16xf32>
          %add3A_213 = arith.addf %scan3A_198, %get3A_212 : vector<16xf32>
          %add3A_214 = arith.constant 2 : i32
          %add3A_215 = arith.addi %add3A_202, %add3A_214 : i32
          %get3A_216 = arith.index_cast %add3A_215 : i32 to index
          %get3A_217 = arith.constant 0 : index
          %get3A_218 = tpu.vector_load %arg9[%get3A_216, %get3A_217] {strides = array<i32>} : memref<1600x16xf32, #tpu.memory_space<vmem>>, vector<1x16xf32>,
          %get3A_219 = vector.shape_cast %get3A_218 : vector<1x16xf32> to vector<16xf32>
          %add3A_220 = arith.addf %add3A_206, %get3A_219 : vector<16xf32>
          %add3A_221 = arith.constant 3 : i32
          %add3A_222 = arith.addi %add3A_202, %add3A_221 : i32
          %get3A_223 = arith.index_cast %add3A_222 : i32 to index
          %get3A_224 = arith.constant 0 : index
          %get3A_225 = tpu.vector_load %arg9[%get3A_223, %get3A_224] {strides = array<i32>} : memref<1600x16xf32, #tpu.memory_space<vmem>>, vector<1x16xf32>,
          %get3A_226 = vector.shape_cast %get3A_225 : vector<1x16xf32> to vector<16xf32>
          %add3A_227 = arith.addf %add3A_213, %get3A_226 : vector<16xf32>
          scf.yield %add3A_220, %add3A_227 : vector<16xf32>, vector<16xf32>
        }
        %scan3A_89 = arith.constant 50 : i32
        %add3A_90 = arith.addf %scan3A_88#0, %scan3A_88#1 : vector<16xf32>
        %mul3A_91 = vector.broadcast %scan3A_18 : f32 to vector<16xf32>
        %mul3A_92 = arith.mulf %add3A_90, %mul3A_91 : vector<16xf32>
        %add3A_93 = arith.constant 1 : i32
        %add3A_94 = arith.addi %mul3A_68, %add3A_93 : i32
        %swap3A_95 = arith.index_cast %add3A_94 : i32 to index
        %swap3A_96 = arith.constant 0 : index
        %swap3A_97 = tpu.vector_load %arg11[%swap3A_95, %swap3A_96] {strides = array<i32>} : memref<512x16xf32, #tpu.memory_space<vmem>>, vector<1x16xf32>,
        %swap3A_98 = vector.shape_cast %swap3A_97 : vector<1x16xf32> to vector<16xf32>
        %swap3A_99 = vector.shape_cast %mul3A_92 : vector<16xf32> to vector<1x16xf32>
        tpu.vector_store %arg11[%swap3A_95, %swap3A_96], %swap3A_99 {strides = array<i32>} : memref<512x16xf32, #tpu.memory_space<vmem>>, vector<1x16xf32>,
        %scan3A_100 = arith.constant 0 : i32
        %scan3A_101 = arith.constant 50 : i32
        %scan3A_102 = arith.addi %scan3A_100, %scan3A_101 : i32
        %scan3A_103 = arith.constant 1 : i32
        %scan3A_104:2 = scf.for %scan3A_196 = %scan3A_100 to %scan3A_102 step %scan3A_103 iter_args(%scan3A_197 = %broadcast_in_dim3A_66, %scan3A_198 = %broadcast_in_dim3A_66) -> (vector<16xf32>, vector<16xf32>)  : i32 {
          %mul3A_199 = arith.constant 4 : i32
          %mul3A_200 = arith.muli %scan3A_196, %mul3A_199 : i32
          %add3A_201 = arith.constant 400 : i32
          %add3A_202 = arith.addi %add3A_201, %mul3A_200 : i32
          %get3A = arith.index_cast %add3A_202 : i32 to index
          %get3A_203 = arith.constant 0 : index
          %get3A_204 = tpu.vector_load %arg9[%get3A, %get3A_203] {strides = array<i32>} : memref<1600x16xf32, #tpu.memory_space<vmem>>, vector<1x16xf32>,
          %get3A_205 = vector.shape_cast %get3A_204 : vector<1x16xf32> to vector<16xf32>
          %add3A_206 = arith.addf %scan3A_197, %get3A_205 : vector<16xf32>
          %add3A_207 = arith.constant 1 : i32
          %add3A_208 = arith.addi %add3A_202, %add3A_207 : i32
          %get3A_209 = arith.index_cast %add3A_208 : i32 to index
          %get3A_210 = arith.constant 0 : index
          %get3A_211 = tpu.vector_load %arg9[%get3A_209, %get3A_210] {strides = array<i32>} : memref<1600x16xf32, #tpu.memory_space<vmem>>, vector<1x16xf32>,
          %get3A_212 = vector.shape_cast %get3A_211 : vector<1x16xf32> to vector<16xf32>
          %add3A_213 = arith.addf %scan3A_198, %get3A_212 : vector<16xf32>
          %add3A_214 = arith.constant 2 : i32
          %add3A_215 = arith.addi %add3A_202, %add3A_214 : i32
          %get3A_216 = arith.index_cast %add3A_215 : i32 to index
          %get3A_217 = arith.constant 0 : index
          %get3A_218 = tpu.vector_load %arg9[%get3A_216, %get3A_217] {strides = array<i32>} : memref<1600x16xf32, #tpu.memory_space<vmem>>, vector<1x16xf32>,
          %get3A_219 = vector.shape_cast %get3A_218 : vector<1x16xf32> to vector<16xf32>
          %add3A_220 = arith.addf %add3A_206, %get3A_219 : vector<16xf32>
          %add3A_221 = arith.constant 3 : i32
          %add3A_222 = arith.addi %add3A_202, %add3A_221 : i32
          %get3A_223 = arith.index_cast %add3A_222 : i32 to index
          %get3A_224 = arith.constant 0 : index
          %get3A_225 = tpu.vector_load %arg9[%get3A_223, %get3A_224] {strides = array<i32>} : memref<1600x16xf32, #tpu.memory_space<vmem>>, vector<1x16xf32>,
          %get3A_226 = vector.shape_cast %get3A_225 : vector<1x16xf32> to vector<16xf32>
          %add3A_227 = arith.addf %add3A_213, %get3A_226 : vector<16xf32>
          scf.yield %add3A_220, %add3A_227 : vector<16xf32>, vector<16xf32>
        }
        %scan3A_105 = arith.constant 50 : i32
        %add3A_106 = arith.addf %scan3A_104#0, %scan3A_104#1 : vector<16xf32>
        %mul3A_107 = vector.broadcast %scan3A_18 : f32 to vector<16xf32>
        %mul3A_108 = arith.mulf %add3A_106, %mul3A_107 : vector<16xf32>
        %add3A_109 = arith.constant 2 : i32
        %add3A_110 = arith.addi %mul3A_68, %add3A_109 : i32
        %swap3A_111 = arith.index_cast %add3A_110 : i32 to index
        %swap3A_112 = arith.constant 0 : index
        %swap3A_113 = tpu.vector_load %arg11[%swap3A_111, %swap3A_112] {strides = array<i32>} : memref<512x16xf32, #tpu.memory_space<vmem>>, vector<1x16xf32>,
        %swap3A_114 = vector.shape_cast %swap3A_113 : vector<1x16xf32> to vector<16xf32>
        %swap3A_115 = vector.shape_cast %mul3A_108 : vector<16xf32> to vector<1x16xf32>
        tpu.vector_store %arg11[%swap3A_111, %swap3A_112], %swap3A_115 {strides = array<i32>} : memref<512x16xf32, #tpu.memory_space<vmem>>, vector<1x16xf32>,
        %scan3A_116 = arith.constant 0 : i32
        %scan3A_117 = arith.constant 50 : i32
        %scan3A_118 = arith.addi %scan3A_116, %scan3A_117 : i32
        %scan3A_119 = arith.constant 1 : i32
        %scan3A_120:2 = scf.for %scan3A_196 = %scan3A_116 to %scan3A_118 step %scan3A_119 iter_args(%scan3A_197 = %broadcast_in_dim3A_66, %scan3A_198 = %broadcast_in_dim3A_66) -> (vector<16xf32>, vector<16xf32>)  : i32 {
          %mul3A_199 = arith.constant 4 : i32
          %mul3A_200 = arith.muli %scan3A_196, %mul3A_199 : i32
          %add3A_201 = arith.constant 600 : i32
          %add3A_202 = arith.addi %add3A_201, %mul3A_200 : i32
          %get3A = arith.index_cast %add3A_202 : i32 to index
          %get3A_203 = arith.constant 0 : index
          %get3A_204 = tpu.vector_load %arg9[%get3A, %get3A_203] {strides = array<i32>} : memref<1600x16xf32, #tpu.memory_space<vmem>>, vector<1x16xf32>,
          %get3A_205 = vector.shape_cast %get3A_204 : vector<1x16xf32> to vector<16xf32>
          %add3A_206 = arith.addf %scan3A_197, %get3A_205 : vector<16xf32>
          %add3A_207 = arith.constant 1 : i32
          %add3A_208 = arith.addi %add3A_202, %add3A_207 : i32
          %get3A_209 = arith.index_cast %add3A_208 : i32 to index
          %get3A_210 = arith.constant 0 : index
          %get3A_211 = tpu.vector_load %arg9[%get3A_209, %get3A_210] {strides = array<i32>} : memref<1600x16xf32, #tpu.memory_space<vmem>>, vector<1x16xf32>,
          %get3A_212 = vector.shape_cast %get3A_211 : vector<1x16xf32> to vector<16xf32>
          %add3A_213 = arith.addf %scan3A_198, %get3A_212 : vector<16xf32>
          %add3A_214 = arith.constant 2 : i32
          %add3A_215 = arith.addi %add3A_202, %add3A_214 : i32
          %get3A_216 = arith.index_cast %add3A_215 : i32 to index
          %get3A_217 = arith.constant 0 : index
          %get3A_218 = tpu.vector_load %arg9[%get3A_216, %get3A_217] {strides = array<i32>} : memref<1600x16xf32, #tpu.memory_space<vmem>>, vector<1x16xf32>,
          %get3A_219 = vector.shape_cast %get3A_218 : vector<1x16xf32> to vector<16xf32>
          %add3A_220 = arith.addf %add3A_206, %get3A_219 : vector<16xf32>
          %add3A_221 = arith.constant 3 : i32
          %add3A_222 = arith.addi %add3A_202, %add3A_221 : i32
          %get3A_223 = arith.index_cast %add3A_222 : i32 to index
          %get3A_224 = arith.constant 0 : index
          %get3A_225 = tpu.vector_load %arg9[%get3A_223, %get3A_224] {strides = array<i32>} : memref<1600x16xf32, #tpu.memory_space<vmem>>, vector<1x16xf32>,
          %get3A_226 = vector.shape_cast %get3A_225 : vector<1x16xf32> to vector<16xf32>
          %add3A_227 = arith.addf %add3A_213, %get3A_226 : vector<16xf32>
          scf.yield %add3A_220, %add3A_227 : vector<16xf32>, vector<16xf32>
        }
        %scan3A_121 = arith.constant 50 : i32
        %add3A_122 = arith.addf %scan3A_120#0, %scan3A_120#1 : vector<16xf32>
        %mul3A_123 = vector.broadcast %scan3A_18 : f32 to vector<16xf32>
        %mul3A_124 = arith.mulf %add3A_122, %mul3A_123 : vector<16xf32>
        %add3A_125 = arith.constant 3 : i32
        %add3A_126 = arith.addi %mul3A_68, %add3A_125 : i32
        %swap3A_127 = arith.index_cast %add3A_126 : i32 to index
        %swap3A_128 = arith.constant 0 : index
        %swap3A_129 = tpu.vector_load %arg11[%swap3A_127, %swap3A_128] {strides = array<i32>} : memref<512x16xf32, #tpu.memory_space<vmem>>, vector<1x16xf32>,
        %swap3A_130 = vector.shape_cast %swap3A_129 : vector<1x16xf32> to vector<16xf32>
        %swap3A_131 = vector.shape_cast %mul3A_124 : vector<16xf32> to vector<1x16xf32>
        tpu.vector_store %arg11[%swap3A_127, %swap3A_128], %swap3A_131 {strides = array<i32>} : memref<512x16xf32, #tpu.memory_space<vmem>>, vector<1x16xf32>,
        %scan3A_132 = arith.constant 0 : i32
        %scan3A_133 = arith.constant 50 : i32
        %scan3A_134 = arith.addi %scan3A_132, %scan3A_133 : i32
        %scan3A_135 = arith.constant 1 : i32
        %scan3A_136:2 = scf.for %scan3A_196 = %scan3A_132 to %scan3A_134 step %scan3A_135 iter_args(%scan3A_197 = %broadcast_in_dim3A_66, %scan3A_198 = %broadcast_in_dim3A_66) -> (vector<16xf32>, vector<16xf32>)  : i32 {
          %mul3A_199 = arith.constant 4 : i32
          %mul3A_200 = arith.muli %scan3A_196, %mul3A_199 : i32
          %add3A_201 = arith.constant 800 : i32
          %add3A_202 = arith.addi %add3A_201, %mul3A_200 : i32
          %get3A = arith.index_cast %add3A_202 : i32 to index
          %get3A_203 = arith.constant 0 : index
          %get3A_204 = tpu.vector_load %arg9[%get3A, %get3A_203] {strides = array<i32>} : memref<1600x16xf32, #tpu.memory_space<vmem>>, vector<1x16xf32>,
          %get3A_205 = vector.shape_cast %get3A_204 : vector<1x16xf32> to vector<16xf32>
          %add3A_206 = arith.addf %scan3A_197, %get3A_205 : vector<16xf32>
          %add3A_207 = arith.constant 1 : i32
          %add3A_208 = arith.addi %add3A_202, %add3A_207 : i32
          %get3A_209 = arith.index_cast %add3A_208 : i32 to index
          %get3A_210 = arith.constant 0 : index
          %get3A_211 = tpu.vector_load %arg9[%get3A_209, %get3A_210] {strides = array<i32>} : memref<1600x16xf32, #tpu.memory_space<vmem>>, vector<1x16xf32>,
          %get3A_212 = vector.shape_cast %get3A_211 : vector<1x16xf32> to vector<16xf32>
          %add3A_213 = arith.addf %scan3A_198, %get3A_212 : vector<16xf32>
          %add3A_214 = arith.constant 2 : i32
          %add3A_215 = arith.addi %add3A_202, %add3A_214 : i32
          %get3A_216 = arith.index_cast %add3A_215 : i32 to index
          %get3A_217 = arith.constant 0 : index
          %get3A_218 = tpu.vector_load %arg9[%get3A_216, %get3A_217] {strides = array<i32>} : memref<1600x16xf32, #tpu.memory_space<vmem>>, vector<1x16xf32>,
          %get3A_219 = vector.shape_cast %get3A_218 : vector<1x16xf32> to vector<16xf32>
          %add3A_220 = arith.addf %add3A_206, %get3A_219 : vector<16xf32>
          %add3A_221 = arith.constant 3 : i32
          %add3A_222 = arith.addi %add3A_202, %add3A_221 : i32
          %get3A_223 = arith.index_cast %add3A_222 : i32 to index
          %get3A_224 = arith.constant 0 : index
          %get3A_225 = tpu.vector_load %arg9[%get3A_223, %get3A_224] {strides = array<i32>} : memref<1600x16xf32, #tpu.memory_space<vmem>>, vector<1x16xf32>,
          %get3A_226 = vector.shape_cast %get3A_225 : vector<1x16xf32> to vector<16xf32>
          %add3A_227 = arith.addf %add3A_213, %get3A_226 : vector<16xf32>
          scf.yield %add3A_220, %add3A_227 : vector<16xf32>, vector<16xf32>
        }
        %scan3A_137 = arith.constant 50 : i32
        %add3A_138 = arith.addf %scan3A_136#0, %scan3A_136#1 : vector<16xf32>
        %mul3A_139 = vector.broadcast %scan3A_18 : f32 to vector<16xf32>
        %mul3A_140 = arith.mulf %add3A_138, %mul3A_139 : vector<16xf32>
        %add3A_141 = arith.constant 4 : i32
        %add3A_142 = arith.addi %mul3A_68, %add3A_141 : i32
        %swap3A_143 = arith.index_cast %add3A_142 : i32 to index
        %swap3A_144 = arith.constant 0 : index
        %swap3A_145 = tpu.vector_load %arg11[%swap3A_143, %swap3A_144] {strides = array<i32>} : memref<512x16xf32, #tpu.memory_space<vmem>>, vector<1x16xf32>,
        %swap3A_146 = vector.shape_cast %swap3A_145 : vector<1x16xf32> to vector<16xf32>
        %swap3A_147 = vector.shape_cast %mul3A_140 : vector<16xf32> to vector<1x16xf32>
        tpu.vector_store %arg11[%swap3A_143, %swap3A_144], %swap3A_147 {strides = array<i32>} : memref<512x16xf32, #tpu.memory_space<vmem>>, vector<1x16xf32>,
        %scan3A_148 = arith.constant 0 : i32
        %scan3A_149 = arith.constant 50 : i32
        %scan3A_150 = arith.addi %scan3A_148, %scan3A_149 : i32
        %scan3A_151 = arith.constant 1 : i32
        %scan3A_152:2 = scf.for %scan3A_196 = %scan3A_148 to %scan3A_150 step %scan3A_151 iter_args(%scan3A_197 = %broadcast_in_dim3A_66, %scan3A_198 = %broadcast_in_dim3A_66) -> (vector<16xf32>, vector<16xf32>)  : i32 {
          %mul3A_199 = arith.constant 4 : i32
          %mul3A_200 = arith.muli %scan3A_196, %mul3A_199 : i32
          %add3A_201 = arith.constant 1000 : i32
          %add3A_202 = arith.addi %add3A_201, %mul3A_200 : i32
          %get3A = arith.index_cast %add3A_202 : i32 to index
          %get3A_203 = arith.constant 0 : index
          %get3A_204 = tpu.vector_load %arg9[%get3A, %get3A_203] {strides = array<i32>} : memref<1600x16xf32, #tpu.memory_space<vmem>>, vector<1x16xf32>,
          %get3A_205 = vector.shape_cast %get3A_204 : vector<1x16xf32> to vector<16xf32>
          %add3A_206 = arith.addf %scan3A_197, %get3A_205 : vector<16xf32>
          %add3A_207 = arith.constant 1 : i32
          %add3A_208 = arith.addi %add3A_202, %add3A_207 : i32
          %get3A_209 = arith.index_cast %add3A_208 : i32 to index
          %get3A_210 = arith.constant 0 : index
          %get3A_211 = tpu.vector_load %arg9[%get3A_209, %get3A_210] {strides = array<i32>} : memref<1600x16xf32, #tpu.memory_space<vmem>>, vector<1x16xf32>,
          %get3A_212 = vector.shape_cast %get3A_211 : vector<1x16xf32> to vector<16xf32>
          %add3A_213 = arith.addf %scan3A_198, %get3A_212 : vector<16xf32>
          %add3A_214 = arith.constant 2 : i32
          %add3A_215 = arith.addi %add3A_202, %add3A_214 : i32
          %get3A_216 = arith.index_cast %add3A_215 : i32 to index
          %get3A_217 = arith.constant 0 : index
          %get3A_218 = tpu.vector_load %arg9[%get3A_216, %get3A_217] {strides = array<i32>} : memref<1600x16xf32, #tpu.memory_space<vmem>>, vector<1x16xf32>,
          %get3A_219 = vector.shape_cast %get3A_218 : vector<1x16xf32> to vector<16xf32>
          %add3A_220 = arith.addf %add3A_206, %get3A_219 : vector<16xf32>
          %add3A_221 = arith.constant 3 : i32
          %add3A_222 = arith.addi %add3A_202, %add3A_221 : i32
          %get3A_223 = arith.index_cast %add3A_222 : i32 to index
          %get3A_224 = arith.constant 0 : index
          %get3A_225 = tpu.vector_load %arg9[%get3A_223, %get3A_224] {strides = array<i32>} : memref<1600x16xf32, #tpu.memory_space<vmem>>, vector<1x16xf32>,
          %get3A_226 = vector.shape_cast %get3A_225 : vector<1x16xf32> to vector<16xf32>
          %add3A_227 = arith.addf %add3A_213, %get3A_226 : vector<16xf32>
          scf.yield %add3A_220, %add3A_227 : vector<16xf32>, vector<16xf32>
        }
        %scan3A_153 = arith.constant 50 : i32
        %add3A_154 = arith.addf %scan3A_152#0, %scan3A_152#1 : vector<16xf32>
        %mul3A_155 = vector.broadcast %scan3A_18 : f32 to vector<16xf32>
        %mul3A_156 = arith.mulf %add3A_154, %mul3A_155 : vector<16xf32>
        %add3A_157 = arith.constant 5 : i32
        %add3A_158 = arith.addi %mul3A_68, %add3A_157 : i32
        %swap3A_159 = arith.index_cast %add3A_158 : i32 to index
        %swap3A_160 = arith.constant 0 : index
        %swap3A_161 = tpu.vector_load %arg11[%swap3A_159, %swap3A_160] {strides = array<i32>} : memref<512x16xf32, #tpu.memory_space<vmem>>, vector<1x16xf32>,
        %swap3A_162 = vector.shape_cast %swap3A_161 : vector<1x16xf32> to vector<16xf32>
        %swap3A_163 = vector.shape_cast %mul3A_156 : vector<16xf32> to vector<1x16xf32>
        tpu.vector_store %arg11[%swap3A_159, %swap3A_160], %swap3A_163 {strides = array<i32>} : memref<512x16xf32, #tpu.memory_space<vmem>>, vector<1x16xf32>,
        %scan3A_164 = arith.constant 0 : i32
        %scan3A_165 = arith.constant 50 : i32
        %scan3A_166 = arith.addi %scan3A_164, %scan3A_165 : i32
        %scan3A_167 = arith.constant 1 : i32
        %scan3A_168:2 = scf.for %scan3A_196 = %scan3A_164 to %scan3A_166 step %scan3A_167 iter_args(%scan3A_197 = %broadcast_in_dim3A_66, %scan3A_198 = %broadcast_in_dim3A_66) -> (vector<16xf32>, vector<16xf32>)  : i32 {
          %mul3A_199 = arith.constant 4 : i32
          %mul3A_200 = arith.muli %scan3A_196, %mul3A_199 : i32
          %add3A_201 = arith.constant 1200 : i32
          %add3A_202 = arith.addi %add3A_201, %mul3A_200 : i32
          %get3A = arith.index_cast %add3A_202 : i32 to index
          %get3A_203 = arith.constant 0 : index
          %get3A_204 = tpu.vector_load %arg9[%get3A, %get3A_203] {strides = array<i32>} : memref<1600x16xf32, #tpu.memory_space<vmem>>, vector<1x16xf32>,
          %get3A_205 = vector.shape_cast %get3A_204 : vector<1x16xf32> to vector<16xf32>
          %add3A_206 = arith.addf %scan3A_197, %get3A_205 : vector<16xf32>
          %add3A_207 = arith.constant 1 : i32
          %add3A_208 = arith.addi %add3A_202, %add3A_207 : i32
          %get3A_209 = arith.index_cast %add3A_208 : i32 to index
          %get3A_210 = arith.constant 0 : index
          %get3A_211 = tpu.vector_load %arg9[%get3A_209, %get3A_210] {strides = array<i32>} : memref<1600x16xf32, #tpu.memory_space<vmem>>, vector<1x16xf32>,
          %get3A_212 = vector.shape_cast %get3A_211 : vector<1x16xf32> to vector<16xf32>
          %add3A_213 = arith.addf %scan3A_198, %get3A_212 : vector<16xf32>
          %add3A_214 = arith.constant 2 : i32
          %add3A_215 = arith.addi %add3A_202, %add3A_214 : i32
          %get3A_216 = arith.index_cast %add3A_215 : i32 to index
          %get3A_217 = arith.constant 0 : index
          %get3A_218 = tpu.vector_load %arg9[%get3A_216, %get3A_217] {strides = array<i32>} : memref<1600x16xf32, #tpu.memory_space<vmem>>, vector<1x16xf32>,
          %get3A_219 = vector.shape_cast %get3A_218 : vector<1x16xf32> to vector<16xf32>
          %add3A_220 = arith.addf %add3A_206, %get3A_219 : vector<16xf32>
          %add3A_221 = arith.constant 3 : i32
          %add3A_222 = arith.addi %add3A_202, %add3A_221 : i32
          %get3A_223 = arith.index_cast %add3A_222 : i32 to index
          %get3A_224 = arith.constant 0 : index
          %get3A_225 = tpu.vector_load %arg9[%get3A_223, %get3A_224] {strides = array<i32>} : memref<1600x16xf32, #tpu.memory_space<vmem>>, vector<1x16xf32>,
          %get3A_226 = vector.shape_cast %get3A_225 : vector<1x16xf32> to vector<16xf32>
          %add3A_227 = arith.addf %add3A_213, %get3A_226 : vector<16xf32>
          scf.yield %add3A_220, %add3A_227 : vector<16xf32>, vector<16xf32>
        }
        %scan3A_169 = arith.constant 50 : i32
        %add3A_170 = arith.addf %scan3A_168#0, %scan3A_168#1 : vector<16xf32>
        %mul3A_171 = vector.broadcast %scan3A_18 : f32 to vector<16xf32>
        %mul3A_172 = arith.mulf %add3A_170, %mul3A_171 : vector<16xf32>
        %add3A_173 = arith.constant 6 : i32
        %add3A_174 = arith.addi %mul3A_68, %add3A_173 : i32
        %swap3A_175 = arith.index_cast %add3A_174 : i32 to index
        %swap3A_176 = arith.constant 0 : index
        %swap3A_177 = tpu.vector_load %arg11[%swap3A_175, %swap3A_176] {strides = array<i32>} : memref<512x16xf32, #tpu.memory_space<vmem>>, vector<1x16xf32>,
        %swap3A_178 = vector.shape_cast %swap3A_177 : vector<1x16xf32> to vector<16xf32>
        %swap3A_179 = vector.shape_cast %mul3A_172 : vector<16xf32> to vector<1x16xf32>
        tpu.vector_store %arg11[%swap3A_175, %swap3A_176], %swap3A_179 {strides = array<i32>} : memref<512x16xf32, #tpu.memory_space<vmem>>, vector<1x16xf32>,
        %scan3A_180 = arith.constant 0 : i32
        %scan3A_181 = arith.constant 50 : i32
        %scan3A_182 = arith.addi %scan3A_180, %scan3A_181 : i32
        %scan3A_183 = arith.constant 1 : i32
        %scan3A_184:2 = scf.for %scan3A_196 = %scan3A_180 to %scan3A_182 step %scan3A_183 iter_args(%scan3A_197 = %broadcast_in_dim3A_66, %scan3A_198 = %broadcast_in_dim3A_66) -> (vector<16xf32>, vector<16xf32>)  : i32 {
          %mul3A_199 = arith.constant 4 : i32
          %mul3A_200 = arith.muli %scan3A_196, %mul3A_199 : i32
          %add3A_201 = arith.constant 1400 : i32
          %add3A_202 = arith.addi %add3A_201, %mul3A_200 : i32
          %get3A = arith.index_cast %add3A_202 : i32 to index
          %get3A_203 = arith.constant 0 : index
          %get3A_204 = tpu.vector_load %arg9[%get3A, %get3A_203] {strides = array<i32>} : memref<1600x16xf32, #tpu.memory_space<vmem>>, vector<1x16xf32>,
          %get3A_205 = vector.shape_cast %get3A_204 : vector<1x16xf32> to vector<16xf32>
          %add3A_206 = arith.addf %scan3A_197, %get3A_205 : vector<16xf32>
          %add3A_207 = arith.constant 1 : i32
          %add3A_208 = arith.addi %add3A_202, %add3A_207 : i32
          %get3A_209 = arith.index_cast %add3A_208 : i32 to index
          %get3A_210 = arith.constant 0 : index
          %get3A_211 = tpu.vector_load %arg9[%get3A_209, %get3A_210] {strides = array<i32>} : memref<1600x16xf32, #tpu.memory_space<vmem>>, vector<1x16xf32>,
          %get3A_212 = vector.shape_cast %get3A_211 : vector<1x16xf32> to vector<16xf32>
          %add3A_213 = arith.addf %scan3A_198, %get3A_212 : vector<16xf32>
          %add3A_214 = arith.constant 2 : i32
          %add3A_215 = arith.addi %add3A_202, %add3A_214 : i32
          %get3A_216 = arith.index_cast %add3A_215 : i32 to index
          %get3A_217 = arith.constant 0 : index
          %get3A_218 = tpu.vector_load %arg9[%get3A_216, %get3A_217] {strides = array<i32>} : memref<1600x16xf32, #tpu.memory_space<vmem>>, vector<1x16xf32>,
          %get3A_219 = vector.shape_cast %get3A_218 : vector<1x16xf32> to vector<16xf32>
          %add3A_220 = arith.addf %add3A_206, %get3A_219 : vector<16xf32>
          %add3A_221 = arith.constant 3 : i32
          %add3A_222 = arith.addi %add3A_202, %add3A_221 : i32
          %get3A_223 = arith.index_cast %add3A_222 : i32 to index
          %get3A_224 = arith.constant 0 : index
          %get3A_225 = tpu.vector_load %arg9[%get3A_223, %get3A_224] {strides = array<i32>} : memref<1600x16xf32, #tpu.memory_space<vmem>>, vector<1x16xf32>,
          %get3A_226 = vector.shape_cast %get3A_225 : vector<1x16xf32> to vector<16xf32>
          %add3A_227 = arith.addf %add3A_213, %get3A_226 : vector<16xf32>
          scf.yield %add3A_220, %add3A_227 : vector<16xf32>, vector<16xf32>
        }
        %scan3A_185 = arith.constant 50 : i32
        %add3A_186 = arith.addf %scan3A_184#0, %scan3A_184#1 : vector<16xf32>
        %mul3A_187 = vector.broadcast %scan3A_18 : f32 to vector<16xf32>
        %mul3A_188 = arith.mulf %add3A_186, %mul3A_187 : vector<16xf32>
        %add3A_189 = arith.constant 7 : i32
        %add3A_190 = arith.addi %mul3A_68, %add3A_189 : i32
        %swap3A_191 = arith.index_cast %add3A_190 : i32 to index
        %swap3A_192 = arith.constant 0 : index
        %swap3A_193 = tpu.vector_load %arg11[%swap3A_191, %swap3A_192] {strides = array<i32>} : memref<512x16xf32, #tpu.memory_space<vmem>>, vector<1x16xf32>,
        %swap3A_194 = vector.shape_cast %swap3A_193 : vector<1x16xf32> to vector<16xf32>
        %swap3A_195 = vector.shape_cast %mul3A_188 : vector<16xf32> to vector<1x16xf32>
        tpu.vector_store %arg11[%swap3A_191, %swap3A_192], %swap3A_195 {strides = array<i32>} : memref<512x16xf32, #tpu.memory_space<vmem>>, vector<1x16xf32>,
      } else {
      }
      %mul3A_40 = arith.constant 3 : i32
      %mul3A_41 = arith.muli %scan3A_24, %mul3A_40 : i32
      %add3A_42 = arith.constant 2 : i32
      %add3A_43 = arith.addi %mul3A_41, %add3A_42 : i32
      %lt3A_44 = arith.constant 64 : i32
      %lt3A_45 = arith.cmpi slt, %add3A_43, %lt3A_44 : i32
      %convert_element_type3A_46 = arith.extui %lt3A_45 : i1 to i32
      %cond3A_47 = arith.constant 0 : i32
      %cond3A_48 = arith.cmpi ne, %convert_element_type3A_46, %cond3A_47 : i32
      scf.if %cond3A_48 {
        %add3A_49 = arith.constant 2 : i32
        %add3A_50 = arith.addi %add3A_43, %add3A_49 : i32
        %lt3A_51 = arith.constant 64 : i32
        %lt3A_52 = arith.cmpi slt, %add3A_50, %lt3A_51 : i32
        %convert_element_type3A_53 = arith.extui %lt3A_52 : i1 to i32
        %cond3A_54 = arith.constant 0 : i32
        %cond3A_55 = arith.cmpi ne, %convert_element_type3A_53, %cond3A_54 : i32
        scf.if %cond3A_55 {
          %add3A_196 = arith.constant 2 : i32
          %add3A_197 = arith.addi %add3A_43, %add3A_196 : i32
          %mul3A_198 = arith.constant 1600 : i32
          %mul3A_199 = arith.muli %add3A_197, %mul3A_198 : i32
          %add3A_200 = arith.addi %mul3A_2, %mul3A_199 : i32
          %dma_start3A_201 = tpu.memref_slice %arg2[%add3A_200] : memref<3276800xi32, #tpu.memory_space<hbm>> -> memref<1600xi32, #tpu.memory_space<hbm>>
          %dma_start3A_202 = tpu.memref_slice %arg2[%add3A_200] : memref<3276800xi32, #tpu.memory_space<hbm>> -> memref<1600xi32, #tpu.memory_space<hbm>>
          tpu.enqueue_dma source(%dma_start3A_202 : memref<1600xi32, #tpu.memory_space<hbm>>) target(%arg6 : memref<1600xi32, #tpu.memory_space<vmem>>) target_semaphore(%arg13 : memref<!tpu.dma_semaphore, #tpu.memory_space<semaphore_mem>>)
        } else {
        }
        %add3A_56 = arith.constant 1 : i32
        %add3A_57 = arith.addi %add3A_43, %add3A_56 : i32
        %lt3A_58 = arith.constant 64 : i32
        %lt3A_59 = arith.cmpi slt, %add3A_57, %lt3A_58 : i32
        %convert_element_type3A_60 = arith.extui %lt3A_59 : i1 to i32
        %cond3A_61 = arith.constant 0 : i32
        %cond3A_62 = arith.cmpi ne, %convert_element_type3A_60, %cond3A_61 : i32
        scf.if %cond3A_62 {
          %dma_wait3A_196 = arith.constant 0 : i32
          %dma_wait3A_197 = tpu.memref_slice %arg2[%dma_wait3A_196] : memref<3276800xi32, #tpu.memory_space<hbm>> -> memref<1600xi32, #tpu.memory_space<hbm>>
          %dma_wait3A_198 = arith.constant 0 : i32
          %dma_wait3A_199 = tpu.memref_slice %arg2[%dma_wait3A_198] : memref<3276800xi32, #tpu.memory_space<hbm>> -> memref<1600xi32, #tpu.memory_space<hbm>>
          tpu.wait_dma2 semaphore(%arg12 : memref<!tpu.dma_semaphore, #tpu.memory_space<semaphore_mem>>) src(%dma_wait3A_199 : memref<1600xi32, #tpu.memory_space<hbm>>) dst(%arg5 : memref<1600xi32, #tpu.memory_space<vmem>>)
          %dma_start3A_200 = arith.constant 0 : i32
          %dma_start3A_201 = arith.constant 0 : i32
          %dma_start3A_202 = tpu.memref_slice %arg3[%dma_start3A_200, %dma_start3A_201] : memref<1000004x16xf32, #tpu.memory_space<hbm>> -> memref<1000004x16xf32, #tpu.memory_space<hbm>>
          tpu.enqueue_indirect_dma source(%dma_start3A_202 : memref<1000004x16xf32, #tpu.memory_space<hbm>>) target(%arg8 : memref<1600x16xf32, #tpu.memory_space<vmem>>) offsets(%arg5 : memref<1600xi32, #tpu.memory_space<vmem>>) semaphore(%arg15 : memref<!tpu.dma_semaphore, #tpu.memory_space<semaphore_mem>>)
        } else {
        }
        %dma_wait3A_63 = arith.constant 0 : i32
        %dma_wait3A_64 = arith.constant 0 : i32
        %dma_wait3A_65 = tpu.memref_slice %arg3[%dma_wait3A_63, %dma_wait3A_64] : memref<1000004x16xf32, #tpu.memory_space<hbm>> -> memref<1000004x16xf32, #tpu.memory_space<hbm>>
        tpu.wait_indirect_dma semaphore(%arg17 : memref<!tpu.dma_semaphore, #tpu.memory_space<semaphore_mem>>) src(%dma_wait3A_65 : memref<1000004x16xf32, #tpu.memory_space<hbm>>) dst(%arg10 : memref<1600x16xf32, #tpu.memory_space<vmem>>)
        %broadcast_in_dim3A = arith.constant 0.000000e+00 : f32
        %broadcast_in_dim3A_66 = vector.broadcast %broadcast_in_dim3A : f32 to vector<16xf32>
        %mul3A_67 = arith.constant 8 : i32
        %mul3A_68 = arith.muli %add3A_43, %mul3A_67 : i32
        %scan3A_69 = arith.constant 0 : i32
        %scan3A_70 = arith.constant 50 : i32
        %scan3A_71 = arith.addi %scan3A_69, %scan3A_70 : i32
        %scan3A_72 = arith.constant 1 : i32
        %scan3A_73:2 = scf.for %scan3A_196 = %scan3A_69 to %scan3A_71 step %scan3A_72 iter_args(%scan3A_197 = %broadcast_in_dim3A_66, %scan3A_198 = %broadcast_in_dim3A_66) -> (vector<16xf32>, vector<16xf32>)  : i32 {
          %mul3A_199 = arith.constant 4 : i32
          %mul3A_200 = arith.muli %scan3A_196, %mul3A_199 : i32
          %add3A_201 = arith.constant 0 : i32
          %add3A_202 = arith.addi %add3A_201, %mul3A_200 : i32
          %get3A = arith.index_cast %add3A_202 : i32 to index
          %get3A_203 = arith.constant 0 : index
          %get3A_204 = tpu.vector_load %arg10[%get3A, %get3A_203] {strides = array<i32>} : memref<1600x16xf32, #tpu.memory_space<vmem>>, vector<1x16xf32>,
          %get3A_205 = vector.shape_cast %get3A_204 : vector<1x16xf32> to vector<16xf32>
          %add3A_206 = arith.addf %scan3A_197, %get3A_205 : vector<16xf32>
          %add3A_207 = arith.constant 1 : i32
          %add3A_208 = arith.addi %add3A_202, %add3A_207 : i32
          %get3A_209 = arith.index_cast %add3A_208 : i32 to index
          %get3A_210 = arith.constant 0 : index
          %get3A_211 = tpu.vector_load %arg10[%get3A_209, %get3A_210] {strides = array<i32>} : memref<1600x16xf32, #tpu.memory_space<vmem>>, vector<1x16xf32>,
          %get3A_212 = vector.shape_cast %get3A_211 : vector<1x16xf32> to vector<16xf32>
          %add3A_213 = arith.addf %scan3A_198, %get3A_212 : vector<16xf32>
          %add3A_214 = arith.constant 2 : i32
          %add3A_215 = arith.addi %add3A_202, %add3A_214 : i32
          %get3A_216 = arith.index_cast %add3A_215 : i32 to index
          %get3A_217 = arith.constant 0 : index
          %get3A_218 = tpu.vector_load %arg10[%get3A_216, %get3A_217] {strides = array<i32>} : memref<1600x16xf32, #tpu.memory_space<vmem>>, vector<1x16xf32>,
          %get3A_219 = vector.shape_cast %get3A_218 : vector<1x16xf32> to vector<16xf32>
          %add3A_220 = arith.addf %add3A_206, %get3A_219 : vector<16xf32>
          %add3A_221 = arith.constant 3 : i32
          %add3A_222 = arith.addi %add3A_202, %add3A_221 : i32
          %get3A_223 = arith.index_cast %add3A_222 : i32 to index
          %get3A_224 = arith.constant 0 : index
          %get3A_225 = tpu.vector_load %arg10[%get3A_223, %get3A_224] {strides = array<i32>} : memref<1600x16xf32, #tpu.memory_space<vmem>>, vector<1x16xf32>,
          %get3A_226 = vector.shape_cast %get3A_225 : vector<1x16xf32> to vector<16xf32>
          %add3A_227 = arith.addf %add3A_213, %get3A_226 : vector<16xf32>
          scf.yield %add3A_220, %add3A_227 : vector<16xf32>, vector<16xf32>
        }
        %scan3A_74 = arith.constant 50 : i32
        %add3A_75 = arith.addf %scan3A_73#0, %scan3A_73#1 : vector<16xf32>
        %mul3A_76 = vector.broadcast %scan3A_18 : f32 to vector<16xf32>
        %mul3A_77 = arith.mulf %add3A_75, %mul3A_76 : vector<16xf32>
        %add3A_78 = arith.constant 0 : i32
        %add3A_79 = arith.addi %mul3A_68, %add3A_78 : i32
        %swap3A = arith.index_cast %add3A_79 : i32 to index
        %swap3A_80 = arith.constant 0 : index
        %swap3A_81 = tpu.vector_load %arg11[%swap3A, %swap3A_80] {strides = array<i32>} : memref<512x16xf32, #tpu.memory_space<vmem>>, vector<1x16xf32>,
        %swap3A_82 = vector.shape_cast %swap3A_81 : vector<1x16xf32> to vector<16xf32>
        %swap3A_83 = vector.shape_cast %mul3A_77 : vector<16xf32> to vector<1x16xf32>
        tpu.vector_store %arg11[%swap3A, %swap3A_80], %swap3A_83 {strides = array<i32>} : memref<512x16xf32, #tpu.memory_space<vmem>>, vector<1x16xf32>,
        %scan3A_84 = arith.constant 0 : i32
        %scan3A_85 = arith.constant 50 : i32
        %scan3A_86 = arith.addi %scan3A_84, %scan3A_85 : i32
        %scan3A_87 = arith.constant 1 : i32
        %scan3A_88:2 = scf.for %scan3A_196 = %scan3A_84 to %scan3A_86 step %scan3A_87 iter_args(%scan3A_197 = %broadcast_in_dim3A_66, %scan3A_198 = %broadcast_in_dim3A_66) -> (vector<16xf32>, vector<16xf32>)  : i32 {
          %mul3A_199 = arith.constant 4 : i32
          %mul3A_200 = arith.muli %scan3A_196, %mul3A_199 : i32
          %add3A_201 = arith.constant 200 : i32
          %add3A_202 = arith.addi %add3A_201, %mul3A_200 : i32
          %get3A = arith.index_cast %add3A_202 : i32 to index
          %get3A_203 = arith.constant 0 : index
          %get3A_204 = tpu.vector_load %arg10[%get3A, %get3A_203] {strides = array<i32>} : memref<1600x16xf32, #tpu.memory_space<vmem>>, vector<1x16xf32>,
          %get3A_205 = vector.shape_cast %get3A_204 : vector<1x16xf32> to vector<16xf32>
          %add3A_206 = arith.addf %scan3A_197, %get3A_205 : vector<16xf32>
          %add3A_207 = arith.constant 1 : i32
          %add3A_208 = arith.addi %add3A_202, %add3A_207 : i32
          %get3A_209 = arith.index_cast %add3A_208 : i32 to index
          %get3A_210 = arith.constant 0 : index
          %get3A_211 = tpu.vector_load %arg10[%get3A_209, %get3A_210] {strides = array<i32>} : memref<1600x16xf32, #tpu.memory_space<vmem>>, vector<1x16xf32>,
          %get3A_212 = vector.shape_cast %get3A_211 : vector<1x16xf32> to vector<16xf32>
          %add3A_213 = arith.addf %scan3A_198, %get3A_212 : vector<16xf32>
          %add3A_214 = arith.constant 2 : i32
          %add3A_215 = arith.addi %add3A_202, %add3A_214 : i32
          %get3A_216 = arith.index_cast %add3A_215 : i32 to index
          %get3A_217 = arith.constant 0 : index
          %get3A_218 = tpu.vector_load %arg10[%get3A_216, %get3A_217] {strides = array<i32>} : memref<1600x16xf32, #tpu.memory_space<vmem>>, vector<1x16xf32>,
          %get3A_219 = vector.shape_cast %get3A_218 : vector<1x16xf32> to vector<16xf32>
          %add3A_220 = arith.addf %add3A_206, %get3A_219 : vector<16xf32>
          %add3A_221 = arith.constant 3 : i32
          %add3A_222 = arith.addi %add3A_202, %add3A_221 : i32
          %get3A_223 = arith.index_cast %add3A_222 : i32 to index
          %get3A_224 = arith.constant 0 : index
          %get3A_225 = tpu.vector_load %arg10[%get3A_223, %get3A_224] {strides = array<i32>} : memref<1600x16xf32, #tpu.memory_space<vmem>>, vector<1x16xf32>,
          %get3A_226 = vector.shape_cast %get3A_225 : vector<1x16xf32> to vector<16xf32>
          %add3A_227 = arith.addf %add3A_213, %get3A_226 : vector<16xf32>
          scf.yield %add3A_220, %add3A_227 : vector<16xf32>, vector<16xf32>
        }
        %scan3A_89 = arith.constant 50 : i32
        %add3A_90 = arith.addf %scan3A_88#0, %scan3A_88#1 : vector<16xf32>
        %mul3A_91 = vector.broadcast %scan3A_18 : f32 to vector<16xf32>
        %mul3A_92 = arith.mulf %add3A_90, %mul3A_91 : vector<16xf32>
        %add3A_93 = arith.constant 1 : i32
        %add3A_94 = arith.addi %mul3A_68, %add3A_93 : i32
        %swap3A_95 = arith.index_cast %add3A_94 : i32 to index
        %swap3A_96 = arith.constant 0 : index
        %swap3A_97 = tpu.vector_load %arg11[%swap3A_95, %swap3A_96] {strides = array<i32>} : memref<512x16xf32, #tpu.memory_space<vmem>>, vector<1x16xf32>,
        %swap3A_98 = vector.shape_cast %swap3A_97 : vector<1x16xf32> to vector<16xf32>
        %swap3A_99 = vector.shape_cast %mul3A_92 : vector<16xf32> to vector<1x16xf32>
        tpu.vector_store %arg11[%swap3A_95, %swap3A_96], %swap3A_99 {strides = array<i32>} : memref<512x16xf32, #tpu.memory_space<vmem>>, vector<1x16xf32>,
        %scan3A_100 = arith.constant 0 : i32
        %scan3A_101 = arith.constant 50 : i32
        %scan3A_102 = arith.addi %scan3A_100, %scan3A_101 : i32
        %scan3A_103 = arith.constant 1 : i32
        %scan3A_104:2 = scf.for %scan3A_196 = %scan3A_100 to %scan3A_102 step %scan3A_103 iter_args(%scan3A_197 = %broadcast_in_dim3A_66, %scan3A_198 = %broadcast_in_dim3A_66) -> (vector<16xf32>, vector<16xf32>)  : i32 {
          %mul3A_199 = arith.constant 4 : i32
          %mul3A_200 = arith.muli %scan3A_196, %mul3A_199 : i32
          %add3A_201 = arith.constant 400 : i32
          %add3A_202 = arith.addi %add3A_201, %mul3A_200 : i32
          %get3A = arith.index_cast %add3A_202 : i32 to index
          %get3A_203 = arith.constant 0 : index
          %get3A_204 = tpu.vector_load %arg10[%get3A, %get3A_203] {strides = array<i32>} : memref<1600x16xf32, #tpu.memory_space<vmem>>, vector<1x16xf32>,
          %get3A_205 = vector.shape_cast %get3A_204 : vector<1x16xf32> to vector<16xf32>
          %add3A_206 = arith.addf %scan3A_197, %get3A_205 : vector<16xf32>
          %add3A_207 = arith.constant 1 : i32
          %add3A_208 = arith.addi %add3A_202, %add3A_207 : i32
          %get3A_209 = arith.index_cast %add3A_208 : i32 to index
          %get3A_210 = arith.constant 0 : index
          %get3A_211 = tpu.vector_load %arg10[%get3A_209, %get3A_210] {strides = array<i32>} : memref<1600x16xf32, #tpu.memory_space<vmem>>, vector<1x16xf32>,
          %get3A_212 = vector.shape_cast %get3A_211 : vector<1x16xf32> to vector<16xf32>
          %add3A_213 = arith.addf %scan3A_198, %get3A_212 : vector<16xf32>
          %add3A_214 = arith.constant 2 : i32
          %add3A_215 = arith.addi %add3A_202, %add3A_214 : i32
          %get3A_216 = arith.index_cast %add3A_215 : i32 to index
          %get3A_217 = arith.constant 0 : index
          %get3A_218 = tpu.vector_load %arg10[%get3A_216, %get3A_217] {strides = array<i32>} : memref<1600x16xf32, #tpu.memory_space<vmem>>, vector<1x16xf32>,
          %get3A_219 = vector.shape_cast %get3A_218 : vector<1x16xf32> to vector<16xf32>
          %add3A_220 = arith.addf %add3A_206, %get3A_219 : vector<16xf32>
          %add3A_221 = arith.constant 3 : i32
          %add3A_222 = arith.addi %add3A_202, %add3A_221 : i32
          %get3A_223 = arith.index_cast %add3A_222 : i32 to index
          %get3A_224 = arith.constant 0 : index
          %get3A_225 = tpu.vector_load %arg10[%get3A_223, %get3A_224] {strides = array<i32>} : memref<1600x16xf32, #tpu.memory_space<vmem>>, vector<1x16xf32>,
          %get3A_226 = vector.shape_cast %get3A_225 : vector<1x16xf32> to vector<16xf32>
          %add3A_227 = arith.addf %add3A_213, %get3A_226 : vector<16xf32>
          scf.yield %add3A_220, %add3A_227 : vector<16xf32>, vector<16xf32>
        }
        %scan3A_105 = arith.constant 50 : i32
        %add3A_106 = arith.addf %scan3A_104#0, %scan3A_104#1 : vector<16xf32>
        %mul3A_107 = vector.broadcast %scan3A_18 : f32 to vector<16xf32>
        %mul3A_108 = arith.mulf %add3A_106, %mul3A_107 : vector<16xf32>
        %add3A_109 = arith.constant 2 : i32
        %add3A_110 = arith.addi %mul3A_68, %add3A_109 : i32
        %swap3A_111 = arith.index_cast %add3A_110 : i32 to index
        %swap3A_112 = arith.constant 0 : index
        %swap3A_113 = tpu.vector_load %arg11[%swap3A_111, %swap3A_112] {strides = array<i32>} : memref<512x16xf32, #tpu.memory_space<vmem>>, vector<1x16xf32>,
        %swap3A_114 = vector.shape_cast %swap3A_113 : vector<1x16xf32> to vector<16xf32>
        %swap3A_115 = vector.shape_cast %mul3A_108 : vector<16xf32> to vector<1x16xf32>
        tpu.vector_store %arg11[%swap3A_111, %swap3A_112], %swap3A_115 {strides = array<i32>} : memref<512x16xf32, #tpu.memory_space<vmem>>, vector<1x16xf32>,
        %scan3A_116 = arith.constant 0 : i32
        %scan3A_117 = arith.constant 50 : i32
        %scan3A_118 = arith.addi %scan3A_116, %scan3A_117 : i32
        %scan3A_119 = arith.constant 1 : i32
        %scan3A_120:2 = scf.for %scan3A_196 = %scan3A_116 to %scan3A_118 step %scan3A_119 iter_args(%scan3A_197 = %broadcast_in_dim3A_66, %scan3A_198 = %broadcast_in_dim3A_66) -> (vector<16xf32>, vector<16xf32>)  : i32 {
          %mul3A_199 = arith.constant 4 : i32
          %mul3A_200 = arith.muli %scan3A_196, %mul3A_199 : i32
          %add3A_201 = arith.constant 600 : i32
          %add3A_202 = arith.addi %add3A_201, %mul3A_200 : i32
          %get3A = arith.index_cast %add3A_202 : i32 to index
          %get3A_203 = arith.constant 0 : index
          %get3A_204 = tpu.vector_load %arg10[%get3A, %get3A_203] {strides = array<i32>} : memref<1600x16xf32, #tpu.memory_space<vmem>>, vector<1x16xf32>,
          %get3A_205 = vector.shape_cast %get3A_204 : vector<1x16xf32> to vector<16xf32>
          %add3A_206 = arith.addf %scan3A_197, %get3A_205 : vector<16xf32>
          %add3A_207 = arith.constant 1 : i32
          %add3A_208 = arith.addi %add3A_202, %add3A_207 : i32
          %get3A_209 = arith.index_cast %add3A_208 : i32 to index
          %get3A_210 = arith.constant 0 : index
          %get3A_211 = tpu.vector_load %arg10[%get3A_209, %get3A_210] {strides = array<i32>} : memref<1600x16xf32, #tpu.memory_space<vmem>>, vector<1x16xf32>,
          %get3A_212 = vector.shape_cast %get3A_211 : vector<1x16xf32> to vector<16xf32>
          %add3A_213 = arith.addf %scan3A_198, %get3A_212 : vector<16xf32>
          %add3A_214 = arith.constant 2 : i32
          %add3A_215 = arith.addi %add3A_202, %add3A_214 : i32
          %get3A_216 = arith.index_cast %add3A_215 : i32 to index
          %get3A_217 = arith.constant 0 : index
          %get3A_218 = tpu.vector_load %arg10[%get3A_216, %get3A_217] {strides = array<i32>} : memref<1600x16xf32, #tpu.memory_space<vmem>>, vector<1x16xf32>,
          %get3A_219 = vector.shape_cast %get3A_218 : vector<1x16xf32> to vector<16xf32>
          %add3A_220 = arith.addf %add3A_206, %get3A_219 : vector<16xf32>
          %add3A_221 = arith.constant 3 : i32
          %add3A_222 = arith.addi %add3A_202, %add3A_221 : i32
          %get3A_223 = arith.index_cast %add3A_222 : i32 to index
          %get3A_224 = arith.constant 0 : index
          %get3A_225 = tpu.vector_load %arg10[%get3A_223, %get3A_224] {strides = array<i32>} : memref<1600x16xf32, #tpu.memory_space<vmem>>, vector<1x16xf32>,
          %get3A_226 = vector.shape_cast %get3A_225 : vector<1x16xf32> to vector<16xf32>
          %add3A_227 = arith.addf %add3A_213, %get3A_226 : vector<16xf32>
          scf.yield %add3A_220, %add3A_227 : vector<16xf32>, vector<16xf32>
        }
        %scan3A_121 = arith.constant 50 : i32
        %add3A_122 = arith.addf %scan3A_120#0, %scan3A_120#1 : vector<16xf32>
        %mul3A_123 = vector.broadcast %scan3A_18 : f32 to vector<16xf32>
        %mul3A_124 = arith.mulf %add3A_122, %mul3A_123 : vector<16xf32>
        %add3A_125 = arith.constant 3 : i32
        %add3A_126 = arith.addi %mul3A_68, %add3A_125 : i32
        %swap3A_127 = arith.index_cast %add3A_126 : i32 to index
        %swap3A_128 = arith.constant 0 : index
        %swap3A_129 = tpu.vector_load %arg11[%swap3A_127, %swap3A_128] {strides = array<i32>} : memref<512x16xf32, #tpu.memory_space<vmem>>, vector<1x16xf32>,
        %swap3A_130 = vector.shape_cast %swap3A_129 : vector<1x16xf32> to vector<16xf32>
        %swap3A_131 = vector.shape_cast %mul3A_124 : vector<16xf32> to vector<1x16xf32>
        tpu.vector_store %arg11[%swap3A_127, %swap3A_128], %swap3A_131 {strides = array<i32>} : memref<512x16xf32, #tpu.memory_space<vmem>>, vector<1x16xf32>,
        %scan3A_132 = arith.constant 0 : i32
        %scan3A_133 = arith.constant 50 : i32
        %scan3A_134 = arith.addi %scan3A_132, %scan3A_133 : i32
        %scan3A_135 = arith.constant 1 : i32
        %scan3A_136:2 = scf.for %scan3A_196 = %scan3A_132 to %scan3A_134 step %scan3A_135 iter_args(%scan3A_197 = %broadcast_in_dim3A_66, %scan3A_198 = %broadcast_in_dim3A_66) -> (vector<16xf32>, vector<16xf32>)  : i32 {
          %mul3A_199 = arith.constant 4 : i32
          %mul3A_200 = arith.muli %scan3A_196, %mul3A_199 : i32
          %add3A_201 = arith.constant 800 : i32
          %add3A_202 = arith.addi %add3A_201, %mul3A_200 : i32
          %get3A = arith.index_cast %add3A_202 : i32 to index
          %get3A_203 = arith.constant 0 : index
          %get3A_204 = tpu.vector_load %arg10[%get3A, %get3A_203] {strides = array<i32>} : memref<1600x16xf32, #tpu.memory_space<vmem>>, vector<1x16xf32>,
          %get3A_205 = vector.shape_cast %get3A_204 : vector<1x16xf32> to vector<16xf32>
          %add3A_206 = arith.addf %scan3A_197, %get3A_205 : vector<16xf32>
          %add3A_207 = arith.constant 1 : i32
          %add3A_208 = arith.addi %add3A_202, %add3A_207 : i32
          %get3A_209 = arith.index_cast %add3A_208 : i32 to index
          %get3A_210 = arith.constant 0 : index
          %get3A_211 = tpu.vector_load %arg10[%get3A_209, %get3A_210] {strides = array<i32>} : memref<1600x16xf32, #tpu.memory_space<vmem>>, vector<1x16xf32>,
          %get3A_212 = vector.shape_cast %get3A_211 : vector<1x16xf32> to vector<16xf32>
          %add3A_213 = arith.addf %scan3A_198, %get3A_212 : vector<16xf32>
          %add3A_214 = arith.constant 2 : i32
          %add3A_215 = arith.addi %add3A_202, %add3A_214 : i32
          %get3A_216 = arith.index_cast %add3A_215 : i32 to index
          %get3A_217 = arith.constant 0 : index
          %get3A_218 = tpu.vector_load %arg10[%get3A_216, %get3A_217] {strides = array<i32>} : memref<1600x16xf32, #tpu.memory_space<vmem>>, vector<1x16xf32>,
          %get3A_219 = vector.shape_cast %get3A_218 : vector<1x16xf32> to vector<16xf32>
          %add3A_220 = arith.addf %add3A_206, %get3A_219 : vector<16xf32>
          %add3A_221 = arith.constant 3 : i32
          %add3A_222 = arith.addi %add3A_202, %add3A_221 : i32
          %get3A_223 = arith.index_cast %add3A_222 : i32 to index
          %get3A_224 = arith.constant 0 : index
          %get3A_225 = tpu.vector_load %arg10[%get3A_223, %get3A_224] {strides = array<i32>} : memref<1600x16xf32, #tpu.memory_space<vmem>>, vector<1x16xf32>,
          %get3A_226 = vector.shape_cast %get3A_225 : vector<1x16xf32> to vector<16xf32>
          %add3A_227 = arith.addf %add3A_213, %get3A_226 : vector<16xf32>
          scf.yield %add3A_220, %add3A_227 : vector<16xf32>, vector<16xf32>
        }
        %scan3A_137 = arith.constant 50 : i32
        %add3A_138 = arith.addf %scan3A_136#0, %scan3A_136#1 : vector<16xf32>
        %mul3A_139 = vector.broadcast %scan3A_18 : f32 to vector<16xf32>
        %mul3A_140 = arith.mulf %add3A_138, %mul3A_139 : vector<16xf32>
        %add3A_141 = arith.constant 4 : i32
        %add3A_142 = arith.addi %mul3A_68, %add3A_141 : i32
        %swap3A_143 = arith.index_cast %add3A_142 : i32 to index
        %swap3A_144 = arith.constant 0 : index
        %swap3A_145 = tpu.vector_load %arg11[%swap3A_143, %swap3A_144] {strides = array<i32>} : memref<512x16xf32, #tpu.memory_space<vmem>>, vector<1x16xf32>,
        %swap3A_146 = vector.shape_cast %swap3A_145 : vector<1x16xf32> to vector<16xf32>
        %swap3A_147 = vector.shape_cast %mul3A_140 : vector<16xf32> to vector<1x16xf32>
        tpu.vector_store %arg11[%swap3A_143, %swap3A_144], %swap3A_147 {strides = array<i32>} : memref<512x16xf32, #tpu.memory_space<vmem>>, vector<1x16xf32>,
        %scan3A_148 = arith.constant 0 : i32
        %scan3A_149 = arith.constant 50 : i32
        %scan3A_150 = arith.addi %scan3A_148, %scan3A_149 : i32
        %scan3A_151 = arith.constant 1 : i32
        %scan3A_152:2 = scf.for %scan3A_196 = %scan3A_148 to %scan3A_150 step %scan3A_151 iter_args(%scan3A_197 = %broadcast_in_dim3A_66, %scan3A_198 = %broadcast_in_dim3A_66) -> (vector<16xf32>, vector<16xf32>)  : i32 {
          %mul3A_199 = arith.constant 4 : i32
          %mul3A_200 = arith.muli %scan3A_196, %mul3A_199 : i32
          %add3A_201 = arith.constant 1000 : i32
          %add3A_202 = arith.addi %add3A_201, %mul3A_200 : i32
          %get3A = arith.index_cast %add3A_202 : i32 to index
          %get3A_203 = arith.constant 0 : index
          %get3A_204 = tpu.vector_load %arg10[%get3A, %get3A_203] {strides = array<i32>} : memref<1600x16xf32, #tpu.memory_space<vmem>>, vector<1x16xf32>,
          %get3A_205 = vector.shape_cast %get3A_204 : vector<1x16xf32> to vector<16xf32>
          %add3A_206 = arith.addf %scan3A_197, %get3A_205 : vector<16xf32>
          %add3A_207 = arith.constant 1 : i32
          %add3A_208 = arith.addi %add3A_202, %add3A_207 : i32
          %get3A_209 = arith.index_cast %add3A_208 : i32 to index
          %get3A_210 = arith.constant 0 : index
          %get3A_211 = tpu.vector_load %arg10[%get3A_209, %get3A_210] {strides = array<i32>} : memref<1600x16xf32, #tpu.memory_space<vmem>>, vector<1x16xf32>,
          %get3A_212 = vector.shape_cast %get3A_211 : vector<1x16xf32> to vector<16xf32>
          %add3A_213 = arith.addf %scan3A_198, %get3A_212 : vector<16xf32>
          %add3A_214 = arith.constant 2 : i32
          %add3A_215 = arith.addi %add3A_202, %add3A_214 : i32
          %get3A_216 = arith.index_cast %add3A_215 : i32 to index
          %get3A_217 = arith.constant 0 : index
          %get3A_218 = tpu.vector_load %arg10[%get3A_216, %get3A_217] {strides = array<i32>} : memref<1600x16xf32, #tpu.memory_space<vmem>>, vector<1x16xf32>,
          %get3A_219 = vector.shape_cast %get3A_218 : vector<1x16xf32> to vector<16xf32>
          %add3A_220 = arith.addf %add3A_206, %get3A_219 : vector<16xf32>
          %add3A_221 = arith.constant 3 : i32
          %add3A_222 = arith.addi %add3A_202, %add3A_221 : i32
          %get3A_223 = arith.index_cast %add3A_222 : i32 to index
          %get3A_224 = arith.constant 0 : index
          %get3A_225 = tpu.vector_load %arg10[%get3A_223, %get3A_224] {strides = array<i32>} : memref<1600x16xf32, #tpu.memory_space<vmem>>, vector<1x16xf32>,
          %get3A_226 = vector.shape_cast %get3A_225 : vector<1x16xf32> to vector<16xf32>
          %add3A_227 = arith.addf %add3A_213, %get3A_226 : vector<16xf32>
          scf.yield %add3A_220, %add3A_227 : vector<16xf32>, vector<16xf32>
        }
        %scan3A_153 = arith.constant 50 : i32
        %add3A_154 = arith.addf %scan3A_152#0, %scan3A_152#1 : vector<16xf32>
        %mul3A_155 = vector.broadcast %scan3A_18 : f32 to vector<16xf32>
        %mul3A_156 = arith.mulf %add3A_154, %mul3A_155 : vector<16xf32>
        %add3A_157 = arith.constant 5 : i32
        %add3A_158 = arith.addi %mul3A_68, %add3A_157 : i32
        %swap3A_159 = arith.index_cast %add3A_158 : i32 to index
        %swap3A_160 = arith.constant 0 : index
        %swap3A_161 = tpu.vector_load %arg11[%swap3A_159, %swap3A_160] {strides = array<i32>} : memref<512x16xf32, #tpu.memory_space<vmem>>, vector<1x16xf32>,
        %swap3A_162 = vector.shape_cast %swap3A_161 : vector<1x16xf32> to vector<16xf32>
        %swap3A_163 = vector.shape_cast %mul3A_156 : vector<16xf32> to vector<1x16xf32>
        tpu.vector_store %arg11[%swap3A_159, %swap3A_160], %swap3A_163 {strides = array<i32>} : memref<512x16xf32, #tpu.memory_space<vmem>>, vector<1x16xf32>,
        %scan3A_164 = arith.constant 0 : i32
        %scan3A_165 = arith.constant 50 : i32
        %scan3A_166 = arith.addi %scan3A_164, %scan3A_165 : i32
        %scan3A_167 = arith.constant 1 : i32
        %scan3A_168:2 = scf.for %scan3A_196 = %scan3A_164 to %scan3A_166 step %scan3A_167 iter_args(%scan3A_197 = %broadcast_in_dim3A_66, %scan3A_198 = %broadcast_in_dim3A_66) -> (vector<16xf32>, vector<16xf32>)  : i32 {
          %mul3A_199 = arith.constant 4 : i32
          %mul3A_200 = arith.muli %scan3A_196, %mul3A_199 : i32
          %add3A_201 = arith.constant 1200 : i32
          %add3A_202 = arith.addi %add3A_201, %mul3A_200 : i32
          %get3A = arith.index_cast %add3A_202 : i32 to index
          %get3A_203 = arith.constant 0 : index
          %get3A_204 = tpu.vector_load %arg10[%get3A, %get3A_203] {strides = array<i32>} : memref<1600x16xf32, #tpu.memory_space<vmem>>, vector<1x16xf32>,
          %get3A_205 = vector.shape_cast %get3A_204 : vector<1x16xf32> to vector<16xf32>
          %add3A_206 = arith.addf %scan3A_197, %get3A_205 : vector<16xf32>
          %add3A_207 = arith.constant 1 : i32
          %add3A_208 = arith.addi %add3A_202, %add3A_207 : i32
          %get3A_209 = arith.index_cast %add3A_208 : i32 to index
          %get3A_210 = arith.constant 0 : index
          %get3A_211 = tpu.vector_load %arg10[%get3A_209, %get3A_210] {strides = array<i32>} : memref<1600x16xf32, #tpu.memory_space<vmem>>, vector<1x16xf32>,
          %get3A_212 = vector.shape_cast %get3A_211 : vector<1x16xf32> to vector<16xf32>
          %add3A_213 = arith.addf %scan3A_198, %get3A_212 : vector<16xf32>
          %add3A_214 = arith.constant 2 : i32
          %add3A_215 = arith.addi %add3A_202, %add3A_214 : i32
          %get3A_216 = arith.index_cast %add3A_215 : i32 to index
          %get3A_217 = arith.constant 0 : index
          %get3A_218 = tpu.vector_load %arg10[%get3A_216, %get3A_217] {strides = array<i32>} : memref<1600x16xf32, #tpu.memory_space<vmem>>, vector<1x16xf32>,
          %get3A_219 = vector.shape_cast %get3A_218 : vector<1x16xf32> to vector<16xf32>
          %add3A_220 = arith.addf %add3A_206, %get3A_219 : vector<16xf32>
          %add3A_221 = arith.constant 3 : i32
          %add3A_222 = arith.addi %add3A_202, %add3A_221 : i32
          %get3A_223 = arith.index_cast %add3A_222 : i32 to index
          %get3A_224 = arith.constant 0 : index
          %get3A_225 = tpu.vector_load %arg10[%get3A_223, %get3A_224] {strides = array<i32>} : memref<1600x16xf32, #tpu.memory_space<vmem>>, vector<1x16xf32>,
          %get3A_226 = vector.shape_cast %get3A_225 : vector<1x16xf32> to vector<16xf32>
          %add3A_227 = arith.addf %add3A_213, %get3A_226 : vector<16xf32>
          scf.yield %add3A_220, %add3A_227 : vector<16xf32>, vector<16xf32>
        }
        %scan3A_169 = arith.constant 50 : i32
        %add3A_170 = arith.addf %scan3A_168#0, %scan3A_168#1 : vector<16xf32>
        %mul3A_171 = vector.broadcast %scan3A_18 : f32 to vector<16xf32>
        %mul3A_172 = arith.mulf %add3A_170, %mul3A_171 : vector<16xf32>
        %add3A_173 = arith.constant 6 : i32
        %add3A_174 = arith.addi %mul3A_68, %add3A_173 : i32
        %swap3A_175 = arith.index_cast %add3A_174 : i32 to index
        %swap3A_176 = arith.constant 0 : index
        %swap3A_177 = tpu.vector_load %arg11[%swap3A_175, %swap3A_176] {strides = array<i32>} : memref<512x16xf32, #tpu.memory_space<vmem>>, vector<1x16xf32>,
        %swap3A_178 = vector.shape_cast %swap3A_177 : vector<1x16xf32> to vector<16xf32>
        %swap3A_179 = vector.shape_cast %mul3A_172 : vector<16xf32> to vector<1x16xf32>
        tpu.vector_store %arg11[%swap3A_175, %swap3A_176], %swap3A_179 {strides = array<i32>} : memref<512x16xf32, #tpu.memory_space<vmem>>, vector<1x16xf32>,
        %scan3A_180 = arith.constant 0 : i32
        %scan3A_181 = arith.constant 50 : i32
        %scan3A_182 = arith.addi %scan3A_180, %scan3A_181 : i32
        %scan3A_183 = arith.constant 1 : i32
        %scan3A_184:2 = scf.for %scan3A_196 = %scan3A_180 to %scan3A_182 step %scan3A_183 iter_args(%scan3A_197 = %broadcast_in_dim3A_66, %scan3A_198 = %broadcast_in_dim3A_66) -> (vector<16xf32>, vector<16xf32>)  : i32 {
          %mul3A_199 = arith.constant 4 : i32
          %mul3A_200 = arith.muli %scan3A_196, %mul3A_199 : i32
          %add3A_201 = arith.constant 1400 : i32
          %add3A_202 = arith.addi %add3A_201, %mul3A_200 : i32
          %get3A = arith.index_cast %add3A_202 : i32 to index
          %get3A_203 = arith.constant 0 : index
          %get3A_204 = tpu.vector_load %arg10[%get3A, %get3A_203] {strides = array<i32>} : memref<1600x16xf32, #tpu.memory_space<vmem>>, vector<1x16xf32>,
          %get3A_205 = vector.shape_cast %get3A_204 : vector<1x16xf32> to vector<16xf32>
          %add3A_206 = arith.addf %scan3A_197, %get3A_205 : vector<16xf32>
          %add3A_207 = arith.constant 1 : i32
          %add3A_208 = arith.addi %add3A_202, %add3A_207 : i32
          %get3A_209 = arith.index_cast %add3A_208 : i32 to index
          %get3A_210 = arith.constant 0 : index
          %get3A_211 = tpu.vector_load %arg10[%get3A_209, %get3A_210] {strides = array<i32>} : memref<1600x16xf32, #tpu.memory_space<vmem>>, vector<1x16xf32>,
          %get3A_212 = vector.shape_cast %get3A_211 : vector<1x16xf32> to vector<16xf32>
          %add3A_213 = arith.addf %scan3A_198, %get3A_212 : vector<16xf32>
          %add3A_214 = arith.constant 2 : i32
          %add3A_215 = arith.addi %add3A_202, %add3A_214 : i32
          %get3A_216 = arith.index_cast %add3A_215 : i32 to index
          %get3A_217 = arith.constant 0 : index
          %get3A_218 = tpu.vector_load %arg10[%get3A_216, %get3A_217] {strides = array<i32>} : memref<1600x16xf32, #tpu.memory_space<vmem>>, vector<1x16xf32>,
          %get3A_219 = vector.shape_cast %get3A_218 : vector<1x16xf32> to vector<16xf32>
          %add3A_220 = arith.addf %add3A_206, %get3A_219 : vector<16xf32>
          %add3A_221 = arith.constant 3 : i32
          %add3A_222 = arith.addi %add3A_202, %add3A_221 : i32
          %get3A_223 = arith.index_cast %add3A_222 : i32 to index
          %get3A_224 = arith.constant 0 : index
          %get3A_225 = tpu.vector_load %arg10[%get3A_223, %get3A_224] {strides = array<i32>} : memref<1600x16xf32, #tpu.memory_space<vmem>>, vector<1x16xf32>,
          %get3A_226 = vector.shape_cast %get3A_225 : vector<1x16xf32> to vector<16xf32>
          %add3A_227 = arith.addf %add3A_213, %get3A_226 : vector<16xf32>
          scf.yield %add3A_220, %add3A_227 : vector<16xf32>, vector<16xf32>
        }
        %scan3A_185 = arith.constant 50 : i32
        %add3A_186 = arith.addf %scan3A_184#0, %scan3A_184#1 : vector<16xf32>
        %mul3A_187 = vector.broadcast %scan3A_18 : f32 to vector<16xf32>
        %mul3A_188 = arith.mulf %add3A_186, %mul3A_187 : vector<16xf32>
        %add3A_189 = arith.constant 7 : i32
        %add3A_190 = arith.addi %mul3A_68, %add3A_189 : i32
        %swap3A_191 = arith.index_cast %add3A_190 : i32 to index
        %swap3A_192 = arith.constant 0 : index
        %swap3A_193 = tpu.vector_load %arg11[%swap3A_191, %swap3A_192] {strides = array<i32>} : memref<512x16xf32, #tpu.memory_space<vmem>>, vector<1x16xf32>,
        %swap3A_194 = vector.shape_cast %swap3A_193 : vector<1x16xf32> to vector<16xf32>
        %swap3A_195 = vector.shape_cast %mul3A_188 : vector<16xf32> to vector<1x16xf32>
        tpu.vector_store %arg11[%swap3A_191, %swap3A_192], %swap3A_195 {strides = array<i32>} : memref<512x16xf32, #tpu.memory_space<vmem>>, vector<1x16xf32>,
      } else {
      }
    }
    %scan3A_23 = arith.constant 22 : i32
    "tpu.region"() ({
      %run_scoped3A = tpu.sem_alloc : memref<!tpu.dma_semaphore, #tpu.memory_space<semaphore_mem>>
      %dma_start3A_24 = arith.constant 0 : i32
      %dma_start3A_25 = tpu.memref_slice %arg4[%mul3A_4, %dma_start3A_24] : memref<16384x16xf32, #tpu.memory_space<hbm>> -> memref<512x16xf32, #tpu.memory_space<hbm>>
      %dma_start3A_26 = arith.constant 0 : i32
      %dma_start3A_27 = tpu.memref_slice %arg4[%mul3A_4, %dma_start3A_26] : memref<16384x16xf32, #tpu.memory_space<hbm>> -> memref<512x16xf32, #tpu.memory_space<hbm>>
      tpu.enqueue_dma source(%arg11 : memref<512x16xf32, #tpu.memory_space<vmem>>) target(%dma_start3A_27 : memref<512x16xf32, #tpu.memory_space<hbm>>) target_semaphore(%run_scoped3A : memref<!tpu.dma_semaphore, #tpu.memory_space<semaphore_mem>>)
      %dma_wait3A_28 = arith.constant 0 : i32
      %dma_wait3A_29 = tpu.memref_slice %arg4[%mul3A_4, %dma_wait3A_28] : memref<16384x16xf32, #tpu.memory_space<hbm>> -> memref<512x16xf32, #tpu.memory_space<hbm>>
      %dma_wait3A_30 = arith.constant 0 : i32
      %dma_wait3A_31 = tpu.memref_slice %arg4[%mul3A_4, %dma_wait3A_30] : memref<16384x16xf32, #tpu.memory_space<hbm>> -> memref<512x16xf32, #tpu.memory_space<hbm>>
      tpu.wait_dma2 semaphore(%run_scoped3A : memref<!tpu.dma_semaphore, #tpu.memory_space<semaphore_mem>>) src(%arg11 : memref<512x16xf32, #tpu.memory_space<vmem>>) dst(%dma_wait3A_31 : memref<512x16xf32, #tpu.memory_space<hbm>>)
      tpu.yield
    }) : () -> ()
    return
  }
}

module attributes {stable_mosaic.version = 14 : i64} {
  func.func @body(%arg0: i32, %arg1: memref<2048x16xf32, #tpu.memory_space<vmem>>, %arg2: memref<16x2xf32, #tpu.memory_space<vmem>>, %arg3: memref<1x2xf32, #tpu.memory_space<vmem>>, %arg4: memref<2048x2xf32, #tpu.memory_space<vmem>>) attributes {dimension_semantics = [#tpu.dimension_semantics<arbitrary>], iteration_bounds = array<i64: 8>, scalar_prefetch = 0 : i64, scratch_operands = 0 : i64, tpu.core_type = #tpu.core_type<tc>, window_params = [{transform_indices = @transform_0, window_bounds = array<i64: 2048, 16>}, {pipeline_mode = #tpu.pipeline_mode<synchronous>, transform_indices = @transform_1, window_bounds = array<i64: 16, 2>}, {pipeline_mode = #tpu.pipeline_mode<synchronous>, transform_indices = @transform_2, window_bounds = array<i64: 1, 2>}, {transform_indices = @transform_3, window_bounds = array<i64: 2048, 2>}]} {
    %get3A = arith.constant 0 : index
    %get3A_0 = arith.constant 0 : index
    %get3A_1 = vector.load %arg1[%get3A, %get3A_0] : memref<2048x16xf32, #tpu.memory_space<vmem>>, vector<2048x16xf32>
    %get3A_2 = arith.constant 0 : index
    %get3A_3 = arith.constant 0 : index
    %get3A_4 = vector.load %arg2[%get3A_2, %get3A_3] : memref<16x2xf32, #tpu.memory_space<vmem>>, vector<16x2xf32>
    %dot_general3A = arith.constant dense<0.000000e+00> : vector<2048x2xf32>
    %dot_general3A_5 = tpu.matmul %get3A_1, %get3A_4, %dot_general3A {dimension_numbers = #tpu.dot_dimension_numbers<[1], [0], [0], [1], [0, 0, 1, 1], [], []>, transpose_lhs_hint = false} : vector<2048x16xf32>, vector<16x2xf32>, vector<2048x2xf32> -> vector<2048x2xf32>
    %get3A_6 = arith.constant 0 : index
    %get3A_7 = arith.constant 0 : index
    %get3A_8 = vector.load %arg3[%get3A_6, %get3A_7] : memref<1x2xf32, #tpu.memory_space<vmem>>, vector<1x2xf32>
    %add3A = vector.broadcast %get3A_8 : vector<1x2xf32> to vector<2048x2xf32>
    %add3A_9 = arith.addf %dot_general3A_5, %add3A : vector<2048x2xf32>
    %swap3A = arith.constant 0 : index
    %swap3A_10 = arith.constant 0 : index
    %swap3A_11 = vector.load %arg4[%swap3A, %swap3A_10] : memref<2048x2xf32, #tpu.memory_space<vmem>>, vector<2048x2xf32>
    tpu.vector_store %arg4[%swap3A, %swap3A_10], %add3A_9 {strides = array<i32>} : memref<2048x2xf32, #tpu.memory_space<vmem>>, vector<2048x2xf32>,
    return
  }
  func.func @transform_0(%arg0: i32) -> (i32, i32) {
    %c0_i32 = arith.constant 0 : i32
    %c0_i32_0 = arith.constant 0 : i32
    return %arg0, %c0_i32 : i32, i32
  }
  func.func @transform_1(%arg0: i32) -> (i32, i32) {
    %c0_i32 = arith.constant 0 : i32
    %c0_i32_0 = arith.constant 0 : i32
    %c0_i32_1 = arith.constant 0 : i32
    return %c0_i32, %c0_i32_0 : i32, i32
  }
  func.func @transform_2(%arg0: i32) -> (i32, i32) {
    %c0_i32 = arith.constant 0 : i32
    %c0_i32_0 = arith.constant 0 : i32
    %c0_i32_1 = arith.constant 0 : i32
    return %c0_i32, %c0_i32_0 : i32, i32
  }
  func.func @transform_3(%arg0: i32) -> (i32, i32) {
    %c0_i32 = arith.constant 0 : i32
    %c0_i32_0 = arith.constant 0 : i32
    return %arg0, %c0_i32 : i32, i32
  }
}

</mosaic_0001>

<sc_bundles>
// kernel: kernel.5.cloned.1.call-start
scs
__scs_entry_jumppad:
0x0: {  	(pc) =	sbr.rel $0x88, $3  }
0x1: {  	(tag) =	ssettag $0x0;
	lr =	simm.s32 $0x1  }
0x2: {  	[smem:$0x3F9D] =	sst lr;
	_ =	strace $0xD0000000  }
0x3: {  	_ = 	snop  }
0x4: {  	_ = 	snop  }
0x5: {  	_ = 	snop  }
0x6: {  	_ = 	snop  }
0x7: {  	_ = 	snop  }
__scs_overlays_trampoline_lowered:
0x8: {  	[smem:$0x3FAC] =	sst s0  }
0x9: {  	[smem:$0x3FAD] =	sst s1  }
0xa: {  	[smem:$0x3FAE] =	sst s2  }
0xb: {  	[smem:$0x3FAF] =	sst s3  }
0xc: {  	[smem:$0x3FB0] =	sst s4  }
0xd: {  	[smem:$0x3FB1] =	sst s5  }
0xe: {  	[smem:$0x3FB2] =	sst s6  }
0xf: {  	[smem:$0x3FB3] =	sst s7  }
0x10: {  	[smem:$0x3FB4] =	sst s8  }
0x11: {  	[smem:$0x3FB5] =	sst s9;
	s0 =	simm.s32 @!p0 $0x0  }
0x12: {  	s1 =	sld [smem:$0x3F9B];
	s0 =	simm.s32 @p0 $0x1  }
0x13: {  	[smem:$0x3FB6] =	sst s0;
	s0 =	simm.s32 @!p1 $0x0  }
0x14: {  	s2 =	sld [smem:$0x3F9A];
	s0 =	simm.s32 @p1 $0x1  }
0x15: {  	[smem:$0x3FB7] =	sst s0;
	s0 =	simm.s32 @!p2 $0x0  }
0x16: {  	s3 =	sld [smem:$0x3FDB];
	s0 =	simm.s32 @p2 $0x1  }
0x17: {  	s4 =	simm.s32 $0x1BF5;
	[smem:$0x3FB9] =	sst s0  }
0x18: {  	s0 =	sld [smem:$0x3F9C];
	_ =	swait.ge [sflag:s4], $0x0  }
0x19: {  	s7 =	sld [smem:$0x3F9D]  }
0x1a: {  	s8 =	sadd.s32 $0xFFFFE003, lr  }
0x1b: {  	s9 =	sadd.s32 $0xFFFFFEF7, lr;
	s5 =	simm.s32 $0xFFFFFFFF;
	p2 =	slt.u32 s8, $0xFFFFF086  }
0x1c: {  	p1 =	slt.u32 s9, $0xF7A;
	s5 =	simm.s32 @!p2 $0x0  }
0x1d: {  	s5 =	simm.s32 @p1 $0x1;
	p0 =	seq.s32 s7, s2  }
0x1e: {  	s7 =	smul.u32 @!p0 $0xF7A, s2;
	p2 =	seq.s32 @!p0 s5, $0x0  }
0x1f: {  	s9 =	smul.u32 $0xF7A, s1;
	s8 =	simm.s32 @!p0 $0x1BF5;
	p2 =	por !p2, p0  }
0x20: {  	[sflag:s8] =	ssyncset.s32 @!p0 $0xFFFFF086;
	s6 =	sadd.s32 @!p0 s3, s7;
	s7 =	simm.s32 @!p0 $0x108  }
0x21: {  	s3 =	sadd.s32 s3, s9;
	s6 =	sadd.s32 @!p0 $0x88, s6;
	s7 =	simm.s32 @p2 $0x1082  }
0x22: {  	[simem:s7], [sflag:s8] =	dma.local @!p0 [hbm:s6], $0xF7A  }
0x23: {  	s9 =	sor.u32 $0xD0000000, s2;
	s6 =	simm.s32 $0x108;
	_ =	swait.ge @!p0 [sflag:s8], $0x0  }
0x24: {  	s3 =	sadd.s32 $0x88, s3;
	s6 =	simm.s32 @!p1 $0x1082;
	[sflag:s4] =	ssyncset.s32 $0xFFFFF086  }
0x25: {  	[simem:s6], [sflag:s4] =	dma.local [hbm:s3], $0xF7A  }
0x26: {  	[smem:$0x3F9D] =	sst s1;
	(tag) =	ssettag s2;
	_ =	strace s9  }
0x27: {  	s1 =	sld [smem:$0x3FAD]  }
0x28: {  	s2 =	sld [smem:$0x3FAE]  }
0x29: {  	s4 =	sld [smem:$0x3FB0]  }
0x2a: {  	p0 =	seq.s32 s5, $0x0;
	s5 =	sld [smem:$0x3FB1]  }
0x2b: {  	s6 =	sld [smem:$0x3FB2]  }
0x2c: {  	s7 =	sld [smem:$0x3FB3]  }
0x2d: {  	s3 =	simm.s32 $0x108;
	s8 =	sld [smem:$0x3FB4]  }
0x2e: {  	s3 =	simm.s32 @!p0 $0x1082;
	s9 =	sld [smem:$0x3FB5]  }
0x2f: {  	lr =	sadd.s32 s0, s3;
	s0 =	sld [smem:$0x3FAC]  }
0x30: {  	s3 =	sld [smem:$0x3FAF]  }
0x31: {  	[smem:$0x3FB8] =	sst s10  }
0x32: {  	s10 =	sld [smem:$0x3FB6];
	_ =	sdelay $0x3  }
0x33: {  	p0 =	seq.s32 s10, $0x1;
	s10 =	sld [smem:$0x3FB8];
	_ =	sdelay $0x3  }
0x34: {  	[smem:$0x3FB8] =	sst s10  }
0x35: {  	s10 =	sld [smem:$0x3FB7];
	_ =	sdelay $0x3  }
0x36: {  	p1 =	seq.s32 s10, $0x1;
	s10 =	sld [smem:$0x3FB8];
	_ =	sdelay $0x3  }
0x37: {  	[smem:$0x3FB8] =	sst s10  }
0x38: {  	s10 =	sld [smem:$0x3FB9]  }
0x39: {  	_ = 	snop;
	(pc) =	sbr.ind lr, $3  }
0x3a: {  	_ = 	snop  }
0x3b: {  	_ = 	snop  }
0x3c: {  	p2 =	seq.s32 s10, $0x1;
	s10 =	sld [smem:$0x3FB8]  }
0x3d: {  	_ =	shalt  }
0x3e: {  	_ =	shalt  }
0x3f: {  	_ =	shalt  }
0x40: {  	_ =	shalt  }
0x41: {  	_ =	shalt  }
0x42: {  	_ =	shalt  }
0x43: {  	_ =	shalt  }
0x44: {  	_ =	shalt  }
0x45: {  	_ =	shalt  }
0x46: {  	_ =	shalt  }
0x47: {  	_ =	shalt  }
0x48: {  	_ =	shalt  }
0x49: {  	_ =	shalt  }
0x4a: {  	_ =	shalt  }
0x4b: {  	_ =	shalt  }
0x4c: {  	_ =	shalt  }
0x4d: {  	_ =	shalt  }
0x4e: {  	_ =	shalt  }
0x4f: {  	_ =	shalt  }
0x50: {  	_ =	shalt  }
0x51: {  	_ =	shalt  }
0x52: {  	_ =	shalt  }
0x53: {  	_ =	shalt  }
0x54: {  	_ =	shalt  }
0x55: {  	_ =	shalt  }
0x56: {  	_ =	shalt  }
0x57: {  	_ =	shalt  }
0x58: {  	_ =	shalt  }
0x59: {  	_ =	shalt  }
0x5a: {  	_ =	shalt  }
0x5b: {  	_ =	shalt  }
0x5c: {  	_ =	shalt  }
0x5d: {  	_ =	shalt  }
0x5e: {  	_ =	shalt  }
0x5f: {  	_ =	shalt  }
0x60: {  	_ =	shalt  }
0x61: {  	_ =	shalt  }
0x62: {  	_ =	shalt  }
0x63: {  	_ =	shalt  }
0x64: {  	_ =	shalt  }
0x65: {  	_ =	shalt  }
0x66: {  	_ =	shalt  }
0x67: {  	_ =	shalt  }
0x68: {  	_ =	shalt  }
0x69: {  	_ =	shalt  }
0x6a: {  	_ =	shalt  }
0x6b: {  	_ =	shalt  }
0x6c: {  	_ =	shalt  }
0x6d: {  	_ =	shalt  }
0x6e: {  	_ =	shalt  }
0x6f: {  	_ =	shalt  }
0x70: {  	_ =	shalt  }
0x71: {  	_ =	shalt  }
0x72: {  	_ =	shalt  }
0x73: {  	_ =	shalt  }
0x74: {  	_ =	shalt  }
0x75: {  	_ =	shalt  }
0x76: {  	_ =	shalt  }
0x77: {  	_ =	shalt  }
0x78: {  	_ =	shalt  }
0x79: {  	_ =	shalt  }
0x7a: {  	_ =	shalt  }
0x7b: {  	_ =	shalt  }
0x7c: {  	_ =	shalt  }
0x7d: {  	_ =	shalt  }
0x7e: {  	_ =	shalt  }
0x7f: {  	_ =	shalt  }
0x80: {  	_ =	shalt  }
0x81: {  	_ =	shalt  }
0x82: {  	_ =	shalt  }
0x83: {  	_ =	shalt  }
0x84: {  	_ =	shalt  }
0x85: {  	_ =	shalt  }
0x86: {  	_ =	shalt  }
0x87: {  	_ =	shalt  }
.Lfunc_end0:
.L_simem_size_0:
called_computation_lowered:
.L_overlay_start_0:
0x88: {  	s2 =	sld [smem:$0x3FD9]  }
0x89: {  	s3 =	sld [smem:$0x3FFE];
	_ =	sdelay $0x1  }
0x8a: {  	s1 =	srdreg.scid  }
0x8b: {  	s0 =	sand.u32 $0x1, s1  }
0x8c: {  	s17 =	sshll.u32 s0, $0xA;
	s2 =	sadd.s32 s3, s2  }
0x8d: {  	s2 =	sadd.s32 s2, s17  }
0x8e: {  	[smem:$0x3FC4] =	sst s2  }
0x8f: {  	_ = 	snop  }
0x90: {  	s2 =	sld [smem:$0x3FC8]  }
0x91: {  	s18 =	sld [smem:$0x3FD0];
	(tm) =	ssettm $0x1  }
0x92: {  	s4 =	sld [smem:$0x3FFB];
	_ =	sdelay $0x3  }
0x93: {  	_ =	strace s4  }
0x94: {  	s4 =	sld [smem:$0x3FFC];
	_ =	sdelay $0x3  }
0x95: {  	_ =	strace s4  }
0x96: {  	s4 =	sld [smem:$0x3FFD];
	_ =	sdelay $0x3  }
0x97: {  	_ =	strace s4  }
0x98: {  	_ =	strace $0x8FFFFFFF  }
0x99: {  	s19 =	sld [smem:$0x3FDB];
	_ =	sdelay $0x1  }
0x9a: {  	s5 =	simm.s32 $_scs_section_size  }
0x9b: {  	s6 =	simm.s32 $_size__tile_overlayer_lowered;
	s7 =	simm.s32 $_tile_overlayer_lowered  }
0x9c: {  	s22 =	simm.s32 $0x1BFF;
	s21 =	sshll.u32 s7, $0x1;
	s4 =	sadd.s32 s5, s19  }
0x9d: {  	s8 =	simm.s32 $0x0;
	s20 =	sshll.u32 s6, $0x1;
	s6 =	sadd.s32 s21, s4  }
0x9e: {  	[timem:s8], [sflag:s22] =	dma.local [hbm:s6], s20  }
0x9f: {  	_ =	swait.ge [sflag:s22], s20  }
0xa0: {  	s5 =	ssub.s32 $0x0, s20;
	[sflag:s22] =	ssyncset.done $0x0  }
0xa1: {  	[sflag:s22] =	ssyncadd.s32 s5;
	_ =	sdelay $0x1  }
0xa2: {  	s23 =	simm.s32 $0x1B8B  }
0xa3: {  	_ =	swait.ge [sflag:s23], $0x1  }
0xa4: {  	[sflag:s23] =	ssyncset.done $0x0  }
0xa5: {  	s25 =	simm.s32 $0x1B8E;
	s24 =	sld [smem:$0x3FFE];
	[sflag:s23] =	ssyncadd.s32 $0xFFFFFFFF  }
0xa6: {  	s26 =	simm.s32 $execute0_lowered;
	[smem:$0x3FD2] =	sst s25  }
0xa7: {  	s6 =	sshll.u32 s26, $0x1;
	_ =	strace $0x80000046;
	[dreg:$0x1] =	wrdreg $0xFFFFFFFF  }
0xa8: {  	s28 =	simm.s32 $_size_execute0_lowered;
	s4 =	sadd.s32 s4, s6;
	[dreg:$0x0] =	wrdreg $0x0  }
0xa9: {  	s6 =	sshll.u32 s28, $0x1;
	[dreg:$0x2] =	wrdreg s4  }
0xaa: {  	[dreg:$0x3] =	wrdreg s6  }
0xab: {  	[dreg:$0x4] =	wrdreg $0xC0  }
0xac: {  	_ =	task [dreg:s8], $0x5FFFF  }
0xad: {  	[dreg:$0x1] =	wrdreg $0xFFFFFFFF  }
0xae: {  	[dreg:$0x0] =	wrdreg $0x60  }
0xaf: {  	[dreg:$0x2] =	wrdreg s2  }
0xb0: {  	[dreg:$0x3] =	wrdreg s18  }
0xb1: {  	[dreg:$0x4] =	wrdreg s24  }
0xb2: {  	[dreg:$0x5] =	wrdreg $0x9  }
0xb3: {  	_ =	task.clear_ibuf [dreg:s8], $0x6FFFF;
	_ =	strace $0x90000046  }
0xb4: {  	s29 =	simm.s32 $0x9;
	_ =	strace $0x80000048  }
0xb5: {  	_ =	swait.ge [sflag:s29], $0x1  }
0xb6: {  	[sflag:s29] =	ssyncadd.s32 $0xFFFFFFFF  }
0xb7: {  	_ =	strace $0x90000048  }
0xb8: {  	_ =	sfence  }
0xb9: {  	s30 =	sld [smem:$0x0];
	_ =	sdelay $0x2  }
0xba: {  	s31 =	sshll.u32 s1, $0xD;
	s1 =	sshrl.u32 s1, $0x2  }
0xbb: {  	s3 =	sand.u32 $0x4000, s31;
	s1 =	sadd.s32 s1, s30  }
0xbc: {  	s0 =	sor.u32 s3, s0;
	s1 =	sshll.u32 s1, $0x11  }
0xbd: {  	s0 =	sor.u32 s1, s0  }
0xbe: {  	s0 =	sadd.s32 $0x8F2B, s0  }
0xbf: {  	[sflag:s0] =	ssyncadd.remote.s32 $0x1  }
0xc0: {  	_ =	sfence.sel $0xFFFF  }
0xc1: {  	[dreg:$0x0] =	wrdreg $0xFFFFFFFF;
	(pc) =	sbr.abs _section_cstart, $3  }
0xc2: {  	[dreg:$0x1] =	wrdreg $0xFFFFFFFF  }
0xc3: {  	_ =	task.clear_ibuf [dreg:s8], $0x2FFFF;
	_ =	strace $0x9FFFFFFF  }
0xc4: {  	(tm) =	ssettm $0x7FFFFFFF  }
0xc5: {  	_ =	shalt  }
tec
execute0_lowered:
.L_overlay_start_1:
0x0: {  	(tag) =	ssettag $0x1  }
0x1: {  	v0 =	vimm.s32 $0x2380;
	vm0 =	vcmask $0x300  }
0x2: {  	vm14 =	vcmask $0x704;
	vm15 =	vcmask $0xB08;
	vm4 =	vcmask $0xF0C  }
0x3: {  	vm5 =	vcmask $0x1310;
	vm6 =	vcmask $0x1714;
	vm7 =	vcmask $0x1B18  }
0x4: {  	vm8 =	vcmask $0x1F1C;
	vm9 =	vcmask $0x2320;
	v0 =	vsel vm0, $0x0, v0  }
0x5: {  	vm10 =	vcmask $0x2724;
	vm11 =	vcmask $0x2B28;
	v0 =	vsel vm14, $0x80, v0  }
0x6: {  	vm12 =	vcmask $0x2F2C;
	vm13 =	vcmask $0x3330;
	v0 =	vsel vm15, $0x100, v0  }
0x7: {  	v1 =	vimm.s32 $0xFEDCBA9;
	v4 =	vimm.s32 $0x98765432;
	v0 =	vsel vm4, $0x180, v0  }
0x8: {  	v5 =	vimm.s32 $0x210FEDCB;
	v6 =	vimm.s32 $0xA9876543;
	v0 =	vsel vm5, $0x200, v0  }
0x9: {  	v16 =	vimm.s32 $0xCBA98765;
	v18 =	vimm.s32 $0x6543210F;
	v0 =	vsel vm6, $0x280, v0  }
0xa: {  	v19 =	vimm.s32 $0xEDCBA987;
	v20 =	vimm.s32 $0xFEDCBA98;
	v0 =	vsel vm7, $0x300, v0  }
0xb: {  	v21 =	vimm.s32 $0x76543210;
	v3 =	vunpack.c.l.s4.s8 v1;
	v0 =	vsel vm8, $0x380, v0  }
0xc: {  	v4 =	vunpack.c.l.s4.s8 v4;
	v5 =	vunpack.c.l.s4.s8 v5;
	v0 =	vsel vm9, $0x2000, v0  }
0xd: {  	v18 =	vunpack.c.l.s4.s8 v18;
	v19 =	vunpack.c.l.s4.s8 v19;
	v0 =	vsel vm10, $0x2080, v0  }
0xe: {  	v20 =	vunpack.c.l.s4.s8 v20;
	vm14 =	vcmask $0x3734;
	v0 =	vsel vm11, $0x2100, v0  }
0xf: {  	v8 =	vunpack.c.0.s8.s32 v3;
	v3 =	vimm.s32 $0x10FEDCBA;
	v0 =	vsel vm12, $0x2180, v0  }
0x10: {  	vm15 =	vcmask $0x3B38;
	v3 =	vunpack.c.l.s4.s8 v3;
	v0 =	vsel vm13, $0x2200, v0  }
0x11: {  	v11 =	vunpack.c.0.s8.s32 v4;
	v12 =	vunpack.c.0.s8.s32 v5;
	v2 =	vsel vm14, $0x2280, v0  }
0x12: {  	v10 =	vunpack.c.0.s8.s32 v3;
	v1 =	vsel vm15, $0x2300, v2;
	v2 =	vimm.s32 $0x87654321  }
0x13: {  	v18 =	vunpack.c.0.s8.s32 v18;
	v19 =	vunpack.c.0.s8.s32 v19;
	v2 =	vunpack.c.l.s4.s8 v2  }
0x14: {  	v20 =	vunpack.c.0.s8.s32 v20;
	v5 =	vcombine.low v11, v10;
	v11 =	vcombine.low v10, v11  }
0x15: {  	v24 =	vcombine.low v19, v18;
	v9 =	vunpack.c.0.s8.s32 v2;
	v2 =	vunpack.c.l.s4.s8 v6  }
0x16: {  	v20 =	vand.u32 $0xF, v20;
	v3 =	vimm.s32 $0x3210FEDC;
	v11 =	vand.u32 $0xF, v11  }
0x17: {  	s0 =	rddreg [dreg:$0x0];
	v13 =	vunpack.c.0.s8.s32 v2;
	v2 =	vunpack.c.l.s4.s8 v3;
	v3 =	vimm.s32 $0xBA987654  }
0x18: {  	s2 =	rddreg [dreg:$0x2];
	s3 =	simm.s32 $0x0;
	v0 =	vlaneseq.u32;
	v4 =	vcombine.low v9, v8;
	v3 =	vunpack.c.l.s4.s8 v3  }
0x19: {  	s4 =	srdreg.scid;
	s1 =	stileid.u32;
	s17 =	simm.s32 $0x2000;
	v63 =	vcombine.low v8, v9;
	v9 =	vand.u32 $0xF, v24;
	v6 =	vcombine.low v13, v12  }
0x1a: {  	s18 =	simm.s32 $0x7A1400;
	s19 =	simm.s32 $0x4000;
	s20 =	simm.s32 $0x2;
	v14 =	vunpack.c.0.s8.s32 v2;
	v2 =	vimm.s32 $0x43210FED;
	v15 =	vunpack.c.0.s8.s32 v3  }
0x1b: {  	s21 =	simm.s32 $0xC000;
	s22 =	simm.s32 $0x3;
	s23 =	simm.s32 $0x4;
	v7 =	vunpack.c.l.s4.s8 v2;
	v3 =	vand.u32 $0xF, v5;
	v5 =	vunpack.c.l.s4.s8 v16  }
0x1c: {  	s24 =	simm.s32 $0x5;
	s25 =	simm.s32 $0x8000;
	s28 =	simm.s32 $0x1;
	v12 =	vcombine.low v12, v13;
	v10 =	vand.u32 $0xF, v63;
	v2 =	vand.u32 $0xF, v4  }
0x1d: {  	s29 =	simm.s32 $0x0;
	[smem:$0x7FF] =	sst s3;
	s4 =	sand.u32 $0x1, s4;
	v4 =	vand.u32 $0xF, v6;
	v16 =	vunpack.c.0.s8.s32 v7;
	v17 =	vunpack.c.0.s8.s32 v5  }
0x1e: {  	s6 =	sshll.u32 s1, $0x1;
	s5 =	sadd.s32 $0xE00, s2;
	s11 =	sadd.s32 $0xF4000, s0;
	v5 =	vimm.s32 $0x543210FE;
	v7 =	vimm.s32 $0xDCBA9876;
	v13 =	vcombine.low v14, v15  }
0x1f: {  	s12 =	sadd.s32 $0x1E8E00, s2;
	s13 =	sadd.s32 $0x1E9188, s2;
	s7 =	ssub.s32 $0x2, s4;
	v12 =	vand.u32 $0xF, v12;
	v5 =	vunpack.c.l.s4.s8 v5;
	v7 =	vunpack.c.l.s4.s8 v7  }
0x20: {  	_ =	strace $0x80000047;
	s4 =	sor.u32 s4, s6;
	s30 =	sshrl.u32 s7, $0x1;
	v6 =	vcombine.low v15, v14;
	v14 =	vcombine.low v16, v17;
	v13 =	vand.u32 $0xF, v13  }
.Ltmp0:
0x21: {  	s8 =	ssub.s32 $0x3CF, s4;
	s9 =	sshll.u32 s4, $0xA;
	v22 =	vunpack.c.0.s8.s32 v5;
	v23 =	vunpack.c.0.s8.s32 v7;
	v7 =	vunpack.c.l.s4.s8 v21;
	(pc) =	sbr.rel .LBB2_1-.Ltmp0, $4  }
0x22: {  	s10 =	sshll.u32 s4, $0xE;
	s31 =	sshll.u32 s4, $0xB;
	p0 =	sne.s32 s4, $0x1F;
	v5 =	vand.u32 $0xF, v6;
	v6 =	vcombine.low v17, v16;
	v16 =	vcombine.low v18, v19  }
0x23: {  	s15 =	ssub.s32 s7, s30;
	s6 =	sshrl.u32 s8, $0x5;
	s7 =	sadd.s32 s0, s9;
	v7 =	vunpack.c.0.s8.s32 v7;
	v62 =	vcombine.low v23, v22;
	v15 =	vcombine.low v22, v23  }
0x24: {  	s8 =	sshll.u32 s4, $0xD;
	s16 =	sor.u32 $0x10000, s31;
	s14 =	sadd.s32 $0x2, s6;
	v14 =	vand.u32 $0xF, v14;
	v6 =	vand.u32 $0xF, v6;
	v16 =	vand.u32 $0xF, v16  }
0x25: {  	s9 =	sadd.s32 $0x8000, s7;
	s15 =	smax.u32 s15, $0x1;
	s14 =	sshrl.u32 s14, $0x1;
	v7 =	vcombine.low v20, v7;
	v8 =	vand.u32 $0xF, v62;
	v15 =	vand.u32 $0xF, v15  }
.LBB2_15:
0x26: {  	s29 =	sadd.s32 $0x1, s29  }
0x27: {  	p1 =	sne.s32 s29, s15  }
.Ltmp1:
0x28: {  	_ = 	snop;
	(pc) =	sbr.rel @!p1 .LBB2_16-.Ltmp1, $1  }
0x29: {  	_ =	sdelay $0x3  }
.LBB2_1:
.Ltmp2:
0x2a: {  	(pc) =	sbr.rel .LBB2_2-.Ltmp2, $4  }
0x2b: {  	_ = 	snop  }
0x2c: {  	[tilespmem:s3], [sflag:$0x1] =	stream.strided.gather [hbm4b:s7+s17], $0x4000, s18, s17, $0x38;
	[tilespmem:$0x14000] =	vst v63  }
0x2d: {  	s30 =	simm.s32 $0x0  }
0x2e: {  	[tilespmem:s19], [sflag:$0x2] =	stream.strided.gather [hbm4b:s9+s17], $0x4000, s18, s17, $0x38;
	[tilespmem:$0x14000] =	vst v63  }
.LBB2_10:
0x2f: {  	s30 =	sadd.s32 $0x1, s30  }
0x30: {  	p1 =	sne.s32 s30, s14  }
.Ltmp3:
0x31: {  	_ = 	snop;
	(pc) =	sbr.rel @!p1 .LBB2_11-.Ltmp3, $1  }
0x32: {  	_ =	sdelay $0x3  }
.LBB2_2:
0x33: {  	s31 =	sshll.u32 s30, $0x1  }
0x34: {  	p1 =	sgt.u32 s31, s6  }
.Ltmp4:
0x35: {  	_ = 	snop;
	(pc) =	sbr.rel @p1 .LBB2_6-.Ltmp4, $1  }
0x36: {  	_ =	sdelay $0x3  }
0x37: {  	s2 =	simm.s32 $0x0  }
0x38: {  	v17 =	vmov s2  }
0x39: {  	v17 =	vshll.u32 v17, $0x3  }
0x3a: {  	v18 =	vor.u32 s2, v0;
	v17 =	vand.u32 $0x1C00, v17  }
0x3b: {  	_ =	swait.ge [sflag:s28], $0x4000;
	v19 =	vand.u32 $0x7F, v18;
	v17 =	vor.u32 v1, v17  }
0x3c: {  	p1 =	seq.s32 s30, $0x0;
	[sflag:s28] =	ssyncset.done $0x0;
	v19 =	vor.u32 v19, v17  }
0x3d: {  	s4 =	simm.s32 @!p1 $0x3;
	[sflag:s28] =	ssyncadd.s32 $0xFFFFC000  }
0x3e: {  	_ =	swait.ge @!p1 [sflag:s4], $0x4000  }
0x3f: {  	[sflag:s4] =	ssyncset.done @!p1 $0x0  }
0x40: {  	v20 =	vor.u32 s2, v2;
	v18 =	vshll.u32 v18, $0x4;
	[sflag:s4] =	ssyncadd.s32 @!p1 $0xFFFFC000  }
0x41: {  	v21 =	vand.u32 $0x7F, v20;
	v18 =	vor.u32 v0, v18;
	v19 =	vld.idx.msk [tilespmem:v19+s3+$0x0], $0xffff  }
0x42: {  	v21 =	vor.u32 v21, v17;
	_ =	sdelay $0x3  }
0x43: {  	[tilespmem:v18+s25+$0x0] =	vst.idx.msk $0xffff, v19;
	v18 =	vshll.u32 v20, $0x4;
	v19 =	vor.u32 s2, v3  }
0x44: {  	v20 =	vld.idx.msk [tilespmem:v21+s3+$0x0], $0xffff;
	v18 =	vor.u32 v0, v18;
	v21 =	vand.u32 $0x7F, v19  }
0x45: {  	v21 =	vor.u32 v21, v17;
	_ =	sdelay $0x3  }
0x46: {  	[tilespmem:v18+s25+$0x0] =	vst.idx.msk $0xffff, v20;
	v18 =	vshll.u32 v19, $0x4;
	v19 =	vor.u32 s2, v4  }
0x47: {  	v20 =	vld.idx.msk [tilespmem:v21+s3+$0x0], $0xffff;
	v18 =	vor.u32 v0, v18;
	v21 =	vand.u32 $0x7F, v19  }
0x48: {  	v21 =	vor.u32 v21, v17;
	_ =	sdelay $0x3  }
0x49: {  	[tilespmem:v18+s25+$0x0] =	vst.idx.msk $0xffff, v20;
	v18 =	vshll.u32 v19, $0x4;
	v19 =	vor.u32 s2, v5  }
0x4a: {  	v20 =	vld.idx.msk [tilespmem:v21+s3+$0x0], $0xffff;
	v18 =	vor.u32 v0, v18;
	v21 =	vand.u32 $0x7F, v19  }
0x4b: {  	v21 =	vor.u32 v21, v17;
	_ =	sdelay $0x3  }
0x4c: {  	[tilespmem:v18+s25+$0x0] =	vst.idx.msk $0xffff, v20;
	v18 =	vshll.u32 v19, $0x4;
	v19 =	vor.u32 s2, v6  }
0x4d: {  	v20 =	vld.idx.msk [tilespmem:v21+s3+$0x0], $0xffff;
	v18 =	vor.u32 v0, v18;
	v21 =	vand.u32 $0x7F, v19  }
0x4e: {  	v21 =	vor.u32 v21, v17;
	_ =	sdelay $0x3  }
0x4f: {  	[tilespmem:v18+s25+$0x0] =	vst.idx.msk $0xffff, v20;
	v18 =	vshll.u32 v19, $0x4;
	v19 =	vor.u32 s2, v8  }
0x50: {  	v20 =	vld.idx.msk [tilespmem:v21+s3+$0x0], $0xffff;
	v18 =	vor.u32 v0, v18;
	v21 =	vand.u32 $0x7F, v19  }
0x51: {  	v21 =	vor.u32 v21, v17;
	_ =	sdelay $0x3  }
0x52: {  	[tilespmem:v18+s25+$0x0] =	vst.idx.msk $0xffff, v20;
	v18 =	vshll.u32 v19, $0x4;
	v19 =	vor.u32 s2, v9  }
0x53: {  	v20 =	vld.idx.msk [tilespmem:v21+s3+$0x0], $0xffff;
	v18 =	vor.u32 v0, v18;
	v21 =	vand.u32 $0x7F, v19  }
0x54: {  	v21 =	vor.u32 v21, v17;
	_ =	sdelay $0x3  }
0x55: {  	[tilespmem:v18+s25+$0x0] =	vst.idx.msk $0xffff, v20;
	v18 =	vshll.u32 v19, $0x4;
	v19 =	vor.u32 s2, v7  }
0x56: {  	v20 =	vld.idx.msk [tilespmem:v21+s3+$0x0], $0xffff;
	v18 =	vor.u32 v0, v18;
	v21 =	vand.u32 $0x7F, v19  }
0x57: {  	v21 =	vor.u32 v21, v17;
	_ =	sdelay $0x3  }
0x58: {  	[tilespmem:v18+s25+$0x0] =	vst.idx.msk $0xffff, v20;
	v18 =	vshll.u32 v19, $0x4;
	v19 =	vor.u32 s2, v10  }
0x59: {  	v20 =	vld.idx.msk [tilespmem:v21+s3+$0x0], $0xffff;
	v18 =	vor.u32 v0, v18;
	v21 =	vand.u32 $0x7F, v19  }
0x5a: {  	v21 =	vor.u32 v21, v17;
	_ =	sdelay $0x3  }
0x5b: {  	[tilespmem:v18+s25+$0x0] =	vst.idx.msk $0xffff, v20;
	v18 =	vshll.u32 v19, $0x4;
	v19 =	vor.u32 s2, v11  }
0x5c: {  	v20 =	vld.idx.msk [tilespmem:v21+s3+$0x0], $0xffff;
	v18 =	vor.u32 v0, v18;
	v21 =	vand.u32 $0x7F, v19  }
0x5d: {  	v21 =	vor.u32 v21, v17;
	_ =	sdelay $0x3  }
0x5e: {  	[tilespmem:v18+s25+$0x0] =	vst.idx.msk $0xffff, v20;
	v18 =	vshll.u32 v19, $0x4;
	v19 =	vor.u32 s2, v12  }
0x5f: {  	v20 =	vld.idx.msk [tilespmem:v21+s3+$0x0], $0xffff;
	v18 =	vor.u32 v0, v18;
	v21 =	vand.u32 $0x7F, v19  }
0x60: {  	v21 =	vor.u32 v21, v17;
	_ =	sdelay $0x3  }
0x61: {  	[tilespmem:v18+s25+$0x0] =	vst.idx.msk $0xffff, v20;
	v18 =	vshll.u32 v19, $0x4;
	v19 =	vor.u32 s2, v13  }
0x62: {  	v20 =	vld.idx.msk [tilespmem:v21+s3+$0x0], $0xffff;
	v18 =	vor.u32 v0, v18;
	v21 =	vand.u32 $0x7F, v19  }
0x63: {  	v21 =	vor.u32 v21, v17;
	_ =	sdelay $0x3  }
0x64: {  	[tilespmem:v18+s25+$0x0] =	vst.idx.msk $0xffff, v20;
	v18 =	vshll.u32 v19, $0x4;
	v19 =	vor.u32 s2, v14  }
0x65: {  	v20 =	vld.idx.msk [tilespmem:v21+s3+$0x0], $0xffff;
	v18 =	vor.u32 v0, v18;
	v21 =	vand.u32 $0x7F, v19  }
0x66: {  	v21 =	vor.u32 v21, v17;
	_ =	sdelay $0x3  }
0x67: {  	[tilespmem:v18+s25+$0x0] =	vst.idx.msk $0xffff, v20;
	v18 =	vshll.u32 v19, $0x4;
	v19 =	vor.u32 s2, v15  }
0x68: {  	v20 =	vld.idx.msk [tilespmem:v21+s3+$0x0], $0xffff;
	v21 =	vor.u32 v0, v18;
	v18 =	vand.u32 $0x7F, v19  }
0x69: {  	v22 =	vor.u32 v18, v17;
	_ =	sdelay $0x3  }
0x6a: {  	v18 =	vor.u32 s2, v16;
	[tilespmem:v21+s25+$0x0] =	vst.idx.msk $0xffff, v20;
	v20 =	vshll.u32 v19, $0x4  }
0x6b: {  	v21 =	vand.u32 $0x7F, v18;
	v19 =	vld.idx.msk [tilespmem:v22+s3+$0x0], $0xffff;
	v20 =	vor.u32 v0, v20  }
0x6c: {  	v17 =	vor.u32 v21, v17;
	_ =	sdelay $0x1  }
0x6d: {  	s2 =	simm.s32 $0x10  }
0x6e: {  	s4 =	simm.s32 $0x20;
	v21 =	vmov s2  }
.LBB2_4:
0x6f: {  	p1 =	sne.s32 s4, $0x3F0;
	v21 =	vshll.u32 v21, $0x3;
	[tilespmem:v20+s25+$0x0] =	vst.idx.msk $0xffff, v19  }
0x70: {  	v19 =	vor.u32 s2, v0;
	v18 =	vshll.u32 v18, $0x4;
	v20 =	vand.u32 $0x1C00, v21;
	v21 =	vld.idx.msk [tilespmem:v17+s3+$0x0], $0xffff  }
0x71: {  	v22 =	vand.u32 $0x7F, v19;
	v18 =	vor.u32 v0, v18;
	v17 =	vor.u32 v1, v20  }
0x72: {  	v20 =	vor.u32 v22, v17;
	_ =	sdelay $0x3  }
0x73: {  	[tilespmem:v18+s25+$0x0] =	vst.idx.msk $0xffff, v21  }
0x74: {  	v19 =	vshll.u32 v19, $0x4;
	v18 =	vld.idx.msk [tilespmem:v20+s3+$0x0], $0xffff;
	v20 =	vor.u32 s2, v2  }
0x75: {  	v19 =	vor.u32 v0, v19;
	v21 =	vand.u32 $0x7F, v20  }
0x76: {  	v21 =	vor.u32 v21, v17;
	_ =	sdelay $0x3  }
0x77: {  	[tilespmem:v19+s25+$0x0] =	vst.idx.msk $0xffff, v18  }
0x78: {  	v19 =	vshll.u32 v20, $0x4;
	v20 =	vor.u32 s2, v3;
	v18 =	vld.idx.msk [tilespmem:v21+s3+$0x0], $0xffff  }
0x79: {  	v19 =	vor.u32 v0, v19;
	v21 =	vand.u32 $0x7F, v20  }
0x7a: {  	v21 =	vor.u32 v21, v17;
	_ =	sdelay $0x3  }
0x7b: {  	[tilespmem:v19+s25+$0x0] =	vst.idx.msk $0xffff, v18  }
0x7c: {  	v19 =	vshll.u32 v20, $0x4;
	v20 =	vor.u32 s2, v4;
	v18 =	vld.idx.msk [tilespmem:v21+s3+$0x0], $0xffff  }
0x7d: {  	v19 =	vor.u32 v0, v19;
	v21 =	vand.u32 $0x7F, v20  }
0x7e: {  	v21 =	vor.u32 v21, v17;
	_ =	sdelay $0x3  }
0x7f: {  	[tilespmem:v19+s25+$0x0] =	vst.idx.msk $0xffff, v18  }
0x80: {  	v19 =	vshll.u32 v20, $0x4;
	v20 =	vor.u32 s2, v5;
	v18 =	vld.idx.msk [tilespmem:v21+s3+$0x0], $0xffff  }
0x81: {  	v19 =	vor.u32 v0, v19;
	v21 =	vand.u32 $0x7F, v20  }
0x82: {  	v21 =	vor.u32 v21, v17;
	_ =	sdelay $0x3  }
0x83: {  	[tilespmem:v19+s25+$0x0] =	vst.idx.msk $0xffff, v18  }
0x84: {  	v19 =	vshll.u32 v20, $0x4;
	v20 =	vor.u32 s2, v6;
	v18 =	vld.idx.msk [tilespmem:v21+s3+$0x0], $0xffff  }
0x85: {  	v19 =	vor.u32 v0, v19;
	v21 =	vand.u32 $0x7F, v20  }
0x86: {  	v21 =	vor.u32 v21, v17;
	_ =	sdelay $0x3  }
0x87: {  	[tilespmem:v19+s25+$0x0] =	vst.idx.msk $0xffff, v18  }
0x88: {  	v19 =	vshll.u32 v20, $0x4;
	v20 =	vor.u32 s2, v8;
	v18 =	vld.idx.msk [tilespmem:v21+s3+$0x0], $0xffff  }
0x89: {  	v19 =	vor.u32 v0, v19;
	v21 =	vand.u32 $0x7F, v20  }
0x8a: {  	v21 =	vor.u32 v21, v17;
	_ =	sdelay $0x3  }
0x8b: {  	[tilespmem:v19+s25+$0x0] =	vst.idx.msk $0xffff, v18  }
0x8c: {  	v19 =	vshll.u32 v20, $0x4;
	v20 =	vor.u32 s2, v9;
	v18 =	vld.idx.msk [tilespmem:v21+s3+$0x0], $0xffff  }
0x8d: {  	v19 =	vor.u32 v0, v19;
	v21 =	vand.u32 $0x7F, v20  }
0x8e: {  	v21 =	vor.u32 v21, v17;
	_ =	sdelay $0x3  }
0x8f: {  	[tilespmem:v19+s25+$0x0] =	vst.idx.msk $0xffff, v18  }
0x90: {  	v19 =	vshll.u32 v20, $0x4;
	v20 =	vor.u32 s2, v7;
	v18 =	vld.idx.msk [tilespmem:v21+s3+$0x0], $0xffff  }
0x91: {  	v19 =	vor.u32 v0, v19;
	v21 =	vand.u32 $0x7F, v20  }
0x92: {  	v21 =	vor.u32 v21, v17;
	_ =	sdelay $0x3  }
0x93: {  	[tilespmem:v19+s25+$0x0] =	vst.idx.msk $0xffff, v18  }
0x94: {  	v19 =	vshll.u32 v20, $0x4;
	v20 =	vor.u32 s2, v10;
	v18 =	vld.idx.msk [tilespmem:v21+s3+$0x0], $0xffff  }
0x95: {  	v19 =	vor.u32 v0, v19;
	v21 =	vand.u32 $0x7F, v20  }
0x96: {  	v21 =	vor.u32 v21, v17;
	_ =	sdelay $0x3  }
0x97: {  	[tilespmem:v19+s25+$0x0] =	vst.idx.msk $0xffff, v18  }
0x98: {  	v19 =	vshll.u32 v20, $0x4;
	v20 =	vor.u32 s2, v11;
	v18 =	vld.idx.msk [tilespmem:v21+s3+$0x0], $0xffff  }
0x99: {  	v19 =	vor.u32 v0, v19;
	v21 =	vand.u32 $0x7F, v20  }
0x9a: {  	v21 =	vor.u32 v21, v17;
	_ =	sdelay $0x3  }
0x9b: {  	[tilespmem:v19+s25+$0x0] =	vst.idx.msk $0xffff, v18  }
0x9c: {  	v19 =	vshll.u32 v20, $0x4;
	v20 =	vor.u32 s2, v12;
	v18 =	vld.idx.msk [tilespmem:v21+s3+$0x0], $0xffff  }
0x9d: {  	v19 =	vor.u32 v0, v19;
	v21 =	vand.u32 $0x7F, v20  }
0x9e: {  	v21 =	vor.u32 v21, v17;
	_ =	sdelay $0x3  }
0x9f: {  	[tilespmem:v19+s25+$0x0] =	vst.idx.msk $0xffff, v18  }
0xa0: {  	v19 =	vshll.u32 v20, $0x4;
	v20 =	vor.u32 s2, v13;
	v18 =	vld.idx.msk [tilespmem:v21+s3+$0x0], $0xffff  }
0xa1: {  	v19 =	vor.u32 v0, v19;
	v21 =	vand.u32 $0x7F, v20  }
0xa2: {  	v21 =	vor.u32 v21, v17;
	_ =	sdelay $0x3  }
0xa3: {  	[tilespmem:v19+s25+$0x0] =	vst.idx.msk $0xffff, v18  }
0xa4: {  	v19 =	vshll.u32 v20, $0x4;
	v20 =	vor.u32 s2, v14;
	v18 =	vld.idx.msk [tilespmem:v21+s3+$0x0], $0xffff  }
0xa5: {  	v19 =	vor.u32 v0, v19;
	v21 =	vand.u32 $0x7F, v20  }
0xa6: {  	v21 =	vor.u32 v21, v17;
	_ =	sdelay $0x3  }
0xa7: {  	[tilespmem:v19+s25+$0x0] =	vst.idx.msk $0xffff, v18  }
0xa8: {  	v19 =	vshll.u32 v20, $0x4;
	v20 =	vor.u32 s2, v15;
	v18 =	vld.idx.msk [tilespmem:v21+s3+$0x0], $0xffff  }
0xa9: {  	v19 =	vor.u32 v0, v19;
	v21 =	vand.u32 $0x7F, v20  }
0xaa: {  	v21 =	vor.u32 v21, v17;
	_ =	sdelay $0x3  }
0xab: {  	[tilespmem:v19+s25+$0x0] =	vst.idx.msk $0xffff, v18  }
0xac: {  	v20 =	vshll.u32 v20, $0x4;
	v18 =	vor.u32 s2, v16;
	s2 =	smov.u32 s4;
	v19 =	vld.idx.msk [tilespmem:v21+s3+$0x0], $0xffff  }
.Ltmp5:
0xad: {  	v20 =	vor.u32 v0, v20;
	v21 =	vand.u32 $0x7F, v18;
	(pc) =	sbr.rel @p1 .LBB2_4-.Ltmp5, $2  }
0xae: {  	v17 =	vor.u32 v21, v17;
	_ =	sdelay $0x2  }
0xaf: {  	s4 =	sadd.s32 $0x10, s4;
	v21 =	vmov s2  }
0xb0: {  	_ =	sdelay $0x2  }
0xb1: {  	v21 =	vshll.u32 v21, $0x3  }
0xb2: {  	[tilespmem:v20+s25+$0x0] =	vst.idx.msk $0xffff, v19;
	v19 =	vor.u32 s2, v0;
	v18 =	vshll.u32 v18, $0x4;
	v47 =	vand.u32 $0x1C00, v21  }
0xb3: {  	v17 =	vld.idx.msk [tilespmem:v17+s3+$0x0], $0xffff;
	v48 =	vand.u32 $0x7F, v19;
	v18 =	vor.u32 v0, v18;
	v20 =	vor.u32 v1, v47  }
0xb4: {  	v21 =	vor.u32 v48, v20;
	_ =	sdelay $0x3  }
0xb5: {  	[tilespmem:v18+s25+$0x0] =	vst.idx.msk $0xffff, v17;
	v17 =	vshll.u32 v19, $0x4;
	v18 =	vor.u32 s2, v2  }
0xb6: {  	v17 =	vor.u32 v0, v17;
	v49 =	vand.u32 $0x7F, v18;
	v19 =	vld.idx.msk [tilespmem:v21+s3+$0x0], $0xffff  }
0xb7: {  	v21 =	vor.u32 v49, v20;
	_ =	sdelay $0x3  }
0xb8: {  	[tilespmem:v17+s25+$0x0] =	vst.idx.msk $0xffff, v19;
	v17 =	vshll.u32 v18, $0x4;
	v18 =	vor.u32 s2, v3  }
0xb9: {  	v19 =	vld.idx.msk [tilespmem:v21+s3+$0x0], $0xffff;
	v17 =	vor.u32 v0, v17;
	v50 =	vand.u32 $0x7F, v18  }
0xba: {  	v21 =	vor.u32 v50, v20;
	_ =	sdelay $0x3  }
0xbb: {  	[tilespmem:v17+s25+$0x0] =	vst.idx.msk $0xffff, v19;
	v17 =	vshll.u32 v18, $0x4;
	v18 =	vor.u32 s2, v4  }
0xbc: {  	v19 =	vld.idx.msk [tilespmem:v21+s3+$0x0], $0xffff;
	v17 =	vor.u32 v0, v17;
	v51 =	vand.u32 $0x7F, v18  }
0xbd: {  	v21 =	vor.u32 v51, v20;
	_ =	sdelay $0x3  }
0xbe: {  	[tilespmem:v17+s25+$0x0] =	vst.idx.msk $0xffff, v19;
	v17 =	vshll.u32 v18, $0x4;
	v18 =	vor.u32 s2, v5  }
0xbf: {  	v19 =	vld.idx.msk [tilespmem:v21+s3+$0x0], $0xffff;
	v17 =	vor.u32 v0, v17;
	v52 =	vand.u32 $0x7F, v18  }
0xc0: {  	v21 =	vor.u32 v52, v20;
	_ =	sdelay $0x3  }
0xc1: {  	[tilespmem:v17+s25+$0x0] =	vst.idx.msk $0xffff, v19;
	v17 =	vshll.u32 v18, $0x4;
	v18 =	vor.u32 s2, v6  }
0xc2: {  	v19 =	vld.idx.msk [tilespmem:v21+s3+$0x0], $0xffff;
	v17 =	vor.u32 v0, v17;
	v53 =	vand.u32 $0x7F, v18  }
0xc3: {  	v21 =	vor.u32 v53, v20;
	_ =	sdelay $0x3  }
0xc4: {  	[tilespmem:v17+s25+$0x0] =	vst.idx.msk $0xffff, v19;
	v17 =	vshll.u32 v18, $0x4;
	v18 =	vor.u32 s2, v8  }
0xc5: {  	v19 =	vld.idx.msk [tilespmem:v21+s3+$0x0], $0xffff;
	v17 =	vor.u32 v0, v17;
	v54 =	vand.u32 $0x7F, v18  }
0xc6: {  	v21 =	vor.u32 v54, v20;
	_ =	sdelay $0x3  }
0xc7: {  	[tilespmem:v17+s25+$0x0] =	vst.idx.msk $0xffff, v19;
	v17 =	vshll.u32 v18, $0x4;
	v18 =	vor.u32 s2, v9  }
0xc8: {  	v19 =	vld.idx.msk [tilespmem:v21+s3+$0x0], $0xffff;
	v17 =	vor.u32 v0, v17;
	v55 =	vand.u32 $0x7F, v18  }
0xc9: {  	v21 =	vor.u32 v55, v20;
	_ =	sdelay $0x3  }
0xca: {  	[tilespmem:v17+s25+$0x0] =	vst.idx.msk $0xffff, v19;
	v17 =	vshll.u32 v18, $0x4;
	v18 =	vor.u32 s2, v7  }
0xcb: {  	v19 =	vld.idx.msk [tilespmem:v21+s3+$0x0], $0xffff;
	v17 =	vor.u32 v0, v17;
	v56 =	vand.u32 $0x7F, v18  }
0xcc: {  	v21 =	vor.u32 v56, v20;
	_ =	sdelay $0x3  }
0xcd: {  	[tilespmem:v17+s25+$0x0] =	vst.idx.msk $0xffff, v19;
	v17 =	vshll.u32 v18, $0x4;
	v18 =	vor.u32 s2, v10  }
0xce: {  	v19 =	vld.idx.msk [tilespmem:v21+s3+$0x0], $0xffff;
	v17 =	vor.u32 v0, v17;
	v57 =	vand.u32 $0x7F, v18  }
0xcf: {  	v21 =	vor.u32 v57, v20;
	_ =	sdelay $0x3  }
0xd0: {  	[tilespmem:v17+s25+$0x0] =	vst.idx.msk $0xffff, v19;
	v17 =	vshll.u32 v18, $0x4;
	v18 =	vor.u32 s2, v11  }
0xd1: {  	v19 =	vld.idx.msk [tilespmem:v21+s3+$0x0], $0xffff;
	v17 =	vor.u32 v0, v17;
	v58 =	vand.u32 $0x7F, v18  }
0xd2: {  	v21 =	vor.u32 v58, v20;
	_ =	sdelay $0x3  }
0xd3: {  	[tilespmem:v17+s25+$0x0] =	vst.idx.msk $0xffff, v19;
	v17 =	vshll.u32 v18, $0x4;
	v18 =	vor.u32 s2, v12  }
0xd4: {  	v19 =	vld.idx.msk [tilespmem:v21+s3+$0x0], $0xffff;
	v17 =	vor.u32 v0, v17;
	v59 =	vand.u32 $0x7F, v18  }
0xd5: {  	v21 =	vor.u32 v59, v20;
	_ =	sdelay $0x3  }
0xd6: {  	[tilespmem:v17+s25+$0x0] =	vst.idx.msk $0xffff, v19;
	v17 =	vshll.u32 v18, $0x4;
	v18 =	vor.u32 s2, v13  }
0xd7: {  	v19 =	vld.idx.msk [tilespmem:v21+s3+$0x0], $0xffff;
	v17 =	vor.u32 v0, v17;
	v60 =	vand.u32 $0x7F, v18  }
0xd8: {  	v21 =	vor.u32 v60, v20;
	_ =	sdelay $0x3  }
0xd9: {  	[tilespmem:v17+s25+$0x0] =	vst.idx.msk $0xffff, v19;
	v17 =	vshll.u32 v18, $0x4;
	v18 =	vor.u32 s2, v14  }
0xda: {  	v19 =	vld.idx.msk [tilespmem:v21+s3+$0x0], $0xffff;
	v17 =	vor.u32 v0, v17;
	v61 =	vand.u32 $0x7F, v18  }
0xdb: {  	v21 =	vor.u32 v61, v20;
	_ =	sdelay $0x3  }
0xdc: {  	[tilespmem:v17+s25+$0x0] =	vst.idx.msk $0xffff, v19;
	v17 =	vshll.u32 v18, $0x4;
	v18 =	vor.u32 s2, v15  }
0xdd: {  	v19 =	vld.idx.msk [tilespmem:v21+s3+$0x0], $0xffff;
	v17 =	vor.u32 v0, v17;
	v62 =	vand.u32 $0x7F, v18  }
0xde: {  	v21 =	vor.u32 v62, v20;
	_ =	sdelay $0x3  }
0xdf: {  	[tilespmem:v17+s25+$0x0] =	vst.idx.msk $0xffff, v19;
	v17 =	vshll.u32 v18, $0x4;
	v18 =	vor.u32 s2, v16  }
0xe0: {  	v19 =	vld.idx.msk [tilespmem:v21+s3+$0x0], $0xffff;
	v17 =	vor.u32 v0, v17;
	v63 =	vand.u32 $0x7F, v18  }
0xe1: {  	v20 =	vor.u32 v63, v20;
	_ =	sdelay $0x3  }
0xe2: {  	[tilespmem:v17+s25+$0x0] =	vst.idx.msk $0xffff, v19;
	v17 =	vshll.u32 v18, $0x4  }
0xe3: {  	v18 =	vld.idx.msk [tilespmem:v20+s3+$0x0], $0xffff;
	v17 =	vor.u32 v0, v17;
	_ =	sdelay $0x1  }
0xe4: {  	s26 =	sshll.u32 s30, $0x14  }
0xe5: {  	s2 =	sor.u32 s10, s26  }
0xe6: {  	s2 =	sshrl.u32 s2, $0x3  }
0xe7: {  	s2 =	sadd.s32 s5, s2;
	[tilespmem:v17+s25+$0x0] =	vst.idx.msk $0xffff, v18  }
0xe8: {  	[hbm4b:s2+s3] =	stream.linear.scatter [tilespmem:s25], [sflag:$0x3], $0x4000, $0x38;
	[tilespmem:$0x14000] =	vst v63  }
0xe9: {  	s2 =	sadd.s32 $0x2, s31  }
0xea: {  	p1 =	sgt.u32 s2, s6  }
0xeb: {  	s2 =	sshll.u32 @!p1 s2, $0x12  }
0xec: {  	s2 =	sor.u32 @!p1 s8, s2  }
0xed: {  	s4 =	simm.s32 @!p1 $0x2000;
	s2 =	sshrl.u32 @!p1 s2, $0x3  }
0xee: {  	s1 =	simm.s32 @!p1 $0x7A1400;
	s26 =	simm.s32 @!p1 $0x0;
	s2 =	sadd.s32 @!p1 s0, s2  }
0xef: {  	[tilespmem:s26], [sflag:$0x1] =	stream.strided.gather @!p1 [hbm4b:s2+s4], $0x4000, s1, s4, $0x38;
	[tilespmem:$0x14000] =	vst v63  }
.LBB2_6:
0xf0: {  	p1 =	sge.u32 s31, s6  }
.Ltmp6:
0xf1: {  	_ = 	snop;
	(pc) =	sbr.rel @p1 .LBB2_10-.Ltmp6, $1  }
0xf2: {  	_ =	sdelay $0x3  }
0xf3: {  	s2 =	simm.s32 $0x0  }
0xf4: {  	v17 =	vmov s2  }
0xf5: {  	v17 =	vshll.u32 v17, $0x3  }
0xf6: {  	v18 =	vor.u32 s2, v0;
	v17 =	vand.u32 $0x1C00, v17  }
0xf7: {  	_ =	swait.ge [sflag:s20], $0x4000;
	v19 =	vand.u32 $0x7F, v18;
	v17 =	vor.u32 v1, v17  }
0xf8: {  	p1 =	seq.s32 s30, $0x0;
	[sflag:s20] =	ssyncset.done $0x0;
	v19 =	vor.u32 v19, v17  }
0xf9: {  	s1 =	simm.s32 @!p1 $0x4;
	[sflag:s20] =	ssyncadd.s32 $0xFFFFC000  }
0xfa: {  	_ =	swait.ge @!p1 [sflag:s1], $0x4000  }
0xfb: {  	[sflag:s1] =	ssyncset.done @!p1 $0x0  }
0xfc: {  	v20 =	vor.u32 s2, v2;
	v18 =	vshll.u32 v18, $0x4;
	[sflag:s1] =	ssyncadd.s32 @!p1 $0xFFFFC000  }
0xfd: {  	v21 =	vand.u32 $0x7F, v20;
	v18 =	vor.u32 v0, v18;
	v19 =	vld.idx.msk [tilespmem:v19+s19+$0x0], $0xffff  }
0xfe: {  	v21 =	vor.u32 v21, v17;
	_ =	sdelay $0x3  }
0xff: {  	[tilespmem:v18+s21+$0x0] =	vst.idx.msk $0xffff, v19;
	v18 =	vshll.u32 v20, $0x4;
	v19 =	vor.u32 s2, v3  }
0x100: {  	v20 =	vld.idx.msk [tilespmem:v21+s19+$0x0], $0xffff;
	v18 =	vor.u32 v0, v18;
	v21 =	vand.u32 $0x7F, v19  }
0x101: {  	v21 =	vor.u32 v21, v17;
	_ =	sdelay $0x3  }
0x102: {  	[tilespmem:v18+s21+$0x0] =	vst.idx.msk $0xffff, v20;
	v18 =	vshll.u32 v19, $0x4;
	v19 =	vor.u32 s2, v4  }
0x103: {  	v20 =	vld.idx.msk [tilespmem:v21+s19+$0x0], $0xffff;
	v18 =	vor.u32 v0, v18;
	v21 =	vand.u32 $0x7F, v19  }
0x104: {  	v21 =	vor.u32 v21, v17;
	_ =	sdelay $0x3  }
0x105: {  	[tilespmem:v18+s21+$0x0] =	vst.idx.msk $0xffff, v20;
	v18 =	vshll.u32 v19, $0x4;
	v19 =	vor.u32 s2, v5  }
0x106: {  	v20 =	vld.idx.msk [tilespmem:v21+s19+$0x0], $0xffff;
	v18 =	vor.u32 v0, v18;
	v21 =	vand.u32 $0x7F, v19  }
0x107: {  	v21 =	vor.u32 v21, v17;
	_ =	sdelay $0x3  }
0x108: {  	[tilespmem:v18+s21+$0x0] =	vst.idx.msk $0xffff, v20;
	v18 =	vshll.u32 v19, $0x4;
	v19 =	vor.u32 s2, v6  }
0x109: {  	v20 =	vld.idx.msk [tilespmem:v21+s19+$0x0], $0xffff;
	v18 =	vor.u32 v0, v18;
	v21 =	vand.u32 $0x7F, v19  }
0x10a: {  	v21 =	vor.u32 v21, v17;
	_ =	sdelay $0x3  }
0x10b: {  	[tilespmem:v18+s21+$0x0] =	vst.idx.msk $0xffff, v20;
	v18 =	vshll.u32 v19, $0x4;
	v19 =	vor.u32 s2, v8  }
0x10c: {  	v20 =	vld.idx.msk [tilespmem:v21+s19+$0x0], $0xffff;
	v18 =	vor.u32 v0, v18;
	v21 =	vand.u32 $0x7F, v19  }
0x10d: {  	v21 =	vor.u32 v21, v17;
	_ =	sdelay $0x3  }
0x10e: {  	[tilespmem:v18+s21+$0x0] =	vst.idx.msk $0xffff, v20;
	v18 =	vshll.u32 v19, $0x4;
	v19 =	vor.u32 s2, v9  }
0x10f: {  	v20 =	vld.idx.msk [tilespmem:v21+s19+$0x0], $0xffff;
	v18 =	vor.u32 v0, v18;
	v21 =	vand.u32 $0x7F, v19  }
0x110: {  	v21 =	vor.u32 v21, v17;
	_ =	sdelay $0x3  }
0x111: {  	[tilespmem:v18+s21+$0x0] =	vst.idx.msk $0xffff, v20;
	v18 =	vshll.u32 v19, $0x4;
	v19 =	vor.u32 s2, v7  }
0x112: {  	v20 =	vld.idx.msk [tilespmem:v21+s19+$0x0], $0xffff;
	v18 =	vor.u32 v0, v18;
	v21 =	vand.u32 $0x7F, v19  }
0x113: {  	v21 =	vor.u32 v21, v17;
	_ =	sdelay $0x3  }
0x114: {  	[tilespmem:v18+s21+$0x0] =	vst.idx.msk $0xffff, v20;
	v18 =	vshll.u32 v19, $0x4;
	v19 =	vor.u32 s2, v10  }
0x115: {  	v20 =	vld.idx.msk [tilespmem:v21+s19+$0x0], $0xffff;
	v18 =	vor.u32 v0, v18;
	v21 =	vand.u32 $0x7F, v19  }
0x116: {  	v21 =	vor.u32 v21, v17;
	_ =	sdelay $0x3  }
0x117: {  	[tilespmem:v18+s21+$0x0] =	vst.idx.msk $0xffff, v20;
	v18 =	vshll.u32 v19, $0x4;
	v19 =	vor.u32 s2, v11  }
0x118: {  	v20 =	vld.idx.msk [tilespmem:v21+s19+$0x0], $0xffff;
	v18 =	vor.u32 v0, v18;
	v21 =	vand.u32 $0x7F, v19  }
0x119: {  	v21 =	vor.u32 v21, v17;
	_ =	sdelay $0x3  }
0x11a: {  	[tilespmem:v18+s21+$0x0] =	vst.idx.msk $0xffff, v20;
	v18 =	vshll.u32 v19, $0x4;
	v19 =	vor.u32 s2, v12  }
0x11b: {  	v20 =	vld.idx.msk [tilespmem:v21+s19+$0x0], $0xffff;
	v18 =	vor.u32 v0, v18;
	v21 =	vand.u32 $0x7F, v19  }
0x11c: {  	v21 =	vor.u32 v21, v17;
	_ =	sdelay $0x3  }
0x11d: {  	[tilespmem:v18+s21+$0x0] =	vst.idx.msk $0xffff, v20;
	v18 =	vshll.u32 v19, $0x4;
	v19 =	vor.u32 s2, v13  }
0x11e: {  	v20 =	vld.idx.msk [tilespmem:v21+s19+$0x0], $0xffff;
	v18 =	vor.u32 v0, v18;
	v21 =	vand.u32 $0x7F, v19  }
0x11f: {  	v21 =	vor.u32 v21, v17;
	_ =	sdelay $0x3  }
0x120: {  	[tilespmem:v18+s21+$0x0] =	vst.idx.msk $0xffff, v20;
	v18 =	vshll.u32 v19, $0x4;
	v19 =	vor.u32 s2, v14  }
0x121: {  	v20 =	vld.idx.msk [tilespmem:v21+s19+$0x0], $0xffff;
	v18 =	vor.u32 v0, v18;
	v21 =	vand.u32 $0x7F, v19  }
0x122: {  	v21 =	vor.u32 v21, v17;
	_ =	sdelay $0x3  }
0x123: {  	[tilespmem:v18+s21+$0x0] =	vst.idx.msk $0xffff, v20;
	v18 =	vshll.u32 v19, $0x4;
	v19 =	vor.u32 s2, v15  }
0x124: {  	v20 =	vld.idx.msk [tilespmem:v21+s19+$0x0], $0xffff;
	v21 =	vor.u32 v0, v18;
	v18 =	vand.u32 $0x7F, v19  }
0x125: {  	v22 =	vor.u32 v18, v17;
	_ =	sdelay $0x3  }
0x126: {  	v18 =	vor.u32 s2, v16;
	[tilespmem:v21+s21+$0x0] =	vst.idx.msk $0xffff, v20;
	v20 =	vshll.u32 v19, $0x4  }
0x127: {  	v21 =	vand.u32 $0x7F, v18;
	v19 =	vld.idx.msk [tilespmem:v22+s19+$0x0], $0xffff;
	v20 =	vor.u32 v0, v20  }
0x128: {  	v17 =	vor.u32 v21, v17;
	_ =	sdelay $0x1  }
0x129: {  	s2 =	simm.s32 $0x10  }
0x12a: {  	s4 =	simm.s32 $0x20;
	v21 =	vmov s2  }
.LBB2_8:
0x12b: {  	p1 =	sne.s32 s4, $0x3F0;
	v21 =	vshll.u32 v21, $0x3;
	[tilespmem:v20+s21+$0x0] =	vst.idx.msk $0xffff, v19  }
0x12c: {  	v19 =	vor.u32 s2, v0;
	v18 =	vshll.u32 v18, $0x4;
	v20 =	vand.u32 $0x1C00, v21;
	v21 =	vld.idx.msk [tilespmem:v17+s19+$0x0], $0xffff  }
0x12d: {  	v22 =	vand.u32 $0x7F, v19;
	v18 =	vor.u32 v0, v18;
	v17 =	vor.u32 v1, v20  }
0x12e: {  	v20 =	vor.u32 v22, v17;
	_ =	sdelay $0x3  }
0x12f: {  	[tilespmem:v18+s21+$0x0] =	vst.idx.msk $0xffff, v21  }
0x130: {  	v19 =	vshll.u32 v19, $0x4;
	v18 =	vld.idx.msk [tilespmem:v20+s19+$0x0], $0xffff;
	v20 =	vor.u32 s2, v2  }
0x131: {  	v19 =	vor.u32 v0, v19;
	v21 =	vand.u32 $0x7F, v20  }
0x132: {  	v21 =	vor.u32 v21, v17;
	_ =	sdelay $0x3  }
0x133: {  	[tilespmem:v19+s21+$0x0] =	vst.idx.msk $0xffff, v18  }
0x134: {  	v19 =	vshll.u32 v20, $0x4;
	v20 =	vor.u32 s2, v3;
	v18 =	vld.idx.msk [tilespmem:v21+s19+$0x0], $0xffff  }
0x135: {  	v19 =	vor.u32 v0, v19;
	v21 =	vand.u32 $0x7F, v20  }
0x136: {  	v21 =	vor.u32 v21, v17;
	_ =	sdelay $0x3  }
0x137: {  	[tilespmem:v19+s21+$0x0] =	vst.idx.msk $0xffff, v18  }
0x138: {  	v19 =	vshll.u32 v20, $0x4;
	v20 =	vor.u32 s2, v4;
	v18 =	vld.idx.msk [tilespmem:v21+s19+$0x0], $0xffff  }
0x139: {  	v19 =	vor.u32 v0, v19;
	v21 =	vand.u32 $0x7F, v20  }
0x13a: {  	v21 =	vor.u32 v21, v17;
	_ =	sdelay $0x3  }
0x13b: {  	[tilespmem:v19+s21+$0x0] =	vst.idx.msk $0xffff, v18  }
0x13c: {  	v19 =	vshll.u32 v20, $0x4;
	v20 =	vor.u32 s2, v5;
	v18 =	vld.idx.msk [tilespmem:v21+s19+$0x0], $0xffff  }
0x13d: {  	v19 =	vor.u32 v0, v19;
	v21 =	vand.u32 $0x7F, v20  }
0x13e: {  	v21 =	vor.u32 v21, v17;
	_ =	sdelay $0x3  }
0x13f: {  	[tilespmem:v19+s21+$0x0] =	vst.idx.msk $0xffff, v18  }
0x140: {  	v19 =	vshll.u32 v20, $0x4;
	v20 =	vor.u32 s2, v6;
	v18 =	vld.idx.msk [tilespmem:v21+s19+$0x0], $0xffff  }
0x141: {  	v19 =	vor.u32 v0, v19;
	v21 =	vand.u32 $0x7F, v20  }
0x142: {  	v21 =	vor.u32 v21, v17;
	_ =	sdelay $0x3  }
0x143: {  	[tilespmem:v19+s21+$0x0] =	vst.idx.msk $0xffff, v18  }
0x144: {  	v19 =	vshll.u32 v20, $0x4;
	v20 =	vor.u32 s2, v8;
	v18 =	vld.idx.msk [tilespmem:v21+s19+$0x0], $0xffff  }
0x145: {  	v19 =	vor.u32 v0, v19;
	v21 =	vand.u32 $0x7F, v20  }
0x146: {  	v21 =	vor.u32 v21, v17;
	_ =	sdelay $0x3  }
0x147: {  	[tilespmem:v19+s21+$0x0] =	vst.idx.msk $0xffff, v18  }
0x148: {  	v19 =	vshll.u32 v20, $0x4;
	v20 =	vor.u32 s2, v9;
	v18 =	vld.idx.msk [tilespmem:v21+s19+$0x0], $0xffff  }
0x149: {  	v19 =	vor.u32 v0, v19;
	v21 =	vand.u32 $0x7F, v20  }
0x14a: {  	v21 =	vor.u32 v21, v17;
	_ =	sdelay $0x3  }
0x14b: {  	[tilespmem:v19+s21+$0x0] =	vst.idx.msk $0xffff, v18  }
0x14c: {  	v19 =	vshll.u32 v20, $0x4;
	v20 =	vor.u32 s2, v7;
	v18 =	vld.idx.msk [tilespmem:v21+s19+$0x0], $0xffff  }
0x14d: {  	v19 =	vor.u32 v0, v19;
	v21 =	vand.u32 $0x7F, v20  }
0x14e: {  	v21 =	vor.u32 v21, v17;
	_ =	sdelay $0x3  }
0x14f: {  	[tilespmem:v19+s21+$0x0] =	vst.idx.msk $0xffff, v18  }
0x150: {  	v19 =	vshll.u32 v20, $0x4;
	v20 =	vor.u32 s2, v10;
	v18 =	vld.idx.msk [tilespmem:v21+s19+$0x0], $0xffff  }
0x151: {  	v19 =	vor.u32 v0, v19;
	v21 =	vand.u32 $0x7F, v20  }
0x152: {  	v21 =	vor.u32 v21, v17;
	_ =	sdelay $0x3  }
0x153: {  	[tilespmem:v19+s21+$0x0] =	vst.idx.msk $0xffff, v18  }
0x154: {  	v19 =	vshll.u32 v20, $0x4;
	v20 =	vor.u32 s2, v11;
	v18 =	vld.idx.msk [tilespmem:v21+s19+$0x0], $0xffff  }
0x155: {  	v19 =	vor.u32 v0, v19;
	v21 =	vand.u32 $0x7F, v20  }
0x156: {  	v21 =	vor.u32 v21, v17;
	_ =	sdelay $0x3  }
0x157: {  	[tilespmem:v19+s21+$0x0] =	vst.idx.msk $0xffff, v18  }
0x158: {  	v19 =	vshll.u32 v20, $0x4;
	v20 =	vor.u32 s2, v12;
	v18 =	vld.idx.msk [tilespmem:v21+s19+$0x0], $0xffff  }
0x159: {  	v19 =	vor.u32 v0, v19;
	v21 =	vand.u32 $0x7F, v20  }
0x15a: {  	v21 =	vor.u32 v21, v17;
	_ =	sdelay $0x3  }
0x15b: {  	[tilespmem:v19+s21+$0x0] =	vst.idx.msk $0xffff, v18  }
0x15c: {  	v19 =	vshll.u32 v20, $0x4;
	v20 =	vor.u32 s2, v13;
	v18 =	vld.idx.msk [tilespmem:v21+s19+$0x0], $0xffff  }
0x15d: {  	v19 =	vor.u32 v0, v19;
	v21 =	vand.u32 $0x7F, v20  }
0x15e: {  	v21 =	vor.u32 v21, v17;
	_ =	sdelay $0x3  }
0x15f: {  	[tilespmem:v19+s21+$0x0] =	vst.idx.msk $0xffff, v18  }
0x160: {  	v19 =	vshll.u32 v20, $0x4;
	v20 =	vor.u32 s2, v14;
	v18 =	vld.idx.msk [tilespmem:v21+s19+$0x0], $0xffff  }
0x161: {  	v19 =	vor.u32 v0, v19;
	v21 =	vand.u32 $0x7F, v20  }
0x162: {  	v21 =	vor.u32 v21, v17;
	_ =	sdelay $0x3  }
0x163: {  	[tilespmem:v19+s21+$0x0] =	vst.idx.msk $0xffff, v18  }
0x164: {  	v19 =	vshll.u32 v20, $0x4;
	v20 =	vor.u32 s2, v15;
	v18 =	vld.idx.msk [tilespmem:v21+s19+$0x0], $0xffff  }
0x165: {  	v19 =	vor.u32 v0, v19;
	v21 =	vand.u32 $0x7F, v20  }
0x166: {  	v21 =	vor.u32 v21, v17;
	_ =	sdelay $0x3  }
0x167: {  	[tilespmem:v19+s21+$0x0] =	vst.idx.msk $0xffff, v18  }
0x168: {  	v20 =	vshll.u32 v20, $0x4;
	v18 =	vor.u32 s2, v16;
	s2 =	smov.u32 s4;
	v19 =	vld.idx.msk [tilespmem:v21+s19+$0x0], $0xffff  }
.Ltmp7:
0x169: {  	v20 =	vor.u32 v0, v20;
	v21 =	vand.u32 $0x7F, v18;
	(pc) =	sbr.rel @p1 .LBB2_8-.Ltmp7, $2  }
0x16a: {  	v17 =	vor.u32 v21, v17;
	_ =	sdelay $0x2  }
0x16b: {  	s4 =	sadd.s32 $0x10, s4;
	v21 =	vmov s2  }
0x16c: {  	_ =	sdelay $0x2  }
0x16d: {  	v21 =	vshll.u32 v21, $0x3  }
0x16e: {  	[tilespmem:v20+s21+$0x0] =	vst.idx.msk $0xffff, v19;
	v19 =	vor.u32 s2, v0;
	v18 =	vshll.u32 v18, $0x4;
	v47 =	vand.u32 $0x1C00, v21  }
0x16f: {  	v17 =	vld.idx.msk [tilespmem:v17+s19+$0x0], $0xffff;
	v48 =	vand.u32 $0x7F, v19;
	v18 =	vor.u32 v0, v18;
	v20 =	vor.u32 v1, v47  }
0x170: {  	v21 =	vor.u32 v48, v20;
	_ =	sdelay $0x3  }
0x171: {  	[tilespmem:v18+s21+$0x0] =	vst.idx.msk $0xffff, v17;
	v17 =	vshll.u32 v19, $0x4;
	v18 =	vor.u32 s2, v2  }
0x172: {  	v17 =	vor.u32 v0, v17;
	v49 =	vand.u32 $0x7F, v18;
	v19 =	vld.idx.msk [tilespmem:v21+s19+$0x0], $0xffff  }
0x173: {  	v21 =	vor.u32 v49, v20;
	_ =	sdelay $0x3  }
0x174: {  	[tilespmem:v17+s21+$0x0] =	vst.idx.msk $0xffff, v19;
	v17 =	vshll.u32 v18, $0x4;
	v18 =	vor.u32 s2, v3  }
0x175: {  	v19 =	vld.idx.msk [tilespmem:v21+s19+$0x0], $0xffff;
	v17 =	vor.u32 v0, v17;
	v50 =	vand.u32 $0x7F, v18  }
0x176: {  	v21 =	vor.u32 v50, v20;
	_ =	sdelay $0x3  }
0x177: {  	[tilespmem:v17+s21+$0x0] =	vst.idx.msk $0xffff, v19;
	v17 =	vshll.u32 v18, $0x4;
	v18 =	vor.u32 s2, v4  }
0x178: {  	v19 =	vld.idx.msk [tilespmem:v21+s19+$0x0], $0xffff;
	v17 =	vor.u32 v0, v17;
	v51 =	vand.u32 $0x7F, v18  }
0x179: {  	v21 =	vor.u32 v51, v20;
	_ =	sdelay $0x3  }
0x17a: {  	[tilespmem:v17+s21+$0x0] =	vst.idx.msk $0xffff, v19;
	v17 =	vshll.u32 v18, $0x4;
	v18 =	vor.u32 s2, v5  }
0x17b: {  	v19 =	vld.idx.msk [tilespmem:v21+s19+$0x0], $0xffff;
	v17 =	vor.u32 v0, v17;
	v52 =	vand.u32 $0x7F, v18  }
0x17c: {  	v21 =	vor.u32 v52, v20;
	_ =	sdelay $0x3  }
0x17d: {  	[tilespmem:v17+s21+$0x0] =	vst.idx.msk $0xffff, v19;
	v17 =	vshll.u32 v18, $0x4;
	v18 =	vor.u32 s2, v6  }
0x17e: {  	v19 =	vld.idx.msk [tilespmem:v21+s19+$0x0], $0xffff;
	v17 =	vor.u32 v0, v17;
	v53 =	vand.u32 $0x7F, v18  }
0x17f: {  	v21 =	vor.u32 v53, v20;
	_ =	sdelay $0x3  }
0x180: {  	[tilespmem:v17+s21+$0x0] =	vst.idx.msk $0xffff, v19;
	v17 =	vshll.u32 v18, $0x4;
	v18 =	vor.u32 s2, v8  }
0x181: {  	v19 =	vld.idx.msk [tilespmem:v21+s19+$0x0], $0xffff;
	v17 =	vor.u32 v0, v17;
	v54 =	vand.u32 $0x7F, v18  }
0x182: {  	v21 =	vor.u32 v54, v20;
	_ =	sdelay $0x3  }
0x183: {  	[tilespmem:v17+s21+$0x0] =	vst.idx.msk $0xffff, v19;
	v17 =	vshll.u32 v18, $0x4;
	v18 =	vor.u32 s2, v9  }
0x184: {  	v19 =	vld.idx.msk [tilespmem:v21+s19+$0x0], $0xffff;
	v17 =	vor.u32 v0, v17;
	v55 =	vand.u32 $0x7F, v18  }
0x185: {  	v21 =	vor.u32 v55, v20;
	_ =	sdelay $0x3  }
0x186: {  	[tilespmem:v17+s21+$0x0] =	vst.idx.msk $0xffff, v19;
	v17 =	vshll.u32 v18, $0x4;
	v18 =	vor.u32 s2, v7  }
0x187: {  	v19 =	vld.idx.msk [tilespmem:v21+s19+$0x0], $0xffff;
	v17 =	vor.u32 v0, v17;
	v56 =	vand.u32 $0x7F, v18  }
0x188: {  	v21 =	vor.u32 v56, v20;
	_ =	sdelay $0x3  }
0x189: {  	[tilespmem:v17+s21+$0x0] =	vst.idx.msk $0xffff, v19;
	v17 =	vshll.u32 v18, $0x4;
	v18 =	vor.u32 s2, v10  }
0x18a: {  	v19 =	vld.idx.msk [tilespmem:v21+s19+$0x0], $0xffff;
	v17 =	vor.u32 v0, v17;
	v57 =	vand.u32 $0x7F, v18  }
0x18b: {  	v21 =	vor.u32 v57, v20;
	_ =	sdelay $0x3  }
0x18c: {  	[tilespmem:v17+s21+$0x0] =	vst.idx.msk $0xffff, v19;
	v17 =	vshll.u32 v18, $0x4;
	v18 =	vor.u32 s2, v11  }
0x18d: {  	v19 =	vld.idx.msk [tilespmem:v21+s19+$0x0], $0xffff;
	v17 =	vor.u32 v0, v17;
	v58 =	vand.u32 $0x7F, v18  }
0x18e: {  	v21 =	vor.u32 v58, v20;
	_ =	sdelay $0x3  }
0x18f: {  	[tilespmem:v17+s21+$0x0] =	vst.idx.msk $0xffff, v19;
	v17 =	vshll.u32 v18, $0x4;
	v18 =	vor.u32 s2, v12  }
0x190: {  	v19 =	vld.idx.msk [tilespmem:v21+s19+$0x0], $0xffff;
	v17 =	vor.u32 v0, v17;
	v59 =	vand.u32 $0x7F, v18  }
0x191: {  	v21 =	vor.u32 v59, v20;
	_ =	sdelay $0x3  }
0x192: {  	[tilespmem:v17+s21+$0x0] =	vst.idx.msk $0xffff, v19;
	v17 =	vshll.u32 v18, $0x4;
	v18 =	vor.u32 s2, v13  }
0x193: {  	v19 =	vld.idx.msk [tilespmem:v21+s19+$0x0], $0xffff;
	v17 =	vor.u32 v0, v17;
	v60 =	vand.u32 $0x7F, v18  }
0x194: {  	v21 =	vor.u32 v60, v20;
	_ =	sdelay $0x3  }
0x195: {  	[tilespmem:v17+s21+$0x0] =	vst.idx.msk $0xffff, v19;
	v17 =	vshll.u32 v18, $0x4;
	v18 =	vor.u32 s2, v14  }
0x196: {  	v19 =	vld.idx.msk [tilespmem:v21+s19+$0x0], $0xffff;
	v17 =	vor.u32 v0, v17;
	v61 =	vand.u32 $0x7F, v18  }
0x197: {  	v21 =	vor.u32 v61, v20;
	_ =	sdelay $0x3  }
0x198: {  	[tilespmem:v17+s21+$0x0] =	vst.idx.msk $0xffff, v19;
	v17 =	vshll.u32 v18, $0x4;
	v18 =	vor.u32 s2, v15  }
0x199: {  	v19 =	vld.idx.msk [tilespmem:v21+s19+$0x0], $0xffff;
	v17 =	vor.u32 v0, v17;
	v62 =	vand.u32 $0x7F, v18  }
0x19a: {  	v21 =	vor.u32 v62, v20;
	_ =	sdelay $0x3  }
0x19b: {  	[tilespmem:v17+s21+$0x0] =	vst.idx.msk $0xffff, v19;
	v17 =	vshll.u32 v18, $0x4;
	v18 =	vor.u32 s2, v16  }
0x19c: {  	v19 =	vld.idx.msk [tilespmem:v21+s19+$0x0], $0xffff;
	v17 =	vor.u32 v0, v17;
	v63 =	vand.u32 $0x7F, v18  }
0x19d: {  	v20 =	vor.u32 v63, v20;
	_ =	sdelay $0x3  }
0x19e: {  	[tilespmem:v17+s21+$0x0] =	vst.idx.msk $0xffff, v19;
	v17 =	vshll.u32 v18, $0x4  }
0x19f: {  	v18 =	vld.idx.msk [tilespmem:v20+s19+$0x0], $0xffff;
	v17 =	vor.u32 v0, v17;
	_ =	sdelay $0x1  }
0x1a0: {  	s1 =	sshll.u32 s30, $0x11  }
0x1a1: {  	s1 =	sand.u32 $0x1FFE0000, s1  }
0x1a2: {  	s1 =	sor.u32 s16, s1  }
0x1a3: {  	s1 =	sadd.s32 s5, s1;
	[tilespmem:v17+s21+$0x0] =	vst.idx.msk $0xffff, v18  }
0x1a4: {  	[hbm4b:s1+s3] =	stream.linear.scatter [tilespmem:s21], [sflag:$0x4], $0x4000, $0x38;
	[tilespmem:$0x14000] =	vst v63  }
0x1a5: {  	s1 =	sadd.s32 $0x3, s31  }
0x1a6: {  	p1 =	sgt.u32 s1, s6  }
.Ltmp8:
0x1a7: {  	s1 =	sshll.u32 @!p1 s1, $0x12;
	(pc) =	sbr.rel .LBB2_10-.Ltmp8, $4  }
0x1a8: {  	s1 =	sor.u32 @!p1 s8, s1  }
0x1a9: {  	s2 =	simm.s32 @!p1 $0x2000;
	s1 =	sshrl.u32 @!p1 s1, $0x3  }
0x1aa: {  	s4 =	simm.s32 @!p1 $0x7A1400;
	s26 =	simm.s32 @!p1 $0x4000;
	s1 =	sadd.s32 @!p1 s0, s1  }
0x1ab: {  	[tilespmem:s26], [sflag:$0x2] =	stream.strided.gather @!p1 [hbm4b:s1+s2], $0x4000, s4, s2, $0x38;
	[tilespmem:$0x14000] =	vst v63  }
.LBB2_11:
0x1ac: {  	_ =	swait.ge [sflag:s22], $0x4000  }
.Ltmp9:
0x1ad: {  	[sflag:s22] =	ssyncset.done $0x0;
	(pc) =	sbr.rel @p0 .LBB2_15-.Ltmp9, $4  }
0x1ae: {  	[sflag:s22] =	ssyncadd.s32 $0xFFFFC000  }
0x1af: {  	_ =	swait.ge [sflag:s23], $0x4000  }
0x1b0: {  	[sflag:s23] =	ssyncset.done $0x0  }
0x1b1: {  	[sflag:s23] =	ssyncadd.s32 $0xFFFFC000  }
0x1b2: {  	s2 =	simm.s32 $0x0  }
0x1b3: {  	v17 =	vmov s2  }
0x1b4: {  	v17 =	vshll.u32 v17, $0x3  }
0x1b5: {  	v18 =	vor.u32 s2, v0;
	v17 =	vand.u32 $0xC00, v17  }
0x1b6: {  	[tilespmem:s2], [sflag:$0x5] =	stream.linear.gather [hbm4b:s11+s2], $0x1000, $0x38;
	v19 =	vand.u32 $0x7F, v18;
	v17 =	vor.u32 v1, v17;
	[tilespmem:$0x14000] =	vst v63  }
0x1b7: {  	s1 =	sadd.s32 $0xF4280, s11;
	v19 =	vor.u32 v19, v17  }
0x1b8: {  	[tilespmem:s17], [sflag:$0x5] =	stream.linear.gather [hbm4b:s1+s2], $0x1000, $0x38;
	[tilespmem:$0x14000] =	vst v63  }
0x1b9: {  	_ =	swait.ge [sflag:s24], $0x2000  }
0x1ba: {  	[sflag:s24] =	ssyncset.done $0x0  }
0x1bb: {  	v20 =	vor.u32 s2, v2;
	v18 =	vshll.u32 v18, $0x4;
	[sflag:s24] =	ssyncadd.s32 $0xFFFFE000  }
0x1bc: {  	v21 =	vand.u32 $0x7F, v20;
	v18 =	vor.u32 v0, v18;
	v19 =	vld.idx.msk [tilespmem:v19+s3+$0x0], $0xffff  }
0x1bd: {  	v21 =	vor.u32 v21, v17;
	_ =	sdelay $0x3  }
0x1be: {  	[tilespmem:v18+s25+$0x0] =	vst.idx.msk $0xffff, v19;
	v18 =	vshll.u32 v20, $0x4;
	v19 =	vor.u32 s2, v3  }
0x1bf: {  	v20 =	vld.idx.msk [tilespmem:v21+s3+$0x0], $0xffff;
	v18 =	vor.u32 v0, v18;
	v21 =	vand.u32 $0x7F, v19  }
0x1c0: {  	v21 =	vor.u32 v21, v17;
	_ =	sdelay $0x3  }
0x1c1: {  	[tilespmem:v18+s25+$0x0] =	vst.idx.msk $0xffff, v20;
	v18 =	vshll.u32 v19, $0x4;
	v19 =	vor.u32 s2, v4  }
0x1c2: {  	v20 =	vld.idx.msk [tilespmem:v21+s3+$0x0], $0xffff;
	v18 =	vor.u32 v0, v18;
	v21 =	vand.u32 $0x7F, v19  }
0x1c3: {  	v21 =	vor.u32 v21, v17;
	_ =	sdelay $0x3  }
0x1c4: {  	[tilespmem:v18+s25+$0x0] =	vst.idx.msk $0xffff, v20;
	v18 =	vshll.u32 v19, $0x4;
	v19 =	vor.u32 s2, v5  }
0x1c5: {  	v20 =	vld.idx.msk [tilespmem:v21+s3+$0x0], $0xffff;
	v18 =	vor.u32 v0, v18;
	v21 =	vand.u32 $0x7F, v19  }
0x1c6: {  	v21 =	vor.u32 v21, v17;
	_ =	sdelay $0x3  }
0x1c7: {  	[tilespmem:v18+s25+$0x0] =	vst.idx.msk $0xffff, v20;
	v18 =	vshll.u32 v19, $0x4;
	v19 =	vor.u32 s2, v6  }
0x1c8: {  	v20 =	vld.idx.msk [tilespmem:v21+s3+$0x0], $0xffff;
	v18 =	vor.u32 v0, v18;
	v21 =	vand.u32 $0x7F, v19  }
0x1c9: {  	v21 =	vor.u32 v21, v17;
	_ =	sdelay $0x3  }
0x1ca: {  	[tilespmem:v18+s25+$0x0] =	vst.idx.msk $0xffff, v20;
	v18 =	vshll.u32 v19, $0x4;
	v19 =	vor.u32 s2, v8  }
0x1cb: {  	v20 =	vld.idx.msk [tilespmem:v21+s3+$0x0], $0xffff;
	v18 =	vor.u32 v0, v18;
	v21 =	vand.u32 $0x7F, v19  }
0x1cc: {  	v21 =	vor.u32 v21, v17;
	_ =	sdelay $0x3  }
0x1cd: {  	[tilespmem:v18+s25+$0x0] =	vst.idx.msk $0xffff, v20;
	v18 =	vshll.u32 v19, $0x4;
	v19 =	vor.u32 s2, v9  }
0x1ce: {  	v20 =	vld.idx.msk [tilespmem:v21+s3+$0x0], $0xffff;
	v18 =	vor.u32 v0, v18;
	v21 =	vand.u32 $0x7F, v19  }
0x1cf: {  	v21 =	vor.u32 v21, v17;
	_ =	sdelay $0x3  }
0x1d0: {  	[tilespmem:v18+s25+$0x0] =	vst.idx.msk $0xffff, v20;
	v18 =	vshll.u32 v19, $0x4;
	v19 =	vor.u32 s2, v7  }
0x1d1: {  	v20 =	vld.idx.msk [tilespmem:v21+s3+$0x0], $0xffff;
	v18 =	vor.u32 v0, v18;
	v21 =	vand.u32 $0x7F, v19  }
0x1d2: {  	v21 =	vor.u32 v21, v17;
	_ =	sdelay $0x3  }
0x1d3: {  	[tilespmem:v18+s25+$0x0] =	vst.idx.msk $0xffff, v20;
	v18 =	vshll.u32 v19, $0x4;
	v19 =	vor.u32 s2, v10  }
0x1d4: {  	v20 =	vld.idx.msk [tilespmem:v21+s3+$0x0], $0xffff;
	v18 =	vor.u32 v0, v18;
	v21 =	vand.u32 $0x7F, v19  }
0x1d5: {  	v21 =	vor.u32 v21, v17;
	_ =	sdelay $0x3  }
0x1d6: {  	[tilespmem:v18+s25+$0x0] =	vst.idx.msk $0xffff, v20;
	v18 =	vshll.u32 v19, $0x4;
	v19 =	vor.u32 s2, v11  }
0x1d7: {  	v20 =	vld.idx.msk [tilespmem:v21+s3+$0x0], $0xffff;
	v18 =	vor.u32 v0, v18;
	v21 =	vand.u32 $0x7F, v19  }
0x1d8: {  	v21 =	vor.u32 v21, v17;
	_ =	sdelay $0x3  }
0x1d9: {  	[tilespmem:v18+s25+$0x0] =	vst.idx.msk $0xffff, v20;
	v18 =	vshll.u32 v19, $0x4;
	v19 =	vor.u32 s2, v12  }
0x1da: {  	v20 =	vld.idx.msk [tilespmem:v21+s3+$0x0], $0xffff;
	v18 =	vor.u32 v0, v18;
	v21 =	vand.u32 $0x7F, v19  }
0x1db: {  	v21 =	vor.u32 v21, v17;
	_ =	sdelay $0x3  }
0x1dc: {  	[tilespmem:v18+s25+$0x0] =	vst.idx.msk $0xffff, v20;
	v18 =	vshll.u32 v19, $0x4;
	v19 =	vor.u32 s2, v13  }
0x1dd: {  	v20 =	vld.idx.msk [tilespmem:v21+s3+$0x0], $0xffff;
	v18 =	vor.u32 v0, v18;
	v21 =	vand.u32 $0x7F, v19  }
0x1de: {  	v21 =	vor.u32 v21, v17;
	_ =	sdelay $0x3  }
0x1df: {  	[tilespmem:v18+s25+$0x0] =	vst.idx.msk $0xffff, v20;
	v18 =	vshll.u32 v19, $0x4;
	v19 =	vor.u32 s2, v14  }
0x1e0: {  	v20 =	vld.idx.msk [tilespmem:v21+s3+$0x0], $0xffff;
	v18 =	vor.u32 v0, v18;
	v21 =	vand.u32 $0x7F, v19  }
0x1e1: {  	v21 =	vor.u32 v21, v17;
	_ =	sdelay $0x3  }
0x1e2: {  	[tilespmem:v18+s25+$0x0] =	vst.idx.msk $0xffff, v20;
	v18 =	vshll.u32 v19, $0x4;
	v19 =	vor.u32 s2, v15  }
0x1e3: {  	v20 =	vld.idx.msk [tilespmem:v21+s3+$0x0], $0xffff;
	v21 =	vor.u32 v0, v18;
	v18 =	vand.u32 $0x7F, v19  }
0x1e4: {  	v22 =	vor.u32 v18, v17;
	_ =	sdelay $0x3  }
0x1e5: {  	v18 =	vor.u32 s2, v16;
	[tilespmem:v21+s25+$0x0] =	vst.idx.msk $0xffff, v20;
	v20 =	vshll.u32 v19, $0x4  }
0x1e6: {  	v21 =	vand.u32 $0x7F, v18;
	v19 =	vld.idx.msk [tilespmem:v22+s3+$0x0], $0xffff;
	v20 =	vor.u32 v0, v20  }
0x1e7: {  	v17 =	vor.u32 v21, v17;
	_ =	sdelay $0x1  }
0x1e8: {  	s2 =	simm.s32 $0x10  }
0x1e9: {  	s4 =	simm.s32 $0x20;
	v21 =	vmov s2  }
.LBB2_13:
0x1ea: {  	p1 =	sne.s32 s4, $0x1F0;
	v21 =	vshll.u32 v21, $0x3;
	[tilespmem:v20+s25+$0x0] =	vst.idx.msk $0xffff, v19  }
0x1eb: {  	v19 =	vor.u32 s2, v0;
	v18 =	vshll.u32 v18, $0x4;
	v20 =	vand.u32 $0xC00, v21;
	v21 =	vld.idx.msk [tilespmem:v17+s3+$0x0], $0xffff  }
0x1ec: {  	v22 =	vand.u32 $0x7F, v19;
	v18 =	vor.u32 v0, v18;
	v17 =	vor.u32 v1, v20  }
0x1ed: {  	v20 =	vor.u32 v22, v17;
	_ =	sdelay $0x3  }
0x1ee: {  	[tilespmem:v18+s25+$0x0] =	vst.idx.msk $0xffff, v21  }
0x1ef: {  	v19 =	vshll.u32 v19, $0x4;
	v18 =	vld.idx.msk [tilespmem:v20+s3+$0x0], $0xffff;
	v20 =	vor.u32 s2, v2  }
0x1f0: {  	v19 =	vor.u32 v0, v19;
	v21 =	vand.u32 $0x7F, v20  }
0x1f1: {  	v21 =	vor.u32 v21, v17;
	_ =	sdelay $0x3  }
0x1f2: {  	[tilespmem:v19+s25+$0x0] =	vst.idx.msk $0xffff, v18  }
0x1f3: {  	v19 =	vshll.u32 v20, $0x4;
	v20 =	vor.u32 s2, v3;
	v18 =	vld.idx.msk [tilespmem:v21+s3+$0x0], $0xffff  }
0x1f4: {  	v19 =	vor.u32 v0, v19;
	v21 =	vand.u32 $0x7F, v20  }
0x1f5: {  	v21 =	vor.u32 v21, v17;
	_ =	sdelay $0x3  }
0x1f6: {  	[tilespmem:v19+s25+$0x0] =	vst.idx.msk $0xffff, v18  }
0x1f7: {  	v19 =	vshll.u32 v20, $0x4;
	v20 =	vor.u32 s2, v4;
	v18 =	vld.idx.msk [tilespmem:v21+s3+$0x0], $0xffff  }
0x1f8: {  	v19 =	vor.u32 v0, v19;
	v21 =	vand.u32 $0x7F, v20  }
0x1f9: {  	v21 =	vor.u32 v21, v17;
	_ =	sdelay $0x3  }
0x1fa: {  	[tilespmem:v19+s25+$0x0] =	vst.idx.msk $0xffff, v18  }
0x1fb: {  	v19 =	vshll.u32 v20, $0x4;
	v20 =	vor.u32 s2, v5;
	v18 =	vld.idx.msk [tilespmem:v21+s3+$0x0], $0xffff  }
0x1fc: {  	v19 =	vor.u32 v0, v19;
	v21 =	vand.u32 $0x7F, v20  }
0x1fd: {  	v21 =	vor.u32 v21, v17;
	_ =	sdelay $0x3  }
0x1fe: {  	[tilespmem:v19+s25+$0x0] =	vst.idx.msk $0xffff, v18  }
0x1ff: {  	v19 =	vshll.u32 v20, $0x4;
	v20 =	vor.u32 s2, v6;
	v18 =	vld.idx.msk [tilespmem:v21+s3+$0x0], $0xffff  }
0x200: {  	v19 =	vor.u32 v0, v19;
	v21 =	vand.u32 $0x7F, v20  }
0x201: {  	v21 =	vor.u32 v21, v17;
	_ =	sdelay $0x3  }
0x202: {  	[tilespmem:v19+s25+$0x0] =	vst.idx.msk $0xffff, v18  }
0x203: {  	v19 =	vshll.u32 v20, $0x4;
	v20 =	vor.u32 s2, v8;
	v18 =	vld.idx.msk [tilespmem:v21+s3+$0x0], $0xffff  }
0x204: {  	v19 =	vor.u32 v0, v19;
	v21 =	vand.u32 $0x7F, v20  }
0x205: {  	v21 =	vor.u32 v21, v17;
	_ =	sdelay $0x3  }
0x206: {  	[tilespmem:v19+s25+$0x0] =	vst.idx.msk $0xffff, v18  }
0x207: {  	v19 =	vshll.u32 v20, $0x4;
	v20 =	vor.u32 s2, v9;
	v18 =	vld.idx.msk [tilespmem:v21+s3+$0x0], $0xffff  }
0x208: {  	v19 =	vor.u32 v0, v19;
	v21 =	vand.u32 $0x7F, v20  }
0x209: {  	v21 =	vor.u32 v21, v17;
	_ =	sdelay $0x3  }
0x20a: {  	[tilespmem:v19+s25+$0x0] =	vst.idx.msk $0xffff, v18  }
0x20b: {  	v19 =	vshll.u32 v20, $0x4;
	v20 =	vor.u32 s2, v7;
	v18 =	vld.idx.msk [tilespmem:v21+s3+$0x0], $0xffff  }
0x20c: {  	v19 =	vor.u32 v0, v19;
	v21 =	vand.u32 $0x7F, v20  }
0x20d: {  	v21 =	vor.u32 v21, v17;
	_ =	sdelay $0x3  }
0x20e: {  	[tilespmem:v19+s25+$0x0] =	vst.idx.msk $0xffff, v18  }
0x20f: {  	v19 =	vshll.u32 v20, $0x4;
	v20 =	vor.u32 s2, v10;
	v18 =	vld.idx.msk [tilespmem:v21+s3+$0x0], $0xffff  }
0x210: {  	v19 =	vor.u32 v0, v19;
	v21 =	vand.u32 $0x7F, v20  }
0x211: {  	v21 =	vor.u32 v21, v17;
	_ =	sdelay $0x3  }
0x212: {  	[tilespmem:v19+s25+$0x0] =	vst.idx.msk $0xffff, v18  }
0x213: {  	v19 =	vshll.u32 v20, $0x4;
	v20 =	vor.u32 s2, v11;
	v18 =	vld.idx.msk [tilespmem:v21+s3+$0x0], $0xffff  }
0x214: {  	v19 =	vor.u32 v0, v19;
	v21 =	vand.u32 $0x7F, v20  }
0x215: {  	v21 =	vor.u32 v21, v17;
	_ =	sdelay $0x3  }
0x216: {  	[tilespmem:v19+s25+$0x0] =	vst.idx.msk $0xffff, v18  }
0x217: {  	v19 =	vshll.u32 v20, $0x4;
	v20 =	vor.u32 s2, v12;
	v18 =	vld.idx.msk [tilespmem:v21+s3+$0x0], $0xffff  }
0x218: {  	v19 =	vor.u32 v0, v19;
	v21 =	vand.u32 $0x7F, v20  }
0x219: {  	v21 =	vor.u32 v21, v17;
	_ =	sdelay $0x3  }
0x21a: {  	[tilespmem:v19+s25+$0x0] =	vst.idx.msk $0xffff, v18  }
0x21b: {  	v19 =	vshll.u32 v20, $0x4;
	v20 =	vor.u32 s2, v13;
	v18 =	vld.idx.msk [tilespmem:v21+s3+$0x0], $0xffff  }
0x21c: {  	v19 =	vor.u32 v0, v19;
	v21 =	vand.u32 $0x7F, v20  }
0x21d: {  	v21 =	vor.u32 v21, v17;
	_ =	sdelay $0x3  }
0x21e: {  	[tilespmem:v19+s25+$0x0] =	vst.idx.msk $0xffff, v18  }
0x21f: {  	v19 =	vshll.u32 v20, $0x4;
	v20 =	vor.u32 s2, v14;
	v18 =	vld.idx.msk [tilespmem:v21+s3+$0x0], $0xffff  }
0x220: {  	v19 =	vor.u32 v0, v19;
	v21 =	vand.u32 $0x7F, v20  }
0x221: {  	v21 =	vor.u32 v21, v17;
	_ =	sdelay $0x3  }
0x222: {  	[tilespmem:v19+s25+$0x0] =	vst.idx.msk $0xffff, v18  }
0x223: {  	v19 =	vshll.u32 v20, $0x4;
	v20 =	vor.u32 s2, v15;
	v18 =	vld.idx.msk [tilespmem:v21+s3+$0x0], $0xffff  }
0x224: {  	v19 =	vor.u32 v0, v19;
	v21 =	vand.u32 $0x7F, v20  }
0x225: {  	v21 =	vor.u32 v21, v17;
	_ =	sdelay $0x3  }
0x226: {  	[tilespmem:v19+s25+$0x0] =	vst.idx.msk $0xffff, v18  }
0x227: {  	v20 =	vshll.u32 v20, $0x4;
	v18 =	vor.u32 s2, v16;
	s2 =	smov.u32 s4;
	v19 =	vld.idx.msk [tilespmem:v21+s3+$0x0], $0xffff  }
.Ltmp10:
0x228: {  	v20 =	vor.u32 v0, v20;
	v21 =	vand.u32 $0x7F, v18;
	(pc) =	sbr.rel @p1 .LBB2_13-.Ltmp10, $2  }
0x229: {  	v17 =	vor.u32 v21, v17;
	_ =	sdelay $0x2  }
0x22a: {  	s4 =	sadd.s32 $0x10, s4;
	v21 =	vmov s2  }
0x22b: {  	_ =	sdelay $0x2  }
0x22c: {  	v21 =	vshll.u32 v21, $0x3  }
0x22d: {  	[tilespmem:v20+s25+$0x0] =	vst.idx.msk $0xffff, v19;
	v19 =	vor.u32 s2, v0;
	v18 =	vshll.u32 v18, $0x4;
	v37 =	vand.u32 $0xC00, v21  }
0x22e: {  	v17 =	vld.idx.msk [tilespmem:v17+s3+$0x0], $0xffff;
	v38 =	vand.u32 $0x7F, v19;
	v18 =	vor.u32 v0, v18;
	v20 =	vor.u32 v1, v37  }
0x22f: {  	v21 =	vor.u32 v38, v20;
	_ =	sdelay $0x3  }
0x230: {  	[tilespmem:v18+s25+$0x0] =	vst.idx.msk $0xffff, v17;
	v17 =	vshll.u32 v19, $0x4;
	v18 =	vor.u32 s2, v2  }
0x231: {  	v17 =	vor.u32 v0, v17;
	v39 =	vand.u32 $0x7F, v18;
	v19 =	vld.idx.msk [tilespmem:v21+s3+$0x0], $0xffff  }
0x232: {  	v21 =	vor.u32 v39, v20;
	_ =	sdelay $0x3  }
0x233: {  	[tilespmem:v17+s25+$0x0] =	vst.idx.msk $0xffff, v19;
	v17 =	vshll.u32 v18, $0x4;
	v18 =	vor.u32 s2, v3  }
0x234: {  	v19 =	vld.idx.msk [tilespmem:v21+s3+$0x0], $0xffff;
	v17 =	vor.u32 v0, v17;
	v40 =	vand.u32 $0x7F, v18  }
0x235: {  	v21 =	vor.u32 v40, v20;
	_ =	sdelay $0x3  }
0x236: {  	[tilespmem:v17+s25+$0x0] =	vst.idx.msk $0xffff, v19;
	v17 =	vshll.u32 v18, $0x4;
	v18 =	vor.u32 s2, v4  }
0x237: {  	v19 =	vld.idx.msk [tilespmem:v21+s3+$0x0], $0xffff;
	v17 =	vor.u32 v0, v17;
	v41 =	vand.u32 $0x7F, v18  }
0x238: {  	v21 =	vor.u32 v41, v20;
	_ =	sdelay $0x3  }
0x239: {  	[tilespmem:v17+s25+$0x0] =	vst.idx.msk $0xffff, v19;
	v17 =	vshll.u32 v18, $0x4;
	v18 =	vor.u32 s2, v5  }
0x23a: {  	v19 =	vld.idx.msk [tilespmem:v21+s3+$0x0], $0xffff;
	v17 =	vor.u32 v0, v17;
	v42 =	vand.u32 $0x7F, v18  }
0x23b: {  	v21 =	vor.u32 v42, v20;
	_ =	sdelay $0x3  }
0x23c: {  	[tilespmem:v17+s25+$0x0] =	vst.idx.msk $0xffff, v19;
	v17 =	vshll.u32 v18, $0x4;
	v18 =	vor.u32 s2, v6  }
0x23d: {  	v19 =	vld.idx.msk [tilespmem:v21+s3+$0x0], $0xffff;
	v17 =	vor.u32 v0, v17;
	v43 =	vand.u32 $0x7F, v18  }
0x23e: {  	v21 =	vor.u32 v43, v20;
	_ =	sdelay $0x3  }
0x23f: {  	[tilespmem:v17+s25+$0x0] =	vst.idx.msk $0xffff, v19;
	v17 =	vshll.u32 v18, $0x4;
	v18 =	vor.u32 s2, v8  }
0x240: {  	v19 =	vld.idx.msk [tilespmem:v21+s3+$0x0], $0xffff;
	v17 =	vor.u32 v0, v17;
	v44 =	vand.u32 $0x7F, v18  }
0x241: {  	v21 =	vor.u32 v44, v20;
	_ =	sdelay $0x3  }
0x242: {  	[tilespmem:v17+s25+$0x0] =	vst.idx.msk $0xffff, v19;
	v17 =	vshll.u32 v18, $0x4;
	v18 =	vor.u32 s2, v9  }
0x243: {  	v19 =	vld.idx.msk [tilespmem:v21+s3+$0x0], $0xffff;
	v17 =	vor.u32 v0, v17;
	v45 =	vand.u32 $0x7F, v18  }
0x244: {  	v21 =	vor.u32 v45, v20;
	_ =	sdelay $0x3  }
0x245: {  	[tilespmem:v17+s25+$0x0] =	vst.idx.msk $0xffff, v19;
	v17 =	vshll.u32 v18, $0x4;
	v18 =	vor.u32 s2, v7  }
0x246: {  	v19 =	vld.idx.msk [tilespmem:v21+s3+$0x0], $0xffff;
	v17 =	vor.u32 v0, v17;
	v46 =	vand.u32 $0x7F, v18  }
0x247: {  	v21 =	vor.u32 v46, v20;
	_ =	sdelay $0x3  }
0x248: {  	[tilespmem:v17+s25+$0x0] =	vst.idx.msk $0xffff, v19;
	v17 =	vshll.u32 v18, $0x4;
	v18 =	vor.u32 s2, v10  }
0x249: {  	v19 =	vld.idx.msk [tilespmem:v21+s3+$0x0], $0xffff;
	v17 =	vor.u32 v0, v17;
	v47 =	vand.u32 $0x7F, v18  }
0x24a: {  	v21 =	vor.u32 v47, v20;
	_ =	sdelay $0x3  }
0x24b: {  	[tilespmem:v17+s25+$0x0] =	vst.idx.msk $0xffff, v19;
	v17 =	vshll.u32 v18, $0x4;
	v18 =	vor.u32 s2, v11  }
0x24c: {  	v19 =	vld.idx.msk [tilespmem:v21+s3+$0x0], $0xffff;
	v17 =	vor.u32 v0, v17;
	v48 =	vand.u32 $0x7F, v18  }
0x24d: {  	v21 =	vor.u32 v48, v20;
	_ =	sdelay $0x3  }
0x24e: {  	[tilespmem:v17+s25+$0x0] =	vst.idx.msk $0xffff, v19;
	v17 =	vshll.u32 v18, $0x4;
	v18 =	vor.u32 s2, v12  }
0x24f: {  	v19 =	vld.idx.msk [tilespmem:v21+s3+$0x0], $0xffff;
	v17 =	vor.u32 v0, v17;
	v49 =	vand.u32 $0x7F, v18  }
0x250: {  	v21 =	vor.u32 v49, v20;
	_ =	sdelay $0x3  }
0x251: {  	[tilespmem:v17+s25+$0x0] =	vst.idx.msk $0xffff, v19;
	v17 =	vshll.u32 v18, $0x4;
	v18 =	vor.u32 s2, v13  }
0x252: {  	v19 =	vld.idx.msk [tilespmem:v21+s3+$0x0], $0xffff;
	v17 =	vor.u32 v0, v17;
	v50 =	vand.u32 $0x7F, v18  }
0x253: {  	v21 =	vor.u32 v50, v20;
	_ =	sdelay $0x3  }
0x254: {  	[tilespmem:v17+s25+$0x0] =	vst.idx.msk $0xffff, v19;
	v17 =	vshll.u32 v18, $0x4;
	v18 =	vor.u32 s2, v14  }
0x255: {  	v19 =	vld.idx.msk [tilespmem:v21+s3+$0x0], $0xffff;
	v17 =	vor.u32 v0, v17;
	v51 =	vand.u32 $0x7F, v18  }
0x256: {  	v21 =	vor.u32 v51, v20;
	_ =	sdelay $0x3  }
0x257: {  	[tilespmem:v17+s25+$0x0] =	vst.idx.msk $0xffff, v19;
	v17 =	vshll.u32 v18, $0x4;
	v18 =	vor.u32 s2, v15  }
0x258: {  	v19 =	vld.idx.msk [tilespmem:v21+s3+$0x0], $0xffff;
	v17 =	vor.u32 v0, v17;
	v52 =	vand.u32 $0x7F, v18  }
0x259: {  	v21 =	vor.u32 v52, v20;
	_ =	sdelay $0x3  }
0x25a: {  	[tilespmem:v17+s25+$0x0] =	vst.idx.msk $0xffff, v19;
	v17 =	vshll.u32 v18, $0x4;
	v18 =	vor.u32 s2, v16  }
0x25b: {  	v19 =	vld.idx.msk [tilespmem:v21+s3+$0x0], $0xffff;
	v17 =	vor.u32 v0, v17;
	v53 =	vand.u32 $0x7F, v18  }
0x25c: {  	v20 =	vor.u32 v53, v20;
	_ =	sdelay $0x3  }
0x25d: {  	[tilespmem:v17+s25+$0x0] =	vst.idx.msk $0xffff, v19;
	v17 =	vshll.u32 v18, $0x4  }
0x25e: {  	v18 =	vld.idx.msk [tilespmem:v20+s3+$0x0], $0xffff;
	v17 =	vor.u32 v0, v17;
	_ =	sdelay $0x4  }
0x25f: {  	[tilespmem:v17+s25+$0x0] =	vst.idx.msk $0xffff, v18  }
0x260: {  	[hbm4b:s12+s3] =	stream.linear.scatter [tilespmem:s25], [sflag:$0x5], $0x2000, $0x38;
	[tilespmem:$0x14000] =	vst v63  }
0x261: {  	_ =	swait.ge [sflag:s24], $0x2000  }
0x262: {  	[sflag:s24] =	ssyncset.done $0x0  }
0x263: {  	[sflag:s24] =	ssyncadd.s32 $0xFFFFE000  }
0x264: {  	s31 =	simm.s32 $0x10000;
	s1 =	rddreg [dreg:$0x1]  }
0x265: {  	[tilespmem:s31], [sflag:$0x5] =	stream.linear.gather [hbm4b:s1+s3], $0x4000, $0x38;
	[tilespmem:$0x14000] =	vst v63  }
0x266: {  	_ =	swait.ge [sflag:s24], $0x4000  }
0x267: {  	[sflag:s24] =	ssyncset.done $0x0  }
0x268: {  	[sflag:s24] =	ssyncadd.s32 $0xFFFFC000  }
0x269: {  	v17 =	vld [tilespmem:$0x10000]  }
0x26a: {  	v18 =	vld [tilespmem:$0x10080]  }
0x26b: {  	v19 =	vld [tilespmem:$0x10100]  }
0x26c: {  	v54 =	vld [tilespmem:$0x10180]  }
0x26d: {  	v55 =	vld [tilespmem:$0x10200]  }
0x26e: {  	[tilespmem:$0x8000] =	vst v17;
	v17 =	vld [tilespmem:$0x10280]  }
0x26f: {  	[tilespmem:$0x8010] =	vst v18;
	v18 =	vld [tilespmem:$0x10300]  }
0x270: {  	[tilespmem:$0x8020] =	vst v19;
	v19 =	vld [tilespmem:$0x10380]  }
0x271: {  	v56 =	vld [tilespmem:$0x10400];
	[tilespmem:$0x8030] =	vst v54  }
0x272: {  	v57 =	vld [tilespmem:$0x10480];
	[tilespmem:$0x8040] =	vst v55  }
0x273: {  	[tilespmem:$0x8050] =	vst v17;
	v17 =	vld [tilespmem:$0x10500]  }
0x274: {  	[tilespmem:$0x8060] =	vst v18;
	v18 =	vld [tilespmem:$0x10580]  }
0x275: {  	[tilespmem:$0x8070] =	vst v19;
	v19 =	vld [tilespmem:$0x10600]  }
0x276: {  	v58 =	vld [tilespmem:$0x10680];
	[tilespmem:$0x8080] =	vst v56  }
0x277: {  	v59 =	vld [tilespmem:$0x10700];
	[tilespmem:$0x8090] =	vst v57  }
0x278: {  	[tilespmem:$0x80A0] =	vst v17;
	v17 =	vld [tilespmem:$0x10780]  }
0x279: {  	[tilespmem:$0x80B0] =	vst v18;
	v18 =	vld [tilespmem:$0x10800]  }
0x27a: {  	[tilespmem:$0x80C0] =	vst v19;
	v19 =	vld [tilespmem:$0x10880]  }
0x27b: {  	v60 =	vld [tilespmem:$0x10900];
	[tilespmem:$0x80D0] =	vst v58  }
0x27c: {  	v61 =	vld [tilespmem:$0x10980];
	[tilespmem:$0x80E0] =	vst v59  }
0x27d: {  	[tilespmem:$0x80F0] =	vst v17;
	v17 =	vld [tilespmem:$0x10A00]  }
0x27e: {  	[tilespmem:$0x8100] =	vst v18;
	v18 =	vld [tilespmem:$0x10A80]  }
0x27f: {  	[tilespmem:$0x8110] =	vst v19;
	v19 =	vld [tilespmem:$0x10B00]  }
0x280: {  	v62 =	vld [tilespmem:$0x10B80];
	[tilespmem:$0x8120] =	vst v60  }
0x281: {  	v63 =	vld [tilespmem:$0x10C00];
	[tilespmem:$0x8130] =	vst v61  }
0x282: {  	[tilespmem:$0x8140] =	vst v17;
	v17 =	vld [tilespmem:$0x10C80]  }
0x283: {  	[tilespmem:$0x8150] =	vst v18;
	v18 =	vld [tilespmem:$0x10D00]  }
0x284: {  	[tilespmem:$0x8160] =	vst v19;
	v19 =	vld [tilespmem:$0x10D80]  }
0x285: {  	v24 =	vld [tilespmem:$0x10E00];
	[tilespmem:$0x8170] =	vst v62  }
0x286: {  	v25 =	vld [tilespmem:$0x10E80];
	[tilespmem:$0x8180] =	vst v63  }
0x287: {  	[tilespmem:$0x8190] =	vst v17;
	v17 =	vld [tilespmem:$0x10F00]  }
0x288: {  	[tilespmem:$0x81A0] =	vst v18;
	v18 =	vld [tilespmem:$0x10F80]  }
0x289: {  	[tilespmem:$0x81B0] =	vst v19;
	v19 =	vld [tilespmem:$0x11000]  }
0x28a: {  	v26 =	vld [tilespmem:$0x11080];
	[tilespmem:$0x81C0] =	vst v24  }
0x28b: {  	v27 =	vld [tilespmem:$0x11100];
	[tilespmem:$0x81D0] =	vst v25  }
0x28c: {  	[tilespmem:$0x81E0] =	vst v17;
	v17 =	vld [tilespmem:$0x11180]  }
0x28d: {  	[tilespmem:$0x81F0] =	vst v18;
	v18 =	vld [tilespmem:$0x11200]  }
0x28e: {  	[tilespmem:$0x8200] =	vst v19;
	v19 =	vld [tilespmem:$0x11280]  }
0x28f: {  	v28 =	vld [tilespmem:$0x11300];
	[tilespmem:$0x8210] =	vst v26  }
0x290: {  	v29 =	vld [tilespmem:$0x11380];
	[tilespmem:$0x8220] =	vst v27  }
0x291: {  	[tilespmem:$0x8230] =	vst v17;
	v17 =	vld [tilespmem:$0x11400]  }
0x292: {  	[tilespmem:$0x8240] =	vst v18;
	v18 =	vld [tilespmem:$0x11480]  }
0x293: {  	[tilespmem:$0x8250] =	vst v19;
	v19 =	vld [tilespmem:$0x11500]  }
0x294: {  	v30 =	vld [tilespmem:$0x11580];
	[tilespmem:$0x8260] =	vst v28  }
0x295: {  	v31 =	vld [tilespmem:$0x11600];
	[tilespmem:$0x8270] =	vst v29  }
0x296: {  	[tilespmem:$0x8280] =	vst v17;
	v17 =	vld [tilespmem:$0x11680]  }
0x297: {  	[tilespmem:$0x8290] =	vst v18;
	v18 =	vld [tilespmem:$0x11700]  }
0x298: {  	[tilespmem:$0x82A0] =	vst v19;
	v19 =	vld [tilespmem:$0x11780]  }
0x299: {  	v32 =	vld [tilespmem:$0x11800];
	[tilespmem:$0x82B0] =	vst v30  }
0x29a: {  	v33 =	vld [tilespmem:$0x11880];
	[tilespmem:$0x82C0] =	vst v31  }
0x29b: {  	[tilespmem:$0x82D0] =	vst v17;
	v17 =	vld [tilespmem:$0x11900]  }
0x29c: {  	[tilespmem:$0x82E0] =	vst v18;
	v18 =	vld [tilespmem:$0x11980]  }
0x29d: {  	[tilespmem:$0x82F0] =	vst v19;
	v19 =	vld [tilespmem:$0x11A00]  }
0x29e: {  	v34 =	vld [tilespmem:$0x11A80];
	[tilespmem:$0x8300] =	vst v32  }
0x29f: {  	v35 =	vld [tilespmem:$0x11B00];
	[tilespmem:$0x8310] =	vst v33  }
0x2a0: {  	[tilespmem:$0x8320] =	vst v17;
	v17 =	vld [tilespmem:$0x11B80]  }
0x2a1: {  	[tilespmem:$0x8330] =	vst v18;
	v18 =	vld [tilespmem:$0x11C00]  }
0x2a2: {  	[tilespmem:$0x8340] =	vst v19;
	v19 =	vld [tilespmem:$0x11C80]  }
0x2a3: {  	v36 =	vld [tilespmem:$0x11D00];
	[tilespmem:$0x8350] =	vst v34  }
0x2a4: {  	v37 =	vld [tilespmem:$0x11D80];
	[tilespmem:$0x8360] =	vst v35  }
0x2a5: {  	[tilespmem:$0x8370] =	vst v17;
	v17 =	vld [tilespmem:$0x11E00]  }
0x2a6: {  	[tilespmem:$0x8380] =	vst v18;
	v18 =	vld [tilespmem:$0x11E80]  }
0x2a7: {  	[tilespmem:$0x8390] =	vst v19;
	v19 =	vld [tilespmem:$0x11F00]  }
0x2a8: {  	v38 =	vld [tilespmem:$0x11F80];
	[tilespmem:$0x83A0] =	vst v36  }
0x2a9: {  	v39 =	vld [tilespmem:$0x12000];
	[tilespmem:$0x83B0] =	vst v37  }
0x2aa: {  	[tilespmem:$0x83C0] =	vst v17;
	v17 =	vld [tilespmem:$0x12080]  }
0x2ab: {  	[tilespmem:$0x83D0] =	vst v18;
	v18 =	vld [tilespmem:$0x12100]  }
0x2ac: {  	[tilespmem:$0x83E0] =	vst v19;
	v19 =	vld [tilespmem:$0x12180]  }
0x2ad: {  	v40 =	vld [tilespmem:$0x12200];
	[tilespmem:$0x83F0] =	vst v38  }
0x2ae: {  	v41 =	vld [tilespmem:$0x12280];
	[tilespmem:$0x8400] =	vst v39  }
0x2af: {  	[tilespmem:$0x8410] =	vst v17;
	v17 =	vld [tilespmem:$0x12300]  }
0x2b0: {  	[tilespmem:$0x8420] =	vst v18;
	v18 =	vld [tilespmem:$0x12380]  }
0x2b1: {  	[tilespmem:$0x8430] =	vst v19;
	v19 =	vld [tilespmem:$0x12400]  }
0x2b2: {  	v42 =	vld [tilespmem:$0x12480];
	[tilespmem:$0x8440] =	vst v40  }
0x2b3: {  	v43 =	vld [tilespmem:$0x12500];
	[tilespmem:$0x8450] =	vst v41  }
0x2b4: {  	[tilespmem:$0x8460] =	vst v17;
	v17 =	vld [tilespmem:$0x12580]  }
0x2b5: {  	[tilespmem:$0x8470] =	vst v18;
	v18 =	vld [tilespmem:$0x12600]  }
0x2b6: {  	[tilespmem:$0x8480] =	vst v19;
	v19 =	vld [tilespmem:$0x12680]  }
0x2b7: {  	v44 =	vld [tilespmem:$0x12700];
	[tilespmem:$0x8490] =	vst v42  }
0x2b8: {  	v45 =	vld [tilespmem:$0x12780];
	[tilespmem:$0x84A0] =	vst v43  }
0x2b9: {  	[tilespmem:$0x84B0] =	vst v17;
	v17 =	vld [tilespmem:$0x12800]  }
0x2ba: {  	[tilespmem:$0x84C0] =	vst v18;
	v18 =	vld [tilespmem:$0x12880]  }
0x2bb: {  	[tilespmem:$0x84D0] =	vst v19;
	v19 =	vld [tilespmem:$0x12900]  }
0x2bc: {  	v46 =	vld [tilespmem:$0x12980];
	[tilespmem:$0x84E0] =	vst v44  }
0x2bd: {  	v47 =	vld [tilespmem:$0x12A00];
	[tilespmem:$0x84F0] =	vst v45  }
0x2be: {  	[tilespmem:$0x8500] =	vst v17;
	v17 =	vld [tilespmem:$0x12A80]  }
0x2bf: {  	[tilespmem:$0x8510] =	vst v18;
	v18 =	vld [tilespmem:$0x12B00]  }
0x2c0: {  	[tilespmem:$0x8520] =	vst v19;
	v19 =	vld [tilespmem:$0x12B80]  }
0x2c1: {  	v48 =	vld [tilespmem:$0x12C00];
	[tilespmem:$0x8530] =	vst v46  }
0x2c2: {  	v49 =	vld [tilespmem:$0x12C80];
	[tilespmem:$0x8540] =	vst v47  }
0x2c3: {  	[tilespmem:$0x8550] =	vst v17;
	v17 =	vld [tilespmem:$0x12D00]  }
0x2c4: {  	[tilespmem:$0x8560] =	vst v18;
	v18 =	vld [tilespmem:$0x12D80]  }
0x2c5: {  	[tilespmem:$0x8570] =	vst v19;
	v19 =	vld [tilespmem:$0x12E00]  }
0x2c6: {  	v50 =	vld [tilespmem:$0x12E80];
	[tilespmem:$0x8580] =	vst v48  }
0x2c7: {  	v51 =	vld [tilespmem:$0x12F00];
	[tilespmem:$0x8590] =	vst v49  }
0x2c8: {  	[tilespmem:$0x85A0] =	vst v17;
	v17 =	vld [tilespmem:$0x12F80]  }
0x2c9: {  	[tilespmem:$0x85B0] =	vst v18;
	v18 =	vld [tilespmem:$0x13000]  }
0x2ca: {  	[tilespmem:$0x85C0] =	vst v19;
	v19 =	vld [tilespmem:$0x13080]  }
0x2cb: {  	v52 =	vld [tilespmem:$0x13100];
	[tilespmem:$0x85D0] =	vst v50  }
0x2cc: {  	v53 =	vld [tilespmem:$0x13180];
	[tilespmem:$0x85E0] =	vst v51  }
0x2cd: {  	[tilespmem:$0x85F0] =	vst v17;
	v17 =	vld [tilespmem:$0x13200]  }
0x2ce: {  	[tilespmem:$0x8600] =	vst v18;
	v18 =	vld [tilespmem:$0x13280]  }
0x2cf: {  	[tilespmem:$0x8610] =	vst v19;
	v19 =	vld [tilespmem:$0x13300]  }
0x2d0: {  	[tilespmem:$0x8620] =	vst v52;
	v54 =	vld [tilespmem:$0x13380]  }
0x2d1: {  	[tilespmem:$0x8630] =	vst v53;
	v55 =	vld [tilespmem:$0x13400]  }
0x2d2: {  	[tilespmem:$0x8640] =	vst v17;
	v17 =	vld [tilespmem:$0x13480]  }
0x2d3: {  	[tilespmem:$0x8650] =	vst v18;
	v18 =	vld [tilespmem:$0x13500]  }
0x2d4: {  	[tilespmem:$0x8660] =	vst v19;
	v19 =	vld [tilespmem:$0x13580]  }
0x2d5: {  	v56 =	vld [tilespmem:$0x13600];
	[tilespmem:$0x8670] =	vst v54  }
0x2d6: {  	v57 =	vld [tilespmem:$0x13680];
	[tilespmem:$0x8680] =	vst v55  }
0x2d7: {  	[tilespmem:$0x8690] =	vst v17;
	v17 =	vld [tilespmem:$0x13700]  }
0x2d8: {  	[tilespmem:$0x86A0] =	vst v18;
	v18 =	vld [tilespmem:$0x13780]  }
0x2d9: {  	[tilespmem:$0x86B0] =	vst v19;
	v19 =	vld [tilespmem:$0x13800]  }
0x2da: {  	v58 =	vld [tilespmem:$0x13880];
	[tilespmem:$0x86C0] =	vst v56  }
0x2db: {  	v59 =	vld [tilespmem:$0x13900];
	[tilespmem:$0x86D0] =	vst v57  }
0x2dc: {  	[tilespmem:$0x86E0] =	vst v17;
	v17 =	vld [tilespmem:$0x13980]  }
0x2dd: {  	[tilespmem:$0x86F0] =	vst v18;
	v18 =	vld [tilespmem:$0x13A00]  }
0x2de: {  	[tilespmem:$0x8700] =	vst v19;
	v19 =	vld [tilespmem:$0x13A80]  }
0x2df: {  	v60 =	vld [tilespmem:$0x13B00];
	[tilespmem:$0x8710] =	vst v58  }
0x2e0: {  	v61 =	vld [tilespmem:$0x13B80];
	[tilespmem:$0x8720] =	vst v59  }
0x2e1: {  	[tilespmem:$0x8730] =	vst v17;
	v17 =	vld [tilespmem:$0x13C00]  }
0x2e2: {  	[tilespmem:$0x8740] =	vst v18;
	v18 =	vld [tilespmem:$0x13C80]  }
0x2e3: {  	[tilespmem:$0x8750] =	vst v19;
	v19 =	vld [tilespmem:$0x13D00]  }
0x2e4: {  	v62 =	vld [tilespmem:$0x13D80];
	[tilespmem:$0x8760] =	vst v60  }
0x2e5: {  	v63 =	vld [tilespmem:$0x13E00];
	[tilespmem:$0x8770] =	vst v61  }
0x2e6: {  	[tilespmem:$0x8780] =	vst v17;
	v17 =	vld [tilespmem:$0x13E80]  }
0x2e7: {  	[tilespmem:$0x8790] =	vst v18;
	v18 =	vld [tilespmem:$0x13F00]  }
0x2e8: {  	[tilespmem:$0x87A0] =	vst v19;
	v19 =	vld [tilespmem:$0x13F80]  }
0x2e9: {  	[tilespmem:$0x87B0] =	vst v62  }
0x2ea: {  	[tilespmem:$0x87C0] =	vst v63  }
0x2eb: {  	[tilespmem:$0x87D0] =	vst v17  }
0x2ec: {  	[tilespmem:$0x87E0] =	vst v18  }
.Ltmp11:
0x2ed: {  	[tilespmem:$0x87F0] =	vst v19;
	(pc) =	sbr.rel .LBB2_15-.Ltmp11, $4  }
0x2ee: {  	[hbm4b:s13+s3] =	stream.linear.scatter [tilespmem:s25], [sflag:$0x5], $0x800, $0x38;
	[tilespmem:$0x14000] =	vst v63  }
0x2ef: {  	_ =	swait.ge [sflag:s24], $0x800  }
0x2f0: {  	[sflag:s24] =	ssyncset.done $0x0  }
0x2f1: {  	[sflag:s24] =	ssyncadd.s32 $0xFFFFF800  }
.LBB2_16:
0x2f2: {  	_ =	sfence.sel $0x180000  }
0x2f3: {  	[bflag:$0x0] =	sbarrier.arrive $0xFFFF  }
0x2f4: {  	_ =	strace $0x90000047  }
0x2f5: {  	s0 =	stileid.u32;
	[bflag:$0x2] =	sbarrier.arrive $0xFFFF  }
0x2f6: {  	p0 =	sne.s32 s0, $0x0;
	s0 =	rddreg [dreg:$0x3]  }
0x2f7: {  	s0 =	sadd.s32 @!p0 $0x100000, s0  }
0x2f8: {  	[sflag:s0] =	ssyncadd.tile.s32 @!p0 $0x1;
	_ =	shalt  }
.Lfunc_end2:
_tile_overlayer_lowered:
.L_overlay_start_2:
0x2f9: {  	(tag) =	ssettag $0x2  }
0x2fa: {  	s0 =	rddreg [dreg:$0x0];
	s2 =	stileid.u32  }
0x2fb: {  	s1 =	rddreg [dreg:$0x1];
	p0 =	sne.s32 s2, $0x0  }
0x2fc: {  	s3 =	rddreg [dreg:$0x2];
	[bflag:$0x3] =	sbarrier.arrive $0xFFFF;
	s2 =	simm.s32 @!p0 $0x1C05  }
0x2fd: {  	[timem:s3], [sflag:s2] =	dma.local @!p0 [hbm:s0], s1  }
0x2fe: {  	s0 =	simm.s32 @!p0 $0x5  }
0x2ff: {  	_ =	swait.ge @!p0 [sflag:s0], s1  }
0x300: {  	s1 =	ssub.s32 @!p0 $0x0, s1;
	[sflag:s0] =	ssyncset.done @!p0 $0x0  }
0x301: {  	[sflag:s0] =	ssyncadd.s32 @!p0 s1  }
0x302: {  	[bflag:$0x3] =	sbarrier.arrive $0xFFFF  }
0x303: {  	_ =	shalt  }

// kernel: kernel.8.cloned.1.call-start
scs
__scs_entry_jumppad:
0x0: {  	(pc) =	sbr.rel $0x88, $3  }
0x1: {  	(tag) =	ssettag $0x0;
	lr =	simm.s32 $0x1  }
0x2: {  	[smem:$0x3F9D] =	sst lr;
	_ =	strace $0xD0000000  }
0x3: {  	_ = 	snop  }
0x4: {  	_ = 	snop  }
0x5: {  	_ = 	snop  }
0x6: {  	_ = 	snop  }
0x7: {  	_ = 	snop  }
__scs_overlays_trampoline_lowered:
0x8: {  	[smem:$0x3FAC] =	sst s0  }
0x9: {  	[smem:$0x3FAD] =	sst s1  }
0xa: {  	[smem:$0x3FAE] =	sst s2  }
0xb: {  	[smem:$0x3FAF] =	sst s3  }
0xc: {  	[smem:$0x3FB0] =	sst s4  }
0xd: {  	[smem:$0x3FB1] =	sst s5  }
0xe: {  	[smem:$0x3FB2] =	sst s6  }
0xf: {  	[smem:$0x3FB3] =	sst s7  }
0x10: {  	[smem:$0x3FB4] =	sst s8  }
0x11: {  	[smem:$0x3FB5] =	sst s9;
	s0 =	simm.s32 @!p0 $0x0  }
0x12: {  	s1 =	sld [smem:$0x3F9B];
	s0 =	simm.s32 @p0 $0x1  }
0x13: {  	[smem:$0x3FB6] =	sst s0;
	s0 =	simm.s32 @!p1 $0x0  }
0x14: {  	s2 =	sld [smem:$0x3F9A];
	s0 =	simm.s32 @p1 $0x1  }
0x15: {  	[smem:$0x3FB7] =	sst s0;
	s0 =	simm.s32 @!p2 $0x0  }
0x16: {  	s3 =	sld [smem:$0x3FDB];
	s0 =	simm.s32 @p2 $0x1  }
0x17: {  	s4 =	simm.s32 $0x1BF5;
	[smem:$0x3FB9] =	sst s0  }
0x18: {  	s0 =	sld [smem:$0x3F9C];
	_ =	swait.ge [sflag:s4], $0x0  }
0x19: {  	s7 =	sld [smem:$0x3F9D]  }
0x1a: {  	s8 =	sadd.s32 $0xFFFFE003, lr  }
0x1b: {  	s9 =	sadd.s32 $0xFFFFFEF7, lr;
	s5 =	simm.s32 $0xFFFFFFFF;
	p2 =	slt.u32 s8, $0xFFFFF086  }
0x1c: {  	p1 =	slt.u32 s9, $0xF7A;
	s5 =	simm.s32 @!p2 $0x0  }
0x1d: {  	s5 =	simm.s32 @p1 $0x1;
	p0 =	seq.s32 s7, s2  }
0x1e: {  	s7 =	smul.u32 @!p0 $0xF7A, s2;
	p2 =	seq.s32 @!p0 s5, $0x0  }
0x1f: {  	s9 =	smul.u32 $0xF7A, s1;
	s8 =	simm.s32 @!p0 $0x1BF5;
	p2 =	por !p2, p0  }
0x20: {  	[sflag:s8] =	ssyncset.s32 @!p0 $0xFFFFF086;
	s6 =	sadd.s32 @!p0 s3, s7;
	s7 =	simm.s32 @!p0 $0x108  }
0x21: {  	s3 =	sadd.s32 s3, s9;
	s6 =	sadd.s32 @!p0 $0x88, s6;
	s7 =	simm.s32 @p2 $0x1082  }
0x22: {  	[simem:s7], [sflag:s8] =	dma.local @!p0 [hbm:s6], $0xF7A  }
0x23: {  	s9 =	sor.u32 $0xD0000000, s2;
	s6 =	simm.s32 $0x108;
	_ =	swait.ge @!p0 [sflag:s8], $0x0  }
0x24: {  	s3 =	sadd.s32 $0x88, s3;
	s6 =	simm.s32 @!p1 $0x1082;
	[sflag:s4] =	ssyncset.s32 $0xFFFFF086  }
0x25: {  	[simem:s6], [sflag:s4] =	dma.local [hbm:s3], $0xF7A  }
0x26: {  	[smem:$0x3F9D] =	sst s1;
	(tag) =	ssettag s2;
	_ =	strace s9  }
0x27: {  	s1 =	sld [smem:$0x3FAD]  }
0x28: {  	s2 =	sld [smem:$0x3FAE]  }
0x29: {  	s4 =	sld [smem:$0x3FB0]  }
0x2a: {  	p0 =	seq.s32 s5, $0x0;
	s5 =	sld [smem:$0x3FB1]  }
0x2b: {  	s6 =	sld [smem:$0x3FB2]  }
0x2c: {  	s7 =	sld [smem:$0x3FB3]  }
0x2d: {  	s3 =	simm.s32 $0x108;
	s8 =	sld [smem:$0x3FB4]  }
0x2e: {  	s3 =	simm.s32 @!p0 $0x1082;
	s9 =	sld [smem:$0x3FB5]  }
0x2f: {  	lr =	sadd.s32 s0, s3;
	s0 =	sld [smem:$0x3FAC]  }
0x30: {  	s3 =	sld [smem:$0x3FAF]  }
0x31: {  	[smem:$0x3FB8] =	sst s10  }
0x32: {  	s10 =	sld [smem:$0x3FB6];
	_ =	sdelay $0x3  }
0x33: {  	p0 =	seq.s32 s10, $0x1;
	s10 =	sld [smem:$0x3FB8];
	_ =	sdelay $0x3  }
0x34: {  	[smem:$0x3FB8] =	sst s10  }
0x35: {  	s10 =	sld [smem:$0x3FB7];
	_ =	sdelay $0x3  }
0x36: {  	p1 =	seq.s32 s10, $0x1;
	s10 =	sld [smem:$0x3FB8];
	_ =	sdelay $0x3  }
0x37: {  	[smem:$0x3FB8] =	sst s10  }
0x38: {  	s10 =	sld [smem:$0x3FB9]  }
0x39: {  	_ = 	snop;
	(pc) =	sbr.ind lr, $3  }
0x3a: {  	_ = 	snop  }
0x3b: {  	_ = 	snop  }
0x3c: {  	p2 =	seq.s32 s10, $0x1;
	s10 =	sld [smem:$0x3FB8]  }
0x3d: {  	_ =	shalt  }
0x3e: {  	_ =	shalt  }
0x3f: {  	_ =	shalt  }
0x40: {  	_ =	shalt  }
0x41: {  	_ =	shalt  }
0x42: {  	_ =	shalt  }
0x43: {  	_ =	shalt  }
0x44: {  	_ =	shalt  }
0x45: {  	_ =	shalt  }
0x46: {  	_ =	shalt  }
0x47: {  	_ =	shalt  }
0x48: {  	_ =	shalt  }
0x49: {  	_ =	shalt  }
0x4a: {  	_ =	shalt  }
0x4b: {  	_ =	shalt  }
0x4c: {  	_ =	shalt  }
0x4d: {  	_ =	shalt  }
0x4e: {  	_ =	shalt  }
0x4f: {  	_ =	shalt  }
0x50: {  	_ =	shalt  }
0x51: {  	_ =	shalt  }
0x52: {  	_ =	shalt  }
0x53: {  	_ =	shalt  }
0x54: {  	_ =	shalt  }
0x55: {  	_ =	shalt  }
0x56: {  	_ =	shalt  }
0x57: {  	_ =	shalt  }
0x58: {  	_ =	shalt  }
0x59: {  	_ =	shalt  }
0x5a: {  	_ =	shalt  }
0x5b: {  	_ =	shalt  }
0x5c: {  	_ =	shalt  }
0x5d: {  	_ =	shalt  }
0x5e: {  	_ =	shalt  }
0x5f: {  	_ =	shalt  }
0x60: {  	_ =	shalt  }
0x61: {  	_ =	shalt  }
0x62: {  	_ =	shalt  }
0x63: {  	_ =	shalt  }
0x64: {  	_ =	shalt  }
0x65: {  	_ =	shalt  }
0x66: {  	_ =	shalt  }
0x67: {  	_ =	shalt  }
0x68: {  	_ =	shalt  }
0x69: {  	_ =	shalt  }
0x6a: {  	_ =	shalt  }
0x6b: {  	_ =	shalt  }
0x6c: {  	_ =	shalt  }
0x6d: {  	_ =	shalt  }
0x6e: {  	_ =	shalt  }
0x6f: {  	_ =	shalt  }
0x70: {  	_ =	shalt  }
0x71: {  	_ =	shalt  }
0x72: {  	_ =	shalt  }
0x73: {  	_ =	shalt  }
0x74: {  	_ =	shalt  }
0x75: {  	_ =	shalt  }
0x76: {  	_ =	shalt  }
0x77: {  	_ =	shalt  }
0x78: {  	_ =	shalt  }
0x79: {  	_ =	shalt  }
0x7a: {  	_ =	shalt  }
0x7b: {  	_ =	shalt  }
0x7c: {  	_ =	shalt  }
0x7d: {  	_ =	shalt  }
0x7e: {  	_ =	shalt  }
0x7f: {  	_ =	shalt  }
0x80: {  	_ =	shalt  }
0x81: {  	_ =	shalt  }
0x82: {  	_ =	shalt  }
0x83: {  	_ =	shalt  }
0x84: {  	_ =	shalt  }
0x85: {  	_ =	shalt  }
0x86: {  	_ =	shalt  }
0x87: {  	_ =	shalt  }
.Lfunc_end0:
.L_simem_size_0:
called_computation.1_lowered:
.L_overlay_start_0:
0x88: {  	s2 =	sld [smem:$0x3FD9]  }
0x89: {  	s3 =	sld [smem:$0x3FFE];
	_ =	sdelay $0x1  }
0x8a: {  	s1 =	srdreg.scid  }
0x8b: {  	s0 =	sand.u32 $0x1, s1  }
0x8c: {  	s16 =	sshll.u32 s0, $0xA;
	s2 =	sadd.s32 s3, s2  }
0x8d: {  	s2 =	sadd.s32 s2, s16  }
0x8e: {  	[smem:$0x3FC4] =	sst s2  }
0x8f: {  	_ = 	snop  }
0x90: {  	(tm) =	ssettm $0x1  }
0x91: {  	s17 =	sld [smem:$0x3FFB];
	_ =	sdelay $0x3  }
0x92: {  	_ =	strace s17  }
0x93: {  	s2 =	sld [smem:$0x3FFC];
	_ =	sdelay $0x3  }
0x94: {  	_ =	strace s2  }
0x95: {  	s2 =	sld [smem:$0x3FFD];
	_ =	sdelay $0x3  }
0x96: {  	_ =	strace s2  }
0x97: {  	_ =	strace $0x8FFFFFFF  }
0x98: {  	s18 =	sld [smem:$0x3FDB];
	_ =	sdelay $0x1  }
0x99: {  	s19 =	simm.s32 $_scs_section_size  }
0x9a: {  	s4 =	simm.s32 $_size__tile_overlayer_lowered;
	s5 =	simm.s32 $_tile_overlayer_lowered  }
0x9b: {  	s22 =	simm.s32 $0x1BFF;
	s21 =	sshll.u32 s5, $0x1;
	s2 =	sadd.s32 s19, s18  }
0x9c: {  	s6 =	simm.s32 $0x0;
	s20 =	sshll.u32 s4, $0x1;
	s4 =	sadd.s32 s21, s2  }
0x9d: {  	[timem:s6], [sflag:s22] =	dma.local [hbm:s4], s20  }
0x9e: {  	_ =	swait.ge [sflag:s22], s20  }
0x9f: {  	s3 =	ssub.s32 $0x0, s20;
	[sflag:s22] =	ssyncset.done $0x0  }
0xa0: {  	[sflag:s22] =	ssyncadd.s32 s3;
	_ =	sdelay $0x1  }
0xa1: {  	s23 =	simm.s32 $0x1B8B  }
0xa2: {  	_ =	swait.ge [sflag:s23], $0x1  }
0xa3: {  	[sflag:s23] =	ssyncset.done $0x0  }
0xa4: {  	s25 =	simm.s32 $0x1B8E;
	s24 =	sld [smem:$0x3FFE];
	[sflag:s23] =	ssyncadd.s32 $0xFFFFFFFF  }
0xa5: {  	s26 =	simm.s32 $execute0_lowered;
	[smem:$0x3FD2] =	sst s25  }
0xa6: {  	s4 =	sshll.u32 s26, $0x1;
	_ =	strace $0x80000049;
	[dreg:$0x1] =	wrdreg $0xFFFFFFFF  }
0xa7: {  	s28 =	simm.s32 $_size_execute0_lowered;
	s2 =	sadd.s32 s2, s4;
	[dreg:$0x0] =	wrdreg $0x0  }
0xa8: {  	s4 =	sshll.u32 s28, $0x1;
	[dreg:$0x2] =	wrdreg s2  }
0xa9: {  	[dreg:$0x3] =	wrdreg s4  }
0xaa: {  	[dreg:$0x4] =	wrdreg $0xC0  }
0xab: {  	_ =	task [dreg:s6], $0x5FFFF  }
0xac: {  	[dreg:$0x1] =	wrdreg $0xFFFFFFFF  }
0xad: {  	[dreg:$0x0] =	wrdreg $0x60  }
0xae: {  	[dreg:$0x2] =	wrdreg s24  }
0xaf: {  	[dreg:$0x3] =	wrdreg $0x9  }
0xb0: {  	_ =	task.clear_ibuf [dreg:s6], $0x4FFFF;
	_ =	strace $0x90000049  }
0xb1: {  	s29 =	simm.s32 $0x9;
	_ =	strace $0x8000004B  }
0xb2: {  	_ =	swait.ge [sflag:s29], $0x1  }
0xb3: {  	[sflag:s29] =	ssyncadd.s32 $0xFFFFFFFF  }
0xb4: {  	_ =	strace $0x9000004B  }
0xb5: {  	_ =	sfence  }
0xb6: {  	s30 =	sld [smem:$0x0];
	_ =	sdelay $0x2  }
0xb7: {  	s31 =	sshll.u32 s1, $0xD;
	s1 =	sshrl.u32 s1, $0x2  }
0xb8: {  	s3 =	sand.u32 $0x4000, s31;
	s1 =	sadd.s32 s1, s30  }
0xb9: {  	s0 =	sor.u32 s3, s0;
	s1 =	sshll.u32 s1, $0x11  }
0xba: {  	s0 =	sor.u32 s1, s0  }
0xbb: {  	s0 =	sadd.s32 $0x8F2B, s0  }
0xbc: {  	[sflag:s0] =	ssyncadd.remote.s32 $0x1  }
0xbd: {  	_ =	sfence.sel $0xFFFF  }
0xbe: {  	[dreg:$0x0] =	wrdreg $0xFFFFFFFF;
	(pc) =	sbr.abs _section_cstart, $3  }
0xbf: {  	[dreg:$0x1] =	wrdreg $0xFFFFFFFF  }
0xc0: {  	_ =	task.clear_ibuf [dreg:s6], $0x2FFFF;
	_ =	strace $0x9FFFFFFF  }
0xc1: {  	(tm) =	ssettm $0x7FFFFFFF  }
tec
execute0_lowered:
.L_overlay_start_1:
0x0: {  	(tag) =	ssettag $0x1  }
0x1: {  	s5 =	rddreg [dreg:$0x0]  }
0x2: {  	s0 =	rddreg [dreg:$0x1];
	s3 =	srdreg.scid  }
0x3: {  	s1 =	stileid.u32;
	s2 =	simm.s32 $0x0;
	s13 =	simm.s32 $0x640  }
0x4: {  	s14 =	simm.s32 $0x12C0;
	s15 =	simm.s32 $0x4;
	s16 =	simm.s32 $0x13EC0  }
0x5: {  	s17 =	simm.s32 $0x7;
	s18 =	simm.s32 $0x3;
	s19 =	simm.s32 $0xC80  }
0x6: {  	s20 =	simm.s32 $0xDAC0;
	s21 =	simm.s32 $0x5;
	s22 =	simm.s32 $0x6  }
0x7: {  	s23 =	simm.s32 $0x0;
	s6 =	sand.u32 $0x1, s3;
	s31 =	sshll.u32 s1, $0x1  }
0x8: {  	[smem:$0x7FF] =	sst s2;
	s3 =	sadd.s32 $0x1E9400, s5;
	s7 =	sor.u32 s6, s31  }
0x9: {  	s4 =	sadd.s32 $0xE00, s5;
	s6 =	ssub.s32 $0x2, s6;
	s9 =	smul.u32 $0x19000, s7  }
.Ltmp0:
0xa: {  	s7 =	sshll.u32 s7, $0xA;
	s8 =	sshrl.u32 s6, $0x1;
	(pc) =	sbr.rel .LBB2_1-.Ltmp0, $4  }
0xb: {  	_ =	strace $0x8000004A;
	s11 =	sadd.s32 s7, s5;
	s12 =	ssub.s32 s6, s8  }
0xc: {  	s10 =	sshrl.u32 s9, $0x3;
	s7 =	sor.u32 $0xC80, s9;
	s8 =	sadd.s32 $0x12C0, s9  }
0xd: {  	s9 =	sadd.s32 $0x1900, s9;
	s5 =	sadd.s32 s3, s10;
	s10 =	sadd.s32 $0x24D400, s11  }
0xe: {  	s11 =	smax.u32 s12, $0x1;
	s12 =	simm.s32 $0x1;
	s6 =	sadd.s32 $0xC8, s5  }
.LBB2_52:
0xf: {  	s23 =	sadd.s32 $0x1, s23  }
0x10: {  	p0 =	sne.s32 s23, s11  }
.Ltmp1:
0x11: {  	_ = 	snop;
	(pc) =	sbr.rel @!p0 .LBB2_53-.Ltmp1, $4  }
0x12: {  	[hbm4b:s10+s2] =	stream.linear.scatter [tilespmem:s16], [sflag:$0x7], $0x2000, $0x38;
	[tilespmem:$0x15EC0] =	vst v63  }
0x13: {  	_ =	swait.ge [sflag:s17], $0x2000  }
0x14: {  	[sflag:s17] =	ssyncset.done $0x0  }
0x15: {  	[sflag:s17] =	ssyncadd.s32 $0xFFFFE000  }
.LBB2_1:
0x16: {  	[tilespmem:s2], [sflag:$0x1] =	stream.linear.gather [hbm4b:s5+s2], $0x640, $0x38;
	[tilespmem:$0x15EC0] =	vst v63  }
0x17: {  	_ =	swait.ge [sflag:s12], $0x640  }
0x18: {  	[sflag:s12] =	ssyncset.done $0x0  }
0x19: {  	[sflag:s12] =	ssyncadd.s32 $0xFFFFF9C0  }
0x1a: {  	[tilespmem:s14], [sflag:$0x4] =	stream.indirect.gather [hbm4b:s4+s13], $0x10, s2, s13, $0xb8;
	[tilespmem:$0x15EC0] =	vst v63  }
0x1b: {  	s24 =	simm.s32 $0x0  }
0x1c: {  	[tilespmem:s13], [sflag:$0x2] =	stream.linear.gather [hbm4b:s6+s2], $0x640, $0x38;
	[tilespmem:$0x15EC0] =	vst v63  }
.LBB2_2:
0x1d: {  	p0 =	seq.s32 s24, $0x15  }
0x1e: {  	s25 =	smul.u32 @!p0 $0x12C0, s24;
	_ =	sdelay $0x1  }
0x1f: {  	s25 =	sadd.s32 @!p0 s25, s7  }
0x20: {  	s25 =	sshrl.u32 @!p0 s25, $0x3  }
0x21: {  	s26 =	simm.s32 @!p0 $0x0;
	s28 =	simm.s32 @!p0 $0xC80;
	s25 =	sadd.s32 @!p0 s3, s25  }
0x22: {  	[tilespmem:s28], [sflag:$0x3] =	stream.linear.gather @!p0 [hbm4b:s25+s26], $0x640, $0x38;
	[tilespmem:$0x15EC0] =	vst v63  }
0x23: {  	s25 =	simm.s32 @!p0 $0x2  }
0x24: {  	_ =	swait.ge @!p0 [sflag:s25], $0x640  }
0x25: {  	[sflag:s25] =	ssyncset.done @!p0 $0x0  }
0x26: {  	s26 =	simm.s32 @!p0 $0x76C0;
	[sflag:s25] =	ssyncadd.s32 @!p0 $0xFFFFF9C0;
	s25 =	simm.s32 @!p0 $0x640  }
0x27: {  	[tilespmem:s26], [sflag:$0x5] =	stream.indirect.gather @!p0 [hbm4b:s4+s25], $0x10, s25, s25, $0xb8;
	[tilespmem:$0x15EC0] =	vst v63  }
0x28: {  	_ =	swait.ge [sflag:s15], $0x6400  }
0x29: {  	[sflag:s15] =	ssyncset.done $0x0  }
0x2a: {  	s31 =	simm.s32 $0x0;
	[sflag:s15] =	ssyncadd.s32 $0xFFFF9C00  }
0x2b: {  	v0 =	vld [tilespmem:s31+$0x12C0]  }
0x2c: {  	v2 =	vld [tilespmem:s31+$0x12D0]  }
0x2d: {  	v1 =	vld [tilespmem:s31+$0x12E0]  }
0x2e: {  	v4 =	vimm.f32 $0.0e+00;
	v5 =	vimm.f32 $0.0e+00;
	s25 =	simm.s32 $0x100;
	v3 =	vld [tilespmem:s31+$0x12F0]  }
.LBB2_3:
0x2f: {  	p1 =	sne.s32 s25, $0x3100  }
.Ltmp2:
0x30: {  	s26 =	sshra.s32 s25, $0x2;
	(pc) =	sbr.rel @p1 .LBB2_3-.Ltmp2, $4  }
0x31: {  	s25 =	sadd.s32 $0x100, s25;
	v4 =	vadd.f32 v0, v4;
	v0 =	vld [tilespmem:s26+$0x12C0];
	v5 =	vadd.f32 v2, v5  }
0x32: {  	v2 =	vld [tilespmem:s26+$0x12D0]  }
0x33: {  	v4 =	vadd.f32 v1, v4;
	v1 =	vld [tilespmem:s26+$0x12E0];
	v5 =	vadd.f32 v3, v5  }
0x34: {  	v3 =	vld [tilespmem:s26+$0x12F0]  }
0x35: {  	_ =	sdelay $0x1  }
0x36: {  	v0 =	vadd.f32 v0, v4;
	v2 =	vadd.f32 v2, v5;
	_ =	sdelay $0x1  }
0x37: {  	v0 =	vadd.f32 v1, v0;
	v1 =	vadd.f32 v3, v2;
	_ =	sdelay $0x1  }
0x38: {  	v0 =	vadd.f32 v1, v0  }
0x39: {  	s25 =	smul.u32 $0x600, s24  }
0x3a: {  	v0 =	vmul.f32 $4.999999890e-03, v0  }
0x3b: {  	s25 =	sshra.s32 s25, $0x2  }
0x3c: {  	s28 =	simm.s32 $0x0;
	[tilespmem:s25+$0x13EC0] =	vst v0  }
0x3d: {  	v0 =	vld [tilespmem:s28+$0x1F40]  }
0x3e: {  	v2 =	vld [tilespmem:s28+$0x1F50]  }
0x3f: {  	v1 =	vld [tilespmem:s28+$0x1F60]  }
0x40: {  	s26 =	simm.s32 $0x100;
	v4 =	vimm.f32 $0.0e+00;
	v5 =	vimm.f32 $0.0e+00;
	v3 =	vld [tilespmem:s28+$0x1F70]  }
.LBB2_5:
0x41: {  	p1 =	sne.s32 s26, $0x3100  }
.Ltmp3:
0x42: {  	s28 =	sshra.s32 s26, $0x2;
	(pc) =	sbr.rel @p1 .LBB2_5-.Ltmp3, $4  }
0x43: {  	s26 =	sadd.s32 $0x100, s26;
	v4 =	vadd.f32 v0, v4;
	v0 =	vld [tilespmem:s28+$0x1F40];
	v5 =	vadd.f32 v2, v5  }
0x44: {  	v2 =	vld [tilespmem:s28+$0x1F50]  }
0x45: {  	v4 =	vadd.f32 v1, v4;
	v1 =	vld [tilespmem:s28+$0x1F60];
	v5 =	vadd.f32 v3, v5  }
0x46: {  	v3 =	vld [tilespmem:s28+$0x1F70]  }
0x47: {  	_ =	sdelay $0x1  }
0x48: {  	v0 =	vadd.f32 v0, v4;
	v2 =	vadd.f32 v2, v5;
	_ =	sdelay $0x1  }
0x49: {  	v0 =	vadd.f32 v1, v0;
	v1 =	vadd.f32 v3, v2;
	_ =	sdelay $0x1  }
0x4a: {  	v0 =	vadd.f32 v1, v0;
	_ =	sdelay $0x1  }
0x4b: {  	v0 =	vmul.f32 $4.999999890e-03, v0;
	_ =	sdelay $0x1  }
0x4c: {  	s28 =	simm.s32 $0x0;
	[tilespmem:s25+$0x13ED0] =	vst v0  }
0x4d: {  	v0 =	vld [tilespmem:s28+$0x2BC0]  }
0x4e: {  	v2 =	vld [tilespmem:s28+$0x2BD0]  }
0x4f: {  	v1 =	vld [tilespmem:s28+$0x2BE0]  }
0x50: {  	s26 =	simm.s32 $0x100;
	v4 =	vimm.f32 $0.0e+00;
	v5 =	vimm.f32 $0.0e+00;
	v3 =	vld [tilespmem:s28+$0x2BF0]  }
.LBB2_7:
0x51: {  	p1 =	sne.s32 s26, $0x3100  }
.Ltmp4:
0x52: {  	s28 =	sshra.s32 s26, $0x2;
	(pc) =	sbr.rel @p1 .LBB2_7-.Ltmp4, $4  }
0x53: {  	s26 =	sadd.s32 $0x100, s26;
	v4 =	vadd.f32 v0, v4;
	v0 =	vld [tilespmem:s28+$0x2BC0];
	v5 =	vadd.f32 v2, v5  }
0x54: {  	v2 =	vld [tilespmem:s28+$0x2BD0]  }
0x55: {  	v4 =	vadd.f32 v1, v4;
	v1 =	vld [tilespmem:s28+$0x2BE0];
	v5 =	vadd.f32 v3, v5  }
0x56: {  	v3 =	vld [tilespmem:s28+$0x2BF0]  }
0x57: {  	_ =	sdelay $0x1  }
0x58: {  	v0 =	vadd.f32 v0, v4;
	v2 =	vadd.f32 v2, v5;
	_ =	sdelay $0x1  }
0x59: {  	v0 =	vadd.f32 v1, v0;
	v1 =	vadd.f32 v3, v2;
	_ =	sdelay $0x1  }
0x5a: {  	v0 =	vadd.f32 v1, v0;
	_ =	sdelay $0x1  }
0x5b: {  	v0 =	vmul.f32 $4.999999890e-03, v0;
	_ =	sdelay $0x1  }
0x5c: {  	s28 =	simm.s32 $0x0;
	[tilespmem:s25+$0x13EE0] =	vst v0  }
0x5d: {  	v0 =	vld [tilespmem:s28+$0x3840]  }
0x5e: {  	v2 =	vld [tilespmem:s28+$0x3850]  }
0x5f: {  	v1 =	vld [tilespmem:s28+$0x3860]  }
0x60: {  	s26 =	simm.s32 $0x100;
	v4 =	vimm.f32 $0.0e+00;
	v5 =	vimm.f32 $0.0e+00;
	v3 =	vld [tilespmem:s28+$0x3870]  }
.LBB2_9:
0x61: {  	p1 =	sne.s32 s26, $0x3100  }
.Ltmp5:
0x62: {  	s28 =	sshra.s32 s26, $0x2;
	(pc) =	sbr.rel @p1 .LBB2_9-.Ltmp5, $4  }
0x63: {  	s26 =	sadd.s32 $0x100, s26;
	v4 =	vadd.f32 v0, v4;
	v0 =	vld [tilespmem:s28+$0x3840];
	v5 =	vadd.f32 v2, v5  }
0x64: {  	v2 =	vld [tilespmem:s28+$0x3850]  }
0x65: {  	v4 =	vadd.f32 v1, v4;
	v1 =	vld [tilespmem:s28+$0x3860];
	v5 =	vadd.f32 v3, v5  }
0x66: {  	v3 =	vld [tilespmem:s28+$0x3870]  }
0x67: {  	_ =	sdelay $0x1  }
0x68: {  	v0 =	vadd.f32 v0, v4;
	v2 =	vadd.f32 v2, v5;
	_ =	sdelay $0x1  }
0x69: {  	v0 =	vadd.f32 v1, v0;
	v1 =	vadd.f32 v3, v2;
	_ =	sdelay $0x1  }
0x6a: {  	v0 =	vadd.f32 v1, v0;
	_ =	sdelay $0x1  }
0x6b: {  	v0 =	vmul.f32 $4.999999890e-03, v0;
	_ =	sdelay $0x1  }
0x6c: {  	s28 =	simm.s32 $0x0;
	[tilespmem:s25+$0x13EF0] =	vst v0  }
0x6d: {  	v0 =	vld [tilespmem:s28+$0x44C0]  }
0x6e: {  	v2 =	vld [tilespmem:s28+$0x44D0]  }
0x6f: {  	v1 =	vld [tilespmem:s28+$0x44E0]  }
0x70: {  	s26 =	simm.s32 $0x100;
	v4 =	vimm.f32 $0.0e+00;
	v5 =	vimm.f32 $0.0e+00;
	v3 =	vld [tilespmem:s28+$0x44F0]  }
.LBB2_11:
0x71: {  	p1 =	sne.s32 s26, $0x3100  }
.Ltmp6:
0x72: {  	s28 =	sshra.s32 s26, $0x2;
	(pc) =	sbr.rel @p1 .LBB2_11-.Ltmp6, $4  }
0x73: {  	s26 =	sadd.s32 $0x100, s26;
	v4 =	vadd.f32 v0, v4;
	v0 =	vld [tilespmem:s28+$0x44C0];
	v5 =	vadd.f32 v2, v5  }
0x74: {  	v2 =	vld [tilespmem:s28+$0x44D0]  }
0x75: {  	v4 =	vadd.f32 v1, v4;
	v1 =	vld [tilespmem:s28+$0x44E0];
	v5 =	vadd.f32 v3, v5  }
0x76: {  	v3 =	vld [tilespmem:s28+$0x44F0]  }
0x77: {  	_ =	sdelay $0x1  }
0x78: {  	v0 =	vadd.f32 v0, v4;
	v2 =	vadd.f32 v2, v5;
	_ =	sdelay $0x1  }
0x79: {  	v0 =	vadd.f32 v1, v0;
	v1 =	vadd.f32 v3, v2;
	_ =	sdelay $0x1  }
0x7a: {  	v0 =	vadd.f32 v1, v0;
	_ =	sdelay $0x1  }
0x7b: {  	v0 =	vmul.f32 $4.999999890e-03, v0;
	_ =	sdelay $0x1  }
0x7c: {  	s28 =	simm.s32 $0x0;
	[tilespmem:s25+$0x13F00] =	vst v0  }
0x7d: {  	v0 =	vld [tilespmem:s28+$0x5140]  }
0x7e: {  	v2 =	vld [tilespmem:s28+$0x5150]  }
0x7f: {  	v1 =	vld [tilespmem:s28+$0x5160]  }
0x80: {  	s26 =	simm.s32 $0x100;
	v4 =	vimm.f32 $0.0e+00;
	v5 =	vimm.f32 $0.0e+00;
	v3 =	vld [tilespmem:s28+$0x5170]  }
.LBB2_13:
0x81: {  	p1 =	sne.s32 s26, $0x3100  }
.Ltmp7:
0x82: {  	s28 =	sshra.s32 s26, $0x2;
	(pc) =	sbr.rel @p1 .LBB2_13-.Ltmp7, $4  }
0x83: {  	s26 =	sadd.s32 $0x100, s26;
	v4 =	vadd.f32 v0, v4;
	v0 =	vld [tilespmem:s28+$0x5140];
	v5 =	vadd.f32 v2, v5  }
0x84: {  	v2 =	vld [tilespmem:s28+$0x5150]  }
0x85: {  	v4 =	vadd.f32 v1, v4;
	v1 =	vld [tilespmem:s28+$0x5160];
	v5 =	vadd.f32 v3, v5  }
0x86: {  	v3 =	vld [tilespmem:s28+$0x5170]  }
0x87: {  	_ =	sdelay $0x1  }
0x88: {  	v0 =	vadd.f32 v0, v4;
	v2 =	vadd.f32 v2, v5;
	_ =	sdelay $0x1  }
0x89: {  	v0 =	vadd.f32 v1, v0;
	v1 =	vadd.f32 v3, v2;
	_ =	sdelay $0x1  }
0x8a: {  	v0 =	vadd.f32 v1, v0;
	_ =	sdelay $0x1  }
0x8b: {  	v0 =	vmul.f32 $4.999999890e-03, v0;
	_ =	sdelay $0x1  }
0x8c: {  	s28 =	simm.s32 $0x0;
	[tilespmem:s25+$0x13F10] =	vst v0  }
0x8d: {  	v0 =	vld [tilespmem:s28+$0x5DC0]  }
0x8e: {  	v2 =	vld [tilespmem:s28+$0x5DD0]  }
0x8f: {  	v1 =	vld [tilespmem:s28+$0x5DE0]  }
0x90: {  	s26 =	simm.s32 $0x100;
	v4 =	vimm.f32 $0.0e+00;
	v5 =	vimm.f32 $0.0e+00;
	v3 =	vld [tilespmem:s28+$0x5DF0]  }
.LBB2_15:
0x91: {  	p1 =	sne.s32 s26, $0x3100  }
.Ltmp8:
0x92: {  	s28 =	sshra.s32 s26, $0x2;
	(pc) =	sbr.rel @p1 .LBB2_15-.Ltmp8, $4  }
0x93: {  	s26 =	sadd.s32 $0x100, s26;
	v4 =	vadd.f32 v0, v4;
	v0 =	vld [tilespmem:s28+$0x5DC0];
	v5 =	vadd.f32 v2, v5  }
0x94: {  	v2 =	vld [tilespmem:s28+$0x5DD0]  }
0x95: {  	v4 =	vadd.f32 v1, v4;
	v1 =	vld [tilespmem:s28+$0x5DE0];
	v5 =	vadd.f32 v3, v5  }
0x96: {  	v3 =	vld [tilespmem:s28+$0x5DF0]  }
0x97: {  	_ =	sdelay $0x1  }
0x98: {  	v0 =	vadd.f32 v0, v4;
	v2 =	vadd.f32 v2, v5;
	_ =	sdelay $0x1  }
0x99: {  	v0 =	vadd.f32 v1, v0;
	v1 =	vadd.f32 v3, v2;
	_ =	sdelay $0x1  }
0x9a: {  	v0 =	vadd.f32 v1, v0;
	_ =	sdelay $0x1  }
0x9b: {  	v0 =	vmul.f32 $4.999999890e-03, v0;
	_ =	sdelay $0x1  }
0x9c: {  	s28 =	simm.s32 $0x0;
	[tilespmem:s25+$0x13F20] =	vst v0  }
0x9d: {  	v0 =	vld [tilespmem:s28+$0x6A40]  }
0x9e: {  	v2 =	vld [tilespmem:s28+$0x6A50]  }
0x9f: {  	v1 =	vld [tilespmem:s28+$0x6A60]  }
0xa0: {  	s26 =	simm.s32 $0x100;
	v4 =	vimm.f32 $0.0e+00;
	v5 =	vimm.f32 $0.0e+00;
	v3 =	vld [tilespmem:s28+$0x6A70]  }
.LBB2_17:
0xa1: {  	p1 =	sne.s32 s26, $0x3100  }
.Ltmp9:
0xa2: {  	s28 =	sshra.s32 s26, $0x2;
	(pc) =	sbr.rel @p1 .LBB2_17-.Ltmp9, $4  }
0xa3: {  	s26 =	sadd.s32 $0x100, s26;
	v4 =	vadd.f32 v0, v4;
	v0 =	vld [tilespmem:s28+$0x6A40];
	v5 =	vadd.f32 v2, v5  }
0xa4: {  	v2 =	vld [tilespmem:s28+$0x6A50]  }
0xa5: {  	v4 =	vadd.f32 v1, v4;
	v1 =	vld [tilespmem:s28+$0x6A60];
	v5 =	vadd.f32 v3, v5  }
0xa6: {  	v3 =	vld [tilespmem:s28+$0x6A70]  }
0xa7: {  	_ =	sdelay $0x1  }
0xa8: {  	v0 =	vadd.f32 v0, v4;
	v2 =	vadd.f32 v2, v5;
	_ =	sdelay $0x1  }
0xa9: {  	v0 =	vadd.f32 v1, v0;
	v63 =	vadd.f32 v3, v2;
	_ =	sdelay $0x1  }
.Ltmp10:
0xaa: {  	v0 =	vadd.f32 v63, v0;
	(pc) =	sbr.rel @p0 .LBB2_52-.Ltmp10, $3  }
0xab: {  	_ = 	snop  }
0xac: {  	v0 =	vmul.f32 $4.999999890e-03, v0;
	_ =	sdelay $0x1  }
0xad: {  	[tilespmem:s25+$0x13F30] =	vst v0  }
0xae: {  	s26 =	smul.u32 $0x12C0, s24;
	_ =	sdelay $0x1  }
0xaf: {  	s28 =	sadd.s32 s26, s8  }
0xb0: {  	s28 =	sshrl.u32 s28, $0x3  }
0xb1: {  	s29 =	simm.s32 $0x0;
	s28 =	sadd.s32 s3, s28  }
0xb2: {  	[tilespmem:s29], [sflag:$0x1] =	stream.linear.gather [hbm4b:s28+s29], $0x640, $0x38;
	[tilespmem:$0x15EC0] =	vst v63  }
0xb3: {  	_ =	swait.ge [sflag:s18], $0x640  }
0xb4: {  	[sflag:s18] =	ssyncset.done $0x0  }
0xb5: {  	[sflag:s18] =	ssyncadd.s32 $0xFFFFF9C0  }
0xb6: {  	[tilespmem:s20], [sflag:$0x6] =	stream.indirect.gather [hbm4b:s4+s13], $0x10, s19, s13, $0xb8;
	[tilespmem:$0x15EC0] =	vst v63  }
0xb7: {  	_ =	swait.ge [sflag:s21], $0x6400  }
0xb8: {  	[sflag:s21] =	ssyncset.done $0x0  }
0xb9: {  	s31 =	simm.s32 $0x0;
	[sflag:s21] =	ssyncadd.s32 $0xFFFF9C00  }
0xba: {  	v0 =	vld [tilespmem:s31+$0x76C0]  }
0xbb: {  	v2 =	vld [tilespmem:s31+$0x76D0]  }
0xbc: {  	v1 =	vld [tilespmem:s31+$0x76E0]  }
0xbd: {  	v4 =	vimm.f32 $0.0e+00;
	v5 =	vimm.f32 $0.0e+00;
	s28 =	simm.s32 $0x100;
	v3 =	vld [tilespmem:s31+$0x76F0]  }
.LBB2_20:
0xbe: {  	p0 =	sne.s32 s28, $0x3100  }
.Ltmp11:
0xbf: {  	s29 =	sshra.s32 s28, $0x2;
	(pc) =	sbr.rel @p0 .LBB2_20-.Ltmp11, $4  }
0xc0: {  	s28 =	sadd.s32 $0x100, s28;
	v4 =	vadd.f32 v0, v4;
	v0 =	vld [tilespmem:s29+$0x76C0];
	v5 =	vadd.f32 v2, v5  }
0xc1: {  	v2 =	vld [tilespmem:s29+$0x76D0]  }
0xc2: {  	v4 =	vadd.f32 v1, v4;
	v1 =	vld [tilespmem:s29+$0x76E0];
	v5 =	vadd.f32 v3, v5  }
0xc3: {  	v3 =	vld [tilespmem:s29+$0x76F0]  }
0xc4: {  	_ =	sdelay $0x1  }
0xc5: {  	v0 =	vadd.f32 v0, v4;
	v2 =	vadd.f32 v2, v5;
	_ =	sdelay $0x1  }
0xc6: {  	v0 =	vadd.f32 v1, v0;
	v1 =	vadd.f32 v3, v2;
	_ =	sdelay $0x1  }
0xc7: {  	v0 =	vadd.f32 v1, v0;
	_ =	sdelay $0x1  }
0xc8: {  	v0 =	vmul.f32 $4.999999890e-03, v0;
	_ =	sdelay $0x1  }
0xc9: {  	s29 =	simm.s32 $0x0;
	[tilespmem:s25+$0x13F40] =	vst v0  }
0xca: {  	v0 =	vld [tilespmem:s29+$0x8340]  }
0xcb: {  	v2 =	vld [tilespmem:s29+$0x8350]  }
0xcc: {  	v1 =	vld [tilespmem:s29+$0x8360]  }
0xcd: {  	s28 =	simm.s32 $0x100;
	v4 =	vimm.f32 $0.0e+00;
	v5 =	vimm.f32 $0.0e+00;
	v3 =	vld [tilespmem:s29+$0x8370]  }
.LBB2_22:
0xce: {  	p0 =	sne.s32 s28, $0x3100  }
.Ltmp12:
0xcf: {  	s29 =	sshra.s32 s28, $0x2;
	(pc) =	sbr.rel @p0 .LBB2_22-.Ltmp12, $4  }
0xd0: {  	s28 =	sadd.s32 $0x100, s28;
	v4 =	vadd.f32 v0, v4;
	v0 =	vld [tilespmem:s29+$0x8340];
	v5 =	vadd.f32 v2, v5  }
0xd1: {  	v2 =	vld [tilespmem:s29+$0x8350]  }
0xd2: {  	v4 =	vadd.f32 v1, v4;
	v1 =	vld [tilespmem:s29+$0x8360];
	v5 =	vadd.f32 v3, v5  }
0xd3: {  	v3 =	vld [tilespmem:s29+$0x8370]  }
0xd4: {  	_ =	sdelay $0x1  }
0xd5: {  	v0 =	vadd.f32 v0, v4;
	v2 =	vadd.f32 v2, v5;
	_ =	sdelay $0x1  }
0xd6: {  	v0 =	vadd.f32 v1, v0;
	v1 =	vadd.f32 v3, v2;
	_ =	sdelay $0x1  }
0xd7: {  	v0 =	vadd.f32 v1, v0;
	_ =	sdelay $0x1  }
0xd8: {  	v0 =	vmul.f32 $4.999999890e-03, v0;
	_ =	sdelay $0x1  }
0xd9: {  	s29 =	simm.s32 $0x0;
	[tilespmem:s25+$0x13F50] =	vst v0  }
0xda: {  	v0 =	vld [tilespmem:s29+$0x8FC0]  }
0xdb: {  	v2 =	vld [tilespmem:s29+$0x8FD0]  }
0xdc: {  	v1 =	vld [tilespmem:s29+$0x8FE0]  }
0xdd: {  	s28 =	simm.s32 $0x100;
	v4 =	vimm.f32 $0.0e+00;
	v5 =	vimm.f32 $0.0e+00;
	v3 =	vld [tilespmem:s29+$0x8FF0]  }
.LBB2_24:
0xde: {  	p0 =	sne.s32 s28, $0x3100  }
.Ltmp13:
0xdf: {  	s29 =	sshra.s32 s28, $0x2;
	(pc) =	sbr.rel @p0 .LBB2_24-.Ltmp13, $4  }
0xe0: {  	s28 =	sadd.s32 $0x100, s28;
	v4 =	vadd.f32 v0, v4;
	v0 =	vld [tilespmem:s29+$0x8FC0];
	v5 =	vadd.f32 v2, v5  }
0xe1: {  	v2 =	vld [tilespmem:s29+$0x8FD0]  }
0xe2: {  	v4 =	vadd.f32 v1, v4;
	v1 =	vld [tilespmem:s29+$0x8FE0];
	v5 =	vadd.f32 v3, v5  }
0xe3: {  	v3 =	vld [tilespmem:s29+$0x8FF0]  }
0xe4: {  	_ =	sdelay $0x1  }
0xe5: {  	v0 =	vadd.f32 v0, v4;
	v2 =	vadd.f32 v2, v5;
	_ =	sdelay $0x1  }
0xe6: {  	v0 =	vadd.f32 v1, v0;
	v1 =	vadd.f32 v3, v2;
	_ =	sdelay $0x1  }
0xe7: {  	v0 =	vadd.f32 v1, v0;
	_ =	sdelay $0x1  }
0xe8: {  	v0 =	vmul.f32 $4.999999890e-03, v0;
	_ =	sdelay $0x1  }
0xe9: {  	s29 =	simm.s32 $0x0;
	[tilespmem:s25+$0x13F60] =	vst v0  }
0xea: {  	v0 =	vld [tilespmem:s29+$0x9C40]  }
0xeb: {  	v2 =	vld [tilespmem:s29+$0x9C50]  }
0xec: {  	v1 =	vld [tilespmem:s29+$0x9C60]  }
0xed: {  	s28 =	simm.s32 $0x100;
	v4 =	vimm.f32 $0.0e+00;
	v5 =	vimm.f32 $0.0e+00;
	v3 =	vld [tilespmem:s29+$0x9C70]  }
.LBB2_26:
0xee: {  	p0 =	sne.s32 s28, $0x3100  }
.Ltmp14:
0xef: {  	s29 =	sshra.s32 s28, $0x2;
	(pc) =	sbr.rel @p0 .LBB2_26-.Ltmp14, $4  }
0xf0: {  	s28 =	sadd.s32 $0x100, s28;
	v4 =	vadd.f32 v0, v4;
	v0 =	vld [tilespmem:s29+$0x9C40];
	v5 =	vadd.f32 v2, v5  }
0xf1: {  	v2 =	vld [tilespmem:s29+$0x9C50]  }
0xf2: {  	v4 =	vadd.f32 v1, v4;
	v1 =	vld [tilespmem:s29+$0x9C60];
	v5 =	vadd.f32 v3, v5  }
0xf3: {  	v3 =	vld [tilespmem:s29+$0x9C70]  }
0xf4: {  	_ =	sdelay $0x1  }
0xf5: {  	v0 =	vadd.f32 v0, v4;
	v2 =	vadd.f32 v2, v5;
	_ =	sdelay $0x1  }
0xf6: {  	v0 =	vadd.f32 v1, v0;
	v1 =	vadd.f32 v3, v2;
	_ =	sdelay $0x1  }
0xf7: {  	v0 =	vadd.f32 v1, v0;
	_ =	sdelay $0x1  }
0xf8: {  	v0 =	vmul.f32 $4.999999890e-03, v0;
	_ =	sdelay $0x1  }
0xf9: {  	s29 =	simm.s32 $0x0;
	[tilespmem:s25+$0x13F70] =	vst v0  }
0xfa: {  	v0 =	vld [tilespmem:s29+$0xA8C0]  }
0xfb: {  	v2 =	vld [tilespmem:s29+$0xA8D0]  }
0xfc: {  	v1 =	vld [tilespmem:s29+$0xA8E0]  }
0xfd: {  	s28 =	simm.s32 $0x100;
	v4 =	vimm.f32 $0.0e+00;
	v5 =	vimm.f32 $0.0e+00;
	v3 =	vld [tilespmem:s29+$0xA8F0]  }
.LBB2_28:
0xfe: {  	p0 =	sne.s32 s28, $0x3100  }
.Ltmp15:
0xff: {  	s29 =	sshra.s32 s28, $0x2;
	(pc) =	sbr.rel @p0 .LBB2_28-.Ltmp15, $4  }
0x100: {  	s28 =	sadd.s32 $0x100, s28;
	v4 =	vadd.f32 v0, v4;
	v0 =	vld [tilespmem:s29+$0xA8C0];
	v5 =	vadd.f32 v2, v5  }
0x101: {  	v2 =	vld [tilespmem:s29+$0xA8D0]  }
0x102: {  	v4 =	vadd.f32 v1, v4;
	v1 =	vld [tilespmem:s29+$0xA8E0];
	v5 =	vadd.f32 v3, v5  }
0x103: {  	v3 =	vld [tilespmem:s29+$0xA8F0]  }
0x104: {  	_ =	sdelay $0x1  }
0x105: {  	v0 =	vadd.f32 v0, v4;
	v2 =	vadd.f32 v2, v5;
	_ =	sdelay $0x1  }
0x106: {  	v0 =	vadd.f32 v1, v0;
	v1 =	vadd.f32 v3, v2;
	_ =	sdelay $0x1  }
0x107: {  	v0 =	vadd.f32 v1, v0;
	_ =	sdelay $0x1  }
0x108: {  	v0 =	vmul.f32 $4.999999890e-03, v0;
	_ =	sdelay $0x1  }
0x109: {  	s29 =	simm.s32 $0x0;
	[tilespmem:s25+$0x13F80] =	vst v0  }
0x10a: {  	v0 =	vld [tilespmem:s29+$0xB540]  }
0x10b: {  	v2 =	vld [tilespmem:s29+$0xB550]  }
0x10c: {  	v1 =	vld [tilespmem:s29+$0xB560]  }
0x10d: {  	s28 =	simm.s32 $0x100;
	v4 =	vimm.f32 $0.0e+00;
	v5 =	vimm.f32 $0.0e+00;
	v3 =	vld [tilespmem:s29+$0xB570]  }
.LBB2_30:
0x10e: {  	p0 =	sne.s32 s28, $0x3100  }
.Ltmp16:
0x10f: {  	s29 =	sshra.s32 s28, $0x2;
	(pc) =	sbr.rel @p0 .LBB2_30-.Ltmp16, $4  }
0x110: {  	s28 =	sadd.s32 $0x100, s28;
	v4 =	vadd.f32 v0, v4;
	v0 =	vld [tilespmem:s29+$0xB540];
	v5 =	vadd.f32 v2, v5  }
0x111: {  	v2 =	vld [tilespmem:s29+$0xB550]  }
0x112: {  	v4 =	vadd.f32 v1, v4;
	v1 =	vld [tilespmem:s29+$0xB560];
	v5 =	vadd.f32 v3, v5  }
0x113: {  	v3 =	vld [tilespmem:s29+$0xB570]  }
0x114: {  	_ =	sdelay $0x1  }
0x115: {  	v0 =	vadd.f32 v0, v4;
	v2 =	vadd.f32 v2, v5;
	_ =	sdelay $0x1  }
0x116: {  	v0 =	vadd.f32 v1, v0;
	v1 =	vadd.f32 v3, v2;
	_ =	sdelay $0x1  }
0x117: {  	v0 =	vadd.f32 v1, v0;
	_ =	sdelay $0x1  }
0x118: {  	v0 =	vmul.f32 $4.999999890e-03, v0;
	_ =	sdelay $0x1  }
0x119: {  	s29 =	simm.s32 $0x0;
	[tilespmem:s25+$0x13F90] =	vst v0  }
0x11a: {  	v0 =	vld [tilespmem:s29+$0xC1C0]  }
0x11b: {  	v2 =	vld [tilespmem:s29+$0xC1D0]  }
0x11c: {  	v1 =	vld [tilespmem:s29+$0xC1E0]  }
0x11d: {  	s28 =	simm.s32 $0x100;
	v4 =	vimm.f32 $0.0e+00;
	v5 =	vimm.f32 $0.0e+00;
	v3 =	vld [tilespmem:s29+$0xC1F0]  }
.LBB2_32:
0x11e: {  	p0 =	sne.s32 s28, $0x3100  }
.Ltmp17:
0x11f: {  	s29 =	sshra.s32 s28, $0x2;
	(pc) =	sbr.rel @p0 .LBB2_32-.Ltmp17, $4  }
0x120: {  	s28 =	sadd.s32 $0x100, s28;
	v4 =	vadd.f32 v0, v4;
	v0 =	vld [tilespmem:s29+$0xC1C0];
	v5 =	vadd.f32 v2, v5  }
0x121: {  	v2 =	vld [tilespmem:s29+$0xC1D0]  }
0x122: {  	v4 =	vadd.f32 v1, v4;
	v1 =	vld [tilespmem:s29+$0xC1E0];
	v5 =	vadd.f32 v3, v5  }
0x123: {  	v3 =	vld [tilespmem:s29+$0xC1F0]  }
0x124: {  	_ =	sdelay $0x1  }
0x125: {  	v0 =	vadd.f32 v0, v4;
	v2 =	vadd.f32 v2, v5;
	_ =	sdelay $0x1  }
0x126: {  	v0 =	vadd.f32 v1, v0;
	v1 =	vadd.f32 v3, v2;
	_ =	sdelay $0x1  }
0x127: {  	v0 =	vadd.f32 v1, v0;
	_ =	sdelay $0x1  }
0x128: {  	v0 =	vmul.f32 $4.999999890e-03, v0;
	_ =	sdelay $0x1  }
0x129: {  	s29 =	simm.s32 $0x0;
	[tilespmem:s25+$0x13FA0] =	vst v0  }
0x12a: {  	v0 =	vld [tilespmem:s29+$0xCE40]  }
0x12b: {  	v2 =	vld [tilespmem:s29+$0xCE50]  }
0x12c: {  	v1 =	vld [tilespmem:s29+$0xCE60]  }
0x12d: {  	s28 =	simm.s32 $0x100;
	v4 =	vimm.f32 $0.0e+00;
	v5 =	vimm.f32 $0.0e+00;
	v3 =	vld [tilespmem:s29+$0xCE70]  }
.LBB2_34:
0x12e: {  	p0 =	sne.s32 s28, $0x3100  }
.Ltmp18:
0x12f: {  	s29 =	sshra.s32 s28, $0x2;
	(pc) =	sbr.rel @p0 .LBB2_34-.Ltmp18, $4  }
0x130: {  	s28 =	sadd.s32 $0x100, s28;
	v4 =	vadd.f32 v0, v4;
	v0 =	vld [tilespmem:s29+$0xCE40];
	v5 =	vadd.f32 v2, v5  }
0x131: {  	v2 =	vld [tilespmem:s29+$0xCE50]  }
0x132: {  	v4 =	vadd.f32 v1, v4;
	v1 =	vld [tilespmem:s29+$0xCE60];
	v5 =	vadd.f32 v3, v5  }
0x133: {  	v3 =	vld [tilespmem:s29+$0xCE70]  }
0x134: {  	_ =	sdelay $0x1  }
0x135: {  	v0 =	vadd.f32 v0, v4;
	v2 =	vadd.f32 v2, v5;
	_ =	sdelay $0x1  }
0x136: {  	v0 =	vadd.f32 v1, v0;
	v1 =	vadd.f32 v3, v2;
	_ =	sdelay $0x1  }
0x137: {  	v0 =	vadd.f32 v1, v0  }
0x138: {  	p0 =	sgt.u32 s24, $0x13  }
0x139: {  	s26 =	sadd.s32 @!p0 s26, s9;
	v0 =	vmul.f32 $4.999999890e-03, v0  }
0x13a: {  	s26 =	sshrl.u32 @!p0 s26, $0x3  }
0x13b: {  	s28 =	simm.s32 @!p0 $0x0;
	s29 =	simm.s32 @!p0 $0x640;
	s26 =	sadd.s32 @!p0 s3, s26;
	[tilespmem:s25+$0x13FB0] =	vst v0  }
0x13c: {  	[tilespmem:s29], [sflag:$0x2] =	stream.linear.gather @!p0 [hbm4b:s26+s28], $0x640, $0x38;
	[tilespmem:$0x15EC0] =	vst v63  }
0x13d: {  	_ =	swait.ge [sflag:s12], $0x640  }
0x13e: {  	[sflag:s12] =	ssyncset.done $0x0  }
0x13f: {  	s30 =	simm.s32 $0x0;
	[sflag:s12] =	ssyncadd.s32 $0xFFFFF9C0  }
0x140: {  	[tilespmem:s14], [sflag:$0x4] =	stream.indirect.gather [hbm4b:s4+s13], $0x10, s30, s13, $0xb8;
	[tilespmem:$0x15EC0] =	vst v63  }
0x141: {  	_ =	swait.ge [sflag:s22], $0x6400  }
0x142: {  	[sflag:s22] =	ssyncset.done $0x0  }
0x143: {  	s31 =	simm.s32 $0x0;
	[sflag:s22] =	ssyncadd.s32 $0xFFFF9C00  }
0x144: {  	v0 =	vld [tilespmem:s31+$0xDAC0]  }
0x145: {  	v2 =	vld [tilespmem:s31+$0xDAD0]  }
0x146: {  	v1 =	vld [tilespmem:s31+$0xDAE0]  }
0x147: {  	v4 =	vimm.f32 $0.0e+00;
	v5 =	vimm.f32 $0.0e+00;
	s26 =	simm.s32 $0x100;
	v3 =	vld [tilespmem:s31+$0xDAF0]  }
.LBB2_36:
0x148: {  	p0 =	sne.s32 s26, $0x3100  }
.Ltmp19:
0x149: {  	s28 =	sshra.s32 s26, $0x2;
	(pc) =	sbr.rel @p0 .LBB2_36-.Ltmp19, $4  }
0x14a: {  	s26 =	sadd.s32 $0x100, s26;
	v4 =	vadd.f32 v0, v4;
	v0 =	vld [tilespmem:s28+$0xDAC0];
	v5 =	vadd.f32 v2, v5  }
0x14b: {  	v2 =	vld [tilespmem:s28+$0xDAD0]  }
0x14c: {  	v4 =	vadd.f32 v1, v4;
	v1 =	vld [tilespmem:s28+$0xDAE0];
	v5 =	vadd.f32 v3, v5  }
0x14d: {  	v3 =	vld [tilespmem:s28+$0xDAF0]  }
0x14e: {  	_ =	sdelay $0x1  }
0x14f: {  	v0 =	vadd.f32 v0, v4;
	v2 =	vadd.f32 v2, v5;
	_ =	sdelay $0x1  }
0x150: {  	v0 =	vadd.f32 v1, v0;
	v1 =	vadd.f32 v3, v2;
	_ =	sdelay $0x1  }
0x151: {  	v0 =	vadd.f32 v1, v0;
	_ =	sdelay $0x1  }
0x152: {  	v0 =	vmul.f32 $4.999999890e-03, v0;
	_ =	sdelay $0x1  }
0x153: {  	s28 =	simm.s32 $0x0;
	[tilespmem:s25+$0x13FC0] =	vst v0  }
0x154: {  	v0 =	vld [tilespmem:s28+$0xE740]  }
0x155: {  	v2 =	vld [tilespmem:s28+$0xE750]  }
0x156: {  	v1 =	vld [tilespmem:s28+$0xE760]  }
0x157: {  	s26 =	simm.s32 $0x100;
	v4 =	vimm.f32 $0.0e+00;
	v5 =	vimm.f32 $0.0e+00;
	v3 =	vld [tilespmem:s28+$0xE770]  }
.LBB2_38:
0x158: {  	p0 =	sne.s32 s26, $0x3100  }
.Ltmp20:
0x159: {  	s28 =	sshra.s32 s26, $0x2;
	(pc) =	sbr.rel @p0 .LBB2_38-.Ltmp20, $4  }
0x15a: {  	s26 =	sadd.s32 $0x100, s26;
	v4 =	vadd.f32 v0, v4;
	v0 =	vld [tilespmem:s28+$0xE740];
	v5 =	vadd.f32 v2, v5  }
0x15b: {  	v2 =	vld [tilespmem:s28+$0xE750]  }
0x15c: {  	v4 =	vadd.f32 v1, v4;
	v1 =	vld [tilespmem:s28+$0xE760];
	v5 =	vadd.f32 v3, v5  }
0x15d: {  	v3 =	vld [tilespmem:s28+$0xE770]  }
0x15e: {  	_ =	sdelay $0x1  }
0x15f: {  	v0 =	vadd.f32 v0, v4;
	v2 =	vadd.f32 v2, v5;
	_ =	sdelay $0x1  }
0x160: {  	v0 =	vadd.f32 v1, v0;
	v1 =	vadd.f32 v3, v2;
	_ =	sdelay $0x1  }
0x161: {  	v0 =	vadd.f32 v1, v0;
	_ =	sdelay $0x1  }
0x162: {  	v0 =	vmul.f32 $4.999999890e-03, v0;
	_ =	sdelay $0x1  }
0x163: {  	s28 =	simm.s32 $0x0;
	[tilespmem:s25+$0x13FD0] =	vst v0  }
0x164: {  	v0 =	vld [tilespmem:s28+$0xF3C0]  }
0x165: {  	v2 =	vld [tilespmem:s28+$0xF3D0]  }
0x166: {  	v1 =	vld [tilespmem:s28+$0xF3E0]  }
0x167: {  	s26 =	simm.s32 $0x100;
	v4 =	vimm.f32 $0.0e+00;
	v5 =	vimm.f32 $0.0e+00;
	v3 =	vld [tilespmem:s28+$0xF3F0]  }
.LBB2_40:
0x168: {  	p0 =	sne.s32 s26, $0x3100  }
.Ltmp21:
0x169: {  	s28 =	sshra.s32 s26, $0x2;
	(pc) =	sbr.rel @p0 .LBB2_40-.Ltmp21, $4  }
0x16a: {  	s26 =	sadd.s32 $0x100, s26;
	v4 =	vadd.f32 v0, v4;
	v0 =	vld [tilespmem:s28+$0xF3C0];
	v5 =	vadd.f32 v2, v5  }
0x16b: {  	v2 =	vld [tilespmem:s28+$0xF3D0]  }
0x16c: {  	v4 =	vadd.f32 v1, v4;
	v1 =	vld [tilespmem:s28+$0xF3E0];
	v5 =	vadd.f32 v3, v5  }
0x16d: {  	v3 =	vld [tilespmem:s28+$0xF3F0]  }
0x16e: {  	_ =	sdelay $0x1  }
0x16f: {  	v0 =	vadd.f32 v0, v4;
	v2 =	vadd.f32 v2, v5;
	_ =	sdelay $0x1  }
0x170: {  	v0 =	vadd.f32 v1, v0;
	v1 =	vadd.f32 v3, v2;
	_ =	sdelay $0x1  }
0x171: {  	v0 =	vadd.f32 v1, v0;
	_ =	sdelay $0x1  }
0x172: {  	v0 =	vmul.f32 $4.999999890e-03, v0;
	_ =	sdelay $0x1  }
0x173: {  	s28 =	simm.s32 $0x0;
	[tilespmem:s25+$0x13FE0] =	vst v0  }
0x174: {  	v0 =	vld [tilespmem:s28+$0x10040]  }
0x175: {  	v2 =	vld [tilespmem:s28+$0x10050]  }
0x176: {  	v1 =	vld [tilespmem:s28+$0x10060]  }
0x177: {  	s26 =	simm.s32 $0x100;
	v4 =	vimm.f32 $0.0e+00;
	v5 =	vimm.f32 $0.0e+00;
	v3 =	vld [tilespmem:s28+$0x10070]  }
.LBB2_42:
0x178: {  	p0 =	sne.s32 s26, $0x3100  }
.Ltmp22:
0x179: {  	s28 =	sshra.s32 s26, $0x2;
	(pc) =	sbr.rel @p0 .LBB2_42-.Ltmp22, $4  }
0x17a: {  	s26 =	sadd.s32 $0x100, s26;
	v4 =	vadd.f32 v0, v4;
	v0 =	vld [tilespmem:s28+$0x10040];
	v5 =	vadd.f32 v2, v5  }
0x17b: {  	v2 =	vld [tilespmem:s28+$0x10050]  }
0x17c: {  	v4 =	vadd.f32 v1, v4;
	v1 =	vld [tilespmem:s28+$0x10060];
	v5 =	vadd.f32 v3, v5  }
0x17d: {  	v3 =	vld [tilespmem:s28+$0x10070]  }
0x17e: {  	_ =	sdelay $0x1  }
0x17f: {  	v0 =	vadd.f32 v0, v4;
	v2 =	vadd.f32 v2, v5;
	_ =	sdelay $0x1  }
0x180: {  	v0 =	vadd.f32 v1, v0;
	v1 =	vadd.f32 v3, v2;
	_ =	sdelay $0x1  }
0x181: {  	v0 =	vadd.f32 v1, v0;
	_ =	sdelay $0x1  }
0x182: {  	v0 =	vmul.f32 $4.999999890e-03, v0;
	_ =	sdelay $0x1  }
0x183: {  	s28 =	simm.s32 $0x0;
	[tilespmem:s25+$0x13FF0] =	vst v0  }
0x184: {  	v0 =	vld [tilespmem:s28+$0x10CC0]  }
0x185: {  	v2 =	vld [tilespmem:s28+$0x10CD0]  }
0x186: {  	v1 =	vld [tilespmem:s28+$0x10CE0]  }
0x187: {  	s26 =	simm.s32 $0x100;
	v4 =	vimm.f32 $0.0e+00;
	v5 =	vimm.f32 $0.0e+00;
	v3 =	vld [tilespmem:s28+$0x10CF0]  }
.LBB2_44:
0x188: {  	p0 =	sne.s32 s26, $0x3100  }
.Ltmp23:
0x189: {  	s28 =	sshra.s32 s26, $0x2;
	(pc) =	sbr.rel @p0 .LBB2_44-.Ltmp23, $4  }
0x18a: {  	s26 =	sadd.s32 $0x100, s26;
	v4 =	vadd.f32 v0, v4;
	v0 =	vld [tilespmem:s28+$0x10CC0];
	v5 =	vadd.f32 v2, v5  }
0x18b: {  	v2 =	vld [tilespmem:s28+$0x10CD0]  }
0x18c: {  	v4 =	vadd.f32 v1, v4;
	v1 =	vld [tilespmem:s28+$0x10CE0];
	v5 =	vadd.f32 v3, v5  }
0x18d: {  	v3 =	vld [tilespmem:s28+$0x10CF0]  }
0x18e: {  	_ =	sdelay $0x1  }
0x18f: {  	v0 =	vadd.f32 v0, v4;
	v2 =	vadd.f32 v2, v5;
	_ =	sdelay $0x1  }
0x190: {  	v0 =	vadd.f32 v1, v0;
	v1 =	vadd.f32 v3, v2;
	_ =	sdelay $0x1  }
0x191: {  	v0 =	vadd.f32 v1, v0;
	_ =	sdelay $0x1  }
0x192: {  	v0 =	vmul.f32 $4.999999890e-03, v0;
	_ =	sdelay $0x1  }
0x193: {  	s28 =	simm.s32 $0x0;
	[tilespmem:s25+$0x14000] =	vst v0  }
0x194: {  	v0 =	vld [tilespmem:s28+$0x11940]  }
0x195: {  	v2 =	vld [tilespmem:s28+$0x11950]  }
0x196: {  	v1 =	vld [tilespmem:s28+$0x11960]  }
0x197: {  	s26 =	simm.s32 $0x100;
	v4 =	vimm.f32 $0.0e+00;
	v5 =	vimm.f32 $0.0e+00;
	v3 =	vld [tilespmem:s28+$0x11970]  }
.LBB2_46:
0x198: {  	p0 =	sne.s32 s26, $0x3100  }
.Ltmp24:
0x199: {  	s28 =	sshra.s32 s26, $0x2;
	(pc) =	sbr.rel @p0 .LBB2_46-.Ltmp24, $4  }
0x19a: {  	s26 =	sadd.s32 $0x100, s26;
	v4 =	vadd.f32 v0, v4;
	v0 =	vld [tilespmem:s28+$0x11940];
	v5 =	vadd.f32 v2, v5  }
0x19b: {  	v2 =	vld [tilespmem:s28+$0x11950]  }
0x19c: {  	v4 =	vadd.f32 v1, v4;
	v1 =	vld [tilespmem:s28+$0x11960];
	v5 =	vadd.f32 v3, v5  }
0x19d: {  	v3 =	vld [tilespmem:s28+$0x11970]  }
0x19e: {  	_ =	sdelay $0x1  }
0x19f: {  	v0 =	vadd.f32 v0, v4;
	v2 =	vadd.f32 v2, v5;
	_ =	sdelay $0x1  }
0x1a0: {  	v0 =	vadd.f32 v1, v0;
	v1 =	vadd.f32 v3, v2;
	_ =	sdelay $0x1  }
0x1a1: {  	v0 =	vadd.f32 v1, v0;
	_ =	sdelay $0x1  }
0x1a2: {  	v0 =	vmul.f32 $4.999999890e-03, v0;
	_ =	sdelay $0x1  }
0x1a3: {  	s28 =	simm.s32 $0x0;
	[tilespmem:s25+$0x14010] =	vst v0  }
0x1a4: {  	v0 =	vld [tilespmem:s28+$0x125C0]  }
0x1a5: {  	v2 =	vld [tilespmem:s28+$0x125D0]  }
0x1a6: {  	v1 =	vld [tilespmem:s28+$0x125E0]  }
0x1a7: {  	s26 =	simm.s32 $0x100;
	v4 =	vimm.f32 $0.0e+00;
	v5 =	vimm.f32 $0.0e+00;
	v3 =	vld [tilespmem:s28+$0x125F0]  }
.LBB2_48:
0x1a8: {  	p0 =	sne.s32 s26, $0x3100  }
.Ltmp25:
0x1a9: {  	s28 =	sshra.s32 s26, $0x2;
	(pc) =	sbr.rel @p0 .LBB2_48-.Ltmp25, $4  }
0x1aa: {  	s26 =	sadd.s32 $0x100, s26;
	v4 =	vadd.f32 v0, v4;
	v0 =	vld [tilespmem:s28+$0x125C0];
	v5 =	vadd.f32 v2, v5  }
0x1ab: {  	v2 =	vld [tilespmem:s28+$0x125D0]  }
0x1ac: {  	v4 =	vadd.f32 v1, v4;
	v1 =	vld [tilespmem:s28+$0x125E0];
	v5 =	vadd.f32 v3, v5  }
0x1ad: {  	v3 =	vld [tilespmem:s28+$0x125F0]  }
0x1ae: {  	_ =	sdelay $0x1  }
0x1af: {  	v0 =	vadd.f32 v0, v4;
	v2 =	vadd.f32 v2, v5;
	_ =	sdelay $0x1  }
0x1b0: {  	v0 =	vadd.f32 v1, v0;
	v1 =	vadd.f32 v3, v2;
	_ =	sdelay $0x1  }
0x1b1: {  	v0 =	vadd.f32 v1, v0;
	_ =	sdelay $0x1  }
0x1b2: {  	v0 =	vmul.f32 $4.999999890e-03, v0;
	_ =	sdelay $0x1  }
0x1b3: {  	s28 =	simm.s32 $0x0;
	[tilespmem:s25+$0x14020] =	vst v0  }
0x1b4: {  	v0 =	vld [tilespmem:s28+$0x13240]  }
0x1b5: {  	v2 =	vld [tilespmem:s28+$0x13250]  }
0x1b6: {  	v1 =	vld [tilespmem:s28+$0x13260]  }
0x1b7: {  	s26 =	simm.s32 $0x100;
	v4 =	vimm.f32 $0.0e+00;
	v5 =	vimm.f32 $0.0e+00;
	v3 =	vld [tilespmem:s28+$0x13270]  }
.LBB2_50:
0x1b8: {  	p0 =	sne.s32 s26, $0x3100  }
.Ltmp26:
0x1b9: {  	s28 =	sshra.s32 s26, $0x2;
	(pc) =	sbr.rel @p0 .LBB2_50-.Ltmp26, $4  }
0x1ba: {  	s26 =	sadd.s32 $0x100, s26;
	v4 =	vadd.f32 v0, v4;
	v0 =	vld [tilespmem:s28+$0x13240];
	v5 =	vadd.f32 v2, v5  }
0x1bb: {  	v2 =	vld [tilespmem:s28+$0x13250]  }
0x1bc: {  	v4 =	vadd.f32 v1, v4;
	v1 =	vld [tilespmem:s28+$0x13260];
	v5 =	vadd.f32 v3, v5  }
0x1bd: {  	v3 =	vld [tilespmem:s28+$0x13270]  }
0x1be: {  	_ =	sdelay $0x1  }
0x1bf: {  	v0 =	vadd.f32 v0, v4;
	v2 =	vadd.f32 v2, v5;
	_ =	sdelay $0x1  }
0x1c0: {  	s24 =	sadd.s32 $0x1, s24;
	v0 =	vadd.f32 v1, v0;
	v63 =	vadd.f32 v3, v2  }
0x1c1: {  	p0 =	sne.s32 s24, $0x16  }
.Ltmp27:
0x1c2: {  	v0 =	vadd.f32 v63, v0;
	(pc) =	sbr.rel @p0 .LBB2_2-.Ltmp27, $4  }
.Ltmp28:
0x1c3: {  	_ = 	snop;
	(pc) =	sbr.rel @!p0 .LBB2_52-.Ltmp28, $4  }
0x1c4: {  	v0 =	vmul.f32 $4.999999890e-03, v0  }
0x1c5: {  	_ = 	snop  }
0x1c6: {  	[tilespmem:s25+$0x14030] =	vst v0  }
0x1c7: {  	_ = 	snop  }
.LBB2_53:
0x1c8: {  	_ =	sfence.sel $0x180000  }
0x1c9: {  	[bflag:$0x0] =	sbarrier.arrive $0xFFFF  }
0x1ca: {  	p0 =	sne.s32 s1, $0x0;
	_ =	strace $0x9000004A  }
0x1cb: {  	s0 =	sadd.s32 @!p0 $0x100000, s0;
	[bflag:$0x2] =	sbarrier.arrive $0xFFFF  }
0x1cc: {  	[sflag:s0] =	ssyncadd.tile.s32 @!p0 $0x1;
	_ =	shalt  }
.Lfunc_end2:
_tile_overlayer_lowered:
.L_overlay_start_2:
0x1cd: {  	(tag) =	ssettag $0x2  }
0x1ce: {  	s0 =	rddreg [dreg:$0x0];
	s2 =	stileid.u32  }
0x1cf: {  	s1 =	rddreg [dreg:$0x1];
	p0 =	sne.s32 s2, $0x0  }
0x1d0: {  	s3 =	rddreg [dreg:$0x2];
	[bflag:$0x3] =	sbarrier.arrive $0xFFFF;
	s2 =	simm.s32 @!p0 $0x1C07  }
0x1d1: {  	[timem:s3], [sflag:s2] =	dma.local @!p0 [hbm:s0], s1  }
0x1d2: {  	s0 =	simm.s32 @!p0 $0x7  }
0x1d3: {  	_ =	swait.ge @!p0 [sflag:s0], s1  }
0x1d4: {  	s1 =	ssub.s32 @!p0 $0x0, s1;
	[sflag:s0] =	ssyncset.done @!p0 $0x0  }
0x1d5: {  	[sflag:s0] =	ssyncadd.s32 @!p0 s1  }
0x1d6: {  	[bflag:$0x3] =	sbarrier.arrive $0xFFFF  }
0x1d7: {  	_ =	shalt  }

</sc_bundles>
